<compile_context>
chip_gen: v7x
topology: tpu7x:2x2x1
jax: 0.10.2.dev20260603
libtpu: 0.0.44.dev20260713+nightly
codegen_flags: <defaults>
</compile_context>

<pallas_src>
import functools

import jax
import jax.numpy as jnp
from jax import lax
from jax.experimental import pallas as pl
from jax.experimental.pallas import tpu as pltpu
from jax.experimental.pallas import tpu_sc as plsc

N = 10000
E = 320000
H = 128
EPS = 1e-5

NC, NS = 2, 16
NW = NC * NS
PERW = E // NW
GK = 80
NGK = PERW // GK
NPT = 624
NTAIL = N - NS * NPT
SKI = 80
SNG = PERW // SKI

BE = 1600
GEDGE = E // BE
NB = 2000
GNODE = N // NB

F32 = jnp.float32
BF16 = jnp.bfloat16


def _mesh():
    return plsc.VectorSubcoreMesh(core_axis_name="c", subcore_axis_name="s",
                                  num_cores=NC, num_subcores=NS)


@functools.partial(
    pl.kernel,
    out_type=(jax.ShapeDtypeStruct((E, H), F32),
              jax.ShapeDtypeStruct((E, H), F32)),
    mesh=_mesh(),
    scratch_types=[
        pltpu.VMEM_SHARED((N, H), F32),
        pltpu.VMEM((GK, H), F32),
        pltpu.VMEM((GK, H), F32),
        pltpu.VMEM((PERW,), jnp.int32),
        pltpu.VMEM((PERW,), jnp.int32),
        pltpu.SemaphoreType.DMA,
        pltpu.SemaphoreType.DMA,
        pltpu.SemaphoreType.DMA,
    ],
)
def _sc_gather(table, srcr, dstr, hs_out, hd_out,
               tbl, buf_s, buf_d, idx_s, idx_d, gsem, osem_s, osem_d):
    c = lax.axis_index("c")
    s = lax.axis_index("s")
    w = s * NC + c

    pltpu.sync_copy(table.at[pl.ds(s * NPT, NPT)], tbl.at[pl.ds(s * NPT, NPT)])

    @pl.when(s == NS - 1)
    def _():
        pltpu.sync_copy(table.at[pl.ds(NS * NPT, NTAIL)],
                        tbl.at[pl.ds(NS * NPT, NTAIL)])

    pltpu.sync_copy(srcr.at[w], idx_s)
    pltpu.sync_copy(dstr.at[w], idx_d)
    plsc.subcore_barrier()

    def unit(g, buf, idx, out, osem):
        base = w * PERW + g * GK

        @pl.when(g >= 1)
        def _():
            pltpu.make_async_copy(buf, out.at[pl.ds(base, GK)], osem).wait()

        pltpu.async_copy(tbl.at[idx.at[pl.ds(g * GK, GK)]], buf, gsem).wait()
        pltpu.async_copy(buf, out.at[pl.ds(base, GK)], osem)

    def body(g, carry):
        unit(g, buf_s, idx_s, hs_out, osem_s)
        unit(g, buf_d, idx_d, hd_out, osem_d)
        return carry

    lax.fori_loop(0, NGK, body, 0)
    pltpu.make_async_copy(buf_s, hs_out.at[pl.ds(w * PERW, GK)],
                          osem_s).wait()
    pltpu.make_async_copy(buf_d, hd_out.at[pl.ds(w * PERW, GK)],
                          osem_d).wait()


@functools.partial(
    pl.kernel,
    out_type=jax.ShapeDtypeStruct((NC, N, H), F32),
    mesh=_mesh(),
    scratch_types=[
        pltpu.VMEM_SHARED((N, H), F32),
        pltpu.VMEM((SKI, H), F32),
        pltpu.VMEM((SKI, H), F32),
        pltpu.VMEM((SKI, H), F32),
        pltpu.VMEM((SNG, SKI), jnp.int32),
        pltpu.SemaphoreType.DMA,
        pltpu.SemaphoreType.DMA,
        pltpu.SemaphoreType.DMA,
        pltpu.SemaphoreType.DMA,
        pltpu.SemaphoreType.DMA,
        pltpu.SemaphoreType.DMA,
    ],
)
def _sc_scatter(msg, dstr, zeros, part, acc, rows0, rows1, rows2, idx,
                ssem0, ssem1, ssem2, isem0, isem1, isem2):
    c = lax.axis_index("c")
    s = lax.axis_index("s")
    w = s * NC + c
    rows = (rows0, rows1, rows2)
    ssem = (ssem0, ssem1, ssem2)
    isem = (isem0, isem1, isem2)

    pltpu.sync_copy(zeros.at[pl.ds(s * NPT, NPT)], acc.at[pl.ds(s * NPT, NPT)])

    @pl.when(s == NS - 1)
    def _():
        pltpu.sync_copy(zeros.at[pl.ds(NS * NPT, NTAIL)],
                        acc.at[pl.ds(NS * NPT, NTAIL)])

    pltpu.sync_copy(dstr.at[w], idx)
    plsc.subcore_barrier()

    def _when(cond, fn):
        if isinstance(cond, bool):
            if cond:
                fn()
        else:
            pl.when(cond)(fn)

    def fill(g, k):
        pltpu.async_copy(msg.at[pl.ds(w * PERW + g * SKI, SKI)], rows[k],
                         isem[k])

    def step(g, k):
        pltpu.make_async_copy(msg.at[pl.ds(w * PERW, SKI)], rows[k],
                              isem[k]).wait()
        pltpu.async_copy(rows[k], acc.at[idx.at[g]], ssem[k], add=True)
        _when(g >= 1, lambda: pltpu.make_async_copy(
            rows[(k + 2) % 3], acc.at[idx.at[g]], ssem[(k + 2) % 3]).wait())
        _when(g + 2 < SNG, lambda: fill(g + 2, (k + 2) % 3))

    fill(0, 0)
    fill(1, 1)

    def body(gg, carry):
        step(3 * gg, 0)
        step(3 * gg + 1, 1)
        step(3 * gg + 2, 2)
        return carry

    lax.fori_loop(0, SNG // 3, body, 0)
    step(SNG - 2, 0)
    step(SNG - 1, 1)
    pltpu.make_async_copy(rows[1], acc.at[idx.at[0]], ssem[1]).wait()
    plsc.subcore_barrier()
    pltpu.sync_copy(acc.at[pl.ds(s * NPT, NPT)],
                    part.at[c, pl.ds(s * NPT, NPT)])

    @pl.when(s == NS - 1)
    def _():
        pltpu.sync_copy(acc.at[pl.ds(NS * NPT, NTAIL)],
                        part.at[c, pl.ds(NS * NPT, NTAIL)])


def _dot(a, b):
    return jnp.dot(a, b, preferred_element_type=F32)


def _relu(v):
    return jnp.maximum(v, 0.0)


def _rep(shape):
    return pl.BlockSpec(shape, lambda i: tuple(0 for _ in shape))


def _blk(shape):
    return pl.BlockSpec(shape, lambda i: (i,) + tuple(0 for _ in shape[1:]))


def _tc_params():
    return pltpu.CompilerParams(dimension_semantics=("arbitrary",))


def _proj_body(x_ref, w_ref, b_ref, o_ref, o16_ref):
    v = _relu(_dot(x_ref[...].astype(BF16), w_ref[...]) + b_ref[...])
    o_ref[...] = v
    o16_ref[...] = v.astype(BF16)


def _proj(x, w, b):
    return pl.pallas_call(
        _proj_body,
        grid=(GNODE,),
        in_specs=[_blk((NB, H)), _rep((H, H)), _rep((1, H))],
        out_specs=[_blk((NB, H)), _blk((NB, H))],
        out_shape=[jax.ShapeDtypeStruct((N, H), F32),
                   jax.ShapeDtypeStruct((N, H), BF16)],
        compiler_params=_tc_params(),
    )(x.astype(F32), w.astype(BF16), b)


def _edge_layer(mode, e_srcs, wts):

    def body(*refs):
        if mode == 0:
            (ea_ref, hs_ref, hd_ref,
             we, be, w1s, w1d, w1e, b1, w2, b2,
             v1d, v1s, v1e, c1, v2, c2, v3, c3,
             d_ref, m_ref, s1_ref, s2_ref) = refs
            e_in = _relu(_dot(ea_ref[...].astype(BF16), we[...]) + be[...])
        elif mode == 1:
            (d0_ref, hs_ref, hd_ref, sc0, sh0,
             w1s, w1d, w1e, b1, w2, b2,
             v1d, v1s, v1e, c1, v2, c2, v3, c3,
             d_ref, m_ref, s1_ref, s2_ref) = refs
            e_in = _relu(d0_ref[...].astype(F32) * sc0[...] + sh0[...])
        else:
            (d0_ref, d1_ref, hs_ref, hd_ref, sc0, sh0, sc1, sh1,
             w1s, w1d, w1e, b1, w2, b2,
             v1d, v1s, v1e, c1, v2, c2, v3, c3,
             d_ref, m_ref, s1_ref, s2_ref) = refs
            e_in = (_relu(d0_ref[...].astype(F32) * sc0[...] + sh0[...])
                    + _relu(d1_ref[...].astype(F32) * sc1[...] + sh1[...]))
        e16 = e_in.astype(BF16)
        hsv = hs_ref[...].astype(BF16)
        hdv = hd_ref[...].astype(BF16)
        t = _relu(_dot(hsv, w1s[...]) + _dot(hdv, w1d[...])
                  + _dot(e16, w1e[...]) + b1[...])
        d16 = (_dot(t.astype(BF16), w2[...]) + b2[...]).astype(BF16)
        d_ref[...] = d16
        d = d16.astype(F32)
        m = _relu(_dot(hdv, v1d[...]) + _dot(hsv, v1s[...])
                  + _dot(d16, v1e[...]) + c1[...])
        m = _relu(_dot(m.astype(BF16), v2[...]) + c2[...])
        m_ref[...] = _dot(m.astype(BF16), v3[...]) + c3[...]

        @pl.when(pl.program_id(0) == 0)
        def _():
            s1_ref[...] = jnp.zeros_like(s1_ref)
            s2_ref[...] = jnp.zeros_like(s2_ref)

        s1_ref[...] += jnp.sum(d, axis=0, keepdims=True)
        s2_ref[...] += jnp.sum(d * d, axis=0, keepdims=True)

    esrc_specs = {0: [_blk((BE, 16)), _blk((BE, H)), _blk((BE, H))],
                  1: [_blk((BE, H))] * 3 + [_rep((1, H))] * 2,
                  2: [_blk((BE, H))] * 4 + [_rep((1, H))] * 4}[mode]
    w_specs = [_rep(w.shape) for w in wts]
    out_shapes = [jax.ShapeDtypeStruct((E, H), BF16),
                  jax.ShapeDtypeStruct((E, H), F32),
                  jax.ShapeDtypeStruct((1, H), F32),
                  jax.ShapeDtypeStruct((1, H), F32)]
    out_specs = [_blk((BE, H)), _blk((BE, H)), _rep((1, H)), _rep((1, H))]
    return pl.pallas_call(
        body,
        grid=(GEDGE,),
        in_specs=esrc_specs + w_specs,
        out_specs=out_specs,
        out_shape=out_shapes,
        compiler_params=_tc_params(),
    )(*e_srcs, *wts)


def _node_layer(h, part, w1h, w1a, b1, w2, b2, g, bb, residual):
    def body(h_ref, p_ref, w1h_r, w1a_r, b1_r, w2_r, b2_r, g_r, bb_r,
             o_ref, o16_ref):
        agg = p_ref[0] + p_ref[1]
        u = _relu(_dot(h_ref[...].astype(BF16), w1h_r[...])
                  + _dot(agg.astype(BF16), w1a_r[...]) + b1_r[...])
        r = _dot(u.astype(BF16), w2_r[...]) + b2_r[...]
        mean = jnp.mean(r, axis=0, keepdims=True)
        var = jnp.mean(r * r, axis=0, keepdims=True) - mean * mean
        sc = g_r[...] / jnp.sqrt(var + EPS)
        sh = bb_r[...] - mean * sc
        v = _relu(r * sc + sh)
        if residual:
            v = h_ref[...] + v
        o_ref[...] = v
        o16_ref[...] = v.astype(BF16)

    return pl.pallas_call(
        body,
        grid=(1,),
        in_specs=[_rep((N, H)), _rep((NC, N, H)),
                  _rep((H, H)), _rep((H, H)), _rep((1, H)),
                  _rep((H, H)), _rep((1, H)), _rep((1, H)), _rep((1, H))],
        out_specs=[_rep((N, H)), _rep((N, H))],
        out_shape=[jax.ShapeDtypeStruct((N, H), F32),
                   jax.ShapeDtypeStruct((N, H), BF16)],
        compiler_params=_tc_params(),
    )(h, part, w1h, w1a, b1, w2, b2, g, bb)


def _edge_readout(ds_list, scs, shs, a1, a1b, a2, a2b):
    def body(d0_ref, d1_ref, d2_ref, sc0, sh0, sc1, sh1, sc2, sh2,
             a1_r, a1b_r, a2_r, a2b_r, e_ref, at_ref):
        e3 = (_relu(d0_ref[...].astype(F32) * sc0[...] + sh0[...])
              + _relu(d1_ref[...].astype(F32) * sc1[...] + sh1[...])
              + _relu(d2_ref[...].astype(F32) * sc2[...] + sh2[...]))
        e_ref[...] = e3
        t = _relu(_dot(e3.astype(BF16), a1_r[...]) + a1b_r[...])
        logit = _dot(t.astype(BF16), a2_r[...]) + a2b_r[...]
        at_ref[...] = jax.nn.sigmoid(logit)

    return pl.pallas_call(
        body,
        grid=(GEDGE,),
        in_specs=[_blk((BE, H))] * 3 + [_rep((1, H))] * 6
        + [_rep((H, 64)), _rep((1, 64)), _rep((64, 1)), _rep((1, 1))],
        out_specs=[_blk((BE, H)), _blk((BE, 1))],
        out_shape=[jax.ShapeDtypeStruct((E, H), F32),
                   jax.ShapeDtypeStruct((E, 1), F32)],
        compiler_params=_tc_params(),
    )(*ds_list, scs[0], shs[0], scs[1], shs[1], scs[2], shs[2],
      a1, a1b, a2, a2b)


def _node_readout(h3, a1, a1b, a2, a2b, t1, t1b, t2, t2b, wo, bo):
    def body(h_ref, a1_r, a1b_r, a2_r, a2b_r, t1_r, t1b_r, t2_r, t2b_r,
             wo_r, bo_r, ge_ref, at_ref, tt_ref):
        h = h_ref[...]
        la = _dot(_relu(_dot(h, a1_r[...]) + a1b_r[...]), a2_r[...]) + a2b_r[...]
        m = jnp.max(la, axis=0, keepdims=True)
        p = jnp.exp(la - m)
        attn = p / jnp.sum(p, axis=0, keepdims=True)
        at_ref[...] = attn
        lt = _dot(_relu(_dot(h, t1_r[...]) + t1b_r[...]), t2_r[...]) + t2b_r[...]
        tt_ref[...] = jax.nn.sigmoid(lt)
        ge = jnp.sum(h * attn, axis=0, keepdims=True)
        ge_ref[...] = _dot(ge, wo_r[...]) + bo_r[...]

    return pl.pallas_call(
        body,
        grid=(1,),
        in_specs=[_rep((N, H)),
                  _rep((H, 64)), _rep((1, 64)), _rep((64, 1)), _rep((1, 1)),
                  _rep((H, 64)), _rep((1, 64)), _rep((64, 1)), _rep((1, 1)),
                  _rep((H, H)), _rep((1, H))],
        out_specs=[_rep((1, H)), _rep((N, 1)), _rep((N, 1))],
        out_shape=[jax.ShapeDtypeStruct((1, H), F32),
                   jax.ShapeDtypeStruct((N, 1), F32),
                   jax.ShapeDtypeStruct((N, 1), F32)],
        compiler_params=_tc_params(),
    )(h3, a1, a1b, a2, a2b, t1, t1b, t2, t2b, wo, bo)


def _row(v):
    return v.reshape(1, -1)


def _bn_scale_shift(s1, s2, g, b):
    mean = s1 / E
    var = s2 / E - mean * mean
    scale = _row(g) / jnp.sqrt(var + EPS)
    shift = _row(b) - mean * scale
    return scale, shift


def kernel(x, edge_index, edge_attr, params):
    src = edge_index[0].astype(jnp.int32)
    dst = edge_index[1].astype(jnp.int32)
    srcr = src.reshape(NW, PERW)
    dstr = dst.reshape(NW, PERW)
    dstr_s = dst.reshape(NW, SNG, SKI)
    zeros = jnp.zeros((N, H), F32)

    h, h16 = _proj(x, params["node_in"]["w"], _row(params["node_in"]["b"]))

    def b16(w):
        return w.astype(BF16)

    ds_list, scs, shs = [], [], []
    for i, lp in enumerate(params["layers"]):
        hs, hd = _sc_gather(h, srcr, dstr)
        w1 = lp["edge_upd"][0]["w"]
        v1 = lp["edge_mlp"][0]["w"]
        wts = [b16(w1[:H]), b16(w1[H:2 * H]), b16(w1[2 * H:]),
               _row(lp["edge_upd"][0]["b"]),
               b16(lp["edge_upd"][1]["w"]), _row(lp["edge_upd"][1]["b"]),
               b16(v1[:H]), b16(v1[H:2 * H]), b16(v1[2 * H:]),
               _row(lp["edge_mlp"][0]["b"]),
               b16(lp["edge_mlp"][1]["w"]), _row(lp["edge_mlp"][1]["b"]),
               b16(lp["edge_mlp"][2]["w"]), _row(lp["edge_mlp"][2]["b"])]
        if i == 0:
            wts = [b16(params["edge_in"]["w"]),
                   _row(params["edge_in"]["b"])] + wts
            d, msg, s1, s2 = _edge_layer(0, [edge_attr, hs, hd], wts)
        elif i == 1:
            d, msg, s1, s2 = _edge_layer(
                1, [ds_list[0], hs, hd, scs[0], shs[0]], wts)
        else:
            d, msg, s1, s2 = _edge_layer(
                2, [ds_list[0], ds_list[1], hs, hd,
                    scs[0], shs[0], scs[1], shs[1]], wts)
        ds_list.append(d)
        e_sc, e_sh = _bn_scale_shift(s1, s2, lp["bn_edge"]["g"],
                                     lp["bn_edge"]["b"])
        scs.append(e_sc)
        shs.append(e_sh)

        part = _sc_scatter(msg, dstr_s, zeros)
        nw1 = lp["node_mlp"][0]["w"]
        h, h16 = _node_layer(h, part, b16(nw1[:H]), b16(nw1[H:]),
                             _row(lp["node_mlp"][0]["b"]),
                             b16(lp["node_mlp"][1]["w"]),
                             _row(lp["node_mlp"][1]["b"]),
                             _row(lp["bn_node"]["g"]),
                             _row(lp["bn_node"]["b"]),
                             residual=(i > 0))

    e3, eattn = _edge_readout(
        ds_list, scs, shs,
        b16(params["edge_attn"][0]["w"]), _row(params["edge_attn"][0]["b"]),
        b16(params["edge_attn"][1]["w"]), _row(params["edge_attn"][1]["b"]))
    ge, nattn, taint = _node_readout(
        h,
        params["node_attn"][0]["w"], _row(params["node_attn"][0]["b"]),
        params["node_attn"][1]["w"], _row(params["node_attn"][1]["b"]),
        params["taint"][0]["w"], _row(params["taint"][0]["b"]),
        params["taint"][1]["w"], _row(params["taint"][1]["b"]),
        params["out_proj"]["w"], _row(params["out_proj"]["b"]))
    return (ge, h, e3, nattn, eattn, taint)

# --- scband reference (transcript-rebuilt; emitter-appended) ---
"""Pipeline reference for scband-egnn-15710990369456 (READ-ONLY COPY).

The authoritative reference and input builder live on the scoring server;
editing this copy changes nothing except your own understanding.
"""

import jax, jax.numpy as jnp
import numpy as np

N_NODES = 10000
N_EDGES = 320000
NODE_IN = 128
EDGE_IN = 16
HID = 128
OUT = 128
LAYERS = 3
EPS = 1e-5


def _lin(key, din, dout):
    k1, k2 = jax.random.split(key)
    s = 1.0 / np.sqrt(din)
    return {"w": jax.random.uniform(k1, (din, dout), jnp.float32, -s, s),
            "b": jax.random.uniform(k2, (dout,), jnp.float32, -s, s)}


def _apply(p, x):
    return x @ p["w"] + p["b"]


def _mlp(ps, x):
    for p in ps[:-1]:
        x = jax.nn.relu(_apply(p, x))
    return _apply(ps[-1], x)


def _bn(p, x):
    m = x.mean(axis=0)
    v = x.var(axis=0)
    return (x - m) / jnp.sqrt(v + EPS) * p["g"] + p["b"]


def setup_inputs(seed: int = 0) -> dict:
    key = jax.random.key(seed)
    ks = jax.random.split(key, 80)
    it = iter(list(ks))
    x = jax.random.normal(next(it), (N_NODES, NODE_IN), jnp.float32)
    edge_index = jax.random.randint(next(it), (2, N_EDGES), 0, N_NODES).astype(jnp.int64)
    edge_attr = jax.random.normal(next(it), (N_EDGES, EDGE_IN), jnp.float32)
    layers = []
    for _ in range(LAYERS):
        layers.append({
            "edge_mlp": [_lin(next(it), 3 * HID, HID), _lin(next(it), HID, HID), _lin(next(it), HID, HID)],
            "node_mlp": [_lin(next(it), 2 * HID, HID), _lin(next(it), HID, HID)],
            "edge_upd": [_lin(next(it), 3 * HID, HID), _lin(next(it), HID, HID)],
            "bn_node": {"g": jnp.ones((HID,), jnp.float32), "b": jnp.zeros((HID,), jnp.float32)},
            "bn_edge": {"g": jnp.ones((HID,), jnp.float32), "b": jnp.zeros((HID,), jnp.float32)},
        })
    params = {
        "node_in": _lin(next(it), NODE_IN, HID),
        "edge_in": _lin(next(it), EDGE_IN, HID),
        "layers": layers,
        "out_proj": _lin(next(it), HID, OUT),
        "node_attn": [_lin(next(it), HID, HID // 2), _lin(next(it), HID // 2, 1)],
        "edge_attn": [_lin(next(it), HID, HID // 2), _lin(next(it), HID // 2, 1)],
        "taint": [_lin(next(it), HID, HID // 2), _lin(next(it), HID // 2, 1)],
    }
    return {"x": x, "edge_index": edge_index, "edge_attr": edge_attr, "params": params}


def reference(x, edge_index, edge_attr, params):
    # Input projections (dropout omitted: eval mode)
    h = jax.nn.relu(_apply(params["node_in"], x))
    e = jax.nn.relu(_apply(params["edge_in"], edge_attr))
    src = edge_index[0]
    dst = edge_index[1]
    for i, lp in enumerate(params["layers"]):
        # edge feature update: cat(x_src, x_dst, edge_attr) -> edge_update_mlp
        ei = jnp.concatenate([jnp.take(h, src, axis=0), jnp.take(h, dst, axis=0), e], axis=-1)
        e_new = _mlp(lp["edge_upd"], ei)
        # message: cat(x_i (dst), x_j (src), updated edge_attr) -> edge_mlp
        mi = jnp.concatenate([jnp.take(h, dst, axis=0), jnp.take(h, src, axis=0), e_new], axis=-1)
        msg = _mlp(lp["edge_mlp"], mi)
        # aggregate (aggr='add') at destination nodes
        agg = jax.ops.segment_sum(msg, dst, num_segments=N_NODES)
        h_new = _mlp(lp["node_mlp"], jnp.concatenate([h, agg], axis=-1))
        # batch norms (training-mode batch statistics) + relu
        h_new = jax.nn.relu(_bn(lp["bn_node"], h_new))
        e_new = jax.nn.relu(_bn(lp["bn_edge"], e_new))
        if i > 0:
            h = h + h_new
            e = e + e_new
        else:
            h = h_new
            e = e_new
    node_embeddings = h
    edge_embeddings = e
    node_attn = jax.nn.softmax(_mlp(params["node_attn"], node_embeddings), axis=0)
    edge_attn = jax.nn.sigmoid(_mlp(params["edge_attn"], edge_embeddings))
    taint = jax.nn.sigmoid(_mlp(params["taint"], node_embeddings))
    graph_emb = (node_embeddings * node_attn).sum(axis=0)
    graph_emb = _apply(params["out_proj"], graph_emb)[None, :]
    return (graph_emb, node_embeddings, edge_embeddings, node_attn, edge_attn, taint)

if __name__ == "__main__":
    import jax
    _d = setup_inputs()
    print(jax.jit(kernel)(*tuple(_d.values())))

</pallas_src>

<mosaic_0001>
#map = affine_map<(d0, d1) -> (0, 0)>
#map1 = affine_map<(d0, d1) -> (0, 0, 0)>
module attributes {stable_mosaic.version = 14 : i64} {
  func.func @_sc_scatter(%arg0: i32, %arg1: i32, %arg2: memref<320000x128xf32, #tpu.memory_space<hbm>>, %arg3: memref<32x125x80xi32, #tpu.memory_space<hbm>>, %arg4: memref<10000x128xf32, #tpu.memory_space<hbm>>, %arg5: memref<2x10000x128xf32, #tpu.memory_space<hbm>>, %arg6: memref<10000x128xf32, #tpu.memory_space<vmem_shared>>, %arg7: memref<80x128xf32, #tpu.memory_space<vmem>>, %arg8: memref<80x128xf32, #tpu.memory_space<vmem>>, %arg9: memref<80x128xf32, #tpu.memory_space<vmem>>, %arg10: memref<125x80xi32, #tpu.memory_space<vmem>>, %arg11: memref<!tpu.dma_semaphore, #tpu.memory_space<semaphore_mem>>, %arg12: memref<!tpu.dma_semaphore, #tpu.memory_space<semaphore_mem>>, %arg13: memref<!tpu.dma_semaphore, #tpu.memory_space<semaphore_mem>>, %arg14: memref<!tpu.dma_semaphore, #tpu.memory_space<semaphore_mem>>, %arg15: memref<!tpu.dma_semaphore, #tpu.memory_space<semaphore_mem>>, %arg16: memref<!tpu.dma_semaphore, #tpu.memory_space<semaphore_mem>>) attributes {dimension_semantics = [#tpu.dimension_semantics<core_parallel>, #tpu.dimension_semantics<subcore_parallel>], iteration_bounds = array<i64: 2, 16>, scalar_prefetch = 0 : i64, scratch_operands = 11 : i64, tpu.core_type = #tpu.core_type<sc_vector_subcore>, window_params = [{transform_indices = #map}, {transform_indices = #map1}, {transform_indices = #map}, {transform_indices = #map1}]} {
    %mul3A = arith.constant 2 : i32
    %mul3A_0 = arith.muli %arg1, %mul3A : i32
    %add3A = arith.addi %mul3A_0, %arg0 : i32
    %mul3A_1 = arith.constant 624 : i32
    %mul3A_2 = arith.muli %arg1, %mul3A_1 : i32
    %mul3A_3 = arith.constant 624 : i32
    %mul3A_4 = arith.muli %arg1, %mul3A_3 : i32
    "tpu.region"() ({
      %run_scoped3A = tpu.sem_alloc : memref<!tpu.dma_semaphore, #tpu.memory_space<semaphore_mem>>
      %dma_start3A_83 = arith.constant 0 : i32
      %dma_start3A_84 = tpu.memref_slice %arg6[%mul3A_4, %dma_start3A_83] : memref<10000x128xf32, #tpu.memory_space<vmem_shared>> -> memref<624x128xf32, #tpu.memory_space<vmem_shared>>
      %dma_start3A_85 = arith.constant 0 : i32
      %dma_start3A_86 = tpu.memref_slice %arg4[%mul3A_2, %dma_start3A_85] : memref<10000x128xf32, #tpu.memory_space<hbm>> -> memref<624x128xf32, #tpu.memory_space<hbm>>
      tpu.enqueue_dma source(%dma_start3A_86 : memref<624x128xf32, #tpu.memory_space<hbm>>) target(%dma_start3A_84 : memref<624x128xf32, #tpu.memory_space<vmem_shared>>) target_semaphore(%run_scoped3A : memref<!tpu.dma_semaphore, #tpu.memory_space<semaphore_mem>>)
      %dma_wait3A_87 = arith.constant 0 : i32
      %dma_wait3A_88 = tpu.memref_slice %arg6[%mul3A_4, %dma_wait3A_87] : memref<10000x128xf32, #tpu.memory_space<vmem_shared>> -> memref<624x128xf32, #tpu.memory_space<vmem_shared>>
      %dma_wait3A_89 = arith.constant 0 : i32
      %dma_wait3A_90 = tpu.memref_slice %arg4[%mul3A_2, %dma_wait3A_89] : memref<10000x128xf32, #tpu.memory_space<hbm>> -> memref<624x128xf32, #tpu.memory_space<hbm>>
      tpu.wait_dma2 semaphore(%run_scoped3A : memref<!tpu.dma_semaphore, #tpu.memory_space<semaphore_mem>>) src(%dma_wait3A_90 : memref<624x128xf32, #tpu.memory_space<hbm>>) dst(%dma_wait3A_88 : memref<624x128xf32, #tpu.memory_space<vmem_shared>>)
      tpu.yield
    }) : () -> ()
    %eq3A = arith.constant 15 : i32
    %eq3A_5 = arith.cmpi eq, %arg1, %eq3A : i32
    %convert_element_type3A = arith.extui %eq3A_5 : i1 to i32
    %cond3A = arith.constant 0 : i32
    %cond3A_6 = arith.cmpi ne, %convert_element_type3A, %cond3A : i32
    scf.if %cond3A_6 {
      "tpu.region"() ({
        %run_scoped3A = tpu.sem_alloc : memref<!tpu.dma_semaphore, #tpu.memory_space<semaphore_mem>>
        %dma_start3A_83 = arith.constant 9984 : i32
        %dma_start3A_84 = arith.constant 0 : i32
        %dma_start3A_85 = tpu.memref_slice %arg6[%dma_start3A_83, %dma_start3A_84] : memref<10000x128xf32, #tpu.memory_space<vmem_shared>> -> memref<16x128xf32, #tpu.memory_space<vmem_shared>>
        %dma_start3A_86 = arith.constant 9984 : i32
        %dma_start3A_87 = arith.constant 0 : i32
        %dma_start3A_88 = tpu.memref_slice %arg4[%dma_start3A_86, %dma_start3A_87] : memref<10000x128xf32, #tpu.memory_space<hbm>> -> memref<16x128xf32, #tpu.memory_space<hbm>>
        tpu.enqueue_dma source(%dma_start3A_88 : memref<16x128xf32, #tpu.memory_space<hbm>>) target(%dma_start3A_85 : memref<16x128xf32, #tpu.memory_space<vmem_shared>>) target_semaphore(%run_scoped3A : memref<!tpu.dma_semaphore, #tpu.memory_space<semaphore_mem>>)
        %dma_wait3A_89 = arith.constant 9984 : i32
        %dma_wait3A_90 = arith.constant 0 : i32
        %dma_wait3A_91 = tpu.memref_slice %arg6[%dma_wait3A_89, %dma_wait3A_90] : memref<10000x128xf32, #tpu.memory_space<vmem_shared>> -> memref<16x128xf32, #tpu.memory_space<vmem_shared>>
        %dma_wait3A_92 = arith.constant 9984 : i32
        %dma_wait3A_93 = arith.constant 0 : i32
        %dma_wait3A_94 = tpu.memref_slice %arg4[%dma_wait3A_92, %dma_wait3A_93] : memref<10000x128xf32, #tpu.memory_space<hbm>> -> memref<16x128xf32, #tpu.memory_space<hbm>>
        tpu.wait_dma2 semaphore(%run_scoped3A : memref<!tpu.dma_semaphore, #tpu.memory_space<semaphore_mem>>) src(%dma_wait3A_94 : memref<16x128xf32, #tpu.memory_space<hbm>>) dst(%dma_wait3A_91 : memref<16x128xf32, #tpu.memory_space<vmem_shared>>)
        tpu.yield
      }) : () -> ()
    } else {
    }
    "tpu.region"() ({
      %run_scoped3A = tpu.sem_alloc : memref<!tpu.dma_semaphore, #tpu.memory_space<semaphore_mem>>
      %dma_start3A_83 = arith.constant 0 : i32
      %dma_start3A_84 = arith.constant 0 : i32
      %dma_start3A_85 = tpu.memref_slice %arg3[%add3A, %dma_start3A_83, %dma_start3A_84] : memref<32x125x80xi32, #tpu.memory_space<hbm>> -> memref<1x125x80xi32, #tpu.memory_space<hbm>>
      %dma_start3A_86 = tpu.memref_squeeze %dma_start3A_85 : memref<1x125x80xi32, #tpu.memory_space<hbm>> -> memref<125x80xi32, #tpu.memory_space<hbm>>
      %dma_start3A_87 = arith.constant 0 : i32
      %dma_start3A_88 = arith.constant 0 : i32
      %dma_start3A_89 = tpu.memref_slice %arg3[%add3A, %dma_start3A_87, %dma_start3A_88] : memref<32x125x80xi32, #tpu.memory_space<hbm>> -> memref<1x125x80xi32, #tpu.memory_space<hbm>>
      %dma_start3A_90 = tpu.memref_squeeze %dma_start3A_89 : memref<1x125x80xi32, #tpu.memory_space<hbm>> -> memref<125x80xi32, #tpu.memory_space<hbm>>
      tpu.enqueue_dma source(%dma_start3A_90 : memref<125x80xi32, #tpu.memory_space<hbm>>) target(%arg10 : memref<125x80xi32, #tpu.memory_space<vmem>>) target_semaphore(%run_scoped3A : memref<!tpu.dma_semaphore, #tpu.memory_space<semaphore_mem>>)
      %dma_wait3A_91 = arith.constant 0 : i32
      %dma_wait3A_92 = arith.constant 0 : i32
      %dma_wait3A_93 = tpu.memref_slice %arg3[%add3A, %dma_wait3A_91, %dma_wait3A_92] : memref<32x125x80xi32, #tpu.memory_space<hbm>> -> memref<1x125x80xi32, #tpu.memory_space<hbm>>
      %dma_wait3A_94 = tpu.memref_squeeze %dma_wait3A_93 : memref<1x125x80xi32, #tpu.memory_space<hbm>> -> memref<125x80xi32, #tpu.memory_space<hbm>>
      %dma_wait3A_95 = arith.constant 0 : i32
      %dma_wait3A_96 = arith.constant 0 : i32
      %dma_wait3A_97 = tpu.memref_slice %arg3[%add3A, %dma_wait3A_95, %dma_wait3A_96] : memref<32x125x80xi32, #tpu.memory_space<hbm>> -> memref<1x125x80xi32, #tpu.memory_space<hbm>>
      %dma_wait3A_98 = tpu.memref_squeeze %dma_wait3A_97 : memref<1x125x80xi32, #tpu.memory_space<hbm>> -> memref<125x80xi32, #tpu.memory_space<hbm>>
      tpu.wait_dma2 semaphore(%run_scoped3A : memref<!tpu.dma_semaphore, #tpu.memory_space<semaphore_mem>>) src(%dma_wait3A_98 : memref<125x80xi32, #tpu.memory_space<hbm>>) dst(%arg10 : memref<125x80xi32, #tpu.memory_space<vmem>>)
      tpu.yield
    }) : () -> ()
    %barrier3A = arith.constant 0 : index
    tpu.barrier barrier_id(%barrier3A)
    %mul3A_7 = arith.constant 10000 : i32
    %mul3A_8 = arith.muli %add3A, %mul3A_7 : i32
    %add3A_9 = arith.constant 0 : i32
    %add3A_10 = arith.addi %mul3A_8, %add3A_9 : i32
    %dma_start3A = arith.constant 0 : i32
    %dma_start3A_11 = tpu.memref_slice %arg2[%add3A_10, %dma_start3A] : memref<320000x128xf32, #tpu.memory_space<hbm>> -> memref<80x128xf32, #tpu.memory_space<hbm>>
    %dma_start3A_12 = arith.constant 0 : i32
    %dma_start3A_13 = tpu.memref_slice %arg2[%add3A_10, %dma_start3A_12] : memref<320000x128xf32, #tpu.memory_space<hbm>> -> memref<80x128xf32, #tpu.memory_space<hbm>>
    tpu.enqueue_dma source(%dma_start3A_13 : memref<80x128xf32, #tpu.memory_space<hbm>>) target(%arg7 : memref<80x128xf32, #tpu.memory_space<vmem>>) target_semaphore(%arg14 : memref<!tpu.dma_semaphore, #tpu.memory_space<semaphore_mem>>)
    %mul3A_14 = arith.constant 10000 : i32
    %mul3A_15 = arith.muli %add3A, %mul3A_14 : i32
    %add3A_16 = arith.constant 80 : i32
    %add3A_17 = arith.addi %mul3A_15, %add3A_16 : i32
    %dma_start3A_18 = arith.constant 0 : i32
    %dma_start3A_19 = tpu.memref_slice %arg2[%add3A_17, %dma_start3A_18] : memref<320000x128xf32, #tpu.memory_space<hbm>> -> memref<80x128xf32, #tpu.memory_space<hbm>>
    %dma_start3A_20 = arith.constant 0 : i32
    %dma_start3A_21 = tpu.memref_slice %arg2[%add3A_17, %dma_start3A_20] : memref<320000x128xf32, #tpu.memory_space<hbm>> -> memref<80x128xf32, #tpu.memory_space<hbm>>
    tpu.enqueue_dma source(%dma_start3A_21 : memref<80x128xf32, #tpu.memory_space<hbm>>) target(%arg8 : memref<80x128xf32, #tpu.memory_space<vmem>>) target_semaphore(%arg15 : memref<!tpu.dma_semaphore, #tpu.memory_space<semaphore_mem>>)
    %scan3A = arith.constant 0 : i32
    %scan3A_22 = arith.constant 0 : i32
    %scan3A_23 = arith.constant 41 : i32
    %scan3A_24 = arith.addi %scan3A_22, %scan3A_23 : i32
    %scan3A_25 = arith.constant 1 : i32
    scf.for %scan3A_83 = %scan3A_22 to %scan3A_24 step %scan3A_25  : i32 {
      %mul3A_84 = arith.constant 3 : i32
      %mul3A_85 = arith.muli %mul3A_84, %scan3A_83 : i32
      %mul3A_86 = arith.constant 10000 : i32
      %mul3A_87 = arith.muli %add3A, %mul3A_86 : i32
      %dma_wait3A_88 = arith.constant 0 : i32
      %dma_wait3A_89 = tpu.memref_slice %arg2[%mul3A_87, %dma_wait3A_88] : memref<320000x128xf32, #tpu.memory_space<hbm>> -> memref<80x128xf32, #tpu.memory_space<hbm>>
      %dma_wait3A_90 = arith.constant 0 : i32
      %dma_wait3A_91 = tpu.memref_slice %arg2[%mul3A_87, %dma_wait3A_90] : memref<320000x128xf32, #tpu.memory_space<hbm>> -> memref<80x128xf32, #tpu.memory_space<hbm>>
      tpu.wait_dma2 semaphore(%arg14 : memref<!tpu.dma_semaphore, #tpu.memory_space<semaphore_mem>>) src(%dma_wait3A_91 : memref<80x128xf32, #tpu.memory_space<hbm>>) dst(%arg7 : memref<80x128xf32, #tpu.memory_space<vmem>>)
      %dma_start3A_92 = arith.constant 0 : i32
      %dma_start3A_93 = tpu.memref_slice %arg10[%mul3A_85, %dma_start3A_92] : memref<125x80xi32, #tpu.memory_space<vmem>> -> memref<1x80xi32, #tpu.memory_space<vmem>>
      %dma_start3A_94 = tpu.memref_squeeze %dma_start3A_93 : memref<1x80xi32, #tpu.memory_space<vmem>> -> memref<80xi32, #tpu.memory_space<vmem>>
      %dma_start3A_95 = arith.constant 0 : i32
      %dma_start3A_96 = arith.constant 0 : i32
      %dma_start3A_97 = tpu.memref_slice %arg6[%dma_start3A_95, %dma_start3A_96] : memref<10000x128xf32, #tpu.memory_space<vmem_shared>> -> memref<10000x128xf32, #tpu.memory_space<vmem_shared>>
      tpu.enqueue_indirect_dma source(%arg7 : memref<80x128xf32, #tpu.memory_space<vmem>>) target(%dma_start3A_97 : memref<10000x128xf32, #tpu.memory_space<vmem_shared>>) offsets(%dma_start3A_94 : memref<80xi32, #tpu.memory_space<vmem>>) semaphore(%arg11 : memref<!tpu.dma_semaphore, #tpu.memory_space<semaphore_mem>>) {add = true}
      %ge3A = arith.constant 1 : i32
      %ge3A_98 = arith.cmpi sge, %mul3A_85, %ge3A : i32
      %convert_element_type3A_99 = arith.extui %ge3A_98 : i1 to i32
      %cond3A_100 = arith.constant 0 : i32
      %cond3A_101 = arith.cmpi ne, %convert_element_type3A_99, %cond3A_100 : i32
      scf.if %cond3A_101 {
        %dma_wait3A_164 = arith.constant 0 : i32
        %dma_wait3A_165 = tpu.memref_slice %arg10[%mul3A_85, %dma_wait3A_164] : memref<125x80xi32, #tpu.memory_space<vmem>> -> memref<1x80xi32, #tpu.memory_space<vmem>>
        %dma_wait3A_166 = tpu.memref_squeeze %dma_wait3A_165 : memref<1x80xi32, #tpu.memory_space<vmem>> -> memref<80xi32, #tpu.memory_space<vmem>>
        %dma_wait3A_167 = arith.constant 0 : i32
        %dma_wait3A_168 = arith.constant 0 : i32
        %dma_wait3A_169 = tpu.memref_slice %arg6[%dma_wait3A_167, %dma_wait3A_168] : memref<10000x128xf32, #tpu.memory_space<vmem_shared>> -> memref<10000x128xf32, #tpu.memory_space<vmem_shared>>
        tpu.wait_indirect_dma semaphore(%arg13 : memref<!tpu.dma_semaphore, #tpu.memory_space<semaphore_mem>>) src(%arg9 : memref<80x128xf32, #tpu.memory_space<vmem>>) dst(%dma_wait3A_169 : memref<10000x128xf32, #tpu.memory_space<vmem_shared>>)
      } else {
      }
      %add3A_102 = arith.constant 2 : i32
      %add3A_103 = arith.addi %mul3A_85, %add3A_102 : i32
      %lt3A = arith.constant 125 : i32
      %lt3A_104 = arith.cmpi slt, %add3A_103, %lt3A : i32
      %convert_element_type3A_105 = arith.extui %lt3A_104 : i1 to i32
      %cond3A_106 = arith.constant 0 : i32
      %cond3A_107 = arith.cmpi ne, %convert_element_type3A_105, %cond3A_106 : i32
      scf.if %cond3A_107 {
        %add3A_164 = arith.constant 2 : i32
        %add3A_165 = arith.addi %mul3A_85, %add3A_164 : i32
        %mul3A_166 = arith.constant 10000 : i32
        %mul3A_167 = arith.muli %add3A, %mul3A_166 : i32
        %mul3A_168 = arith.constant 80 : i32
        %mul3A_169 = arith.muli %add3A_165, %mul3A_168 : i32
        %add3A_170 = arith.addi %mul3A_167, %mul3A_169 : i32
        %dma_start3A_171 = arith.constant 0 : i32
        %dma_start3A_172 = tpu.memref_slice %arg2[%add3A_170, %dma_start3A_171] : memref<320000x128xf32, #tpu.memory_space<hbm>> -> memref<80x128xf32, #tpu.memory_space<hbm>>
        %dma_start3A_173 = arith.constant 0 : i32
        %dma_start3A_174 = tpu.memref_slice %arg2[%add3A_170, %dma_start3A_173] : memref<320000x128xf32, #tpu.memory_space<hbm>> -> memref<80x128xf32, #tpu.memory_space<hbm>>
        tpu.enqueue_dma source(%dma_start3A_174 : memref<80x128xf32, #tpu.memory_space<hbm>>) target(%arg9 : memref<80x128xf32, #tpu.memory_space<vmem>>) target_semaphore(%arg16 : memref<!tpu.dma_semaphore, #tpu.memory_space<semaphore_mem>>)
      } else {
      }
      %mul3A_108 = arith.constant 3 : i32
      %mul3A_109 = arith.muli %mul3A_108, %scan3A_83 : i32
      %add3A_110 = arith.constant 1 : i32
      %add3A_111 = arith.addi %mul3A_109, %add3A_110 : i32
      %mul3A_112 = arith.constant 10000 : i32
      %mul3A_113 = arith.muli %add3A, %mul3A_112 : i32
      %dma_wait3A_114 = arith.constant 0 : i32
      %dma_wait3A_115 = tpu.memref_slice %arg2[%mul3A_113, %dma_wait3A_114] : memref<320000x128xf32, #tpu.memory_space<hbm>> -> memref<80x128xf32, #tpu.memory_space<hbm>>
      %dma_wait3A_116 = arith.constant 0 : i32
      %dma_wait3A_117 = tpu.memref_slice %arg2[%mul3A_113, %dma_wait3A_116] : memref<320000x128xf32, #tpu.memory_space<hbm>> -> memref<80x128xf32, #tpu.memory_space<hbm>>
      tpu.wait_dma2 semaphore(%arg15 : memref<!tpu.dma_semaphore, #tpu.memory_space<semaphore_mem>>) src(%dma_wait3A_117 : memref<80x128xf32, #tpu.memory_space<hbm>>) dst(%arg8 : memref<80x128xf32, #tpu.memory_space<vmem>>)
      %dma_start3A_118 = arith.constant 0 : i32
      %dma_start3A_119 = tpu.memref_slice %arg10[%add3A_111, %dma_start3A_118] : memref<125x80xi32, #tpu.memory_space<vmem>> -> memref<1x80xi32, #tpu.memory_space<vmem>>
      %dma_start3A_120 = tpu.memref_squeeze %dma_start3A_119 : memref<1x80xi32, #tpu.memory_space<vmem>> -> memref<80xi32, #tpu.memory_space<vmem>>
      %dma_start3A_121 = arith.constant 0 : i32
      %dma_start3A_122 = arith.constant 0 : i32
      %dma_start3A_123 = tpu.memref_slice %arg6[%dma_start3A_121, %dma_start3A_122] : memref<10000x128xf32, #tpu.memory_space<vmem_shared>> -> memref<10000x128xf32, #tpu.memory_space<vmem_shared>>
      tpu.enqueue_indirect_dma source(%arg8 : memref<80x128xf32, #tpu.memory_space<vmem>>) target(%dma_start3A_123 : memref<10000x128xf32, #tpu.memory_space<vmem_shared>>) offsets(%dma_start3A_120 : memref<80xi32, #tpu.memory_space<vmem>>) semaphore(%arg12 : memref<!tpu.dma_semaphore, #tpu.memory_space<semaphore_mem>>) {add = true}
      %ge3A_124 = arith.constant 1 : i32
      %ge3A_125 = arith.cmpi sge, %add3A_111, %ge3A_124 : i32
      %convert_element_type3A_126 = arith.extui %ge3A_125 : i1 to i32
      %cond3A_127 = arith.constant 0 : i32
      %cond3A_128 = arith.cmpi ne, %convert_element_type3A_126, %cond3A_127 : i32
      scf.if %cond3A_128 {
        %dma_wait3A_164 = arith.constant 0 : i32
        %dma_wait3A_165 = tpu.memref_slice %arg10[%add3A_111, %dma_wait3A_164] : memref<125x80xi32, #tpu.memory_space<vmem>> -> memref<1x80xi32, #tpu.memory_space<vmem>>
        %dma_wait3A_166 = tpu.memref_squeeze %dma_wait3A_165 : memref<1x80xi32, #tpu.memory_space<vmem>> -> memref<80xi32, #tpu.memory_space<vmem>>
        %dma_wait3A_167 = arith.constant 0 : i32
        %dma_wait3A_168 = arith.constant 0 : i32
        %dma_wait3A_169 = tpu.memref_slice %arg6[%dma_wait3A_167, %dma_wait3A_168] : memref<10000x128xf32, #tpu.memory_space<vmem_shared>> -> memref<10000x128xf32, #tpu.memory_space<vmem_shared>>
        tpu.wait_indirect_dma semaphore(%arg11 : memref<!tpu.dma_semaphore, #tpu.memory_space<semaphore_mem>>) src(%arg7 : memref<80x128xf32, #tpu.memory_space<vmem>>) dst(%dma_wait3A_169 : memref<10000x128xf32, #tpu.memory_space<vmem_shared>>)
      } else {
      }
      %add3A_129 = arith.constant 2 : i32
      %add3A_130 = arith.addi %add3A_111, %add3A_129 : i32
      %lt3A_131 = arith.constant 125 : i32
      %lt3A_132 = arith.cmpi slt, %add3A_130, %lt3A_131 : i32
      %convert_element_type3A_133 = arith.extui %lt3A_132 : i1 to i32
      %cond3A_134 = arith.constant 0 : i32
      %cond3A_135 = arith.cmpi ne, %convert_element_type3A_133, %cond3A_134 : i32
      scf.if %cond3A_135 {
        %add3A_164 = arith.constant 2 : i32
        %add3A_165 = arith.addi %add3A_111, %add3A_164 : i32
        %mul3A_166 = arith.constant 10000 : i32
        %mul3A_167 = arith.muli %add3A, %mul3A_166 : i32
        %mul3A_168 = arith.constant 80 : i32
        %mul3A_169 = arith.muli %add3A_165, %mul3A_168 : i32
        %add3A_170 = arith.addi %mul3A_167, %mul3A_169 : i32
        %dma_start3A_171 = arith.constant 0 : i32
        %dma_start3A_172 = tpu.memref_slice %arg2[%add3A_170, %dma_start3A_171] : memref<320000x128xf32, #tpu.memory_space<hbm>> -> memref<80x128xf32, #tpu.memory_space<hbm>>
        %dma_start3A_173 = arith.constant 0 : i32
        %dma_start3A_174 = tpu.memref_slice %arg2[%add3A_170, %dma_start3A_173] : memref<320000x128xf32, #tpu.memory_space<hbm>> -> memref<80x128xf32, #tpu.memory_space<hbm>>
        tpu.enqueue_dma source(%dma_start3A_174 : memref<80x128xf32, #tpu.memory_space<hbm>>) target(%arg7 : memref<80x128xf32, #tpu.memory_space<vmem>>) target_semaphore(%arg14 : memref<!tpu.dma_semaphore, #tpu.memory_space<semaphore_mem>>)
      } else {
      }
      %mul3A_136 = arith.constant 3 : i32
      %mul3A_137 = arith.muli %mul3A_136, %scan3A_83 : i32
      %add3A_138 = arith.constant 2 : i32
      %add3A_139 = arith.addi %mul3A_137, %add3A_138 : i32
      %mul3A_140 = arith.constant 10000 : i32
      %mul3A_141 = arith.muli %add3A, %mul3A_140 : i32
      %dma_wait3A_142 = arith.constant 0 : i32
      %dma_wait3A_143 = tpu.memref_slice %arg2[%mul3A_141, %dma_wait3A_142] : memref<320000x128xf32, #tpu.memory_space<hbm>> -> memref<80x128xf32, #tpu.memory_space<hbm>>
      %dma_wait3A_144 = arith.constant 0 : i32
      %dma_wait3A_145 = tpu.memref_slice %arg2[%mul3A_141, %dma_wait3A_144] : memref<320000x128xf32, #tpu.memory_space<hbm>> -> memref<80x128xf32, #tpu.memory_space<hbm>>
      tpu.wait_dma2 semaphore(%arg16 : memref<!tpu.dma_semaphore, #tpu.memory_space<semaphore_mem>>) src(%dma_wait3A_145 : memref<80x128xf32, #tpu.memory_space<hbm>>) dst(%arg9 : memref<80x128xf32, #tpu.memory_space<vmem>>)
      %dma_start3A_146 = arith.constant 0 : i32
      %dma_start3A_147 = tpu.memref_slice %arg10[%add3A_139, %dma_start3A_146] : memref<125x80xi32, #tpu.memory_space<vmem>> -> memref<1x80xi32, #tpu.memory_space<vmem>>
      %dma_start3A_148 = tpu.memref_squeeze %dma_start3A_147 : memref<1x80xi32, #tpu.memory_space<vmem>> -> memref<80xi32, #tpu.memory_space<vmem>>
      %dma_start3A_149 = arith.constant 0 : i32
      %dma_start3A_150 = arith.constant 0 : i32
      %dma_start3A_151 = tpu.memref_slice %arg6[%dma_start3A_149, %dma_start3A_150] : memref<10000x128xf32, #tpu.memory_space<vmem_shared>> -> memref<10000x128xf32, #tpu.memory_space<vmem_shared>>
      tpu.enqueue_indirect_dma source(%arg9 : memref<80x128xf32, #tpu.memory_space<vmem>>) target(%dma_start3A_151 : memref<10000x128xf32, #tpu.memory_space<vmem_shared>>) offsets(%dma_start3A_148 : memref<80xi32, #tpu.memory_space<vmem>>) semaphore(%arg13 : memref<!tpu.dma_semaphore, #tpu.memory_space<semaphore_mem>>) {add = true}
      %ge3A_152 = arith.constant 1 : i32
      %ge3A_153 = arith.cmpi sge, %add3A_139, %ge3A_152 : i32
      %convert_element_type3A_154 = arith.extui %ge3A_153 : i1 to i32
      %cond3A_155 = arith.constant 0 : i32
      %cond3A_156 = arith.cmpi ne, %convert_element_type3A_154, %cond3A_155 : i32
      scf.if %cond3A_156 {
        %dma_wait3A_164 = arith.constant 0 : i32
        %dma_wait3A_165 = tpu.memref_slice %arg10[%add3A_139, %dma_wait3A_164] : memref<125x80xi32, #tpu.memory_space<vmem>> -> memref<1x80xi32, #tpu.memory_space<vmem>>
        %dma_wait3A_166 = tpu.memref_squeeze %dma_wait3A_165 : memref<1x80xi32, #tpu.memory_space<vmem>> -> memref<80xi32, #tpu.memory_space<vmem>>
        %dma_wait3A_167 = arith.constant 0 : i32
        %dma_wait3A_168 = arith.constant 0 : i32
        %dma_wait3A_169 = tpu.memref_slice %arg6[%dma_wait3A_167, %dma_wait3A_168] : memref<10000x128xf32, #tpu.memory_space<vmem_shared>> -> memref<10000x128xf32, #tpu.memory_space<vmem_shared>>
        tpu.wait_indirect_dma semaphore(%arg12 : memref<!tpu.dma_semaphore, #tpu.memory_space<semaphore_mem>>) src(%arg8 : memref<80x128xf32, #tpu.memory_space<vmem>>) dst(%dma_wait3A_169 : memref<10000x128xf32, #tpu.memory_space<vmem_shared>>)
      } else {
      }
      %add3A_157 = arith.constant 2 : i32
      %add3A_158 = arith.addi %add3A_139, %add3A_157 : i32
      %lt3A_159 = arith.constant 125 : i32
      %lt3A_160 = arith.cmpi slt, %add3A_158, %lt3A_159 : i32
      %convert_element_type3A_161 = arith.extui %lt3A_160 : i1 to i32
      %cond3A_162 = arith.constant 0 : i32
      %cond3A_163 = arith.cmpi ne, %convert_element_type3A_161, %cond3A_162 : i32
      scf.if %cond3A_163 {
        %add3A_164 = arith.constant 2 : i32
        %add3A_165 = arith.addi %add3A_139, %add3A_164 : i32
        %mul3A_166 = arith.constant 10000 : i32
        %mul3A_167 = arith.muli %add3A, %mul3A_166 : i32
        %mul3A_168 = arith.constant 80 : i32
        %mul3A_169 = arith.muli %add3A_165, %mul3A_168 : i32
        %add3A_170 = arith.addi %mul3A_167, %mul3A_169 : i32
        %dma_start3A_171 = arith.constant 0 : i32
        %dma_start3A_172 = tpu.memref_slice %arg2[%add3A_170, %dma_start3A_171] : memref<320000x128xf32, #tpu.memory_space<hbm>> -> memref<80x128xf32, #tpu.memory_space<hbm>>
        %dma_start3A_173 = arith.constant 0 : i32
        %dma_start3A_174 = tpu.memref_slice %arg2[%add3A_170, %dma_start3A_173] : memref<320000x128xf32, #tpu.memory_space<hbm>> -> memref<80x128xf32, #tpu.memory_space<hbm>>
        tpu.enqueue_dma source(%dma_start3A_174 : memref<80x128xf32, #tpu.memory_space<hbm>>) target(%arg8 : memref<80x128xf32, #tpu.memory_space<vmem>>) target_semaphore(%arg15 : memref<!tpu.dma_semaphore, #tpu.memory_space<semaphore_mem>>)
      } else {
      }
    }
    %scan3A_26 = arith.constant 41 : i32
    %mul3A_27 = arith.constant 10000 : i32
    %mul3A_28 = arith.muli %add3A, %mul3A_27 : i32
    %dma_wait3A = arith.constant 0 : i32
    %dma_wait3A_29 = tpu.memref_slice %arg2[%mul3A_28, %dma_wait3A] : memref<320000x128xf32, #tpu.memory_space<hbm>> -> memref<80x128xf32, #tpu.memory_space<hbm>>
    %dma_wait3A_30 = arith.constant 0 : i32
    %dma_wait3A_31 = tpu.memref_slice %arg2[%mul3A_28, %dma_wait3A_30] : memref<320000x128xf32, #tpu.memory_space<hbm>> -> memref<80x128xf32, #tpu.memory_space<hbm>>
    tpu.wait_dma2 semaphore(%arg14 : memref<!tpu.dma_semaphore, #tpu.memory_space<semaphore_mem>>) src(%dma_wait3A_31 : memref<80x128xf32, #tpu.memory_space<hbm>>) dst(%arg7 : memref<80x128xf32, #tpu.memory_space<vmem>>)
    %dma_start3A_32 = arith.constant 123 : i32
    %dma_start3A_33 = arith.constant 0 : i32
    %dma_start3A_34 = tpu.memref_slice %arg10[%dma_start3A_32, %dma_start3A_33] : memref<125x80xi32, #tpu.memory_space<vmem>> -> memref<1x80xi32, #tpu.memory_space<vmem>>
    %dma_start3A_35 = tpu.memref_squeeze %dma_start3A_34 : memref<1x80xi32, #tpu.memory_space<vmem>> -> memref<80xi32, #tpu.memory_space<vmem>>
    %dma_start3A_36 = arith.constant 0 : i32
    %dma_start3A_37 = arith.constant 0 : i32
    %dma_start3A_38 = tpu.memref_slice %arg6[%dma_start3A_36, %dma_start3A_37] : memref<10000x128xf32, #tpu.memory_space<vmem_shared>> -> memref<10000x128xf32, #tpu.memory_space<vmem_shared>>
    tpu.enqueue_indirect_dma source(%arg7 : memref<80x128xf32, #tpu.memory_space<vmem>>) target(%dma_start3A_38 : memref<10000x128xf32, #tpu.memory_space<vmem_shared>>) offsets(%dma_start3A_35 : memref<80xi32, #tpu.memory_space<vmem>>) semaphore(%arg11 : memref<!tpu.dma_semaphore, #tpu.memory_space<semaphore_mem>>) {add = true}
    %dma_wait3A_39 = arith.constant 123 : i32
    %dma_wait3A_40 = arith.constant 0 : i32
    %dma_wait3A_41 = tpu.memref_slice %arg10[%dma_wait3A_39, %dma_wait3A_40] : memref<125x80xi32, #tpu.memory_space<vmem>> -> memref<1x80xi32, #tpu.memory_space<vmem>>
    %dma_wait3A_42 = tpu.memref_squeeze %dma_wait3A_41 : memref<1x80xi32, #tpu.memory_space<vmem>> -> memref<80xi32, #tpu.memory_space<vmem>>
    %dma_wait3A_43 = arith.constant 0 : i32
    %dma_wait3A_44 = arith.constant 0 : i32
    %dma_wait3A_45 = tpu.memref_slice %arg6[%dma_wait3A_43, %dma_wait3A_44] : memref<10000x128xf32, #tpu.memory_space<vmem_shared>> -> memref<10000x128xf32, #tpu.memory_space<vmem_shared>>
    tpu.wait_indirect_dma semaphore(%arg13 : memref<!tpu.dma_semaphore, #tpu.memory_space<semaphore_mem>>) src(%arg9 : memref<80x128xf32, #tpu.memory_space<vmem>>) dst(%dma_wait3A_45 : memref<10000x128xf32, #tpu.memory_space<vmem_shared>>)
    %mul3A_46 = arith.constant 10000 : i32
    %mul3A_47 = arith.muli %add3A, %mul3A_46 : i32
    %dma_wait3A_48 = arith.constant 0 : i32
    %dma_wait3A_49 = tpu.memref_slice %arg2[%mul3A_47, %dma_wait3A_48] : memref<320000x128xf32, #tpu.memory_space<hbm>> -> memref<80x128xf32, #tpu.memory_space<hbm>>
    %dma_wait3A_50 = arith.constant 0 : i32
    %dma_wait3A_51 = tpu.memref_slice %arg2[%mul3A_47, %dma_wait3A_50] : memref<320000x128xf32, #tpu.memory_space<hbm>> -> memref<80x128xf32, #tpu.memory_space<hbm>>
    tpu.wait_dma2 semaphore(%arg15 : memref<!tpu.dma_semaphore, #tpu.memory_space<semaphore_mem>>) src(%dma_wait3A_51 : memref<80x128xf32, #tpu.memory_space<hbm>>) dst(%arg8 : memref<80x128xf32, #tpu.memory_space<vmem>>)
    %dma_start3A_52 = arith.constant 124 : i32
    %dma_start3A_53 = arith.constant 0 : i32
    %dma_start3A_54 = tpu.memref_slice %arg10[%dma_start3A_52, %dma_start3A_53] : memref<125x80xi32, #tpu.memory_space<vmem>> -> memref<1x80xi32, #tpu.memory_space<vmem>>
    %dma_start3A_55 = tpu.memref_squeeze %dma_start3A_54 : memref<1x80xi32, #tpu.memory_space<vmem>> -> memref<80xi32, #tpu.memory_space<vmem>>
    %dma_start3A_56 = arith.constant 0 : i32
    %dma_start3A_57 = arith.constant 0 : i32
    %dma_start3A_58 = tpu.memref_slice %arg6[%dma_start3A_56, %dma_start3A_57] : memref<10000x128xf32, #tpu.memory_space<vmem_shared>> -> memref<10000x128xf32, #tpu.memory_space<vmem_shared>>
    tpu.enqueue_indirect_dma source(%arg8 : memref<80x128xf32, #tpu.memory_space<vmem>>) target(%dma_start3A_58 : memref<10000x128xf32, #tpu.memory_space<vmem_shared>>) offsets(%dma_start3A_55 : memref<80xi32, #tpu.memory_space<vmem>>) semaphore(%arg12 : memref<!tpu.dma_semaphore, #tpu.memory_space<semaphore_mem>>) {add = true}
    %dma_wait3A_59 = arith.constant 124 : i32
    %dma_wait3A_60 = arith.constant 0 : i32
    %dma_wait3A_61 = tpu.memref_slice %arg10[%dma_wait3A_59, %dma_wait3A_60] : memref<125x80xi32, #tpu.memory_space<vmem>> -> memref<1x80xi32, #tpu.memory_space<vmem>>
    %dma_wait3A_62 = tpu.memref_squeeze %dma_wait3A_61 : memref<1x80xi32, #tpu.memory_space<vmem>> -> memref<80xi32, #tpu.memory_space<vmem>>
    %dma_wait3A_63 = arith.constant 0 : i32
    %dma_wait3A_64 = arith.constant 0 : i32
    %dma_wait3A_65 = tpu.memref_slice %arg6[%dma_wait3A_63, %dma_wait3A_64] : memref<10000x128xf32, #tpu.memory_space<vmem_shared>> -> memref<10000x128xf32, #tpu.memory_space<vmem_shared>>
    tpu.wait_indirect_dma semaphore(%arg11 : memref<!tpu.dma_semaphore, #tpu.memory_space<semaphore_mem>>) src(%arg7 : memref<80x128xf32, #tpu.memory_space<vmem>>) dst(%dma_wait3A_65 : memref<10000x128xf32, #tpu.memory_space<vmem_shared>>)
    %dma_wait3A_66 = arith.constant 0 : i32
    %dma_wait3A_67 = arith.constant 0 : i32
    %dma_wait3A_68 = tpu.memref_slice %arg10[%dma_wait3A_66, %dma_wait3A_67] : memref<125x80xi32, #tpu.memory_space<vmem>> -> memref<1x80xi32, #tpu.memory_space<vmem>>
    %dma_wait3A_69 = tpu.memref_squeeze %dma_wait3A_68 : memref<1x80xi32, #tpu.memory_space<vmem>> -> memref<80xi32, #tpu.memory_space<vmem>>
    %dma_wait3A_70 = arith.constant 0 : i32
    %dma_wait3A_71 = arith.constant 0 : i32
    %dma_wait3A_72 = tpu.memref_slice %arg6[%dma_wait3A_70, %dma_wait3A_71] : memref<10000x128xf32, #tpu.memory_space<vmem_shared>> -> memref<10000x128xf32, #tpu.memory_space<vmem_shared>>
    tpu.wait_indirect_dma semaphore(%arg12 : memref<!tpu.dma_semaphore, #tpu.memory_space<semaphore_mem>>) src(%arg8 : memref<80x128xf32, #tpu.memory_space<vmem>>) dst(%dma_wait3A_72 : memref<10000x128xf32, #tpu.memory_space<vmem_shared>>)
    %barrier3A_73 = arith.constant 0 : index
    tpu.barrier barrier_id(%barrier3A_73)
    %mul3A_74 = arith.constant 624 : i32
    %mul3A_75 = arith.muli %arg1, %mul3A_74 : i32
    %mul3A_76 = arith.constant 624 : i32
    %mul3A_77 = arith.muli %arg1, %mul3A_76 : i32
    "tpu.region"() ({
      %run_scoped3A = tpu.sem_alloc : memref<!tpu.dma_semaphore, #tpu.memory_space<semaphore_mem>>
      %dma_start3A_83 = arith.constant 0 : i32
      %dma_start3A_84 = tpu.memref_slice %arg5[%arg0, %mul3A_77, %dma_start3A_83] : memref<2x10000x128xf32, #tpu.memory_space<hbm>> -> memref<1x624x128xf32, #tpu.memory_space<hbm>>
      %dma_start3A_85 = tpu.memref_squeeze %dma_start3A_84 : memref<1x624x128xf32, #tpu.memory_space<hbm>> -> memref<624x128xf32, #tpu.memory_space<hbm>>
      %dma_start3A_86 = arith.constant 0 : i32
      %dma_start3A_87 = tpu.memref_slice %arg6[%mul3A_75, %dma_start3A_86] : memref<10000x128xf32, #tpu.memory_space<vmem_shared>> -> memref<624x128xf32, #tpu.memory_space<vmem_shared>>
      tpu.enqueue_dma source(%dma_start3A_87 : memref<624x128xf32, #tpu.memory_space<vmem_shared>>) target(%dma_start3A_85 : memref<624x128xf32, #tpu.memory_space<hbm>>) target_semaphore(%run_scoped3A : memref<!tpu.dma_semaphore, #tpu.memory_space<semaphore_mem>>)
      %dma_wait3A_88 = arith.constant 0 : i32
      %dma_wait3A_89 = tpu.memref_slice %arg5[%arg0, %mul3A_77, %dma_wait3A_88] : memref<2x10000x128xf32, #tpu.memory_space<hbm>> -> memref<1x624x128xf32, #tpu.memory_space<hbm>>
      %dma_wait3A_90 = tpu.memref_squeeze %dma_wait3A_89 : memref<1x624x128xf32, #tpu.memory_space<hbm>> -> memref<624x128xf32, #tpu.memory_space<hbm>>
      %dma_wait3A_91 = arith.constant 0 : i32
      %dma_wait3A_92 = tpu.memref_slice %arg6[%mul3A_75, %dma_wait3A_91] : memref<10000x128xf32, #tpu.memory_space<vmem_shared>> -> memref<624x128xf32, #tpu.memory_space<vmem_shared>>
      tpu.wait_dma2 semaphore(%run_scoped3A : memref<!tpu.dma_semaphore, #tpu.memory_space<semaphore_mem>>) src(%dma_wait3A_92 : memref<624x128xf32, #tpu.memory_space<vmem_shared>>) dst(%dma_wait3A_90 : memref<624x128xf32, #tpu.memory_space<hbm>>)
      tpu.yield
    }) : () -> ()
    %eq3A_78 = arith.constant 15 : i32
    %eq3A_79 = arith.cmpi eq, %arg1, %eq3A_78 : i32
    %convert_element_type3A_80 = arith.extui %eq3A_79 : i1 to i32
    %cond3A_81 = arith.constant 0 : i32
    %cond3A_82 = arith.cmpi ne, %convert_element_type3A_80, %cond3A_81 : i32
    scf.if %cond3A_82 {
      "tpu.region"() ({
        %run_scoped3A = tpu.sem_alloc : memref<!tpu.dma_semaphore, #tpu.memory_space<semaphore_mem>>
        %dma_start3A_83 = arith.constant 9984 : i32
        %dma_start3A_84 = arith.constant 0 : i32
        %dma_start3A_85 = tpu.memref_slice %arg5[%arg0, %dma_start3A_83, %dma_start3A_84] : memref<2x10000x128xf32, #tpu.memory_space<hbm>> -> memref<1x16x128xf32, #tpu.memory_space<hbm>>
        %dma_start3A_86 = tpu.memref_squeeze %dma_start3A_85 : memref<1x16x128xf32, #tpu.memory_space<hbm>> -> memref<16x128xf32, #tpu.memory_space<hbm>>
        %dma_start3A_87 = arith.constant 9984 : i32
        %dma_start3A_88 = arith.constant 0 : i32
        %dma_start3A_89 = tpu.memref_slice %arg6[%dma_start3A_87, %dma_start3A_88] : memref<10000x128xf32, #tpu.memory_space<vmem_shared>> -> memref<16x128xf32, #tpu.memory_space<vmem_shared>>
        tpu.enqueue_dma source(%dma_start3A_89 : memref<16x128xf32, #tpu.memory_space<vmem_shared>>) target(%dma_start3A_86 : memref<16x128xf32, #tpu.memory_space<hbm>>) target_semaphore(%run_scoped3A : memref<!tpu.dma_semaphore, #tpu.memory_space<semaphore_mem>>)
        %dma_wait3A_90 = arith.constant 9984 : i32
        %dma_wait3A_91 = arith.constant 0 : i32
        %dma_wait3A_92 = tpu.memref_slice %arg5[%arg0, %dma_wait3A_90, %dma_wait3A_91] : memref<2x10000x128xf32, #tpu.memory_space<hbm>> -> memref<1x16x128xf32, #tpu.memory_space<hbm>>
        %dma_wait3A_93 = tpu.memref_squeeze %dma_wait3A_92 : memref<1x16x128xf32, #tpu.memory_space<hbm>> -> memref<16x128xf32, #tpu.memory_space<hbm>>
        %dma_wait3A_94 = arith.constant 9984 : i32
        %dma_wait3A_95 = arith.constant 0 : i32
        %dma_wait3A_96 = tpu.memref_slice %arg6[%dma_wait3A_94, %dma_wait3A_95] : memref<10000x128xf32, #tpu.memory_space<vmem_shared>> -> memref<16x128xf32, #tpu.memory_space<vmem_shared>>
        tpu.wait_dma2 semaphore(%run_scoped3A : memref<!tpu.dma_semaphore, #tpu.memory_space<semaphore_mem>>) src(%dma_wait3A_96 : memref<16x128xf32, #tpu.memory_space<vmem_shared>>) dst(%dma_wait3A_93 : memref<16x128xf32, #tpu.memory_space<hbm>>)
        tpu.yield
      }) : () -> ()
    } else {
    }
    return
  }
}

#map = affine_map<(d0, d1) -> (0, 0)>
module attributes {stable_mosaic.version = 14 : i64} {
  func.func @_sc_gather(%arg0: i32, %arg1: i32, %arg2: memref<10000x128xf32, #tpu.memory_space<hbm>>, %arg3: memref<32x10000xi32, #tpu.memory_space<hbm>>, %arg4: memref<32x10000xi32, #tpu.memory_space<hbm>>, %arg5: memref<320000x128xf32, #tpu.memory_space<hbm>>, %arg6: memref<320000x128xf32, #tpu.memory_space<hbm>>, %arg7: memref<10000x128xf32, #tpu.memory_space<vmem_shared>>, %arg8: memref<80x128xf32, #tpu.memory_space<vmem>>, %arg9: memref<80x128xf32, #tpu.memory_space<vmem>>, %arg10: memref<10000xi32, #tpu.memory_space<vmem>>, %arg11: memref<10000xi32, #tpu.memory_space<vmem>>, %arg12: memref<!tpu.dma_semaphore, #tpu.memory_space<semaphore_mem>>, %arg13: memref<!tpu.dma_semaphore, #tpu.memory_space<semaphore_mem>>, %arg14: memref<!tpu.dma_semaphore, #tpu.memory_space<semaphore_mem>>) attributes {dimension_semantics = [#tpu.dimension_semantics<core_parallel>, #tpu.dimension_semantics<subcore_parallel>], iteration_bounds = array<i64: 2, 16>, scalar_prefetch = 0 : i64, scratch_operands = 8 : i64, tpu.core_type = #tpu.core_type<sc_vector_subcore>, window_params = [{transform_indices = #map}, {transform_indices = #map}, {transform_indices = #map}, {transform_indices = #map}, {transform_indices = #map}]} {
    %mul3A = arith.constant 2 : i32
    %mul3A_0 = arith.muli %arg1, %mul3A : i32
    %add3A = arith.addi %mul3A_0, %arg0 : i32
    %mul3A_1 = arith.constant 624 : i32
    %mul3A_2 = arith.muli %arg1, %mul3A_1 : i32
    %mul3A_3 = arith.constant 624 : i32
    %mul3A_4 = arith.muli %arg1, %mul3A_3 : i32
    "tpu.region"() ({
      %run_scoped3A = tpu.sem_alloc : memref<!tpu.dma_semaphore, #tpu.memory_space<semaphore_mem>>
      %dma_start3A = arith.constant 0 : i32
      %dma_start3A_23 = tpu.memref_slice %arg7[%mul3A_4, %dma_start3A] : memref<10000x128xf32, #tpu.memory_space<vmem_shared>> -> memref<624x128xf32, #tpu.memory_space<vmem_shared>>
      %dma_start3A_24 = arith.constant 0 : i32
      %dma_start3A_25 = tpu.memref_slice %arg2[%mul3A_2, %dma_start3A_24] : memref<10000x128xf32, #tpu.memory_space<hbm>> -> memref<624x128xf32, #tpu.memory_space<hbm>>
      tpu.enqueue_dma source(%dma_start3A_25 : memref<624x128xf32, #tpu.memory_space<hbm>>) target(%dma_start3A_23 : memref<624x128xf32, #tpu.memory_space<vmem_shared>>) target_semaphore(%run_scoped3A : memref<!tpu.dma_semaphore, #tpu.memory_space<semaphore_mem>>)
      %dma_wait3A_26 = arith.constant 0 : i32
      %dma_wait3A_27 = tpu.memref_slice %arg7[%mul3A_4, %dma_wait3A_26] : memref<10000x128xf32, #tpu.memory_space<vmem_shared>> -> memref<624x128xf32, #tpu.memory_space<vmem_shared>>
      %dma_wait3A_28 = arith.constant 0 : i32
      %dma_wait3A_29 = tpu.memref_slice %arg2[%mul3A_2, %dma_wait3A_28] : memref<10000x128xf32, #tpu.memory_space<hbm>> -> memref<624x128xf32, #tpu.memory_space<hbm>>
      tpu.wait_dma2 semaphore(%run_scoped3A : memref<!tpu.dma_semaphore, #tpu.memory_space<semaphore_mem>>) src(%dma_wait3A_29 : memref<624x128xf32, #tpu.memory_space<hbm>>) dst(%dma_wait3A_27 : memref<624x128xf32, #tpu.memory_space<vmem_shared>>)
      tpu.yield
    }) : () -> ()
    %eq3A = arith.constant 15 : i32
    %eq3A_5 = arith.cmpi eq, %arg1, %eq3A : i32
    %convert_element_type3A = arith.extui %eq3A_5 : i1 to i32
    %cond3A = arith.constant 0 : i32
    %cond3A_6 = arith.cmpi ne, %convert_element_type3A, %cond3A : i32
    scf.if %cond3A_6 {
      "tpu.region"() ({
        %run_scoped3A = tpu.sem_alloc : memref<!tpu.dma_semaphore, #tpu.memory_space<semaphore_mem>>
        %dma_start3A = arith.constant 9984 : i32
        %dma_start3A_23 = arith.constant 0 : i32
        %dma_start3A_24 = tpu.memref_slice %arg7[%dma_start3A, %dma_start3A_23] : memref<10000x128xf32, #tpu.memory_space<vmem_shared>> -> memref<16x128xf32, #tpu.memory_space<vmem_shared>>
        %dma_start3A_25 = arith.constant 9984 : i32
        %dma_start3A_26 = arith.constant 0 : i32
        %dma_start3A_27 = tpu.memref_slice %arg2[%dma_start3A_25, %dma_start3A_26] : memref<10000x128xf32, #tpu.memory_space<hbm>> -> memref<16x128xf32, #tpu.memory_space<hbm>>
        tpu.enqueue_dma source(%dma_start3A_27 : memref<16x128xf32, #tpu.memory_space<hbm>>) target(%dma_start3A_24 : memref<16x128xf32, #tpu.memory_space<vmem_shared>>) target_semaphore(%run_scoped3A : memref<!tpu.dma_semaphore, #tpu.memory_space<semaphore_mem>>)
        %dma_wait3A_28 = arith.constant 9984 : i32
        %dma_wait3A_29 = arith.constant 0 : i32
        %dma_wait3A_30 = tpu.memref_slice %arg7[%dma_wait3A_28, %dma_wait3A_29] : memref<10000x128xf32, #tpu.memory_space<vmem_shared>> -> memref<16x128xf32, #tpu.memory_space<vmem_shared>>
        %dma_wait3A_31 = arith.constant 9984 : i32
        %dma_wait3A_32 = arith.constant 0 : i32
        %dma_wait3A_33 = tpu.memref_slice %arg2[%dma_wait3A_31, %dma_wait3A_32] : memref<10000x128xf32, #tpu.memory_space<hbm>> -> memref<16x128xf32, #tpu.memory_space<hbm>>
        tpu.wait_dma2 semaphore(%run_scoped3A : memref<!tpu.dma_semaphore, #tpu.memory_space<semaphore_mem>>) src(%dma_wait3A_33 : memref<16x128xf32, #tpu.memory_space<hbm>>) dst(%dma_wait3A_30 : memref<16x128xf32, #tpu.memory_space<vmem_shared>>)
        tpu.yield
      }) : () -> ()
    } else {
    }
    "tpu.region"() ({
      %run_scoped3A = tpu.sem_alloc : memref<!tpu.dma_semaphore, #tpu.memory_space<semaphore_mem>>
      %dma_start3A = arith.constant 0 : i32
      %dma_start3A_23 = tpu.memref_slice %arg3[%add3A, %dma_start3A] : memref<32x10000xi32, #tpu.memory_space<hbm>> -> memref<1x10000xi32, #tpu.memory_space<hbm>>
      %dma_start3A_24 = tpu.memref_squeeze %dma_start3A_23 : memref<1x10000xi32, #tpu.memory_space<hbm>> -> memref<10000xi32, #tpu.memory_space<hbm>>
      %dma_start3A_25 = arith.constant 0 : i32
      %dma_start3A_26 = tpu.memref_slice %arg3[%add3A, %dma_start3A_25] : memref<32x10000xi32, #tpu.memory_space<hbm>> -> memref<1x10000xi32, #tpu.memory_space<hbm>>
      %dma_start3A_27 = tpu.memref_squeeze %dma_start3A_26 : memref<1x10000xi32, #tpu.memory_space<hbm>> -> memref<10000xi32, #tpu.memory_space<hbm>>
      tpu.enqueue_dma source(%dma_start3A_27 : memref<10000xi32, #tpu.memory_space<hbm>>) target(%arg10 : memref<10000xi32, #tpu.memory_space<vmem>>) target_semaphore(%run_scoped3A : memref<!tpu.dma_semaphore, #tpu.memory_space<semaphore_mem>>)
      %dma_wait3A_28 = arith.constant 0 : i32
      %dma_wait3A_29 = tpu.memref_slice %arg3[%add3A, %dma_wait3A_28] : memref<32x10000xi32, #tpu.memory_space<hbm>> -> memref<1x10000xi32, #tpu.memory_space<hbm>>
      %dma_wait3A_30 = tpu.memref_squeeze %dma_wait3A_29 : memref<1x10000xi32, #tpu.memory_space<hbm>> -> memref<10000xi32, #tpu.memory_space<hbm>>
      %dma_wait3A_31 = arith.constant 0 : i32
      %dma_wait3A_32 = tpu.memref_slice %arg3[%add3A, %dma_wait3A_31] : memref<32x10000xi32, #tpu.memory_space<hbm>> -> memref<1x10000xi32, #tpu.memory_space<hbm>>
      %dma_wait3A_33 = tpu.memref_squeeze %dma_wait3A_32 : memref<1x10000xi32, #tpu.memory_space<hbm>> -> memref<10000xi32, #tpu.memory_space<hbm>>
      tpu.wait_dma2 semaphore(%run_scoped3A : memref<!tpu.dma_semaphore, #tpu.memory_space<semaphore_mem>>) src(%dma_wait3A_33 : memref<10000xi32, #tpu.memory_space<hbm>>) dst(%arg10 : memref<10000xi32, #tpu.memory_space<vmem>>)
      tpu.yield
    }) : () -> ()
    "tpu.region"() ({
      %run_scoped3A = tpu.sem_alloc : memref<!tpu.dma_semaphore, #tpu.memory_space<semaphore_mem>>
      %dma_start3A = arith.constant 0 : i32
      %dma_start3A_23 = tpu.memref_slice %arg4[%add3A, %dma_start3A] : memref<32x10000xi32, #tpu.memory_space<hbm>> -> memref<1x10000xi32, #tpu.memory_space<hbm>>
      %dma_start3A_24 = tpu.memref_squeeze %dma_start3A_23 : memref<1x10000xi32, #tpu.memory_space<hbm>> -> memref<10000xi32, #tpu.memory_space<hbm>>
      %dma_start3A_25 = arith.constant 0 : i32
      %dma_start3A_26 = tpu.memref_slice %arg4[%add3A, %dma_start3A_25] : memref<32x10000xi32, #tpu.memory_space<hbm>> -> memref<1x10000xi32, #tpu.memory_space<hbm>>
      %dma_start3A_27 = tpu.memref_squeeze %dma_start3A_26 : memref<1x10000xi32, #tpu.memory_space<hbm>> -> memref<10000xi32, #tpu.memory_space<hbm>>
      tpu.enqueue_dma source(%dma_start3A_27 : memref<10000xi32, #tpu.memory_space<hbm>>) target(%arg11 : memref<10000xi32, #tpu.memory_space<vmem>>) target_semaphore(%run_scoped3A : memref<!tpu.dma_semaphore, #tpu.memory_space<semaphore_mem>>)
      %dma_wait3A_28 = arith.constant 0 : i32
      %dma_wait3A_29 = tpu.memref_slice %arg4[%add3A, %dma_wait3A_28] : memref<32x10000xi32, #tpu.memory_space<hbm>> -> memref<1x10000xi32, #tpu.memory_space<hbm>>
      %dma_wait3A_30 = tpu.memref_squeeze %dma_wait3A_29 : memref<1x10000xi32, #tpu.memory_space<hbm>> -> memref<10000xi32, #tpu.memory_space<hbm>>
      %dma_wait3A_31 = arith.constant 0 : i32
      %dma_wait3A_32 = tpu.memref_slice %arg4[%add3A, %dma_wait3A_31] : memref<32x10000xi32, #tpu.memory_space<hbm>> -> memref<1x10000xi32, #tpu.memory_space<hbm>>
      %dma_wait3A_33 = tpu.memref_squeeze %dma_wait3A_32 : memref<1x10000xi32, #tpu.memory_space<hbm>> -> memref<10000xi32, #tpu.memory_space<hbm>>
      tpu.wait_dma2 semaphore(%run_scoped3A : memref<!tpu.dma_semaphore, #tpu.memory_space<semaphore_mem>>) src(%dma_wait3A_33 : memref<10000xi32, #tpu.memory_space<hbm>>) dst(%arg11 : memref<10000xi32, #tpu.memory_space<vmem>>)
      tpu.yield
    }) : () -> ()
    %barrier3A = arith.constant 0 : index
    tpu.barrier barrier_id(%barrier3A)
    %scan3A = arith.constant 0 : i32
    %scan3A_7 = arith.constant 0 : i32
    %scan3A_8 = arith.constant 125 : i32
    %scan3A_9 = arith.addi %scan3A_7, %scan3A_8 : i32
    %scan3A_10 = arith.constant 1 : i32
    scf.for %scan3A_23 = %scan3A_7 to %scan3A_9 step %scan3A_10  : i32 {
      %mul3A_24 = arith.constant 10000 : i32
      %mul3A_25 = arith.muli %add3A, %mul3A_24 : i32
      %mul3A_26 = arith.constant 80 : i32
      %mul3A_27 = arith.muli %scan3A_23, %mul3A_26 : i32
      %add3A_28 = arith.addi %mul3A_25, %mul3A_27 : i32
      %ge3A = arith.constant 1 : i32
      %ge3A_29 = arith.cmpi sge, %scan3A_23, %ge3A : i32
      %convert_element_type3A_30 = arith.extui %ge3A_29 : i1 to i32
      %cond3A_31 = arith.constant 0 : i32
      %cond3A_32 = arith.cmpi ne, %convert_element_type3A_30, %cond3A_31 : i32
      scf.if %cond3A_32 {
        %dma_wait3A_70 = arith.constant 0 : i32
        %dma_wait3A_71 = tpu.memref_slice %arg5[%add3A_28, %dma_wait3A_70] : memref<320000x128xf32, #tpu.memory_space<hbm>> -> memref<80x128xf32, #tpu.memory_space<hbm>>
        %dma_wait3A_72 = arith.constant 0 : i32
        %dma_wait3A_73 = tpu.memref_slice %arg5[%add3A_28, %dma_wait3A_72] : memref<320000x128xf32, #tpu.memory_space<hbm>> -> memref<80x128xf32, #tpu.memory_space<hbm>>
        tpu.wait_dma2 semaphore(%arg13 : memref<!tpu.dma_semaphore, #tpu.memory_space<semaphore_mem>>) src(%arg8 : memref<80x128xf32, #tpu.memory_space<vmem>>) dst(%dma_wait3A_73 : memref<80x128xf32, #tpu.memory_space<hbm>>)
      } else {
      }
      %mul3A_33 = arith.constant 80 : i32
      %mul3A_34 = arith.muli %scan3A_23, %mul3A_33 : i32
      %dma_start3A = tpu.memref_slice %arg10[%mul3A_34] : memref<10000xi32, #tpu.memory_space<vmem>> -> memref<80xi32, #tpu.memory_space<vmem>>
      %dma_start3A_35 = arith.constant 0 : i32
      %dma_start3A_36 = arith.constant 0 : i32
      %dma_start3A_37 = tpu.memref_slice %arg7[%dma_start3A_35, %dma_start3A_36] : memref<10000x128xf32, #tpu.memory_space<vmem_shared>> -> memref<10000x128xf32, #tpu.memory_space<vmem_shared>>
      tpu.enqueue_indirect_dma source(%dma_start3A_37 : memref<10000x128xf32, #tpu.memory_space<vmem_shared>>) target(%arg8 : memref<80x128xf32, #tpu.memory_space<vmem>>) offsets(%dma_start3A : memref<80xi32, #tpu.memory_space<vmem>>) semaphore(%arg12 : memref<!tpu.dma_semaphore, #tpu.memory_space<semaphore_mem>>)
      %dma_wait3A_38 = tpu.memref_slice %arg10[%mul3A_34] : memref<10000xi32, #tpu.memory_space<vmem>> -> memref<80xi32, #tpu.memory_space<vmem>>
      %dma_wait3A_39 = arith.constant 0 : i32
      %dma_wait3A_40 = arith.constant 0 : i32
      %dma_wait3A_41 = tpu.memref_slice %arg7[%dma_wait3A_39, %dma_wait3A_40] : memref<10000x128xf32, #tpu.memory_space<vmem_shared>> -> memref<10000x128xf32, #tpu.memory_space<vmem_shared>>
      tpu.wait_indirect_dma semaphore(%arg12 : memref<!tpu.dma_semaphore, #tpu.memory_space<semaphore_mem>>) src(%dma_wait3A_41 : memref<10000x128xf32, #tpu.memory_space<vmem_shared>>) dst(%arg8 : memref<80x128xf32, #tpu.memory_space<vmem>>)
      %dma_start3A_42 = arith.constant 0 : i32
      %dma_start3A_43 = tpu.memref_slice %arg5[%add3A_28, %dma_start3A_42] : memref<320000x128xf32, #tpu.memory_space<hbm>> -> memref<80x128xf32, #tpu.memory_space<hbm>>
      %dma_start3A_44 = arith.constant 0 : i32
      %dma_start3A_45 = tpu.memref_slice %arg5[%add3A_28, %dma_start3A_44] : memref<320000x128xf32, #tpu.memory_space<hbm>> -> memref<80x128xf32, #tpu.memory_space<hbm>>
      tpu.enqueue_dma source(%arg8 : memref<80x128xf32, #tpu.memory_space<vmem>>) target(%dma_start3A_45 : memref<80x128xf32, #tpu.memory_space<hbm>>) target_semaphore(%arg13 : memref<!tpu.dma_semaphore, #tpu.memory_space<semaphore_mem>>)
      %mul3A_46 = arith.constant 10000 : i32
      %mul3A_47 = arith.muli %add3A, %mul3A_46 : i32
      %mul3A_48 = arith.constant 80 : i32
      %mul3A_49 = arith.muli %scan3A_23, %mul3A_48 : i32
      %add3A_50 = arith.addi %mul3A_47, %mul3A_49 : i32
      %ge3A_51 = arith.constant 1 : i32
      %ge3A_52 = arith.cmpi sge, %scan3A_23, %ge3A_51 : i32
      %convert_element_type3A_53 = arith.extui %ge3A_52 : i1 to i32
      %cond3A_54 = arith.constant 0 : i32
      %cond3A_55 = arith.cmpi ne, %convert_element_type3A_53, %cond3A_54 : i32
      scf.if %cond3A_55 {
        %dma_wait3A_70 = arith.constant 0 : i32
        %dma_wait3A_71 = tpu.memref_slice %arg6[%add3A_50, %dma_wait3A_70] : memref<320000x128xf32, #tpu.memory_space<hbm>> -> memref<80x128xf32, #tpu.memory_space<hbm>>
        %dma_wait3A_72 = arith.constant 0 : i32
        %dma_wait3A_73 = tpu.memref_slice %arg6[%add3A_50, %dma_wait3A_72] : memref<320000x128xf32, #tpu.memory_space<hbm>> -> memref<80x128xf32, #tpu.memory_space<hbm>>
        tpu.wait_dma2 semaphore(%arg14 : memref<!tpu.dma_semaphore, #tpu.memory_space<semaphore_mem>>) src(%arg9 : memref<80x128xf32, #tpu.memory_space<vmem>>) dst(%dma_wait3A_73 : memref<80x128xf32, #tpu.memory_space<hbm>>)
      } else {
      }
      %mul3A_56 = arith.constant 80 : i32
      %mul3A_57 = arith.muli %scan3A_23, %mul3A_56 : i32
      %dma_start3A_58 = tpu.memref_slice %arg11[%mul3A_57] : memref<10000xi32, #tpu.memory_space<vmem>> -> memref<80xi32, #tpu.memory_space<vmem>>
      %dma_start3A_59 = arith.constant 0 : i32
      %dma_start3A_60 = arith.constant 0 : i32
      %dma_start3A_61 = tpu.memref_slice %arg7[%dma_start3A_59, %dma_start3A_60] : memref<10000x128xf32, #tpu.memory_space<vmem_shared>> -> memref<10000x128xf32, #tpu.memory_space<vmem_shared>>
      tpu.enqueue_indirect_dma source(%dma_start3A_61 : memref<10000x128xf32, #tpu.memory_space<vmem_shared>>) target(%arg9 : memref<80x128xf32, #tpu.memory_space<vmem>>) offsets(%dma_start3A_58 : memref<80xi32, #tpu.memory_space<vmem>>) semaphore(%arg12 : memref<!tpu.dma_semaphore, #tpu.memory_space<semaphore_mem>>)
      %dma_wait3A_62 = tpu.memref_slice %arg11[%mul3A_57] : memref<10000xi32, #tpu.memory_space<vmem>> -> memref<80xi32, #tpu.memory_space<vmem>>
      %dma_wait3A_63 = arith.constant 0 : i32
      %dma_wait3A_64 = arith.constant 0 : i32
      %dma_wait3A_65 = tpu.memref_slice %arg7[%dma_wait3A_63, %dma_wait3A_64] : memref<10000x128xf32, #tpu.memory_space<vmem_shared>> -> memref<10000x128xf32, #tpu.memory_space<vmem_shared>>
      tpu.wait_indirect_dma semaphore(%arg12 : memref<!tpu.dma_semaphore, #tpu.memory_space<semaphore_mem>>) src(%dma_wait3A_65 : memref<10000x128xf32, #tpu.memory_space<vmem_shared>>) dst(%arg9 : memref<80x128xf32, #tpu.memory_space<vmem>>)
      %dma_start3A_66 = arith.constant 0 : i32
      %dma_start3A_67 = tpu.memref_slice %arg6[%add3A_50, %dma_start3A_66] : memref<320000x128xf32, #tpu.memory_space<hbm>> -> memref<80x128xf32, #tpu.memory_space<hbm>>
      %dma_start3A_68 = arith.constant 0 : i32
      %dma_start3A_69 = tpu.memref_slice %arg6[%add3A_50, %dma_start3A_68] : memref<320000x128xf32, #tpu.memory_space<hbm>> -> memref<80x128xf32, #tpu.memory_space<hbm>>
      tpu.enqueue_dma source(%arg9 : memref<80x128xf32, #tpu.memory_space<vmem>>) target(%dma_start3A_69 : memref<80x128xf32, #tpu.memory_space<hbm>>) target_semaphore(%arg14 : memref<!tpu.dma_semaphore, #tpu.memory_space<semaphore_mem>>)
    }
    %scan3A_11 = arith.constant 125 : i32
    %mul3A_12 = arith.constant 10000 : i32
    %mul3A_13 = arith.muli %add3A, %mul3A_12 : i32
    %dma_wait3A = arith.constant 0 : i32
    %dma_wait3A_14 = tpu.memref_slice %arg5[%mul3A_13, %dma_wait3A] : memref<320000x128xf32, #tpu.memory_space<hbm>> -> memref<80x128xf32, #tpu.memory_space<hbm>>
    %dma_wait3A_15 = arith.constant 0 : i32
    %dma_wait3A_16 = tpu.memref_slice %arg5[%mul3A_13, %dma_wait3A_15] : memref<320000x128xf32, #tpu.memory_space<hbm>> -> memref<80x128xf32, #tpu.memory_space<hbm>>
    tpu.wait_dma2 semaphore(%arg13 : memref<!tpu.dma_semaphore, #tpu.memory_space<semaphore_mem>>) src(%arg8 : memref<80x128xf32, #tpu.memory_space<vmem>>) dst(%dma_wait3A_16 : memref<80x128xf32, #tpu.memory_space<hbm>>)
    %mul3A_17 = arith.constant 10000 : i32
    %mul3A_18 = arith.muli %add3A, %mul3A_17 : i32
    %dma_wait3A_19 = arith.constant 0 : i32
    %dma_wait3A_20 = tpu.memref_slice %arg6[%mul3A_18, %dma_wait3A_19] : memref<320000x128xf32, #tpu.memory_space<hbm>> -> memref<80x128xf32, #tpu.memory_space<hbm>>
    %dma_wait3A_21 = arith.constant 0 : i32
    %dma_wait3A_22 = tpu.memref_slice %arg6[%mul3A_18, %dma_wait3A_21] : memref<320000x128xf32, #tpu.memory_space<hbm>> -> memref<80x128xf32, #tpu.memory_space<hbm>>
    tpu.wait_dma2 semaphore(%arg14 : memref<!tpu.dma_semaphore, #tpu.memory_space<semaphore_mem>>) src(%arg9 : memref<80x128xf32, #tpu.memory_space<vmem>>) dst(%dma_wait3A_22 : memref<80x128xf32, #tpu.memory_space<hbm>>)
    return
  }
}

#map = affine_map<(d0, d1) -> (0, 0)>
module attributes {stable_mosaic.version = 14 : i64} {
  func.func @_sc_gather(%arg0: i32, %arg1: i32, %arg2: memref<10000x128xf32, #tpu.memory_space<hbm>>, %arg3: memref<32x10000xi32, #tpu.memory_space<hbm>>, %arg4: memref<32x10000xi32, #tpu.memory_space<hbm>>, %arg5: memref<320000x128xf32, #tpu.memory_space<hbm>>, %arg6: memref<320000x128xf32, #tpu.memory_space<hbm>>, %arg7: memref<10000x128xf32, #tpu.memory_space<vmem_shared>>, %arg8: memref<80x128xf32, #tpu.memory_space<vmem>>, %arg9: memref<80x128xf32, #tpu.memory_space<vmem>>, %arg10: memref<10000xi32, #tpu.memory_space<vmem>>, %arg11: memref<10000xi32, #tpu.memory_space<vmem>>, %arg12: memref<!tpu.dma_semaphore, #tpu.memory_space<semaphore_mem>>, %arg13: memref<!tpu.dma_semaphore, #tpu.memory_space<semaphore_mem>>, %arg14: memref<!tpu.dma_semaphore, #tpu.memory_space<semaphore_mem>>) attributes {dimension_semantics = [#tpu.dimension_semantics<core_parallel>, #tpu.dimension_semantics<subcore_parallel>], iteration_bounds = array<i64: 2, 16>, scalar_prefetch = 0 : i64, scratch_operands = 8 : i64, tpu.core_type = #tpu.core_type<sc_vector_subcore>, window_params = [{transform_indices = #map}, {transform_indices = #map}, {transform_indices = #map}, {transform_indices = #map}, {transform_indices = #map}]} {
    %mul3A = arith.constant 2 : i32
    %mul3A_0 = arith.muli %arg1, %mul3A : i32
    %add3A = arith.addi %mul3A_0, %arg0 : i32
    %mul3A_1 = arith.constant 624 : i32
    %mul3A_2 = arith.muli %arg1, %mul3A_1 : i32
    %mul3A_3 = arith.constant 624 : i32
    %mul3A_4 = arith.muli %arg1, %mul3A_3 : i32
    "tpu.region"() ({
      %run_scoped3A = tpu.sem_alloc : memref<!tpu.dma_semaphore, #tpu.memory_space<semaphore_mem>>
      %dma_start3A = arith.constant 0 : i32
      %dma_start3A_23 = tpu.memref_slice %arg7[%mul3A_4, %dma_start3A] : memref<10000x128xf32, #tpu.memory_space<vmem_shared>> -> memref<624x128xf32, #tpu.memory_space<vmem_shared>>
      %dma_start3A_24 = arith.constant 0 : i32
      %dma_start3A_25 = tpu.memref_slice %arg2[%mul3A_2, %dma_start3A_24] : memref<10000x128xf32, #tpu.memory_space<hbm>> -> memref<624x128xf32, #tpu.memory_space<hbm>>
      tpu.enqueue_dma source(%dma_start3A_25 : memref<624x128xf32, #tpu.memory_space<hbm>>) target(%dma_start3A_23 : memref<624x128xf32, #tpu.memory_space<vmem_shared>>) target_semaphore(%run_scoped3A : memref<!tpu.dma_semaphore, #tpu.memory_space<semaphore_mem>>)
      %dma_wait3A_26 = arith.constant 0 : i32
      %dma_wait3A_27 = tpu.memref_slice %arg7[%mul3A_4, %dma_wait3A_26] : memref<10000x128xf32, #tpu.memory_space<vmem_shared>> -> memref<624x128xf32, #tpu.memory_space<vmem_shared>>
      %dma_wait3A_28 = arith.constant 0 : i32
      %dma_wait3A_29 = tpu.memref_slice %arg2[%mul3A_2, %dma_wait3A_28] : memref<10000x128xf32, #tpu.memory_space<hbm>> -> memref<624x128xf32, #tpu.memory_space<hbm>>
      tpu.wait_dma2 semaphore(%run_scoped3A : memref<!tpu.dma_semaphore, #tpu.memory_space<semaphore_mem>>) src(%dma_wait3A_29 : memref<624x128xf32, #tpu.memory_space<hbm>>) dst(%dma_wait3A_27 : memref<624x128xf32, #tpu.memory_space<vmem_shared>>)
      tpu.yield
    }) : () -> ()
    %eq3A = arith.constant 15 : i32
    %eq3A_5 = arith.cmpi eq, %arg1, %eq3A : i32
    %convert_element_type3A = arith.extui %eq3A_5 : i1 to i32
    %cond3A = arith.constant 0 : i32
    %cond3A_6 = arith.cmpi ne, %convert_element_type3A, %cond3A : i32
    scf.if %cond3A_6 {
      "tpu.region"() ({
        %run_scoped3A = tpu.sem_alloc : memref<!tpu.dma_semaphore, #tpu.memory_space<semaphore_mem>>
        %dma_start3A = arith.constant 9984 : i32
        %dma_start3A_23 = arith.constant 0 : i32
        %dma_start3A_24 = tpu.memref_slice %arg7[%dma_start3A, %dma_start3A_23] : memref<10000x128xf32, #tpu.memory_space<vmem_shared>> -> memref<16x128xf32, #tpu.memory_space<vmem_shared>>
        %dma_start3A_25 = arith.constant 9984 : i32
        %dma_start3A_26 = arith.constant 0 : i32
        %dma_start3A_27 = tpu.memref_slice %arg2[%dma_start3A_25, %dma_start3A_26] : memref<10000x128xf32, #tpu.memory_space<hbm>> -> memref<16x128xf32, #tpu.memory_space<hbm>>
        tpu.enqueue_dma source(%dma_start3A_27 : memref<16x128xf32, #tpu.memory_space<hbm>>) target(%dma_start3A_24 : memref<16x128xf32, #tpu.memory_space<vmem_shared>>) target_semaphore(%run_scoped3A : memref<!tpu.dma_semaphore, #tpu.memory_space<semaphore_mem>>)
        %dma_wait3A_28 = arith.constant 9984 : i32
        %dma_wait3A_29 = arith.constant 0 : i32
        %dma_wait3A_30 = tpu.memref_slice %arg7[%dma_wait3A_28, %dma_wait3A_29] : memref<10000x128xf32, #tpu.memory_space<vmem_shared>> -> memref<16x128xf32, #tpu.memory_space<vmem_shared>>
        %dma_wait3A_31 = arith.constant 9984 : i32
        %dma_wait3A_32 = arith.constant 0 : i32
        %dma_wait3A_33 = tpu.memref_slice %arg2[%dma_wait3A_31, %dma_wait3A_32] : memref<10000x128xf32, #tpu.memory_space<hbm>> -> memref<16x128xf32, #tpu.memory_space<hbm>>
        tpu.wait_dma2 semaphore(%run_scoped3A : memref<!tpu.dma_semaphore, #tpu.memory_space<semaphore_mem>>) src(%dma_wait3A_33 : memref<16x128xf32, #tpu.memory_space<hbm>>) dst(%dma_wait3A_30 : memref<16x128xf32, #tpu.memory_space<vmem_shared>>)
        tpu.yield
      }) : () -> ()
    } else {
    }
    "tpu.region"() ({
      %run_scoped3A = tpu.sem_alloc : memref<!tpu.dma_semaphore, #tpu.memory_space<semaphore_mem>>
      %dma_start3A = arith.constant 0 : i32
      %dma_start3A_23 = tpu.memref_slice %arg3[%add3A, %dma_start3A] : memref<32x10000xi32, #tpu.memory_space<hbm>> -> memref<1x10000xi32, #tpu.memory_space<hbm>>
      %dma_start3A_24 = tpu.memref_squeeze %dma_start3A_23 : memref<1x10000xi32, #tpu.memory_space<hbm>> -> memref<10000xi32, #tpu.memory_space<hbm>>
      %dma_start3A_25 = arith.constant 0 : i32
      %dma_start3A_26 = tpu.memref_slice %arg3[%add3A, %dma_start3A_25] : memref<32x10000xi32, #tpu.memory_space<hbm>> -> memref<1x10000xi32, #tpu.memory_space<hbm>>
      %dma_start3A_27 = tpu.memref_squeeze %dma_start3A_26 : memref<1x10000xi32, #tpu.memory_space<hbm>> -> memref<10000xi32, #tpu.memory_space<hbm>>
      tpu.enqueue_dma source(%dma_start3A_27 : memref<10000xi32, #tpu.memory_space<hbm>>) target(%arg10 : memref<10000xi32, #tpu.memory_space<vmem>>) target_semaphore(%run_scoped3A : memref<!tpu.dma_semaphore, #tpu.memory_space<semaphore_mem>>)
      %dma_wait3A_28 = arith.constant 0 : i32
      %dma_wait3A_29 = tpu.memref_slice %arg3[%add3A, %dma_wait3A_28] : memref<32x10000xi32, #tpu.memory_space<hbm>> -> memref<1x10000xi32, #tpu.memory_space<hbm>>
      %dma_wait3A_30 = tpu.memref_squeeze %dma_wait3A_29 : memref<1x10000xi32, #tpu.memory_space<hbm>> -> memref<10000xi32, #tpu.memory_space<hbm>>
      %dma_wait3A_31 = arith.constant 0 : i32
      %dma_wait3A_32 = tpu.memref_slice %arg3[%add3A, %dma_wait3A_31] : memref<32x10000xi32, #tpu.memory_space<hbm>> -> memref<1x10000xi32, #tpu.memory_space<hbm>>
      %dma_wait3A_33 = tpu.memref_squeeze %dma_wait3A_32 : memref<1x10000xi32, #tpu.memory_space<hbm>> -> memref<10000xi32, #tpu.memory_space<hbm>>
      tpu.wait_dma2 semaphore(%run_scoped3A : memref<!tpu.dma_semaphore, #tpu.memory_space<semaphore_mem>>) src(%dma_wait3A_33 : memref<10000xi32, #tpu.memory_space<hbm>>) dst(%arg10 : memref<10000xi32, #tpu.memory_space<vmem>>)
      tpu.yield
    }) : () -> ()
    "tpu.region"() ({
      %run_scoped3A = tpu.sem_alloc : memref<!tpu.dma_semaphore, #tpu.memory_space<semaphore_mem>>
      %dma_start3A = arith.constant 0 : i32
      %dma_start3A_23 = tpu.memref_slice %arg4[%add3A, %dma_start3A] : memref<32x10000xi32, #tpu.memory_space<hbm>> -> memref<1x10000xi32, #tpu.memory_space<hbm>>
      %dma_start3A_24 = tpu.memref_squeeze %dma_start3A_23 : memref<1x10000xi32, #tpu.memory_space<hbm>> -> memref<10000xi32, #tpu.memory_space<hbm>>
      %dma_start3A_25 = arith.constant 0 : i32
      %dma_start3A_26 = tpu.memref_slice %arg4[%add3A, %dma_start3A_25] : memref<32x10000xi32, #tpu.memory_space<hbm>> -> memref<1x10000xi32, #tpu.memory_space<hbm>>
      %dma_start3A_27 = tpu.memref_squeeze %dma_start3A_26 : memref<1x10000xi32, #tpu.memory_space<hbm>> -> memref<10000xi32, #tpu.memory_space<hbm>>
      tpu.enqueue_dma source(%dma_start3A_27 : memref<10000xi32, #tpu.memory_space<hbm>>) target(%arg11 : memref<10000xi32, #tpu.memory_space<vmem>>) target_semaphore(%run_scoped3A : memref<!tpu.dma_semaphore, #tpu.memory_space<semaphore_mem>>)
      %dma_wait3A_28 = arith.constant 0 : i32
      %dma_wait3A_29 = tpu.memref_slice %arg4[%add3A, %dma_wait3A_28] : memref<32x10000xi32, #tpu.memory_space<hbm>> -> memref<1x10000xi32, #tpu.memory_space<hbm>>
      %dma_wait3A_30 = tpu.memref_squeeze %dma_wait3A_29 : memref<1x10000xi32, #tpu.memory_space<hbm>> -> memref<10000xi32, #tpu.memory_space<hbm>>
      %dma_wait3A_31 = arith.constant 0 : i32
      %dma_wait3A_32 = tpu.memref_slice %arg4[%add3A, %dma_wait3A_31] : memref<32x10000xi32, #tpu.memory_space<hbm>> -> memref<1x10000xi32, #tpu.memory_space<hbm>>
      %dma_wait3A_33 = tpu.memref_squeeze %dma_wait3A_32 : memref<1x10000xi32, #tpu.memory_space<hbm>> -> memref<10000xi32, #tpu.memory_space<hbm>>
      tpu.wait_dma2 semaphore(%run_scoped3A : memref<!tpu.dma_semaphore, #tpu.memory_space<semaphore_mem>>) src(%dma_wait3A_33 : memref<10000xi32, #tpu.memory_space<hbm>>) dst(%arg11 : memref<10000xi32, #tpu.memory_space<vmem>>)
      tpu.yield
    }) : () -> ()
    %barrier3A = arith.constant 0 : index
    tpu.barrier barrier_id(%barrier3A)
    %scan3A = arith.constant 0 : i32
    %scan3A_7 = arith.constant 0 : i32
    %scan3A_8 = arith.constant 125 : i32
    %scan3A_9 = arith.addi %scan3A_7, %scan3A_8 : i32
    %scan3A_10 = arith.constant 1 : i32
    scf.for %scan3A_23 = %scan3A_7 to %scan3A_9 step %scan3A_10  : i32 {
      %mul3A_24 = arith.constant 10000 : i32
      %mul3A_25 = arith.muli %add3A, %mul3A_24 : i32
      %mul3A_26 = arith.constant 80 : i32
      %mul3A_27 = arith.muli %scan3A_23, %mul3A_26 : i32
      %add3A_28 = arith.addi %mul3A_25, %mul3A_27 : i32
      %ge3A = arith.constant 1 : i32
      %ge3A_29 = arith.cmpi sge, %scan3A_23, %ge3A : i32
      %convert_element_type3A_30 = arith.extui %ge3A_29 : i1 to i32
      %cond3A_31 = arith.constant 0 : i32
      %cond3A_32 = arith.cmpi ne, %convert_element_type3A_30, %cond3A_31 : i32
      scf.if %cond3A_32 {
        %dma_wait3A_70 = arith.constant 0 : i32
        %dma_wait3A_71 = tpu.memref_slice %arg5[%add3A_28, %dma_wait3A_70] : memref<320000x128xf32, #tpu.memory_space<hbm>> -> memref<80x128xf32, #tpu.memory_space<hbm>>
        %dma_wait3A_72 = arith.constant 0 : i32
        %dma_wait3A_73 = tpu.memref_slice %arg5[%add3A_28, %dma_wait3A_72] : memref<320000x128xf32, #tpu.memory_space<hbm>> -> memref<80x128xf32, #tpu.memory_space<hbm>>
        tpu.wait_dma2 semaphore(%arg13 : memref<!tpu.dma_semaphore, #tpu.memory_space<semaphore_mem>>) src(%arg8 : memref<80x128xf32, #tpu.memory_space<vmem>>) dst(%dma_wait3A_73 : memref<80x128xf32, #tpu.memory_space<hbm>>)
      } else {
      }
      %mul3A_33 = arith.constant 80 : i32
      %mul3A_34 = arith.muli %scan3A_23, %mul3A_33 : i32
      %dma_start3A = tpu.memref_slice %arg10[%mul3A_34] : memref<10000xi32, #tpu.memory_space<vmem>> -> memref<80xi32, #tpu.memory_space<vmem>>
      %dma_start3A_35 = arith.constant 0 : i32
      %dma_start3A_36 = arith.constant 0 : i32
      %dma_start3A_37 = tpu.memref_slice %arg7[%dma_start3A_35, %dma_start3A_36] : memref<10000x128xf32, #tpu.memory_space<vmem_shared>> -> memref<10000x128xf32, #tpu.memory_space<vmem_shared>>
      tpu.enqueue_indirect_dma source(%dma_start3A_37 : memref<10000x128xf32, #tpu.memory_space<vmem_shared>>) target(%arg8 : memref<80x128xf32, #tpu.memory_space<vmem>>) offsets(%dma_start3A : memref<80xi32, #tpu.memory_space<vmem>>) semaphore(%arg12 : memref<!tpu.dma_semaphore, #tpu.memory_space<semaphore_mem>>)
      %dma_wait3A_38 = tpu.memref_slice %arg10[%mul3A_34] : memref<10000xi32, #tpu.memory_space<vmem>> -> memref<80xi32, #tpu.memory_space<vmem>>
      %dma_wait3A_39 = arith.constant 0 : i32
      %dma_wait3A_40 = arith.constant 0 : i32
      %dma_wait3A_41 = tpu.memref_slice %arg7[%dma_wait3A_39, %dma_wait3A_40] : memref<10000x128xf32, #tpu.memory_space<vmem_shared>> -> memref<10000x128xf32, #tpu.memory_space<vmem_shared>>
      tpu.wait_indirect_dma semaphore(%arg12 : memref<!tpu.dma_semaphore, #tpu.memory_space<semaphore_mem>>) src(%dma_wait3A_41 : memref<10000x128xf32, #tpu.memory_space<vmem_shared>>) dst(%arg8 : memref<80x128xf32, #tpu.memory_space<vmem>>)
      %dma_start3A_42 = arith.constant 0 : i32
      %dma_start3A_43 = tpu.memref_slice %arg5[%add3A_28, %dma_start3A_42] : memref<320000x128xf32, #tpu.memory_space<hbm>> -> memref<80x128xf32, #tpu.memory_space<hbm>>
      %dma_start3A_44 = arith.constant 0 : i32
      %dma_start3A_45 = tpu.memref_slice %arg5[%add3A_28, %dma_start3A_44] : memref<320000x128xf32, #tpu.memory_space<hbm>> -> memref<80x128xf32, #tpu.memory_space<hbm>>
      tpu.enqueue_dma source(%arg8 : memref<80x128xf32, #tpu.memory_space<vmem>>) target(%dma_start3A_45 : memref<80x128xf32, #tpu.memory_space<hbm>>) target_semaphore(%arg13 : memref<!tpu.dma_semaphore, #tpu.memory_space<semaphore_mem>>)
      %mul3A_46 = arith.constant 10000 : i32
      %mul3A_47 = arith.muli %add3A, %mul3A_46 : i32
      %mul3A_48 = arith.constant 80 : i32
      %mul3A_49 = arith.muli %scan3A_23, %mul3A_48 : i32
      %add3A_50 = arith.addi %mul3A_47, %mul3A_49 : i32
      %ge3A_51 = arith.constant 1 : i32
      %ge3A_52 = arith.cmpi sge, %scan3A_23, %ge3A_51 : i32
      %convert_element_type3A_53 = arith.extui %ge3A_52 : i1 to i32
      %cond3A_54 = arith.constant 0 : i32
      %cond3A_55 = arith.cmpi ne, %convert_element_type3A_53, %cond3A_54 : i32
      scf.if %cond3A_55 {
        %dma_wait3A_70 = arith.constant 0 : i32
        %dma_wait3A_71 = tpu.memref_slice %arg6[%add3A_50, %dma_wait3A_70] : memref<320000x128xf32, #tpu.memory_space<hbm>> -> memref<80x128xf32, #tpu.memory_space<hbm>>
        %dma_wait3A_72 = arith.constant 0 : i32
        %dma_wait3A_73 = tpu.memref_slice %arg6[%add3A_50, %dma_wait3A_72] : memref<320000x128xf32, #tpu.memory_space<hbm>> -> memref<80x128xf32, #tpu.memory_space<hbm>>
        tpu.wait_dma2 semaphore(%arg14 : memref<!tpu.dma_semaphore, #tpu.memory_space<semaphore_mem>>) src(%arg9 : memref<80x128xf32, #tpu.memory_space<vmem>>) dst(%dma_wait3A_73 : memref<80x128xf32, #tpu.memory_space<hbm>>)
      } else {
      }
      %mul3A_56 = arith.constant 80 : i32
      %mul3A_57 = arith.muli %scan3A_23, %mul3A_56 : i32
      %dma_start3A_58 = tpu.memref_slice %arg11[%mul3A_57] : memref<10000xi32, #tpu.memory_space<vmem>> -> memref<80xi32, #tpu.memory_space<vmem>>
      %dma_start3A_59 = arith.constant 0 : i32
      %dma_start3A_60 = arith.constant 0 : i32
      %dma_start3A_61 = tpu.memref_slice %arg7[%dma_start3A_59, %dma_start3A_60] : memref<10000x128xf32, #tpu.memory_space<vmem_shared>> -> memref<10000x128xf32, #tpu.memory_space<vmem_shared>>
      tpu.enqueue_indirect_dma source(%dma_start3A_61 : memref<10000x128xf32, #tpu.memory_space<vmem_shared>>) target(%arg9 : memref<80x128xf32, #tpu.memory_space<vmem>>) offsets(%dma_start3A_58 : memref<80xi32, #tpu.memory_space<vmem>>) semaphore(%arg12 : memref<!tpu.dma_semaphore, #tpu.memory_space<semaphore_mem>>)
      %dma_wait3A_62 = tpu.memref_slice %arg11[%mul3A_57] : memref<10000xi32, #tpu.memory_space<vmem>> -> memref<80xi32, #tpu.memory_space<vmem>>
      %dma_wait3A_63 = arith.constant 0 : i32
      %dma_wait3A_64 = arith.constant 0 : i32
      %dma_wait3A_65 = tpu.memref_slice %arg7[%dma_wait3A_63, %dma_wait3A_64] : memref<10000x128xf32, #tpu.memory_space<vmem_shared>> -> memref<10000x128xf32, #tpu.memory_space<vmem_shared>>
      tpu.wait_indirect_dma semaphore(%arg12 : memref<!tpu.dma_semaphore, #tpu.memory_space<semaphore_mem>>) src(%dma_wait3A_65 : memref<10000x128xf32, #tpu.memory_space<vmem_shared>>) dst(%arg9 : memref<80x128xf32, #tpu.memory_space<vmem>>)
      %dma_start3A_66 = arith.constant 0 : i32
      %dma_start3A_67 = tpu.memref_slice %arg6[%add3A_50, %dma_start3A_66] : memref<320000x128xf32, #tpu.memory_space<hbm>> -> memref<80x128xf32, #tpu.memory_space<hbm>>
      %dma_start3A_68 = arith.constant 0 : i32
      %dma_start3A_69 = tpu.memref_slice %arg6[%add3A_50, %dma_start3A_68] : memref<320000x128xf32, #tpu.memory_space<hbm>> -> memref<80x128xf32, #tpu.memory_space<hbm>>
      tpu.enqueue_dma source(%arg9 : memref<80x128xf32, #tpu.memory_space<vmem>>) target(%dma_start3A_69 : memref<80x128xf32, #tpu.memory_space<hbm>>) target_semaphore(%arg14 : memref<!tpu.dma_semaphore, #tpu.memory_space<semaphore_mem>>)
    }
    %scan3A_11 = arith.constant 125 : i32
    %mul3A_12 = arith.constant 10000 : i32
    %mul3A_13 = arith.muli %add3A, %mul3A_12 : i32
    %dma_wait3A = arith.constant 0 : i32
    %dma_wait3A_14 = tpu.memref_slice %arg5[%mul3A_13, %dma_wait3A] : memref<320000x128xf32, #tpu.memory_space<hbm>> -> memref<80x128xf32, #tpu.memory_space<hbm>>
    %dma_wait3A_15 = arith.constant 0 : i32
    %dma_wait3A_16 = tpu.memref_slice %arg5[%mul3A_13, %dma_wait3A_15] : memref<320000x128xf32, #tpu.memory_space<hbm>> -> memref<80x128xf32, #tpu.memory_space<hbm>>
    tpu.wait_dma2 semaphore(%arg13 : memref<!tpu.dma_semaphore, #tpu.memory_space<semaphore_mem>>) src(%arg8 : memref<80x128xf32, #tpu.memory_space<vmem>>) dst(%dma_wait3A_16 : memref<80x128xf32, #tpu.memory_space<hbm>>)
    %mul3A_17 = arith.constant 10000 : i32
    %mul3A_18 = arith.muli %add3A, %mul3A_17 : i32
    %dma_wait3A_19 = arith.constant 0 : i32
    %dma_wait3A_20 = tpu.memref_slice %arg6[%mul3A_18, %dma_wait3A_19] : memref<320000x128xf32, #tpu.memory_space<hbm>> -> memref<80x128xf32, #tpu.memory_space<hbm>>
    %dma_wait3A_21 = arith.constant 0 : i32
    %dma_wait3A_22 = tpu.memref_slice %arg6[%mul3A_18, %dma_wait3A_21] : memref<320000x128xf32, #tpu.memory_space<hbm>> -> memref<80x128xf32, #tpu.memory_space<hbm>>
    tpu.wait_dma2 semaphore(%arg14 : memref<!tpu.dma_semaphore, #tpu.memory_space<semaphore_mem>>) src(%arg9 : memref<80x128xf32, #tpu.memory_space<vmem>>) dst(%dma_wait3A_22 : memref<80x128xf32, #tpu.memory_space<hbm>>)
    return
  }
}

#map = affine_map<(d0, d1) -> (0, 0)>
#map1 = affine_map<(d0, d1) -> (0, 0, 0)>
module attributes {stable_mosaic.version = 14 : i64} {
  func.func @_sc_scatter(%arg0: i32, %arg1: i32, %arg2: memref<320000x128xf32, #tpu.memory_space<hbm>>, %arg3: memref<32x125x80xi32, #tpu.memory_space<hbm>>, %arg4: memref<10000x128xf32, #tpu.memory_space<hbm>>, %arg5: memref<2x10000x128xf32, #tpu.memory_space<hbm>>, %arg6: memref<10000x128xf32, #tpu.memory_space<vmem_shared>>, %arg7: memref<80x128xf32, #tpu.memory_space<vmem>>, %arg8: memref<80x128xf32, #tpu.memory_space<vmem>>, %arg9: memref<80x128xf32, #tpu.memory_space<vmem>>, %arg10: memref<125x80xi32, #tpu.memory_space<vmem>>, %arg11: memref<!tpu.dma_semaphore, #tpu.memory_space<semaphore_mem>>, %arg12: memref<!tpu.dma_semaphore, #tpu.memory_space<semaphore_mem>>, %arg13: memref<!tpu.dma_semaphore, #tpu.memory_space<semaphore_mem>>, %arg14: memref<!tpu.dma_semaphore, #tpu.memory_space<semaphore_mem>>, %arg15: memref<!tpu.dma_semaphore, #tpu.memory_space<semaphore_mem>>, %arg16: memref<!tpu.dma_semaphore, #tpu.memory_space<semaphore_mem>>) attributes {dimension_semantics = [#tpu.dimension_semantics<core_parallel>, #tpu.dimension_semantics<subcore_parallel>], iteration_bounds = array<i64: 2, 16>, scalar_prefetch = 0 : i64, scratch_operands = 11 : i64, tpu.core_type = #tpu.core_type<sc_vector_subcore>, window_params = [{transform_indices = #map}, {transform_indices = #map1}, {transform_indices = #map}, {transform_indices = #map1}]} {
    %mul3A = arith.constant 2 : i32
    %mul3A_0 = arith.muli %arg1, %mul3A : i32
    %add3A = arith.addi %mul3A_0, %arg0 : i32
    %mul3A_1 = arith.constant 624 : i32
    %mul3A_2 = arith.muli %arg1, %mul3A_1 : i32
    %mul3A_3 = arith.constant 624 : i32
    %mul3A_4 = arith.muli %arg1, %mul3A_3 : i32
    "tpu.region"() ({
      %run_scoped3A = tpu.sem_alloc : memref<!tpu.dma_semaphore, #tpu.memory_space<semaphore_mem>>
      %dma_start3A_83 = arith.constant 0 : i32
      %dma_start3A_84 = tpu.memref_slice %arg6[%mul3A_4, %dma_start3A_83] : memref<10000x128xf32, #tpu.memory_space<vmem_shared>> -> memref<624x128xf32, #tpu.memory_space<vmem_shared>>
      %dma_start3A_85 = arith.constant 0 : i32
      %dma_start3A_86 = tpu.memref_slice %arg4[%mul3A_2, %dma_start3A_85] : memref<10000x128xf32, #tpu.memory_space<hbm>> -> memref<624x128xf32, #tpu.memory_space<hbm>>
      tpu.enqueue_dma source(%dma_start3A_86 : memref<624x128xf32, #tpu.memory_space<hbm>>) target(%dma_start3A_84 : memref<624x128xf32, #tpu.memory_space<vmem_shared>>) target_semaphore(%run_scoped3A : memref<!tpu.dma_semaphore, #tpu.memory_space<semaphore_mem>>)
      %dma_wait3A_87 = arith.constant 0 : i32
      %dma_wait3A_88 = tpu.memref_slice %arg6[%mul3A_4, %dma_wait3A_87] : memref<10000x128xf32, #tpu.memory_space<vmem_shared>> -> memref<624x128xf32, #tpu.memory_space<vmem_shared>>
      %dma_wait3A_89 = arith.constant 0 : i32
      %dma_wait3A_90 = tpu.memref_slice %arg4[%mul3A_2, %dma_wait3A_89] : memref<10000x128xf32, #tpu.memory_space<hbm>> -> memref<624x128xf32, #tpu.memory_space<hbm>>
      tpu.wait_dma2 semaphore(%run_scoped3A : memref<!tpu.dma_semaphore, #tpu.memory_space<semaphore_mem>>) src(%dma_wait3A_90 : memref<624x128xf32, #tpu.memory_space<hbm>>) dst(%dma_wait3A_88 : memref<624x128xf32, #tpu.memory_space<vmem_shared>>)
      tpu.yield
    }) : () -> ()
    %eq3A = arith.constant 15 : i32
    %eq3A_5 = arith.cmpi eq, %arg1, %eq3A : i32
    %convert_element_type3A = arith.extui %eq3A_5 : i1 to i32
    %cond3A = arith.constant 0 : i32
    %cond3A_6 = arith.cmpi ne, %convert_element_type3A, %cond3A : i32
    scf.if %cond3A_6 {
      "tpu.region"() ({
        %run_scoped3A = tpu.sem_alloc : memref<!tpu.dma_semaphore, #tpu.memory_space<semaphore_mem>>
        %dma_start3A_83 = arith.constant 9984 : i32
        %dma_start3A_84 = arith.constant 0 : i32
        %dma_start3A_85 = tpu.memref_slice %arg6[%dma_start3A_83, %dma_start3A_84] : memref<10000x128xf32, #tpu.memory_space<vmem_shared>> -> memref<16x128xf32, #tpu.memory_space<vmem_shared>>
        %dma_start3A_86 = arith.constant 9984 : i32
        %dma_start3A_87 = arith.constant 0 : i32
        %dma_start3A_88 = tpu.memref_slice %arg4[%dma_start3A_86, %dma_start3A_87] : memref<10000x128xf32, #tpu.memory_space<hbm>> -> memref<16x128xf32, #tpu.memory_space<hbm>>
        tpu.enqueue_dma source(%dma_start3A_88 : memref<16x128xf32, #tpu.memory_space<hbm>>) target(%dma_start3A_85 : memref<16x128xf32, #tpu.memory_space<vmem_shared>>) target_semaphore(%run_scoped3A : memref<!tpu.dma_semaphore, #tpu.memory_space<semaphore_mem>>)
        %dma_wait3A_89 = arith.constant 9984 : i32
        %dma_wait3A_90 = arith.constant 0 : i32
        %dma_wait3A_91 = tpu.memref_slice %arg6[%dma_wait3A_89, %dma_wait3A_90] : memref<10000x128xf32, #tpu.memory_space<vmem_shared>> -> memref<16x128xf32, #tpu.memory_space<vmem_shared>>
        %dma_wait3A_92 = arith.constant 9984 : i32
        %dma_wait3A_93 = arith.constant 0 : i32
        %dma_wait3A_94 = tpu.memref_slice %arg4[%dma_wait3A_92, %dma_wait3A_93] : memref<10000x128xf32, #tpu.memory_space<hbm>> -> memref<16x128xf32, #tpu.memory_space<hbm>>
        tpu.wait_dma2 semaphore(%run_scoped3A : memref<!tpu.dma_semaphore, #tpu.memory_space<semaphore_mem>>) src(%dma_wait3A_94 : memref<16x128xf32, #tpu.memory_space<hbm>>) dst(%dma_wait3A_91 : memref<16x128xf32, #tpu.memory_space<vmem_shared>>)
        tpu.yield
      }) : () -> ()
    } else {
    }
    "tpu.region"() ({
      %run_scoped3A = tpu.sem_alloc : memref<!tpu.dma_semaphore, #tpu.memory_space<semaphore_mem>>
      %dma_start3A_83 = arith.constant 0 : i32
      %dma_start3A_84 = arith.constant 0 : i32
      %dma_start3A_85 = tpu.memref_slice %arg3[%add3A, %dma_start3A_83, %dma_start3A_84] : memref<32x125x80xi32, #tpu.memory_space<hbm>> -> memref<1x125x80xi32, #tpu.memory_space<hbm>>
      %dma_start3A_86 = tpu.memref_squeeze %dma_start3A_85 : memref<1x125x80xi32, #tpu.memory_space<hbm>> -> memref<125x80xi32, #tpu.memory_space<hbm>>
      %dma_start3A_87 = arith.constant 0 : i32
      %dma_start3A_88 = arith.constant 0 : i32
      %dma_start3A_89 = tpu.memref_slice %arg3[%add3A, %dma_start3A_87, %dma_start3A_88] : memref<32x125x80xi32, #tpu.memory_space<hbm>> -> memref<1x125x80xi32, #tpu.memory_space<hbm>>
      %dma_start3A_90 = tpu.memref_squeeze %dma_start3A_89 : memref<1x125x80xi32, #tpu.memory_space<hbm>> -> memref<125x80xi32, #tpu.memory_space<hbm>>
      tpu.enqueue_dma source(%dma_start3A_90 : memref<125x80xi32, #tpu.memory_space<hbm>>) target(%arg10 : memref<125x80xi32, #tpu.memory_space<vmem>>) target_semaphore(%run_scoped3A : memref<!tpu.dma_semaphore, #tpu.memory_space<semaphore_mem>>)
      %dma_wait3A_91 = arith.constant 0 : i32
      %dma_wait3A_92 = arith.constant 0 : i32
      %dma_wait3A_93 = tpu.memref_slice %arg3[%add3A, %dma_wait3A_91, %dma_wait3A_92] : memref<32x125x80xi32, #tpu.memory_space<hbm>> -> memref<1x125x80xi32, #tpu.memory_space<hbm>>
      %dma_wait3A_94 = tpu.memref_squeeze %dma_wait3A_93 : memref<1x125x80xi32, #tpu.memory_space<hbm>> -> memref<125x80xi32, #tpu.memory_space<hbm>>
      %dma_wait3A_95 = arith.constant 0 : i32
      %dma_wait3A_96 = arith.constant 0 : i32
      %dma_wait3A_97 = tpu.memref_slice %arg3[%add3A, %dma_wait3A_95, %dma_wait3A_96] : memref<32x125x80xi32, #tpu.memory_space<hbm>> -> memref<1x125x80xi32, #tpu.memory_space<hbm>>
      %dma_wait3A_98 = tpu.memref_squeeze %dma_wait3A_97 : memref<1x125x80xi32, #tpu.memory_space<hbm>> -> memref<125x80xi32, #tpu.memory_space<hbm>>
      tpu.wait_dma2 semaphore(%run_scoped3A : memref<!tpu.dma_semaphore, #tpu.memory_space<semaphore_mem>>) src(%dma_wait3A_98 : memref<125x80xi32, #tpu.memory_space<hbm>>) dst(%arg10 : memref<125x80xi32, #tpu.memory_space<vmem>>)
      tpu.yield
    }) : () -> ()
    %barrier3A = arith.constant 0 : index
    tpu.barrier barrier_id(%barrier3A)
    %mul3A_7 = arith.constant 10000 : i32
    %mul3A_8 = arith.muli %add3A, %mul3A_7 : i32
    %add3A_9 = arith.constant 0 : i32
    %add3A_10 = arith.addi %mul3A_8, %add3A_9 : i32
    %dma_start3A = arith.constant 0 : i32
    %dma_start3A_11 = tpu.memref_slice %arg2[%add3A_10, %dma_start3A] : memref<320000x128xf32, #tpu.memory_space<hbm>> -> memref<80x128xf32, #tpu.memory_space<hbm>>
    %dma_start3A_12 = arith.constant 0 : i32
    %dma_start3A_13 = tpu.memref_slice %arg2[%add3A_10, %dma_start3A_12] : memref<320000x128xf32, #tpu.memory_space<hbm>> -> memref<80x128xf32, #tpu.memory_space<hbm>>
    tpu.enqueue_dma source(%dma_start3A_13 : memref<80x128xf32, #tpu.memory_space<hbm>>) target(%arg7 : memref<80x128xf32, #tpu.memory_space<vmem>>) target_semaphore(%arg14 : memref<!tpu.dma_semaphore, #tpu.memory_space<semaphore_mem>>)
    %mul3A_14 = arith.constant 10000 : i32
    %mul3A_15 = arith.muli %add3A, %mul3A_14 : i32
    %add3A_16 = arith.constant 80 : i32
    %add3A_17 = arith.addi %mul3A_15, %add3A_16 : i32
    %dma_start3A_18 = arith.constant 0 : i32
    %dma_start3A_19 = tpu.memref_slice %arg2[%add3A_17, %dma_start3A_18] : memref<320000x128xf32, #tpu.memory_space<hbm>> -> memref<80x128xf32, #tpu.memory_space<hbm>>
    %dma_start3A_20 = arith.constant 0 : i32
    %dma_start3A_21 = tpu.memref_slice %arg2[%add3A_17, %dma_start3A_20] : memref<320000x128xf32, #tpu.memory_space<hbm>> -> memref<80x128xf32, #tpu.memory_space<hbm>>
    tpu.enqueue_dma source(%dma_start3A_21 : memref<80x128xf32, #tpu.memory_space<hbm>>) target(%arg8 : memref<80x128xf32, #tpu.memory_space<vmem>>) target_semaphore(%arg15 : memref<!tpu.dma_semaphore, #tpu.memory_space<semaphore_mem>>)
    %scan3A = arith.constant 0 : i32
    %scan3A_22 = arith.constant 0 : i32
    %scan3A_23 = arith.constant 41 : i32
    %scan3A_24 = arith.addi %scan3A_22, %scan3A_23 : i32
    %scan3A_25 = arith.constant 1 : i32
    scf.for %scan3A_83 = %scan3A_22 to %scan3A_24 step %scan3A_25  : i32 {
      %mul3A_84 = arith.constant 3 : i32
      %mul3A_85 = arith.muli %mul3A_84, %scan3A_83 : i32
      %mul3A_86 = arith.constant 10000 : i32
      %mul3A_87 = arith.muli %add3A, %mul3A_86 : i32
      %dma_wait3A_88 = arith.constant 0 : i32
      %dma_wait3A_89 = tpu.memref_slice %arg2[%mul3A_87, %dma_wait3A_88] : memref<320000x128xf32, #tpu.memory_space<hbm>> -> memref<80x128xf32, #tpu.memory_space<hbm>>
      %dma_wait3A_90 = arith.constant 0 : i32
      %dma_wait3A_91 = tpu.memref_slice %arg2[%mul3A_87, %dma_wait3A_90] : memref<320000x128xf32, #tpu.memory_space<hbm>> -> memref<80x128xf32, #tpu.memory_space<hbm>>
      tpu.wait_dma2 semaphore(%arg14 : memref<!tpu.dma_semaphore, #tpu.memory_space<semaphore_mem>>) src(%dma_wait3A_91 : memref<80x128xf32, #tpu.memory_space<hbm>>) dst(%arg7 : memref<80x128xf32, #tpu.memory_space<vmem>>)
      %dma_start3A_92 = arith.constant 0 : i32
      %dma_start3A_93 = tpu.memref_slice %arg10[%mul3A_85, %dma_start3A_92] : memref<125x80xi32, #tpu.memory_space<vmem>> -> memref<1x80xi32, #tpu.memory_space<vmem>>
      %dma_start3A_94 = tpu.memref_squeeze %dma_start3A_93 : memref<1x80xi32, #tpu.memory_space<vmem>> -> memref<80xi32, #tpu.memory_space<vmem>>
      %dma_start3A_95 = arith.constant 0 : i32
      %dma_start3A_96 = arith.constant 0 : i32
      %dma_start3A_97 = tpu.memref_slice %arg6[%dma_start3A_95, %dma_start3A_96] : memref<10000x128xf32, #tpu.memory_space<vmem_shared>> -> memref<10000x128xf32, #tpu.memory_space<vmem_shared>>
      tpu.enqueue_indirect_dma source(%arg7 : memref<80x128xf32, #tpu.memory_space<vmem>>) target(%dma_start3A_97 : memref<10000x128xf32, #tpu.memory_space<vmem_shared>>) offsets(%dma_start3A_94 : memref<80xi32, #tpu.memory_space<vmem>>) semaphore(%arg11 : memref<!tpu.dma_semaphore, #tpu.memory_space<semaphore_mem>>) {add = true}
      %ge3A = arith.constant 1 : i32
      %ge3A_98 = arith.cmpi sge, %mul3A_85, %ge3A : i32
      %convert_element_type3A_99 = arith.extui %ge3A_98 : i1 to i32
      %cond3A_100 = arith.constant 0 : i32
      %cond3A_101 = arith.cmpi ne, %convert_element_type3A_99, %cond3A_100 : i32
      scf.if %cond3A_101 {
        %dma_wait3A_164 = arith.constant 0 : i32
        %dma_wait3A_165 = tpu.memref_slice %arg10[%mul3A_85, %dma_wait3A_164] : memref<125x80xi32, #tpu.memory_space<vmem>> -> memref<1x80xi32, #tpu.memory_space<vmem>>
        %dma_wait3A_166 = tpu.memref_squeeze %dma_wait3A_165 : memref<1x80xi32, #tpu.memory_space<vmem>> -> memref<80xi32, #tpu.memory_space<vmem>>
        %dma_wait3A_167 = arith.constant 0 : i32
        %dma_wait3A_168 = arith.constant 0 : i32
        %dma_wait3A_169 = tpu.memref_slice %arg6[%dma_wait3A_167, %dma_wait3A_168] : memref<10000x128xf32, #tpu.memory_space<vmem_shared>> -> memref<10000x128xf32, #tpu.memory_space<vmem_shared>>
        tpu.wait_indirect_dma semaphore(%arg13 : memref<!tpu.dma_semaphore, #tpu.memory_space<semaphore_mem>>) src(%arg9 : memref<80x128xf32, #tpu.memory_space<vmem>>) dst(%dma_wait3A_169 : memref<10000x128xf32, #tpu.memory_space<vmem_shared>>)
      } else {
      }
      %add3A_102 = arith.constant 2 : i32
      %add3A_103 = arith.addi %mul3A_85, %add3A_102 : i32
      %lt3A = arith.constant 125 : i32
      %lt3A_104 = arith.cmpi slt, %add3A_103, %lt3A : i32
      %convert_element_type3A_105 = arith.extui %lt3A_104 : i1 to i32
      %cond3A_106 = arith.constant 0 : i32
      %cond3A_107 = arith.cmpi ne, %convert_element_type3A_105, %cond3A_106 : i32
      scf.if %cond3A_107 {
        %add3A_164 = arith.constant 2 : i32
        %add3A_165 = arith.addi %mul3A_85, %add3A_164 : i32
        %mul3A_166 = arith.constant 10000 : i32
        %mul3A_167 = arith.muli %add3A, %mul3A_166 : i32
        %mul3A_168 = arith.constant 80 : i32
        %mul3A_169 = arith.muli %add3A_165, %mul3A_168 : i32
        %add3A_170 = arith.addi %mul3A_167, %mul3A_169 : i32
        %dma_start3A_171 = arith.constant 0 : i32
        %dma_start3A_172 = tpu.memref_slice %arg2[%add3A_170, %dma_start3A_171] : memref<320000x128xf32, #tpu.memory_space<hbm>> -> memref<80x128xf32, #tpu.memory_space<hbm>>
        %dma_start3A_173 = arith.constant 0 : i32
        %dma_start3A_174 = tpu.memref_slice %arg2[%add3A_170, %dma_start3A_173] : memref<320000x128xf32, #tpu.memory_space<hbm>> -> memref<80x128xf32, #tpu.memory_space<hbm>>
        tpu.enqueue_dma source(%dma_start3A_174 : memref<80x128xf32, #tpu.memory_space<hbm>>) target(%arg9 : memref<80x128xf32, #tpu.memory_space<vmem>>) target_semaphore(%arg16 : memref<!tpu.dma_semaphore, #tpu.memory_space<semaphore_mem>>)
      } else {
      }
      %mul3A_108 = arith.constant 3 : i32
      %mul3A_109 = arith.muli %mul3A_108, %scan3A_83 : i32
      %add3A_110 = arith.constant 1 : i32
      %add3A_111 = arith.addi %mul3A_109, %add3A_110 : i32
      %mul3A_112 = arith.constant 10000 : i32
      %mul3A_113 = arith.muli %add3A, %mul3A_112 : i32
      %dma_wait3A_114 = arith.constant 0 : i32
      %dma_wait3A_115 = tpu.memref_slice %arg2[%mul3A_113, %dma_wait3A_114] : memref<320000x128xf32, #tpu.memory_space<hbm>> -> memref<80x128xf32, #tpu.memory_space<hbm>>
      %dma_wait3A_116 = arith.constant 0 : i32
      %dma_wait3A_117 = tpu.memref_slice %arg2[%mul3A_113, %dma_wait3A_116] : memref<320000x128xf32, #tpu.memory_space<hbm>> -> memref<80x128xf32, #tpu.memory_space<hbm>>
      tpu.wait_dma2 semaphore(%arg15 : memref<!tpu.dma_semaphore, #tpu.memory_space<semaphore_mem>>) src(%dma_wait3A_117 : memref<80x128xf32, #tpu.memory_space<hbm>>) dst(%arg8 : memref<80x128xf32, #tpu.memory_space<vmem>>)
      %dma_start3A_118 = arith.constant 0 : i32
      %dma_start3A_119 = tpu.memref_slice %arg10[%add3A_111, %dma_start3A_118] : memref<125x80xi32, #tpu.memory_space<vmem>> -> memref<1x80xi32, #tpu.memory_space<vmem>>
      %dma_start3A_120 = tpu.memref_squeeze %dma_start3A_119 : memref<1x80xi32, #tpu.memory_space<vmem>> -> memref<80xi32, #tpu.memory_space<vmem>>
      %dma_start3A_121 = arith.constant 0 : i32
      %dma_start3A_122 = arith.constant 0 : i32
      %dma_start3A_123 = tpu.memref_slice %arg6[%dma_start3A_121, %dma_start3A_122] : memref<10000x128xf32, #tpu.memory_space<vmem_shared>> -> memref<10000x128xf32, #tpu.memory_space<vmem_shared>>
      tpu.enqueue_indirect_dma source(%arg8 : memref<80x128xf32, #tpu.memory_space<vmem>>) target(%dma_start3A_123 : memref<10000x128xf32, #tpu.memory_space<vmem_shared>>) offsets(%dma_start3A_120 : memref<80xi32, #tpu.memory_space<vmem>>) semaphore(%arg12 : memref<!tpu.dma_semaphore, #tpu.memory_space<semaphore_mem>>) {add = true}
      %ge3A_124 = arith.constant 1 : i32
      %ge3A_125 = arith.cmpi sge, %add3A_111, %ge3A_124 : i32
      %convert_element_type3A_126 = arith.extui %ge3A_125 : i1 to i32
      %cond3A_127 = arith.constant 0 : i32
      %cond3A_128 = arith.cmpi ne, %convert_element_type3A_126, %cond3A_127 : i32
      scf.if %cond3A_128 {
        %dma_wait3A_164 = arith.constant 0 : i32
        %dma_wait3A_165 = tpu.memref_slice %arg10[%add3A_111, %dma_wait3A_164] : memref<125x80xi32, #tpu.memory_space<vmem>> -> memref<1x80xi32, #tpu.memory_space<vmem>>
        %dma_wait3A_166 = tpu.memref_squeeze %dma_wait3A_165 : memref<1x80xi32, #tpu.memory_space<vmem>> -> memref<80xi32, #tpu.memory_space<vmem>>
        %dma_wait3A_167 = arith.constant 0 : i32
        %dma_wait3A_168 = arith.constant 0 : i32
        %dma_wait3A_169 = tpu.memref_slice %arg6[%dma_wait3A_167, %dma_wait3A_168] : memref<10000x128xf32, #tpu.memory_space<vmem_shared>> -> memref<10000x128xf32, #tpu.memory_space<vmem_shared>>
        tpu.wait_indirect_dma semaphore(%arg11 : memref<!tpu.dma_semaphore, #tpu.memory_space<semaphore_mem>>) src(%arg7 : memref<80x128xf32, #tpu.memory_space<vmem>>) dst(%dma_wait3A_169 : memref<10000x128xf32, #tpu.memory_space<vmem_shared>>)
      } else {
      }
      %add3A_129 = arith.constant 2 : i32
      %add3A_130 = arith.addi %add3A_111, %add3A_129 : i32
      %lt3A_131 = arith.constant 125 : i32
      %lt3A_132 = arith.cmpi slt, %add3A_130, %lt3A_131 : i32
      %convert_element_type3A_133 = arith.extui %lt3A_132 : i1 to i32
      %cond3A_134 = arith.constant 0 : i32
      %cond3A_135 = arith.cmpi ne, %convert_element_type3A_133, %cond3A_134 : i32
      scf.if %cond3A_135 {
        %add3A_164 = arith.constant 2 : i32
        %add3A_165 = arith.addi %add3A_111, %add3A_164 : i32
        %mul3A_166 = arith.constant 10000 : i32
        %mul3A_167 = arith.muli %add3A, %mul3A_166 : i32
        %mul3A_168 = arith.constant 80 : i32
        %mul3A_169 = arith.muli %add3A_165, %mul3A_168 : i32
        %add3A_170 = arith.addi %mul3A_167, %mul3A_169 : i32
        %dma_start3A_171 = arith.constant 0 : i32
        %dma_start3A_172 = tpu.memref_slice %arg2[%add3A_170, %dma_start3A_171] : memref<320000x128xf32, #tpu.memory_space<hbm>> -> memref<80x128xf32, #tpu.memory_space<hbm>>
        %dma_start3A_173 = arith.constant 0 : i32
        %dma_start3A_174 = tpu.memref_slice %arg2[%add3A_170, %dma_start3A_173] : memref<320000x128xf32, #tpu.memory_space<hbm>> -> memref<80x128xf32, #tpu.memory_space<hbm>>
        tpu.enqueue_dma source(%dma_start3A_174 : memref<80x128xf32, #tpu.memory_space<hbm>>) target(%arg7 : memref<80x128xf32, #tpu.memory_space<vmem>>) target_semaphore(%arg14 : memref<!tpu.dma_semaphore, #tpu.memory_space<semaphore_mem>>)
      } else {
      }
      %mul3A_136 = arith.constant 3 : i32
      %mul3A_137 = arith.muli %mul3A_136, %scan3A_83 : i32
      %add3A_138 = arith.constant 2 : i32
      %add3A_139 = arith.addi %mul3A_137, %add3A_138 : i32
      %mul3A_140 = arith.constant 10000 : i32
      %mul3A_141 = arith.muli %add3A, %mul3A_140 : i32
      %dma_wait3A_142 = arith.constant 0 : i32
      %dma_wait3A_143 = tpu.memref_slice %arg2[%mul3A_141, %dma_wait3A_142] : memref<320000x128xf32, #tpu.memory_space<hbm>> -> memref<80x128xf32, #tpu.memory_space<hbm>>
      %dma_wait3A_144 = arith.constant 0 : i32
      %dma_wait3A_145 = tpu.memref_slice %arg2[%mul3A_141, %dma_wait3A_144] : memref<320000x128xf32, #tpu.memory_space<hbm>> -> memref<80x128xf32, #tpu.memory_space<hbm>>
      tpu.wait_dma2 semaphore(%arg16 : memref<!tpu.dma_semaphore, #tpu.memory_space<semaphore_mem>>) src(%dma_wait3A_145 : memref<80x128xf32, #tpu.memory_space<hbm>>) dst(%arg9 : memref<80x128xf32, #tpu.memory_space<vmem>>)
      %dma_start3A_146 = arith.constant 0 : i32
      %dma_start3A_147 = tpu.memref_slice %arg10[%add3A_139, %dma_start3A_146] : memref<125x80xi32, #tpu.memory_space<vmem>> -> memref<1x80xi32, #tpu.memory_space<vmem>>
      %dma_start3A_148 = tpu.memref_squeeze %dma_start3A_147 : memref<1x80xi32, #tpu.memory_space<vmem>> -> memref<80xi32, #tpu.memory_space<vmem>>
      %dma_start3A_149 = arith.constant 0 : i32
      %dma_start3A_150 = arith.constant 0 : i32
      %dma_start3A_151 = tpu.memref_slice %arg6[%dma_start3A_149, %dma_start3A_150] : memref<10000x128xf32, #tpu.memory_space<vmem_shared>> -> memref<10000x128xf32, #tpu.memory_space<vmem_shared>>
      tpu.enqueue_indirect_dma source(%arg9 : memref<80x128xf32, #tpu.memory_space<vmem>>) target(%dma_start3A_151 : memref<10000x128xf32, #tpu.memory_space<vmem_shared>>) offsets(%dma_start3A_148 : memref<80xi32, #tpu.memory_space<vmem>>) semaphore(%arg13 : memref<!tpu.dma_semaphore, #tpu.memory_space<semaphore_mem>>) {add = true}
      %ge3A_152 = arith.constant 1 : i32
      %ge3A_153 = arith.cmpi sge, %add3A_139, %ge3A_152 : i32
      %convert_element_type3A_154 = arith.extui %ge3A_153 : i1 to i32
      %cond3A_155 = arith.constant 0 : i32
      %cond3A_156 = arith.cmpi ne, %convert_element_type3A_154, %cond3A_155 : i32
      scf.if %cond3A_156 {
        %dma_wait3A_164 = arith.constant 0 : i32
        %dma_wait3A_165 = tpu.memref_slice %arg10[%add3A_139, %dma_wait3A_164] : memref<125x80xi32, #tpu.memory_space<vmem>> -> memref<1x80xi32, #tpu.memory_space<vmem>>
        %dma_wait3A_166 = tpu.memref_squeeze %dma_wait3A_165 : memref<1x80xi32, #tpu.memory_space<vmem>> -> memref<80xi32, #tpu.memory_space<vmem>>
        %dma_wait3A_167 = arith.constant 0 : i32
        %dma_wait3A_168 = arith.constant 0 : i32
        %dma_wait3A_169 = tpu.memref_slice %arg6[%dma_wait3A_167, %dma_wait3A_168] : memref<10000x128xf32, #tpu.memory_space<vmem_shared>> -> memref<10000x128xf32, #tpu.memory_space<vmem_shared>>
        tpu.wait_indirect_dma semaphore(%arg12 : memref<!tpu.dma_semaphore, #tpu.memory_space<semaphore_mem>>) src(%arg8 : memref<80x128xf32, #tpu.memory_space<vmem>>) dst(%dma_wait3A_169 : memref<10000x128xf32, #tpu.memory_space<vmem_shared>>)
      } else {
      }
      %add3A_157 = arith.constant 2 : i32
      %add3A_158 = arith.addi %add3A_139, %add3A_157 : i32
      %lt3A_159 = arith.constant 125 : i32
      %lt3A_160 = arith.cmpi slt, %add3A_158, %lt3A_159 : i32
      %convert_element_type3A_161 = arith.extui %lt3A_160 : i1 to i32
      %cond3A_162 = arith.constant 0 : i32
      %cond3A_163 = arith.cmpi ne, %convert_element_type3A_161, %cond3A_162 : i32
      scf.if %cond3A_163 {
        %add3A_164 = arith.constant 2 : i32
        %add3A_165 = arith.addi %add3A_139, %add3A_164 : i32
        %mul3A_166 = arith.constant 10000 : i32
        %mul3A_167 = arith.muli %add3A, %mul3A_166 : i32
        %mul3A_168 = arith.constant 80 : i32
        %mul3A_169 = arith.muli %add3A_165, %mul3A_168 : i32
        %add3A_170 = arith.addi %mul3A_167, %mul3A_169 : i32
        %dma_start3A_171 = arith.constant 0 : i32
        %dma_start3A_172 = tpu.memref_slice %arg2[%add3A_170, %dma_start3A_171] : memref<320000x128xf32, #tpu.memory_space<hbm>> -> memref<80x128xf32, #tpu.memory_space<hbm>>
        %dma_start3A_173 = arith.constant 0 : i32
        %dma_start3A_174 = tpu.memref_slice %arg2[%add3A_170, %dma_start3A_173] : memref<320000x128xf32, #tpu.memory_space<hbm>> -> memref<80x128xf32, #tpu.memory_space<hbm>>
        tpu.enqueue_dma source(%dma_start3A_174 : memref<80x128xf32, #tpu.memory_space<hbm>>) target(%arg8 : memref<80x128xf32, #tpu.memory_space<vmem>>) target_semaphore(%arg15 : memref<!tpu.dma_semaphore, #tpu.memory_space<semaphore_mem>>)
      } else {
      }
    }
    %scan3A_26 = arith.constant 41 : i32
    %mul3A_27 = arith.constant 10000 : i32
    %mul3A_28 = arith.muli %add3A, %mul3A_27 : i32
    %dma_wait3A = arith.constant 0 : i32
    %dma_wait3A_29 = tpu.memref_slice %arg2[%mul3A_28, %dma_wait3A] : memref<320000x128xf32, #tpu.memory_space<hbm>> -> memref<80x128xf32, #tpu.memory_space<hbm>>
    %dma_wait3A_30 = arith.constant 0 : i32
    %dma_wait3A_31 = tpu.memref_slice %arg2[%mul3A_28, %dma_wait3A_30] : memref<320000x128xf32, #tpu.memory_space<hbm>> -> memref<80x128xf32, #tpu.memory_space<hbm>>
    tpu.wait_dma2 semaphore(%arg14 : memref<!tpu.dma_semaphore, #tpu.memory_space<semaphore_mem>>) src(%dma_wait3A_31 : memref<80x128xf32, #tpu.memory_space<hbm>>) dst(%arg7 : memref<80x128xf32, #tpu.memory_space<vmem>>)
    %dma_start3A_32 = arith.constant 123 : i32
    %dma_start3A_33 = arith.constant 0 : i32
    %dma_start3A_34 = tpu.memref_slice %arg10[%dma_start3A_32, %dma_start3A_33] : memref<125x80xi32, #tpu.memory_space<vmem>> -> memref<1x80xi32, #tpu.memory_space<vmem>>
    %dma_start3A_35 = tpu.memref_squeeze %dma_start3A_34 : memref<1x80xi32, #tpu.memory_space<vmem>> -> memref<80xi32, #tpu.memory_space<vmem>>
    %dma_start3A_36 = arith.constant 0 : i32
    %dma_start3A_37 = arith.constant 0 : i32
    %dma_start3A_38 = tpu.memref_slice %arg6[%dma_start3A_36, %dma_start3A_37] : memref<10000x128xf32, #tpu.memory_space<vmem_shared>> -> memref<10000x128xf32, #tpu.memory_space<vmem_shared>>
    tpu.enqueue_indirect_dma source(%arg7 : memref<80x128xf32, #tpu.memory_space<vmem>>) target(%dma_start3A_38 : memref<10000x128xf32, #tpu.memory_space<vmem_shared>>) offsets(%dma_start3A_35 : memref<80xi32, #tpu.memory_space<vmem>>) semaphore(%arg11 : memref<!tpu.dma_semaphore, #tpu.memory_space<semaphore_mem>>) {add = true}
    %dma_wait3A_39 = arith.constant 123 : i32
    %dma_wait3A_40 = arith.constant 0 : i32
    %dma_wait3A_41 = tpu.memref_slice %arg10[%dma_wait3A_39, %dma_wait3A_40] : memref<125x80xi32, #tpu.memory_space<vmem>> -> memref<1x80xi32, #tpu.memory_space<vmem>>
    %dma_wait3A_42 = tpu.memref_squeeze %dma_wait3A_41 : memref<1x80xi32, #tpu.memory_space<vmem>> -> memref<80xi32, #tpu.memory_space<vmem>>
    %dma_wait3A_43 = arith.constant 0 : i32
    %dma_wait3A_44 = arith.constant 0 : i32
    %dma_wait3A_45 = tpu.memref_slice %arg6[%dma_wait3A_43, %dma_wait3A_44] : memref<10000x128xf32, #tpu.memory_space<vmem_shared>> -> memref<10000x128xf32, #tpu.memory_space<vmem_shared>>
    tpu.wait_indirect_dma semaphore(%arg13 : memref<!tpu.dma_semaphore, #tpu.memory_space<semaphore_mem>>) src(%arg9 : memref<80x128xf32, #tpu.memory_space<vmem>>) dst(%dma_wait3A_45 : memref<10000x128xf32, #tpu.memory_space<vmem_shared>>)
    %mul3A_46 = arith.constant 10000 : i32
    %mul3A_47 = arith.muli %add3A, %mul3A_46 : i32
    %dma_wait3A_48 = arith.constant 0 : i32
    %dma_wait3A_49 = tpu.memref_slice %arg2[%mul3A_47, %dma_wait3A_48] : memref<320000x128xf32, #tpu.memory_space<hbm>> -> memref<80x128xf32, #tpu.memory_space<hbm>>
    %dma_wait3A_50 = arith.constant 0 : i32
    %dma_wait3A_51 = tpu.memref_slice %arg2[%mul3A_47, %dma_wait3A_50] : memref<320000x128xf32, #tpu.memory_space<hbm>> -> memref<80x128xf32, #tpu.memory_space<hbm>>
    tpu.wait_dma2 semaphore(%arg15 : memref<!tpu.dma_semaphore, #tpu.memory_space<semaphore_mem>>) src(%dma_wait3A_51 : memref<80x128xf32, #tpu.memory_space<hbm>>) dst(%arg8 : memref<80x128xf32, #tpu.memory_space<vmem>>)
    %dma_start3A_52 = arith.constant 124 : i32
    %dma_start3A_53 = arith.constant 0 : i32
    %dma_start3A_54 = tpu.memref_slice %arg10[%dma_start3A_52, %dma_start3A_53] : memref<125x80xi32, #tpu.memory_space<vmem>> -> memref<1x80xi32, #tpu.memory_space<vmem>>
    %dma_start3A_55 = tpu.memref_squeeze %dma_start3A_54 : memref<1x80xi32, #tpu.memory_space<vmem>> -> memref<80xi32, #tpu.memory_space<vmem>>
    %dma_start3A_56 = arith.constant 0 : i32
    %dma_start3A_57 = arith.constant 0 : i32
    %dma_start3A_58 = tpu.memref_slice %arg6[%dma_start3A_56, %dma_start3A_57] : memref<10000x128xf32, #tpu.memory_space<vmem_shared>> -> memref<10000x128xf32, #tpu.memory_space<vmem_shared>>
    tpu.enqueue_indirect_dma source(%arg8 : memref<80x128xf32, #tpu.memory_space<vmem>>) target(%dma_start3A_58 : memref<10000x128xf32, #tpu.memory_space<vmem_shared>>) offsets(%dma_start3A_55 : memref<80xi32, #tpu.memory_space<vmem>>) semaphore(%arg12 : memref<!tpu.dma_semaphore, #tpu.memory_space<semaphore_mem>>) {add = true}
    %dma_wait3A_59 = arith.constant 124 : i32
    %dma_wait3A_60 = arith.constant 0 : i32
    %dma_wait3A_61 = tpu.memref_slice %arg10[%dma_wait3A_59, %dma_wait3A_60] : memref<125x80xi32, #tpu.memory_space<vmem>> -> memref<1x80xi32, #tpu.memory_space<vmem>>
    %dma_wait3A_62 = tpu.memref_squeeze %dma_wait3A_61 : memref<1x80xi32, #tpu.memory_space<vmem>> -> memref<80xi32, #tpu.memory_space<vmem>>
    %dma_wait3A_63 = arith.constant 0 : i32
    %dma_wait3A_64 = arith.constant 0 : i32
    %dma_wait3A_65 = tpu.memref_slice %arg6[%dma_wait3A_63, %dma_wait3A_64] : memref<10000x128xf32, #tpu.memory_space<vmem_shared>> -> memref<10000x128xf32, #tpu.memory_space<vmem_shared>>
    tpu.wait_indirect_dma semaphore(%arg11 : memref<!tpu.dma_semaphore, #tpu.memory_space<semaphore_mem>>) src(%arg7 : memref<80x128xf32, #tpu.memory_space<vmem>>) dst(%dma_wait3A_65 : memref<10000x128xf32, #tpu.memory_space<vmem_shared>>)
    %dma_wait3A_66 = arith.constant 0 : i32
    %dma_wait3A_67 = arith.constant 0 : i32
    %dma_wait3A_68 = tpu.memref_slice %arg10[%dma_wait3A_66, %dma_wait3A_67] : memref<125x80xi32, #tpu.memory_space<vmem>> -> memref<1x80xi32, #tpu.memory_space<vmem>>
    %dma_wait3A_69 = tpu.memref_squeeze %dma_wait3A_68 : memref<1x80xi32, #tpu.memory_space<vmem>> -> memref<80xi32, #tpu.memory_space<vmem>>
    %dma_wait3A_70 = arith.constant 0 : i32
    %dma_wait3A_71 = arith.constant 0 : i32
    %dma_wait3A_72 = tpu.memref_slice %arg6[%dma_wait3A_70, %dma_wait3A_71] : memref<10000x128xf32, #tpu.memory_space<vmem_shared>> -> memref<10000x128xf32, #tpu.memory_space<vmem_shared>>
    tpu.wait_indirect_dma semaphore(%arg12 : memref<!tpu.dma_semaphore, #tpu.memory_space<semaphore_mem>>) src(%arg8 : memref<80x128xf32, #tpu.memory_space<vmem>>) dst(%dma_wait3A_72 : memref<10000x128xf32, #tpu.memory_space<vmem_shared>>)
    %barrier3A_73 = arith.constant 0 : index
    tpu.barrier barrier_id(%barrier3A_73)
    %mul3A_74 = arith.constant 624 : i32
    %mul3A_75 = arith.muli %arg1, %mul3A_74 : i32
    %mul3A_76 = arith.constant 624 : i32
    %mul3A_77 = arith.muli %arg1, %mul3A_76 : i32
    "tpu.region"() ({
      %run_scoped3A = tpu.sem_alloc : memref<!tpu.dma_semaphore, #tpu.memory_space<semaphore_mem>>
      %dma_start3A_83 = arith.constant 0 : i32
      %dma_start3A_84 = tpu.memref_slice %arg5[%arg0, %mul3A_77, %dma_start3A_83] : memref<2x10000x128xf32, #tpu.memory_space<hbm>> -> memref<1x624x128xf32, #tpu.memory_space<hbm>>
      %dma_start3A_85 = tpu.memref_squeeze %dma_start3A_84 : memref<1x624x128xf32, #tpu.memory_space<hbm>> -> memref<624x128xf32, #tpu.memory_space<hbm>>
      %dma_start3A_86 = arith.constant 0 : i32
      %dma_start3A_87 = tpu.memref_slice %arg6[%mul3A_75, %dma_start3A_86] : memref<10000x128xf32, #tpu.memory_space<vmem_shared>> -> memref<624x128xf32, #tpu.memory_space<vmem_shared>>
      tpu.enqueue_dma source(%dma_start3A_87 : memref<624x128xf32, #tpu.memory_space<vmem_shared>>) target(%dma_start3A_85 : memref<624x128xf32, #tpu.memory_space<hbm>>) target_semaphore(%run_scoped3A : memref<!tpu.dma_semaphore, #tpu.memory_space<semaphore_mem>>)
      %dma_wait3A_88 = arith.constant 0 : i32
      %dma_wait3A_89 = tpu.memref_slice %arg5[%arg0, %mul3A_77, %dma_wait3A_88] : memref<2x10000x128xf32, #tpu.memory_space<hbm>> -> memref<1x624x128xf32, #tpu.memory_space<hbm>>
      %dma_wait3A_90 = tpu.memref_squeeze %dma_wait3A_89 : memref<1x624x128xf32, #tpu.memory_space<hbm>> -> memref<624x128xf32, #tpu.memory_space<hbm>>
      %dma_wait3A_91 = arith.constant 0 : i32
      %dma_wait3A_92 = tpu.memref_slice %arg6[%mul3A_75, %dma_wait3A_91] : memref<10000x128xf32, #tpu.memory_space<vmem_shared>> -> memref<624x128xf32, #tpu.memory_space<vmem_shared>>
      tpu.wait_dma2 semaphore(%run_scoped3A : memref<!tpu.dma_semaphore, #tpu.memory_space<semaphore_mem>>) src(%dma_wait3A_92 : memref<624x128xf32, #tpu.memory_space<vmem_shared>>) dst(%dma_wait3A_90 : memref<624x128xf32, #tpu.memory_space<hbm>>)
      tpu.yield
    }) : () -> ()
    %eq3A_78 = arith.constant 15 : i32
    %eq3A_79 = arith.cmpi eq, %arg1, %eq3A_78 : i32
    %convert_element_type3A_80 = arith.extui %eq3A_79 : i1 to i32
    %cond3A_81 = arith.constant 0 : i32
    %cond3A_82 = arith.cmpi ne, %convert_element_type3A_80, %cond3A_81 : i32
    scf.if %cond3A_82 {
      "tpu.region"() ({
        %run_scoped3A = tpu.sem_alloc : memref<!tpu.dma_semaphore, #tpu.memory_space<semaphore_mem>>
        %dma_start3A_83 = arith.constant 9984 : i32
        %dma_start3A_84 = arith.constant 0 : i32
        %dma_start3A_85 = tpu.memref_slice %arg5[%arg0, %dma_start3A_83, %dma_start3A_84] : memref<2x10000x128xf32, #tpu.memory_space<hbm>> -> memref<1x16x128xf32, #tpu.memory_space<hbm>>
        %dma_start3A_86 = tpu.memref_squeeze %dma_start3A_85 : memref<1x16x128xf32, #tpu.memory_space<hbm>> -> memref<16x128xf32, #tpu.memory_space<hbm>>
        %dma_start3A_87 = arith.constant 9984 : i32
        %dma_start3A_88 = arith.constant 0 : i32
        %dma_start3A_89 = tpu.memref_slice %arg6[%dma_start3A_87, %dma_start3A_88] : memref<10000x128xf32, #tpu.memory_space<vmem_shared>> -> memref<16x128xf32, #tpu.memory_space<vmem_shared>>
        tpu.enqueue_dma source(%dma_start3A_89 : memref<16x128xf32, #tpu.memory_space<vmem_shared>>) target(%dma_start3A_86 : memref<16x128xf32, #tpu.memory_space<hbm>>) target_semaphore(%run_scoped3A : memref<!tpu.dma_semaphore, #tpu.memory_space<semaphore_mem>>)
        %dma_wait3A_90 = arith.constant 9984 : i32
        %dma_wait3A_91 = arith.constant 0 : i32
        %dma_wait3A_92 = tpu.memref_slice %arg5[%arg0, %dma_wait3A_90, %dma_wait3A_91] : memref<2x10000x128xf32, #tpu.memory_space<hbm>> -> memref<1x16x128xf32, #tpu.memory_space<hbm>>
        %dma_wait3A_93 = tpu.memref_squeeze %dma_wait3A_92 : memref<1x16x128xf32, #tpu.memory_space<hbm>> -> memref<16x128xf32, #tpu.memory_space<hbm>>
        %dma_wait3A_94 = arith.constant 9984 : i32
        %dma_wait3A_95 = arith.constant 0 : i32
        %dma_wait3A_96 = tpu.memref_slice %arg6[%dma_wait3A_94, %dma_wait3A_95] : memref<10000x128xf32, #tpu.memory_space<vmem_shared>> -> memref<16x128xf32, #tpu.memory_space<vmem_shared>>
        tpu.wait_dma2 semaphore(%run_scoped3A : memref<!tpu.dma_semaphore, #tpu.memory_space<semaphore_mem>>) src(%dma_wait3A_96 : memref<16x128xf32, #tpu.memory_space<vmem_shared>>) dst(%dma_wait3A_93 : memref<16x128xf32, #tpu.memory_space<hbm>>)
        tpu.yield
      }) : () -> ()
    } else {
    }
    return
  }
}

#map = affine_map<(d0, d1) -> (0, 0)>
module attributes {stable_mosaic.version = 14 : i64} {
  func.func @_sc_gather(%arg0: i32, %arg1: i32, %arg2: memref<10000x128xf32, #tpu.memory_space<hbm>>, %arg3: memref<32x10000xi32, #tpu.memory_space<hbm>>, %arg4: memref<32x10000xi32, #tpu.memory_space<hbm>>, %arg5: memref<320000x128xf32, #tpu.memory_space<hbm>>, %arg6: memref<320000x128xf32, #tpu.memory_space<hbm>>, %arg7: memref<10000x128xf32, #tpu.memory_space<vmem_shared>>, %arg8: memref<80x128xf32, #tpu.memory_space<vmem>>, %arg9: memref<80x128xf32, #tpu.memory_space<vmem>>, %arg10: memref<10000xi32, #tpu.memory_space<vmem>>, %arg11: memref<10000xi32, #tpu.memory_space<vmem>>, %arg12: memref<!tpu.dma_semaphore, #tpu.memory_space<semaphore_mem>>, %arg13: memref<!tpu.dma_semaphore, #tpu.memory_space<semaphore_mem>>, %arg14: memref<!tpu.dma_semaphore, #tpu.memory_space<semaphore_mem>>) attributes {dimension_semantics = [#tpu.dimension_semantics<core_parallel>, #tpu.dimension_semantics<subcore_parallel>], iteration_bounds = array<i64: 2, 16>, scalar_prefetch = 0 : i64, scratch_operands = 8 : i64, tpu.core_type = #tpu.core_type<sc_vector_subcore>, window_params = [{transform_indices = #map}, {transform_indices = #map}, {transform_indices = #map}, {transform_indices = #map}, {transform_indices = #map}]} {
    %mul3A = arith.constant 2 : i32
    %mul3A_0 = arith.muli %arg1, %mul3A : i32
    %add3A = arith.addi %mul3A_0, %arg0 : i32
    %mul3A_1 = arith.constant 624 : i32
    %mul3A_2 = arith.muli %arg1, %mul3A_1 : i32
    %mul3A_3 = arith.constant 624 : i32
    %mul3A_4 = arith.muli %arg1, %mul3A_3 : i32
    "tpu.region"() ({
      %run_scoped3A = tpu.sem_alloc : memref<!tpu.dma_semaphore, #tpu.memory_space<semaphore_mem>>
      %dma_start3A = arith.constant 0 : i32
      %dma_start3A_23 = tpu.memref_slice %arg7[%mul3A_4, %dma_start3A] : memref<10000x128xf32, #tpu.memory_space<vmem_shared>> -> memref<624x128xf32, #tpu.memory_space<vmem_shared>>
      %dma_start3A_24 = arith.constant 0 : i32
      %dma_start3A_25 = tpu.memref_slice %arg2[%mul3A_2, %dma_start3A_24] : memref<10000x128xf32, #tpu.memory_space<hbm>> -> memref<624x128xf32, #tpu.memory_space<hbm>>
      tpu.enqueue_dma source(%dma_start3A_25 : memref<624x128xf32, #tpu.memory_space<hbm>>) target(%dma_start3A_23 : memref<624x128xf32, #tpu.memory_space<vmem_shared>>) target_semaphore(%run_scoped3A : memref<!tpu.dma_semaphore, #tpu.memory_space<semaphore_mem>>)
      %dma_wait3A_26 = arith.constant 0 : i32
      %dma_wait3A_27 = tpu.memref_slice %arg7[%mul3A_4, %dma_wait3A_26] : memref<10000x128xf32, #tpu.memory_space<vmem_shared>> -> memref<624x128xf32, #tpu.memory_space<vmem_shared>>
      %dma_wait3A_28 = arith.constant 0 : i32
      %dma_wait3A_29 = tpu.memref_slice %arg2[%mul3A_2, %dma_wait3A_28] : memref<10000x128xf32, #tpu.memory_space<hbm>> -> memref<624x128xf32, #tpu.memory_space<hbm>>
      tpu.wait_dma2 semaphore(%run_scoped3A : memref<!tpu.dma_semaphore, #tpu.memory_space<semaphore_mem>>) src(%dma_wait3A_29 : memref<624x128xf32, #tpu.memory_space<hbm>>) dst(%dma_wait3A_27 : memref<624x128xf32, #tpu.memory_space<vmem_shared>>)
      tpu.yield
    }) : () -> ()
    %eq3A = arith.constant 15 : i32
    %eq3A_5 = arith.cmpi eq, %arg1, %eq3A : i32
    %convert_element_type3A = arith.extui %eq3A_5 : i1 to i32
    %cond3A = arith.constant 0 : i32
    %cond3A_6 = arith.cmpi ne, %convert_element_type3A, %cond3A : i32
    scf.if %cond3A_6 {
      "tpu.region"() ({
        %run_scoped3A = tpu.sem_alloc : memref<!tpu.dma_semaphore, #tpu.memory_space<semaphore_mem>>
        %dma_start3A = arith.constant 9984 : i32
        %dma_start3A_23 = arith.constant 0 : i32
        %dma_start3A_24 = tpu.memref_slice %arg7[%dma_start3A, %dma_start3A_23] : memref<10000x128xf32, #tpu.memory_space<vmem_shared>> -> memref<16x128xf32, #tpu.memory_space<vmem_shared>>
        %dma_start3A_25 = arith.constant 9984 : i32
        %dma_start3A_26 = arith.constant 0 : i32
        %dma_start3A_27 = tpu.memref_slice %arg2[%dma_start3A_25, %dma_start3A_26] : memref<10000x128xf32, #tpu.memory_space<hbm>> -> memref<16x128xf32, #tpu.memory_space<hbm>>
        tpu.enqueue_dma source(%dma_start3A_27 : memref<16x128xf32, #tpu.memory_space<hbm>>) target(%dma_start3A_24 : memref<16x128xf32, #tpu.memory_space<vmem_shared>>) target_semaphore(%run_scoped3A : memref<!tpu.dma_semaphore, #tpu.memory_space<semaphore_mem>>)
        %dma_wait3A_28 = arith.constant 9984 : i32
        %dma_wait3A_29 = arith.constant 0 : i32
        %dma_wait3A_30 = tpu.memref_slice %arg7[%dma_wait3A_28, %dma_wait3A_29] : memref<10000x128xf32, #tpu.memory_space<vmem_shared>> -> memref<16x128xf32, #tpu.memory_space<vmem_shared>>
        %dma_wait3A_31 = arith.constant 9984 : i32
        %dma_wait3A_32 = arith.constant 0 : i32
        %dma_wait3A_33 = tpu.memref_slice %arg2[%dma_wait3A_31, %dma_wait3A_32] : memref<10000x128xf32, #tpu.memory_space<hbm>> -> memref<16x128xf32, #tpu.memory_space<hbm>>
        tpu.wait_dma2 semaphore(%run_scoped3A : memref<!tpu.dma_semaphore, #tpu.memory_space<semaphore_mem>>) src(%dma_wait3A_33 : memref<16x128xf32, #tpu.memory_space<hbm>>) dst(%dma_wait3A_30 : memref<16x128xf32, #tpu.memory_space<vmem_shared>>)
        tpu.yield
      }) : () -> ()
    } else {
    }
    "tpu.region"() ({
      %run_scoped3A = tpu.sem_alloc : memref<!tpu.dma_semaphore, #tpu.memory_space<semaphore_mem>>
      %dma_start3A = arith.constant 0 : i32
      %dma_start3A_23 = tpu.memref_slice %arg3[%add3A, %dma_start3A] : memref<32x10000xi32, #tpu.memory_space<hbm>> -> memref<1x10000xi32, #tpu.memory_space<hbm>>
      %dma_start3A_24 = tpu.memref_squeeze %dma_start3A_23 : memref<1x10000xi32, #tpu.memory_space<hbm>> -> memref<10000xi32, #tpu.memory_space<hbm>>
      %dma_start3A_25 = arith.constant 0 : i32
      %dma_start3A_26 = tpu.memref_slice %arg3[%add3A, %dma_start3A_25] : memref<32x10000xi32, #tpu.memory_space<hbm>> -> memref<1x10000xi32, #tpu.memory_space<hbm>>
      %dma_start3A_27 = tpu.memref_squeeze %dma_start3A_26 : memref<1x10000xi32, #tpu.memory_space<hbm>> -> memref<10000xi32, #tpu.memory_space<hbm>>
      tpu.enqueue_dma source(%dma_start3A_27 : memref<10000xi32, #tpu.memory_space<hbm>>) target(%arg10 : memref<10000xi32, #tpu.memory_space<vmem>>) target_semaphore(%run_scoped3A : memref<!tpu.dma_semaphore, #tpu.memory_space<semaphore_mem>>)
      %dma_wait3A_28 = arith.constant 0 : i32
      %dma_wait3A_29 = tpu.memref_slice %arg3[%add3A, %dma_wait3A_28] : memref<32x10000xi32, #tpu.memory_space<hbm>> -> memref<1x10000xi32, #tpu.memory_space<hbm>>
      %dma_wait3A_30 = tpu.memref_squeeze %dma_wait3A_29 : memref<1x10000xi32, #tpu.memory_space<hbm>> -> memref<10000xi32, #tpu.memory_space<hbm>>
      %dma_wait3A_31 = arith.constant 0 : i32
      %dma_wait3A_32 = tpu.memref_slice %arg3[%add3A, %dma_wait3A_31] : memref<32x10000xi32, #tpu.memory_space<hbm>> -> memref<1x10000xi32, #tpu.memory_space<hbm>>
      %dma_wait3A_33 = tpu.memref_squeeze %dma_wait3A_32 : memref<1x10000xi32, #tpu.memory_space<hbm>> -> memref<10000xi32, #tpu.memory_space<hbm>>
      tpu.wait_dma2 semaphore(%run_scoped3A : memref<!tpu.dma_semaphore, #tpu.memory_space<semaphore_mem>>) src(%dma_wait3A_33 : memref<10000xi32, #tpu.memory_space<hbm>>) dst(%arg10 : memref<10000xi32, #tpu.memory_space<vmem>>)
      tpu.yield
    }) : () -> ()
    "tpu.region"() ({
      %run_scoped3A = tpu.sem_alloc : memref<!tpu.dma_semaphore, #tpu.memory_space<semaphore_mem>>
      %dma_start3A = arith.constant 0 : i32
      %dma_start3A_23 = tpu.memref_slice %arg4[%add3A, %dma_start3A] : memref<32x10000xi32, #tpu.memory_space<hbm>> -> memref<1x10000xi32, #tpu.memory_space<hbm>>
      %dma_start3A_24 = tpu.memref_squeeze %dma_start3A_23 : memref<1x10000xi32, #tpu.memory_space<hbm>> -> memref<10000xi32, #tpu.memory_space<hbm>>
      %dma_start3A_25 = arith.constant 0 : i32
      %dma_start3A_26 = tpu.memref_slice %arg4[%add3A, %dma_start3A_25] : memref<32x10000xi32, #tpu.memory_space<hbm>> -> memref<1x10000xi32, #tpu.memory_space<hbm>>
      %dma_start3A_27 = tpu.memref_squeeze %dma_start3A_26 : memref<1x10000xi32, #tpu.memory_space<hbm>> -> memref<10000xi32, #tpu.memory_space<hbm>>
      tpu.enqueue_dma source(%dma_start3A_27 : memref<10000xi32, #tpu.memory_space<hbm>>) target(%arg11 : memref<10000xi32, #tpu.memory_space<vmem>>) target_semaphore(%run_scoped3A : memref<!tpu.dma_semaphore, #tpu.memory_space<semaphore_mem>>)
      %dma_wait3A_28 = arith.constant 0 : i32
      %dma_wait3A_29 = tpu.memref_slice %arg4[%add3A, %dma_wait3A_28] : memref<32x10000xi32, #tpu.memory_space<hbm>> -> memref<1x10000xi32, #tpu.memory_space<hbm>>
      %dma_wait3A_30 = tpu.memref_squeeze %dma_wait3A_29 : memref<1x10000xi32, #tpu.memory_space<hbm>> -> memref<10000xi32, #tpu.memory_space<hbm>>
      %dma_wait3A_31 = arith.constant 0 : i32
      %dma_wait3A_32 = tpu.memref_slice %arg4[%add3A, %dma_wait3A_31] : memref<32x10000xi32, #tpu.memory_space<hbm>> -> memref<1x10000xi32, #tpu.memory_space<hbm>>
      %dma_wait3A_33 = tpu.memref_squeeze %dma_wait3A_32 : memref<1x10000xi32, #tpu.memory_space<hbm>> -> memref<10000xi32, #tpu.memory_space<hbm>>
      tpu.wait_dma2 semaphore(%run_scoped3A : memref<!tpu.dma_semaphore, #tpu.memory_space<semaphore_mem>>) src(%dma_wait3A_33 : memref<10000xi32, #tpu.memory_space<hbm>>) dst(%arg11 : memref<10000xi32, #tpu.memory_space<vmem>>)
      tpu.yield
    }) : () -> ()
    %barrier3A = arith.constant 0 : index
    tpu.barrier barrier_id(%barrier3A)
    %scan3A = arith.constant 0 : i32
    %scan3A_7 = arith.constant 0 : i32
    %scan3A_8 = arith.constant 125 : i32
    %scan3A_9 = arith.addi %scan3A_7, %scan3A_8 : i32
    %scan3A_10 = arith.constant 1 : i32
    scf.for %scan3A_23 = %scan3A_7 to %scan3A_9 step %scan3A_10  : i32 {
      %mul3A_24 = arith.constant 10000 : i32
      %mul3A_25 = arith.muli %add3A, %mul3A_24 : i32
      %mul3A_26 = arith.constant 80 : i32
      %mul3A_27 = arith.muli %scan3A_23, %mul3A_26 : i32
      %add3A_28 = arith.addi %mul3A_25, %mul3A_27 : i32
      %ge3A = arith.constant 1 : i32
      %ge3A_29 = arith.cmpi sge, %scan3A_23, %ge3A : i32
      %convert_element_type3A_30 = arith.extui %ge3A_29 : i1 to i32
      %cond3A_31 = arith.constant 0 : i32
      %cond3A_32 = arith.cmpi ne, %convert_element_type3A_30, %cond3A_31 : i32
      scf.if %cond3A_32 {
        %dma_wait3A_70 = arith.constant 0 : i32
        %dma_wait3A_71 = tpu.memref_slice %arg5[%add3A_28, %dma_wait3A_70] : memref<320000x128xf32, #tpu.memory_space<hbm>> -> memref<80x128xf32, #tpu.memory_space<hbm>>
        %dma_wait3A_72 = arith.constant 0 : i32
        %dma_wait3A_73 = tpu.memref_slice %arg5[%add3A_28, %dma_wait3A_72] : memref<320000x128xf32, #tpu.memory_space<hbm>> -> memref<80x128xf32, #tpu.memory_space<hbm>>
        tpu.wait_dma2 semaphore(%arg13 : memref<!tpu.dma_semaphore, #tpu.memory_space<semaphore_mem>>) src(%arg8 : memref<80x128xf32, #tpu.memory_space<vmem>>) dst(%dma_wait3A_73 : memref<80x128xf32, #tpu.memory_space<hbm>>)
      } else {
      }
      %mul3A_33 = arith.constant 80 : i32
      %mul3A_34 = arith.muli %scan3A_23, %mul3A_33 : i32
      %dma_start3A = tpu.memref_slice %arg10[%mul3A_34] : memref<10000xi32, #tpu.memory_space<vmem>> -> memref<80xi32, #tpu.memory_space<vmem>>
      %dma_start3A_35 = arith.constant 0 : i32
      %dma_start3A_36 = arith.constant 0 : i32
      %dma_start3A_37 = tpu.memref_slice %arg7[%dma_start3A_35, %dma_start3A_36] : memref<10000x128xf32, #tpu.memory_space<vmem_shared>> -> memref<10000x128xf32, #tpu.memory_space<vmem_shared>>
      tpu.enqueue_indirect_dma source(%dma_start3A_37 : memref<10000x128xf32, #tpu.memory_space<vmem_shared>>) target(%arg8 : memref<80x128xf32, #tpu.memory_space<vmem>>) offsets(%dma_start3A : memref<80xi32, #tpu.memory_space<vmem>>) semaphore(%arg12 : memref<!tpu.dma_semaphore, #tpu.memory_space<semaphore_mem>>)
      %dma_wait3A_38 = tpu.memref_slice %arg10[%mul3A_34] : memref<10000xi32, #tpu.memory_space<vmem>> -> memref<80xi32, #tpu.memory_space<vmem>>
      %dma_wait3A_39 = arith.constant 0 : i32
      %dma_wait3A_40 = arith.constant 0 : i32
      %dma_wait3A_41 = tpu.memref_slice %arg7[%dma_wait3A_39, %dma_wait3A_40] : memref<10000x128xf32, #tpu.memory_space<vmem_shared>> -> memref<10000x128xf32, #tpu.memory_space<vmem_shared>>
      tpu.wait_indirect_dma semaphore(%arg12 : memref<!tpu.dma_semaphore, #tpu.memory_space<semaphore_mem>>) src(%dma_wait3A_41 : memref<10000x128xf32, #tpu.memory_space<vmem_shared>>) dst(%arg8 : memref<80x128xf32, #tpu.memory_space<vmem>>)
      %dma_start3A_42 = arith.constant 0 : i32
      %dma_start3A_43 = tpu.memref_slice %arg5[%add3A_28, %dma_start3A_42] : memref<320000x128xf32, #tpu.memory_space<hbm>> -> memref<80x128xf32, #tpu.memory_space<hbm>>
      %dma_start3A_44 = arith.constant 0 : i32
      %dma_start3A_45 = tpu.memref_slice %arg5[%add3A_28, %dma_start3A_44] : memref<320000x128xf32, #tpu.memory_space<hbm>> -> memref<80x128xf32, #tpu.memory_space<hbm>>
      tpu.enqueue_dma source(%arg8 : memref<80x128xf32, #tpu.memory_space<vmem>>) target(%dma_start3A_45 : memref<80x128xf32, #tpu.memory_space<hbm>>) target_semaphore(%arg13 : memref<!tpu.dma_semaphore, #tpu.memory_space<semaphore_mem>>)
      %mul3A_46 = arith.constant 10000 : i32
      %mul3A_47 = arith.muli %add3A, %mul3A_46 : i32
      %mul3A_48 = arith.constant 80 : i32
      %mul3A_49 = arith.muli %scan3A_23, %mul3A_48 : i32
      %add3A_50 = arith.addi %mul3A_47, %mul3A_49 : i32
      %ge3A_51 = arith.constant 1 : i32
      %ge3A_52 = arith.cmpi sge, %scan3A_23, %ge3A_51 : i32
      %convert_element_type3A_53 = arith.extui %ge3A_52 : i1 to i32
      %cond3A_54 = arith.constant 0 : i32
      %cond3A_55 = arith.cmpi ne, %convert_element_type3A_53, %cond3A_54 : i32
      scf.if %cond3A_55 {
        %dma_wait3A_70 = arith.constant 0 : i32
        %dma_wait3A_71 = tpu.memref_slice %arg6[%add3A_50, %dma_wait3A_70] : memref<320000x128xf32, #tpu.memory_space<hbm>> -> memref<80x128xf32, #tpu.memory_space<hbm>>
        %dma_wait3A_72 = arith.constant 0 : i32
        %dma_wait3A_73 = tpu.memref_slice %arg6[%add3A_50, %dma_wait3A_72] : memref<320000x128xf32, #tpu.memory_space<hbm>> -> memref<80x128xf32, #tpu.memory_space<hbm>>
        tpu.wait_dma2 semaphore(%arg14 : memref<!tpu.dma_semaphore, #tpu.memory_space<semaphore_mem>>) src(%arg9 : memref<80x128xf32, #tpu.memory_space<vmem>>) dst(%dma_wait3A_73 : memref<80x128xf32, #tpu.memory_space<hbm>>)
      } else {
      }
      %mul3A_56 = arith.constant 80 : i32
      %mul3A_57 = arith.muli %scan3A_23, %mul3A_56 : i32
      %dma_start3A_58 = tpu.memref_slice %arg11[%mul3A_57] : memref<10000xi32, #tpu.memory_space<vmem>> -> memref<80xi32, #tpu.memory_space<vmem>>
      %dma_start3A_59 = arith.constant 0 : i32
      %dma_start3A_60 = arith.constant 0 : i32
      %dma_start3A_61 = tpu.memref_slice %arg7[%dma_start3A_59, %dma_start3A_60] : memref<10000x128xf32, #tpu.memory_space<vmem_shared>> -> memref<10000x128xf32, #tpu.memory_space<vmem_shared>>
      tpu.enqueue_indirect_dma source(%dma_start3A_61 : memref<10000x128xf32, #tpu.memory_space<vmem_shared>>) target(%arg9 : memref<80x128xf32, #tpu.memory_space<vmem>>) offsets(%dma_start3A_58 : memref<80xi32, #tpu.memory_space<vmem>>) semaphore(%arg12 : memref<!tpu.dma_semaphore, #tpu.memory_space<semaphore_mem>>)
      %dma_wait3A_62 = tpu.memref_slice %arg11[%mul3A_57] : memref<10000xi32, #tpu.memory_space<vmem>> -> memref<80xi32, #tpu.memory_space<vmem>>
      %dma_wait3A_63 = arith.constant 0 : i32
      %dma_wait3A_64 = arith.constant 0 : i32
      %dma_wait3A_65 = tpu.memref_slice %arg7[%dma_wait3A_63, %dma_wait3A_64] : memref<10000x128xf32, #tpu.memory_space<vmem_shared>> -> memref<10000x128xf32, #tpu.memory_space<vmem_shared>>
      tpu.wait_indirect_dma semaphore(%arg12 : memref<!tpu.dma_semaphore, #tpu.memory_space<semaphore_mem>>) src(%dma_wait3A_65 : memref<10000x128xf32, #tpu.memory_space<vmem_shared>>) dst(%arg9 : memref<80x128xf32, #tpu.memory_space<vmem>>)
      %dma_start3A_66 = arith.constant 0 : i32
      %dma_start3A_67 = tpu.memref_slice %arg6[%add3A_50, %dma_start3A_66] : memref<320000x128xf32, #tpu.memory_space<hbm>> -> memref<80x128xf32, #tpu.memory_space<hbm>>
      %dma_start3A_68 = arith.constant 0 : i32
      %dma_start3A_69 = tpu.memref_slice %arg6[%add3A_50, %dma_start3A_68] : memref<320000x128xf32, #tpu.memory_space<hbm>> -> memref<80x128xf32, #tpu.memory_space<hbm>>
      tpu.enqueue_dma source(%arg9 : memref<80x128xf32, #tpu.memory_space<vmem>>) target(%dma_start3A_69 : memref<80x128xf32, #tpu.memory_space<hbm>>) target_semaphore(%arg14 : memref<!tpu.dma_semaphore, #tpu.memory_space<semaphore_mem>>)
    }
    %scan3A_11 = arith.constant 125 : i32
    %mul3A_12 = arith.constant 10000 : i32
    %mul3A_13 = arith.muli %add3A, %mul3A_12 : i32
    %dma_wait3A = arith.constant 0 : i32
    %dma_wait3A_14 = tpu.memref_slice %arg5[%mul3A_13, %dma_wait3A] : memref<320000x128xf32, #tpu.memory_space<hbm>> -> memref<80x128xf32, #tpu.memory_space<hbm>>
    %dma_wait3A_15 = arith.constant 0 : i32
    %dma_wait3A_16 = tpu.memref_slice %arg5[%mul3A_13, %dma_wait3A_15] : memref<320000x128xf32, #tpu.memory_space<hbm>> -> memref<80x128xf32, #tpu.memory_space<hbm>>
    tpu.wait_dma2 semaphore(%arg13 : memref<!tpu.dma_semaphore, #tpu.memory_space<semaphore_mem>>) src(%arg8 : memref<80x128xf32, #tpu.memory_space<vmem>>) dst(%dma_wait3A_16 : memref<80x128xf32, #tpu.memory_space<hbm>>)
    %mul3A_17 = arith.constant 10000 : i32
    %mul3A_18 = arith.muli %add3A, %mul3A_17 : i32
    %dma_wait3A_19 = arith.constant 0 : i32
    %dma_wait3A_20 = tpu.memref_slice %arg6[%mul3A_18, %dma_wait3A_19] : memref<320000x128xf32, #tpu.memory_space<hbm>> -> memref<80x128xf32, #tpu.memory_space<hbm>>
    %dma_wait3A_21 = arith.constant 0 : i32
    %dma_wait3A_22 = tpu.memref_slice %arg6[%mul3A_18, %dma_wait3A_21] : memref<320000x128xf32, #tpu.memory_space<hbm>> -> memref<80x128xf32, #tpu.memory_space<hbm>>
    tpu.wait_dma2 semaphore(%arg14 : memref<!tpu.dma_semaphore, #tpu.memory_space<semaphore_mem>>) src(%arg9 : memref<80x128xf32, #tpu.memory_space<vmem>>) dst(%dma_wait3A_22 : memref<80x128xf32, #tpu.memory_space<hbm>>)
    return
  }
}

#map = affine_map<(d0, d1) -> (0, 0)>
#map1 = affine_map<(d0, d1) -> (0, 0, 0)>
module attributes {stable_mosaic.version = 14 : i64} {
  func.func @_sc_scatter(%arg0: i32, %arg1: i32, %arg2: memref<320000x128xf32, #tpu.memory_space<hbm>>, %arg3: memref<32x125x80xi32, #tpu.memory_space<hbm>>, %arg4: memref<10000x128xf32, #tpu.memory_space<hbm>>, %arg5: memref<2x10000x128xf32, #tpu.memory_space<hbm>>, %arg6: memref<10000x128xf32, #tpu.memory_space<vmem_shared>>, %arg7: memref<80x128xf32, #tpu.memory_space<vmem>>, %arg8: memref<80x128xf32, #tpu.memory_space<vmem>>, %arg9: memref<80x128xf32, #tpu.memory_space<vmem>>, %arg10: memref<125x80xi32, #tpu.memory_space<vmem>>, %arg11: memref<!tpu.dma_semaphore, #tpu.memory_space<semaphore_mem>>, %arg12: memref<!tpu.dma_semaphore, #tpu.memory_space<semaphore_mem>>, %arg13: memref<!tpu.dma_semaphore, #tpu.memory_space<semaphore_mem>>, %arg14: memref<!tpu.dma_semaphore, #tpu.memory_space<semaphore_mem>>, %arg15: memref<!tpu.dma_semaphore, #tpu.memory_space<semaphore_mem>>, %arg16: memref<!tpu.dma_semaphore, #tpu.memory_space<semaphore_mem>>) attributes {dimension_semantics = [#tpu.dimension_semantics<core_parallel>, #tpu.dimension_semantics<subcore_parallel>], iteration_bounds = array<i64: 2, 16>, scalar_prefetch = 0 : i64, scratch_operands = 11 : i64, tpu.core_type = #tpu.core_type<sc_vector_subcore>, window_params = [{transform_indices = #map}, {transform_indices = #map1}, {transform_indices = #map}, {transform_indices = #map1}]} {
    %mul3A = arith.constant 2 : i32
    %mul3A_0 = arith.muli %arg1, %mul3A : i32
    %add3A = arith.addi %mul3A_0, %arg0 : i32
    %mul3A_1 = arith.constant 624 : i32
    %mul3A_2 = arith.muli %arg1, %mul3A_1 : i32
    %mul3A_3 = arith.constant 624 : i32
    %mul3A_4 = arith.muli %arg1, %mul3A_3 : i32
    "tpu.region"() ({
      %run_scoped3A = tpu.sem_alloc : memref<!tpu.dma_semaphore, #tpu.memory_space<semaphore_mem>>
      %dma_start3A_83 = arith.constant 0 : i32
      %dma_start3A_84 = tpu.memref_slice %arg6[%mul3A_4, %dma_start3A_83] : memref<10000x128xf32, #tpu.memory_space<vmem_shared>> -> memref<624x128xf32, #tpu.memory_space<vmem_shared>>
      %dma_start3A_85 = arith.constant 0 : i32
      %dma_start3A_86 = tpu.memref_slice %arg4[%mul3A_2, %dma_start3A_85] : memref<10000x128xf32, #tpu.memory_space<hbm>> -> memref<624x128xf32, #tpu.memory_space<hbm>>
      tpu.enqueue_dma source(%dma_start3A_86 : memref<624x128xf32, #tpu.memory_space<hbm>>) target(%dma_start3A_84 : memref<624x128xf32, #tpu.memory_space<vmem_shared>>) target_semaphore(%run_scoped3A : memref<!tpu.dma_semaphore, #tpu.memory_space<semaphore_mem>>)
      %dma_wait3A_87 = arith.constant 0 : i32
      %dma_wait3A_88 = tpu.memref_slice %arg6[%mul3A_4, %dma_wait3A_87] : memref<10000x128xf32, #tpu.memory_space<vmem_shared>> -> memref<624x128xf32, #tpu.memory_space<vmem_shared>>
      %dma_wait3A_89 = arith.constant 0 : i32
      %dma_wait3A_90 = tpu.memref_slice %arg4[%mul3A_2, %dma_wait3A_89] : memref<10000x128xf32, #tpu.memory_space<hbm>> -> memref<624x128xf32, #tpu.memory_space<hbm>>
      tpu.wait_dma2 semaphore(%run_scoped3A : memref<!tpu.dma_semaphore, #tpu.memory_space<semaphore_mem>>) src(%dma_wait3A_90 : memref<624x128xf32, #tpu.memory_space<hbm>>) dst(%dma_wait3A_88 : memref<624x128xf32, #tpu.memory_space<vmem_shared>>)
      tpu.yield
    }) : () -> ()
    %eq3A = arith.constant 15 : i32
    %eq3A_5 = arith.cmpi eq, %arg1, %eq3A : i32
    %convert_element_type3A = arith.extui %eq3A_5 : i1 to i32
    %cond3A = arith.constant 0 : i32
    %cond3A_6 = arith.cmpi ne, %convert_element_type3A, %cond3A : i32
    scf.if %cond3A_6 {
      "tpu.region"() ({
        %run_scoped3A = tpu.sem_alloc : memref<!tpu.dma_semaphore, #tpu.memory_space<semaphore_mem>>
        %dma_start3A_83 = arith.constant 9984 : i32
        %dma_start3A_84 = arith.constant 0 : i32
        %dma_start3A_85 = tpu.memref_slice %arg6[%dma_start3A_83, %dma_start3A_84] : memref<10000x128xf32, #tpu.memory_space<vmem_shared>> -> memref<16x128xf32, #tpu.memory_space<vmem_shared>>
        %dma_start3A_86 = arith.constant 9984 : i32
        %dma_start3A_87 = arith.constant 0 : i32
        %dma_start3A_88 = tpu.memref_slice %arg4[%dma_start3A_86, %dma_start3A_87] : memref<10000x128xf32, #tpu.memory_space<hbm>> -> memref<16x128xf32, #tpu.memory_space<hbm>>
        tpu.enqueue_dma source(%dma_start3A_88 : memref<16x128xf32, #tpu.memory_space<hbm>>) target(%dma_start3A_85 : memref<16x128xf32, #tpu.memory_space<vmem_shared>>) target_semaphore(%run_scoped3A : memref<!tpu.dma_semaphore, #tpu.memory_space<semaphore_mem>>)
        %dma_wait3A_89 = arith.constant 9984 : i32
        %dma_wait3A_90 = arith.constant 0 : i32
        %dma_wait3A_91 = tpu.memref_slice %arg6[%dma_wait3A_89, %dma_wait3A_90] : memref<10000x128xf32, #tpu.memory_space<vmem_shared>> -> memref<16x128xf32, #tpu.memory_space<vmem_shared>>
        %dma_wait3A_92 = arith.constant 9984 : i32
        %dma_wait3A_93 = arith.constant 0 : i32
        %dma_wait3A_94 = tpu.memref_slice %arg4[%dma_wait3A_92, %dma_wait3A_93] : memref<10000x128xf32, #tpu.memory_space<hbm>> -> memref<16x128xf32, #tpu.memory_space<hbm>>
        tpu.wait_dma2 semaphore(%run_scoped3A : memref<!tpu.dma_semaphore, #tpu.memory_space<semaphore_mem>>) src(%dma_wait3A_94 : memref<16x128xf32, #tpu.memory_space<hbm>>) dst(%dma_wait3A_91 : memref<16x128xf32, #tpu.memory_space<vmem_shared>>)
        tpu.yield
      }) : () -> ()
    } else {
    }
    "tpu.region"() ({
      %run_scoped3A = tpu.sem_alloc : memref<!tpu.dma_semaphore, #tpu.memory_space<semaphore_mem>>
      %dma_start3A_83 = arith.constant 0 : i32
      %dma_start3A_84 = arith.constant 0 : i32
      %dma_start3A_85 = tpu.memref_slice %arg3[%add3A, %dma_start3A_83, %dma_start3A_84] : memref<32x125x80xi32, #tpu.memory_space<hbm>> -> memref<1x125x80xi32, #tpu.memory_space<hbm>>
      %dma_start3A_86 = tpu.memref_squeeze %dma_start3A_85 : memref<1x125x80xi32, #tpu.memory_space<hbm>> -> memref<125x80xi32, #tpu.memory_space<hbm>>
      %dma_start3A_87 = arith.constant 0 : i32
      %dma_start3A_88 = arith.constant 0 : i32
      %dma_start3A_89 = tpu.memref_slice %arg3[%add3A, %dma_start3A_87, %dma_start3A_88] : memref<32x125x80xi32, #tpu.memory_space<hbm>> -> memref<1x125x80xi32, #tpu.memory_space<hbm>>
      %dma_start3A_90 = tpu.memref_squeeze %dma_start3A_89 : memref<1x125x80xi32, #tpu.memory_space<hbm>> -> memref<125x80xi32, #tpu.memory_space<hbm>>
      tpu.enqueue_dma source(%dma_start3A_90 : memref<125x80xi32, #tpu.memory_space<hbm>>) target(%arg10 : memref<125x80xi32, #tpu.memory_space<vmem>>) target_semaphore(%run_scoped3A : memref<!tpu.dma_semaphore, #tpu.memory_space<semaphore_mem>>)
      %dma_wait3A_91 = arith.constant 0 : i32
      %dma_wait3A_92 = arith.constant 0 : i32
      %dma_wait3A_93 = tpu.memref_slice %arg3[%add3A, %dma_wait3A_91, %dma_wait3A_92] : memref<32x125x80xi32, #tpu.memory_space<hbm>> -> memref<1x125x80xi32, #tpu.memory_space<hbm>>
      %dma_wait3A_94 = tpu.memref_squeeze %dma_wait3A_93 : memref<1x125x80xi32, #tpu.memory_space<hbm>> -> memref<125x80xi32, #tpu.memory_space<hbm>>
      %dma_wait3A_95 = arith.constant 0 : i32
      %dma_wait3A_96 = arith.constant 0 : i32
      %dma_wait3A_97 = tpu.memref_slice %arg3[%add3A, %dma_wait3A_95, %dma_wait3A_96] : memref<32x125x80xi32, #tpu.memory_space<hbm>> -> memref<1x125x80xi32, #tpu.memory_space<hbm>>
      %dma_wait3A_98 = tpu.memref_squeeze %dma_wait3A_97 : memref<1x125x80xi32, #tpu.memory_space<hbm>> -> memref<125x80xi32, #tpu.memory_space<hbm>>
      tpu.wait_dma2 semaphore(%run_scoped3A : memref<!tpu.dma_semaphore, #tpu.memory_space<semaphore_mem>>) src(%dma_wait3A_98 : memref<125x80xi32, #tpu.memory_space<hbm>>) dst(%arg10 : memref<125x80xi32, #tpu.memory_space<vmem>>)
      tpu.yield
    }) : () -> ()
    %barrier3A = arith.constant 0 : index
    tpu.barrier barrier_id(%barrier3A)
    %mul3A_7 = arith.constant 10000 : i32
    %mul3A_8 = arith.muli %add3A, %mul3A_7 : i32
    %add3A_9 = arith.constant 0 : i32
    %add3A_10 = arith.addi %mul3A_8, %add3A_9 : i32
    %dma_start3A = arith.constant 0 : i32
    %dma_start3A_11 = tpu.memref_slice %arg2[%add3A_10, %dma_start3A] : memref<320000x128xf32, #tpu.memory_space<hbm>> -> memref<80x128xf32, #tpu.memory_space<hbm>>
    %dma_start3A_12 = arith.constant 0 : i32
    %dma_start3A_13 = tpu.memref_slice %arg2[%add3A_10, %dma_start3A_12] : memref<320000x128xf32, #tpu.memory_space<hbm>> -> memref<80x128xf32, #tpu.memory_space<hbm>>
    tpu.enqueue_dma source(%dma_start3A_13 : memref<80x128xf32, #tpu.memory_space<hbm>>) target(%arg7 : memref<80x128xf32, #tpu.memory_space<vmem>>) target_semaphore(%arg14 : memref<!tpu.dma_semaphore, #tpu.memory_space<semaphore_mem>>)
    %mul3A_14 = arith.constant 10000 : i32
    %mul3A_15 = arith.muli %add3A, %mul3A_14 : i32
    %add3A_16 = arith.constant 80 : i32
    %add3A_17 = arith.addi %mul3A_15, %add3A_16 : i32
    %dma_start3A_18 = arith.constant 0 : i32
    %dma_start3A_19 = tpu.memref_slice %arg2[%add3A_17, %dma_start3A_18] : memref<320000x128xf32, #tpu.memory_space<hbm>> -> memref<80x128xf32, #tpu.memory_space<hbm>>
    %dma_start3A_20 = arith.constant 0 : i32
    %dma_start3A_21 = tpu.memref_slice %arg2[%add3A_17, %dma_start3A_20] : memref<320000x128xf32, #tpu.memory_space<hbm>> -> memref<80x128xf32, #tpu.memory_space<hbm>>
    tpu.enqueue_dma source(%dma_start3A_21 : memref<80x128xf32, #tpu.memory_space<hbm>>) target(%arg8 : memref<80x128xf32, #tpu.memory_space<vmem>>) target_semaphore(%arg15 : memref<!tpu.dma_semaphore, #tpu.memory_space<semaphore_mem>>)
    %scan3A = arith.constant 0 : i32
    %scan3A_22 = arith.constant 0 : i32
    %scan3A_23 = arith.constant 41 : i32
    %scan3A_24 = arith.addi %scan3A_22, %scan3A_23 : i32
    %scan3A_25 = arith.constant 1 : i32
    scf.for %scan3A_83 = %scan3A_22 to %scan3A_24 step %scan3A_25  : i32 {
      %mul3A_84 = arith.constant 3 : i32
      %mul3A_85 = arith.muli %mul3A_84, %scan3A_83 : i32
      %mul3A_86 = arith.constant 10000 : i32
      %mul3A_87 = arith.muli %add3A, %mul3A_86 : i32
      %dma_wait3A_88 = arith.constant 0 : i32
      %dma_wait3A_89 = tpu.memref_slice %arg2[%mul3A_87, %dma_wait3A_88] : memref<320000x128xf32, #tpu.memory_space<hbm>> -> memref<80x128xf32, #tpu.memory_space<hbm>>
      %dma_wait3A_90 = arith.constant 0 : i32
      %dma_wait3A_91 = tpu.memref_slice %arg2[%mul3A_87, %dma_wait3A_90] : memref<320000x128xf32, #tpu.memory_space<hbm>> -> memref<80x128xf32, #tpu.memory_space<hbm>>
      tpu.wait_dma2 semaphore(%arg14 : memref<!tpu.dma_semaphore, #tpu.memory_space<semaphore_mem>>) src(%dma_wait3A_91 : memref<80x128xf32, #tpu.memory_space<hbm>>) dst(%arg7 : memref<80x128xf32, #tpu.memory_space<vmem>>)
      %dma_start3A_92 = arith.constant 0 : i32
      %dma_start3A_93 = tpu.memref_slice %arg10[%mul3A_85, %dma_start3A_92] : memref<125x80xi32, #tpu.memory_space<vmem>> -> memref<1x80xi32, #tpu.memory_space<vmem>>
      %dma_start3A_94 = tpu.memref_squeeze %dma_start3A_93 : memref<1x80xi32, #tpu.memory_space<vmem>> -> memref<80xi32, #tpu.memory_space<vmem>>
      %dma_start3A_95 = arith.constant 0 : i32
      %dma_start3A_96 = arith.constant 0 : i32
      %dma_start3A_97 = tpu.memref_slice %arg6[%dma_start3A_95, %dma_start3A_96] : memref<10000x128xf32, #tpu.memory_space<vmem_shared>> -> memref<10000x128xf32, #tpu.memory_space<vmem_shared>>
      tpu.enqueue_indirect_dma source(%arg7 : memref<80x128xf32, #tpu.memory_space<vmem>>) target(%dma_start3A_97 : memref<10000x128xf32, #tpu.memory_space<vmem_shared>>) offsets(%dma_start3A_94 : memref<80xi32, #tpu.memory_space<vmem>>) semaphore(%arg11 : memref<!tpu.dma_semaphore, #tpu.memory_space<semaphore_mem>>) {add = true}
      %ge3A = arith.constant 1 : i32
      %ge3A_98 = arith.cmpi sge, %mul3A_85, %ge3A : i32
      %convert_element_type3A_99 = arith.extui %ge3A_98 : i1 to i32
      %cond3A_100 = arith.constant 0 : i32
      %cond3A_101 = arith.cmpi ne, %convert_element_type3A_99, %cond3A_100 : i32
      scf.if %cond3A_101 {
        %dma_wait3A_164 = arith.constant 0 : i32
        %dma_wait3A_165 = tpu.memref_slice %arg10[%mul3A_85, %dma_wait3A_164] : memref<125x80xi32, #tpu.memory_space<vmem>> -> memref<1x80xi32, #tpu.memory_space<vmem>>
        %dma_wait3A_166 = tpu.memref_squeeze %dma_wait3A_165 : memref<1x80xi32, #tpu.memory_space<vmem>> -> memref<80xi32, #tpu.memory_space<vmem>>
        %dma_wait3A_167 = arith.constant 0 : i32
        %dma_wait3A_168 = arith.constant 0 : i32
        %dma_wait3A_169 = tpu.memref_slice %arg6[%dma_wait3A_167, %dma_wait3A_168] : memref<10000x128xf32, #tpu.memory_space<vmem_shared>> -> memref<10000x128xf32, #tpu.memory_space<vmem_shared>>
        tpu.wait_indirect_dma semaphore(%arg13 : memref<!tpu.dma_semaphore, #tpu.memory_space<semaphore_mem>>) src(%arg9 : memref<80x128xf32, #tpu.memory_space<vmem>>) dst(%dma_wait3A_169 : memref<10000x128xf32, #tpu.memory_space<vmem_shared>>)
      } else {
      }
      %add3A_102 = arith.constant 2 : i32
      %add3A_103 = arith.addi %mul3A_85, %add3A_102 : i32
      %lt3A = arith.constant 125 : i32
      %lt3A_104 = arith.cmpi slt, %add3A_103, %lt3A : i32
      %convert_element_type3A_105 = arith.extui %lt3A_104 : i1 to i32
      %cond3A_106 = arith.constant 0 : i32
      %cond3A_107 = arith.cmpi ne, %convert_element_type3A_105, %cond3A_106 : i32
      scf.if %cond3A_107 {
        %add3A_164 = arith.constant 2 : i32
        %add3A_165 = arith.addi %mul3A_85, %add3A_164 : i32
        %mul3A_166 = arith.constant 10000 : i32
        %mul3A_167 = arith.muli %add3A, %mul3A_166 : i32
        %mul3A_168 = arith.constant 80 : i32
        %mul3A_169 = arith.muli %add3A_165, %mul3A_168 : i32
        %add3A_170 = arith.addi %mul3A_167, %mul3A_169 : i32
        %dma_start3A_171 = arith.constant 0 : i32
        %dma_start3A_172 = tpu.memref_slice %arg2[%add3A_170, %dma_start3A_171] : memref<320000x128xf32, #tpu.memory_space<hbm>> -> memref<80x128xf32, #tpu.memory_space<hbm>>
        %dma_start3A_173 = arith.constant 0 : i32
        %dma_start3A_174 = tpu.memref_slice %arg2[%add3A_170, %dma_start3A_173] : memref<320000x128xf32, #tpu.memory_space<hbm>> -> memref<80x128xf32, #tpu.memory_space<hbm>>
        tpu.enqueue_dma source(%dma_start3A_174 : memref<80x128xf32, #tpu.memory_space<hbm>>) target(%arg9 : memref<80x128xf32, #tpu.memory_space<vmem>>) target_semaphore(%arg16 : memref<!tpu.dma_semaphore, #tpu.memory_space<semaphore_mem>>)
      } else {
      }
      %mul3A_108 = arith.constant 3 : i32
      %mul3A_109 = arith.muli %mul3A_108, %scan3A_83 : i32
      %add3A_110 = arith.constant 1 : i32
      %add3A_111 = arith.addi %mul3A_109, %add3A_110 : i32
      %mul3A_112 = arith.constant 10000 : i32
      %mul3A_113 = arith.muli %add3A, %mul3A_112 : i32
      %dma_wait3A_114 = arith.constant 0 : i32
      %dma_wait3A_115 = tpu.memref_slice %arg2[%mul3A_113, %dma_wait3A_114] : memref<320000x128xf32, #tpu.memory_space<hbm>> -> memref<80x128xf32, #tpu.memory_space<hbm>>
      %dma_wait3A_116 = arith.constant 0 : i32
      %dma_wait3A_117 = tpu.memref_slice %arg2[%mul3A_113, %dma_wait3A_116] : memref<320000x128xf32, #tpu.memory_space<hbm>> -> memref<80x128xf32, #tpu.memory_space<hbm>>
      tpu.wait_dma2 semaphore(%arg15 : memref<!tpu.dma_semaphore, #tpu.memory_space<semaphore_mem>>) src(%dma_wait3A_117 : memref<80x128xf32, #tpu.memory_space<hbm>>) dst(%arg8 : memref<80x128xf32, #tpu.memory_space<vmem>>)
      %dma_start3A_118 = arith.constant 0 : i32
      %dma_start3A_119 = tpu.memref_slice %arg10[%add3A_111, %dma_start3A_118] : memref<125x80xi32, #tpu.memory_space<vmem>> -> memref<1x80xi32, #tpu.memory_space<vmem>>
      %dma_start3A_120 = tpu.memref_squeeze %dma_start3A_119 : memref<1x80xi32, #tpu.memory_space<vmem>> -> memref<80xi32, #tpu.memory_space<vmem>>
      %dma_start3A_121 = arith.constant 0 : i32
      %dma_start3A_122 = arith.constant 0 : i32
      %dma_start3A_123 = tpu.memref_slice %arg6[%dma_start3A_121, %dma_start3A_122] : memref<10000x128xf32, #tpu.memory_space<vmem_shared>> -> memref<10000x128xf32, #tpu.memory_space<vmem_shared>>
      tpu.enqueue_indirect_dma source(%arg8 : memref<80x128xf32, #tpu.memory_space<vmem>>) target(%dma_start3A_123 : memref<10000x128xf32, #tpu.memory_space<vmem_shared>>) offsets(%dma_start3A_120 : memref<80xi32, #tpu.memory_space<vmem>>) semaphore(%arg12 : memref<!tpu.dma_semaphore, #tpu.memory_space<semaphore_mem>>) {add = true}
      %ge3A_124 = arith.constant 1 : i32
      %ge3A_125 = arith.cmpi sge, %add3A_111, %ge3A_124 : i32
      %convert_element_type3A_126 = arith.extui %ge3A_125 : i1 to i32
      %cond3A_127 = arith.constant 0 : i32
      %cond3A_128 = arith.cmpi ne, %convert_element_type3A_126, %cond3A_127 : i32
      scf.if %cond3A_128 {
        %dma_wait3A_164 = arith.constant 0 : i32
        %dma_wait3A_165 = tpu.memref_slice %arg10[%add3A_111, %dma_wait3A_164] : memref<125x80xi32, #tpu.memory_space<vmem>> -> memref<1x80xi32, #tpu.memory_space<vmem>>
        %dma_wait3A_166 = tpu.memref_squeeze %dma_wait3A_165 : memref<1x80xi32, #tpu.memory_space<vmem>> -> memref<80xi32, #tpu.memory_space<vmem>>
        %dma_wait3A_167 = arith.constant 0 : i32
        %dma_wait3A_168 = arith.constant 0 : i32
        %dma_wait3A_169 = tpu.memref_slice %arg6[%dma_wait3A_167, %dma_wait3A_168] : memref<10000x128xf32, #tpu.memory_space<vmem_shared>> -> memref<10000x128xf32, #tpu.memory_space<vmem_shared>>
        tpu.wait_indirect_dma semaphore(%arg11 : memref<!tpu.dma_semaphore, #tpu.memory_space<semaphore_mem>>) src(%arg7 : memref<80x128xf32, #tpu.memory_space<vmem>>) dst(%dma_wait3A_169 : memref<10000x128xf32, #tpu.memory_space<vmem_shared>>)
      } else {
      }
      %add3A_129 = arith.constant 2 : i32
      %add3A_130 = arith.addi %add3A_111, %add3A_129 : i32
      %lt3A_131 = arith.constant 125 : i32
      %lt3A_132 = arith.cmpi slt, %add3A_130, %lt3A_131 : i32
      %convert_element_type3A_133 = arith.extui %lt3A_132 : i1 to i32
      %cond3A_134 = arith.constant 0 : i32
      %cond3A_135 = arith.cmpi ne, %convert_element_type3A_133, %cond3A_134 : i32
      scf.if %cond3A_135 {
        %add3A_164 = arith.constant 2 : i32
        %add3A_165 = arith.addi %add3A_111, %add3A_164 : i32
        %mul3A_166 = arith.constant 10000 : i32
        %mul3A_167 = arith.muli %add3A, %mul3A_166 : i32
        %mul3A_168 = arith.constant 80 : i32
        %mul3A_169 = arith.muli %add3A_165, %mul3A_168 : i32
        %add3A_170 = arith.addi %mul3A_167, %mul3A_169 : i32
        %dma_start3A_171 = arith.constant 0 : i32
        %dma_start3A_172 = tpu.memref_slice %arg2[%add3A_170, %dma_start3A_171] : memref<320000x128xf32, #tpu.memory_space<hbm>> -> memref<80x128xf32, #tpu.memory_space<hbm>>
        %dma_start3A_173 = arith.constant 0 : i32
        %dma_start3A_174 = tpu.memref_slice %arg2[%add3A_170, %dma_start3A_173] : memref<320000x128xf32, #tpu.memory_space<hbm>> -> memref<80x128xf32, #tpu.memory_space<hbm>>
        tpu.enqueue_dma source(%dma_start3A_174 : memref<80x128xf32, #tpu.memory_space<hbm>>) target(%arg7 : memref<80x128xf32, #tpu.memory_space<vmem>>) target_semaphore(%arg14 : memref<!tpu.dma_semaphore, #tpu.memory_space<semaphore_mem>>)
      } else {
      }
      %mul3A_136 = arith.constant 3 : i32
      %mul3A_137 = arith.muli %mul3A_136, %scan3A_83 : i32
      %add3A_138 = arith.constant 2 : i32
      %add3A_139 = arith.addi %mul3A_137, %add3A_138 : i32
      %mul3A_140 = arith.constant 10000 : i32
      %mul3A_141 = arith.muli %add3A, %mul3A_140 : i32
      %dma_wait3A_142 = arith.constant 0 : i32
      %dma_wait3A_143 = tpu.memref_slice %arg2[%mul3A_141, %dma_wait3A_142] : memref<320000x128xf32, #tpu.memory_space<hbm>> -> memref<80x128xf32, #tpu.memory_space<hbm>>
      %dma_wait3A_144 = arith.constant 0 : i32
      %dma_wait3A_145 = tpu.memref_slice %arg2[%mul3A_141, %dma_wait3A_144] : memref<320000x128xf32, #tpu.memory_space<hbm>> -> memref<80x128xf32, #tpu.memory_space<hbm>>
      tpu.wait_dma2 semaphore(%arg16 : memref<!tpu.dma_semaphore, #tpu.memory_space<semaphore_mem>>) src(%dma_wait3A_145 : memref<80x128xf32, #tpu.memory_space<hbm>>) dst(%arg9 : memref<80x128xf32, #tpu.memory_space<vmem>>)
      %dma_start3A_146 = arith.constant 0 : i32
      %dma_start3A_147 = tpu.memref_slice %arg10[%add3A_139, %dma_start3A_146] : memref<125x80xi32, #tpu.memory_space<vmem>> -> memref<1x80xi32, #tpu.memory_space<vmem>>
      %dma_start3A_148 = tpu.memref_squeeze %dma_start3A_147 : memref<1x80xi32, #tpu.memory_space<vmem>> -> memref<80xi32, #tpu.memory_space<vmem>>
      %dma_start3A_149 = arith.constant 0 : i32
      %dma_start3A_150 = arith.constant 0 : i32
      %dma_start3A_151 = tpu.memref_slice %arg6[%dma_start3A_149, %dma_start3A_150] : memref<10000x128xf32, #tpu.memory_space<vmem_shared>> -> memref<10000x128xf32, #tpu.memory_space<vmem_shared>>
      tpu.enqueue_indirect_dma source(%arg9 : memref<80x128xf32, #tpu.memory_space<vmem>>) target(%dma_start3A_151 : memref<10000x128xf32, #tpu.memory_space<vmem_shared>>) offsets(%dma_start3A_148 : memref<80xi32, #tpu.memory_space<vmem>>) semaphore(%arg13 : memref<!tpu.dma_semaphore, #tpu.memory_space<semaphore_mem>>) {add = true}
      %ge3A_152 = arith.constant 1 : i32
      %ge3A_153 = arith.cmpi sge, %add3A_139, %ge3A_152 : i32
      %convert_element_type3A_154 = arith.extui %ge3A_153 : i1 to i32
      %cond3A_155 = arith.constant 0 : i32
      %cond3A_156 = arith.cmpi ne, %convert_element_type3A_154, %cond3A_155 : i32
      scf.if %cond3A_156 {
        %dma_wait3A_164 = arith.constant 0 : i32
        %dma_wait3A_165 = tpu.memref_slice %arg10[%add3A_139, %dma_wait3A_164] : memref<125x80xi32, #tpu.memory_space<vmem>> -> memref<1x80xi32, #tpu.memory_space<vmem>>
        %dma_wait3A_166 = tpu.memref_squeeze %dma_wait3A_165 : memref<1x80xi32, #tpu.memory_space<vmem>> -> memref<80xi32, #tpu.memory_space<vmem>>
        %dma_wait3A_167 = arith.constant 0 : i32
        %dma_wait3A_168 = arith.constant 0 : i32
        %dma_wait3A_169 = tpu.memref_slice %arg6[%dma_wait3A_167, %dma_wait3A_168] : memref<10000x128xf32, #tpu.memory_space<vmem_shared>> -> memref<10000x128xf32, #tpu.memory_space<vmem_shared>>
        tpu.wait_indirect_dma semaphore(%arg12 : memref<!tpu.dma_semaphore, #tpu.memory_space<semaphore_mem>>) src(%arg8 : memref<80x128xf32, #tpu.memory_space<vmem>>) dst(%dma_wait3A_169 : memref<10000x128xf32, #tpu.memory_space<vmem_shared>>)
      } else {
      }
      %add3A_157 = arith.constant 2 : i32
      %add3A_158 = arith.addi %add3A_139, %add3A_157 : i32
      %lt3A_159 = arith.constant 125 : i32
      %lt3A_160 = arith.cmpi slt, %add3A_158, %lt3A_159 : i32
      %convert_element_type3A_161 = arith.extui %lt3A_160 : i1 to i32
      %cond3A_162 = arith.constant 0 : i32
      %cond3A_163 = arith.cmpi ne, %convert_element_type3A_161, %cond3A_162 : i32
      scf.if %cond3A_163 {
        %add3A_164 = arith.constant 2 : i32
        %add3A_165 = arith.addi %add3A_139, %add3A_164 : i32
        %mul3A_166 = arith.constant 10000 : i32
        %mul3A_167 = arith.muli %add3A, %mul3A_166 : i32
        %mul3A_168 = arith.constant 80 : i32
        %mul3A_169 = arith.muli %add3A_165, %mul3A_168 : i32
        %add3A_170 = arith.addi %mul3A_167, %mul3A_169 : i32
        %dma_start3A_171 = arith.constant 0 : i32
        %dma_start3A_172 = tpu.memref_slice %arg2[%add3A_170, %dma_start3A_171] : memref<320000x128xf32, #tpu.memory_space<hbm>> -> memref<80x128xf32, #tpu.memory_space<hbm>>
        %dma_start3A_173 = arith.constant 0 : i32
        %dma_start3A_174 = tpu.memref_slice %arg2[%add3A_170, %dma_start3A_173] : memref<320000x128xf32, #tpu.memory_space<hbm>> -> memref<80x128xf32, #tpu.memory_space<hbm>>
        tpu.enqueue_dma source(%dma_start3A_174 : memref<80x128xf32, #tpu.memory_space<hbm>>) target(%arg8 : memref<80x128xf32, #tpu.memory_space<vmem>>) target_semaphore(%arg15 : memref<!tpu.dma_semaphore, #tpu.memory_space<semaphore_mem>>)
      } else {
      }
    }
    %scan3A_26 = arith.constant 41 : i32
    %mul3A_27 = arith.constant 10000 : i32
    %mul3A_28 = arith.muli %add3A, %mul3A_27 : i32
    %dma_wait3A = arith.constant 0 : i32
    %dma_wait3A_29 = tpu.memref_slice %arg2[%mul3A_28, %dma_wait3A] : memref<320000x128xf32, #tpu.memory_space<hbm>> -> memref<80x128xf32, #tpu.memory_space<hbm>>
    %dma_wait3A_30 = arith.constant 0 : i32
    %dma_wait3A_31 = tpu.memref_slice %arg2[%mul3A_28, %dma_wait3A_30] : memref<320000x128xf32, #tpu.memory_space<hbm>> -> memref<80x128xf32, #tpu.memory_space<hbm>>
    tpu.wait_dma2 semaphore(%arg14 : memref<!tpu.dma_semaphore, #tpu.memory_space<semaphore_mem>>) src(%dma_wait3A_31 : memref<80x128xf32, #tpu.memory_space<hbm>>) dst(%arg7 : memref<80x128xf32, #tpu.memory_space<vmem>>)
    %dma_start3A_32 = arith.constant 123 : i32
    %dma_start3A_33 = arith.constant 0 : i32
    %dma_start3A_34 = tpu.memref_slice %arg10[%dma_start3A_32, %dma_start3A_33] : memref<125x80xi32, #tpu.memory_space<vmem>> -> memref<1x80xi32, #tpu.memory_space<vmem>>
    %dma_start3A_35 = tpu.memref_squeeze %dma_start3A_34 : memref<1x80xi32, #tpu.memory_space<vmem>> -> memref<80xi32, #tpu.memory_space<vmem>>
    %dma_start3A_36 = arith.constant 0 : i32
    %dma_start3A_37 = arith.constant 0 : i32
    %dma_start3A_38 = tpu.memref_slice %arg6[%dma_start3A_36, %dma_start3A_37] : memref<10000x128xf32, #tpu.memory_space<vmem_shared>> -> memref<10000x128xf32, #tpu.memory_space<vmem_shared>>
    tpu.enqueue_indirect_dma source(%arg7 : memref<80x128xf32, #tpu.memory_space<vmem>>) target(%dma_start3A_38 : memref<10000x128xf32, #tpu.memory_space<vmem_shared>>) offsets(%dma_start3A_35 : memref<80xi32, #tpu.memory_space<vmem>>) semaphore(%arg11 : memref<!tpu.dma_semaphore, #tpu.memory_space<semaphore_mem>>) {add = true}
    %dma_wait3A_39 = arith.constant 123 : i32
    %dma_wait3A_40 = arith.constant 0 : i32
    %dma_wait3A_41 = tpu.memref_slice %arg10[%dma_wait3A_39, %dma_wait3A_40] : memref<125x80xi32, #tpu.memory_space<vmem>> -> memref<1x80xi32, #tpu.memory_space<vmem>>
    %dma_wait3A_42 = tpu.memref_squeeze %dma_wait3A_41 : memref<1x80xi32, #tpu.memory_space<vmem>> -> memref<80xi32, #tpu.memory_space<vmem>>
    %dma_wait3A_43 = arith.constant 0 : i32
    %dma_wait3A_44 = arith.constant 0 : i32
    %dma_wait3A_45 = tpu.memref_slice %arg6[%dma_wait3A_43, %dma_wait3A_44] : memref<10000x128xf32, #tpu.memory_space<vmem_shared>> -> memref<10000x128xf32, #tpu.memory_space<vmem_shared>>
    tpu.wait_indirect_dma semaphore(%arg13 : memref<!tpu.dma_semaphore, #tpu.memory_space<semaphore_mem>>) src(%arg9 : memref<80x128xf32, #tpu.memory_space<vmem>>) dst(%dma_wait3A_45 : memref<10000x128xf32, #tpu.memory_space<vmem_shared>>)
    %mul3A_46 = arith.constant 10000 : i32
    %mul3A_47 = arith.muli %add3A, %mul3A_46 : i32
    %dma_wait3A_48 = arith.constant 0 : i32
    %dma_wait3A_49 = tpu.memref_slice %arg2[%mul3A_47, %dma_wait3A_48] : memref<320000x128xf32, #tpu.memory_space<hbm>> -> memref<80x128xf32, #tpu.memory_space<hbm>>
    %dma_wait3A_50 = arith.constant 0 : i32
    %dma_wait3A_51 = tpu.memref_slice %arg2[%mul3A_47, %dma_wait3A_50] : memref<320000x128xf32, #tpu.memory_space<hbm>> -> memref<80x128xf32, #tpu.memory_space<hbm>>
    tpu.wait_dma2 semaphore(%arg15 : memref<!tpu.dma_semaphore, #tpu.memory_space<semaphore_mem>>) src(%dma_wait3A_51 : memref<80x128xf32, #tpu.memory_space<hbm>>) dst(%arg8 : memref<80x128xf32, #tpu.memory_space<vmem>>)
    %dma_start3A_52 = arith.constant 124 : i32
    %dma_start3A_53 = arith.constant 0 : i32
    %dma_start3A_54 = tpu.memref_slice %arg10[%dma_start3A_52, %dma_start3A_53] : memref<125x80xi32, #tpu.memory_space<vmem>> -> memref<1x80xi32, #tpu.memory_space<vmem>>
    %dma_start3A_55 = tpu.memref_squeeze %dma_start3A_54 : memref<1x80xi32, #tpu.memory_space<vmem>> -> memref<80xi32, #tpu.memory_space<vmem>>
    %dma_start3A_56 = arith.constant 0 : i32
    %dma_start3A_57 = arith.constant 0 : i32
    %dma_start3A_58 = tpu.memref_slice %arg6[%dma_start3A_56, %dma_start3A_57] : memref<10000x128xf32, #tpu.memory_space<vmem_shared>> -> memref<10000x128xf32, #tpu.memory_space<vmem_shared>>
    tpu.enqueue_indirect_dma source(%arg8 : memref<80x128xf32, #tpu.memory_space<vmem>>) target(%dma_start3A_58 : memref<10000x128xf32, #tpu.memory_space<vmem_shared>>) offsets(%dma_start3A_55 : memref<80xi32, #tpu.memory_space<vmem>>) semaphore(%arg12 : memref<!tpu.dma_semaphore, #tpu.memory_space<semaphore_mem>>) {add = true}
    %dma_wait3A_59 = arith.constant 124 : i32
    %dma_wait3A_60 = arith.constant 0 : i32
    %dma_wait3A_61 = tpu.memref_slice %arg10[%dma_wait3A_59, %dma_wait3A_60] : memref<125x80xi32, #tpu.memory_space<vmem>> -> memref<1x80xi32, #tpu.memory_space<vmem>>
    %dma_wait3A_62 = tpu.memref_squeeze %dma_wait3A_61 : memref<1x80xi32, #tpu.memory_space<vmem>> -> memref<80xi32, #tpu.memory_space<vmem>>
    %dma_wait3A_63 = arith.constant 0 : i32
    %dma_wait3A_64 = arith.constant 0 : i32
    %dma_wait3A_65 = tpu.memref_slice %arg6[%dma_wait3A_63, %dma_wait3A_64] : memref<10000x128xf32, #tpu.memory_space<vmem_shared>> -> memref<10000x128xf32, #tpu.memory_space<vmem_shared>>
    tpu.wait_indirect_dma semaphore(%arg11 : memref<!tpu.dma_semaphore, #tpu.memory_space<semaphore_mem>>) src(%arg7 : memref<80x128xf32, #tpu.memory_space<vmem>>) dst(%dma_wait3A_65 : memref<10000x128xf32, #tpu.memory_space<vmem_shared>>)
    %dma_wait3A_66 = arith.constant 0 : i32
    %dma_wait3A_67 = arith.constant 0 : i32
    %dma_wait3A_68 = tpu.memref_slice %arg10[%dma_wait3A_66, %dma_wait3A_67] : memref<125x80xi32, #tpu.memory_space<vmem>> -> memref<1x80xi32, #tpu.memory_space<vmem>>
    %dma_wait3A_69 = tpu.memref_squeeze %dma_wait3A_68 : memref<1x80xi32, #tpu.memory_space<vmem>> -> memref<80xi32, #tpu.memory_space<vmem>>
    %dma_wait3A_70 = arith.constant 0 : i32
    %dma_wait3A_71 = arith.constant 0 : i32
    %dma_wait3A_72 = tpu.memref_slice %arg6[%dma_wait3A_70, %dma_wait3A_71] : memref<10000x128xf32, #tpu.memory_space<vmem_shared>> -> memref<10000x128xf32, #tpu.memory_space<vmem_shared>>
    tpu.wait_indirect_dma semaphore(%arg12 : memref<!tpu.dma_semaphore, #tpu.memory_space<semaphore_mem>>) src(%arg8 : memref<80x128xf32, #tpu.memory_space<vmem>>) dst(%dma_wait3A_72 : memref<10000x128xf32, #tpu.memory_space<vmem_shared>>)
    %barrier3A_73 = arith.constant 0 : index
    tpu.barrier barrier_id(%barrier3A_73)
    %mul3A_74 = arith.constant 624 : i32
    %mul3A_75 = arith.muli %arg1, %mul3A_74 : i32
    %mul3A_76 = arith.constant 624 : i32
    %mul3A_77 = arith.muli %arg1, %mul3A_76 : i32
    "tpu.region"() ({
      %run_scoped3A = tpu.sem_alloc : memref<!tpu.dma_semaphore, #tpu.memory_space<semaphore_mem>>
      %dma_start3A_83 = arith.constant 0 : i32
      %dma_start3A_84 = tpu.memref_slice %arg5[%arg0, %mul3A_77, %dma_start3A_83] : memref<2x10000x128xf32, #tpu.memory_space<hbm>> -> memref<1x624x128xf32, #tpu.memory_space<hbm>>
      %dma_start3A_85 = tpu.memref_squeeze %dma_start3A_84 : memref<1x624x128xf32, #tpu.memory_space<hbm>> -> memref<624x128xf32, #tpu.memory_space<hbm>>
      %dma_start3A_86 = arith.constant 0 : i32
      %dma_start3A_87 = tpu.memref_slice %arg6[%mul3A_75, %dma_start3A_86] : memref<10000x128xf32, #tpu.memory_space<vmem_shared>> -> memref<624x128xf32, #tpu.memory_space<vmem_shared>>
      tpu.enqueue_dma source(%dma_start3A_87 : memref<624x128xf32, #tpu.memory_space<vmem_shared>>) target(%dma_start3A_85 : memref<624x128xf32, #tpu.memory_space<hbm>>) target_semaphore(%run_scoped3A : memref<!tpu.dma_semaphore, #tpu.memory_space<semaphore_mem>>)
      %dma_wait3A_88 = arith.constant 0 : i32
      %dma_wait3A_89 = tpu.memref_slice %arg5[%arg0, %mul3A_77, %dma_wait3A_88] : memref<2x10000x128xf32, #tpu.memory_space<hbm>> -> memref<1x624x128xf32, #tpu.memory_space<hbm>>
      %dma_wait3A_90 = tpu.memref_squeeze %dma_wait3A_89 : memref<1x624x128xf32, #tpu.memory_space<hbm>> -> memref<624x128xf32, #tpu.memory_space<hbm>>
      %dma_wait3A_91 = arith.constant 0 : i32
      %dma_wait3A_92 = tpu.memref_slice %arg6[%mul3A_75, %dma_wait3A_91] : memref<10000x128xf32, #tpu.memory_space<vmem_shared>> -> memref<624x128xf32, #tpu.memory_space<vmem_shared>>
      tpu.wait_dma2 semaphore(%run_scoped3A : memref<!tpu.dma_semaphore, #tpu.memory_space<semaphore_mem>>) src(%dma_wait3A_92 : memref<624x128xf32, #tpu.memory_space<vmem_shared>>) dst(%dma_wait3A_90 : memref<624x128xf32, #tpu.memory_space<hbm>>)
      tpu.yield
    }) : () -> ()
    %eq3A_78 = arith.constant 15 : i32
    %eq3A_79 = arith.cmpi eq, %arg1, %eq3A_78 : i32
    %convert_element_type3A_80 = arith.extui %eq3A_79 : i1 to i32
    %cond3A_81 = arith.constant 0 : i32
    %cond3A_82 = arith.cmpi ne, %convert_element_type3A_80, %cond3A_81 : i32
    scf.if %cond3A_82 {
      "tpu.region"() ({
        %run_scoped3A = tpu.sem_alloc : memref<!tpu.dma_semaphore, #tpu.memory_space<semaphore_mem>>
        %dma_start3A_83 = arith.constant 9984 : i32
        %dma_start3A_84 = arith.constant 0 : i32
        %dma_start3A_85 = tpu.memref_slice %arg5[%arg0, %dma_start3A_83, %dma_start3A_84] : memref<2x10000x128xf32, #tpu.memory_space<hbm>> -> memref<1x16x128xf32, #tpu.memory_space<hbm>>
        %dma_start3A_86 = tpu.memref_squeeze %dma_start3A_85 : memref<1x16x128xf32, #tpu.memory_space<hbm>> -> memref<16x128xf32, #tpu.memory_space<hbm>>
        %dma_start3A_87 = arith.constant 9984 : i32
        %dma_start3A_88 = arith.constant 0 : i32
        %dma_start3A_89 = tpu.memref_slice %arg6[%dma_start3A_87, %dma_start3A_88] : memref<10000x128xf32, #tpu.memory_space<vmem_shared>> -> memref<16x128xf32, #tpu.memory_space<vmem_shared>>
        tpu.enqueue_dma source(%dma_start3A_89 : memref<16x128xf32, #tpu.memory_space<vmem_shared>>) target(%dma_start3A_86 : memref<16x128xf32, #tpu.memory_space<hbm>>) target_semaphore(%run_scoped3A : memref<!tpu.dma_semaphore, #tpu.memory_space<semaphore_mem>>)
        %dma_wait3A_90 = arith.constant 9984 : i32
        %dma_wait3A_91 = arith.constant 0 : i32
        %dma_wait3A_92 = tpu.memref_slice %arg5[%arg0, %dma_wait3A_90, %dma_wait3A_91] : memref<2x10000x128xf32, #tpu.memory_space<hbm>> -> memref<1x16x128xf32, #tpu.memory_space<hbm>>
        %dma_wait3A_93 = tpu.memref_squeeze %dma_wait3A_92 : memref<1x16x128xf32, #tpu.memory_space<hbm>> -> memref<16x128xf32, #tpu.memory_space<hbm>>
        %dma_wait3A_94 = arith.constant 9984 : i32
        %dma_wait3A_95 = arith.constant 0 : i32
        %dma_wait3A_96 = tpu.memref_slice %arg6[%dma_wait3A_94, %dma_wait3A_95] : memref<10000x128xf32, #tpu.memory_space<vmem_shared>> -> memref<16x128xf32, #tpu.memory_space<vmem_shared>>
        tpu.wait_dma2 semaphore(%run_scoped3A : memref<!tpu.dma_semaphore, #tpu.memory_space<semaphore_mem>>) src(%dma_wait3A_96 : memref<16x128xf32, #tpu.memory_space<vmem_shared>>) dst(%dma_wait3A_93 : memref<16x128xf32, #tpu.memory_space<hbm>>)
        tpu.yield
      }) : () -> ()
    } else {
    }
    return
  }
}

module attributes {stable_mosaic.version = 14 : i64} {
  func.func @_proj_body(%arg0: i32, %arg1: memref<2000x128xf32, #tpu.memory_space<vmem>>, %arg2: memref<128x128xbf16, #tpu.memory_space<vmem>>, %arg3: memref<1x128xf32, #tpu.memory_space<vmem>>, %arg4: memref<2000x128xf32, #tpu.memory_space<vmem>>, %arg5: memref<2000x128xbf16, #tpu.memory_space<vmem>>) attributes {dimension_semantics = [#tpu.dimension_semantics<arbitrary>], iteration_bounds = array<i64: 5>, scalar_prefetch = 0 : i64, scratch_operands = 0 : i64, tpu.core_type = #tpu.core_type<tc>, window_params = [{transform_indices = @transform_0, window_bounds = array<i64: 2000, 128>}, {pipeline_mode = #tpu.pipeline_mode<synchronous>, transform_indices = @transform_1, window_bounds = array<i64: 128, 128>}, {pipeline_mode = #tpu.pipeline_mode<synchronous>, transform_indices = @transform_2, window_bounds = array<i64: 1, 128>}, {transform_indices = @transform_3, window_bounds = array<i64: 2000, 128>}, {transform_indices = @transform_4, window_bounds = array<i64: 2000, 128>}]} {
    %get3A = arith.constant 0 : index
    %get3A_0 = arith.constant 0 : index
    %get3A_1 = vector.load %arg1[%get3A, %get3A_0] : memref<2000x128xf32, #tpu.memory_space<vmem>>, vector<2000x128xf32>
    %convert_element_type3A = arith.truncf %get3A_1 : vector<2000x128xf32> to vector<2000x128xbf16>
    %get3A_2 = arith.constant 0 : index
    %get3A_3 = arith.constant 0 : index
    %get3A_4 = vector.load %arg2[%get3A_2, %get3A_3] : memref<128x128xbf16, #tpu.memory_space<vmem>>, vector<128x128xbf16>
    %dot_general3A = arith.constant dense<0.000000e+00> : vector<2000x128xf32>
    %dot_general3A_5 = tpu.matmul %convert_element_type3A, %get3A_4, %dot_general3A {dimension_numbers = #tpu.dot_dimension_numbers<[1], [0], [0], [1], [0, 0, 1, 1], [], []>, transpose_lhs_hint = false} : vector<2000x128xbf16>, vector<128x128xbf16>, vector<2000x128xf32> -> vector<2000x128xf32>
    %get3A_6 = arith.constant 0 : index
    %get3A_7 = arith.constant 0 : index
    %get3A_8 = vector.load %arg3[%get3A_6, %get3A_7] : memref<1x128xf32, #tpu.memory_space<vmem>>, vector<1x128xf32>
    %add3A = vector.broadcast %get3A_8 : vector<1x128xf32> to vector<2000x128xf32>
    %add3A_9 = arith.addf %dot_general3A_5, %add3A : vector<2000x128xf32>
    %max3A = arith.constant 0.000000e+00 : f32
    %max3A_10 = vector.broadcast %max3A : f32 to vector<2000x128xf32>
    %max3A_11 = arith.maximumf %add3A_9, %max3A_10 : vector<2000x128xf32>
    %swap3A = arith.constant 0 : index
    %swap3A_12 = arith.constant 0 : index
    %swap3A_13 = vector.load %arg4[%swap3A, %swap3A_12] : memref<2000x128xf32, #tpu.memory_space<vmem>>, vector<2000x128xf32>
    tpu.vector_store %arg4[%swap3A, %swap3A_12], %max3A_11 {strides = array<i32>} : memref<2000x128xf32, #tpu.memory_space<vmem>>, vector<2000x128xf32>,
    %convert_element_type3A_14 = arith.truncf %max3A_11 : vector<2000x128xf32> to vector<2000x128xbf16>
    %swap3A_15 = arith.constant 0 : index
    %swap3A_16 = arith.constant 0 : index
    %swap3A_17 = vector.load %arg5[%swap3A_15, %swap3A_16] : memref<2000x128xbf16, #tpu.memory_space<vmem>>, vector<2000x128xbf16>
    tpu.vector_store %arg5[%swap3A_15, %swap3A_16], %convert_element_type3A_14 {strides = array<i32>} : memref<2000x128xbf16, #tpu.memory_space<vmem>>, vector<2000x128xbf16>,
    return
  }
  func.func @transform_0(%arg0: i32) -> (i32, i32) {
    %c0_i32 = arith.constant 0 : i32
    %c0_i32_0 = arith.constant 0 : i32
    return %arg0, %c0_i32 : i32, i32
  }
  func.func @transform_1(%arg0: i32) -> (i32, i32) {
    %c0_i32 = arith.constant 0 : i32
    %c0_i32_0 = arith.constant 0 : i32
    %c0_i32_1 = arith.constant 0 : i32
    return %c0_i32, %c0_i32_0 : i32, i32
  }
  func.func @transform_2(%arg0: i32) -> (i32, i32) {
    %c0_i32 = arith.constant 0 : i32
    %c0_i32_0 = arith.constant 0 : i32
    %c0_i32_1 = arith.constant 0 : i32
    return %c0_i32, %c0_i32_0 : i32, i32
  }
  func.func @transform_3(%arg0: i32) -> (i32, i32) {
    %c0_i32 = arith.constant 0 : i32
    %c0_i32_0 = arith.constant 0 : i32
    return %arg0, %c0_i32 : i32, i32
  }
  func.func @transform_4(%arg0: i32) -> (i32, i32) {
    %c0_i32 = arith.constant 0 : i32
    %c0_i32_0 = arith.constant 0 : i32
    return %arg0, %c0_i32 : i32, i32
  }
}

module attributes {stable_mosaic.version = 14 : i64} {
  func.func @body(%arg0: i32, %arg1: memref<1600x16xf32, #tpu.memory_space<vmem>>, %arg2: memref<1600x128xf32, #tpu.memory_space<vmem>>, %arg3: memref<1600x128xf32, #tpu.memory_space<vmem>>, %arg4: memref<16x128xbf16, #tpu.memory_space<vmem>>, %arg5: memref<1x128xf32, #tpu.memory_space<vmem>>, %arg6: memref<128x128xbf16, #tpu.memory_space<vmem>>, %arg7: memref<128x128xbf16, #tpu.memory_space<vmem>>, %arg8: memref<128x128xbf16, #tpu.memory_space<vmem>>, %arg9: memref<1x128xf32, #tpu.memory_space<vmem>>, %arg10: memref<128x128xbf16, #tpu.memory_space<vmem>>, %arg11: memref<1x128xf32, #tpu.memory_space<vmem>>, %arg12: memref<128x128xbf16, #tpu.memory_space<vmem>>, %arg13: memref<128x128xbf16, #tpu.memory_space<vmem>>, %arg14: memref<128x128xbf16, #tpu.memory_space<vmem>>, %arg15: memref<1x128xf32, #tpu.memory_space<vmem>>, %arg16: memref<128x128xbf16, #tpu.memory_space<vmem>>, %arg17: memref<1x128xf32, #tpu.memory_space<vmem>>, %arg18: memref<128x128xbf16, #tpu.memory_space<vmem>>, %arg19: memref<1x128xf32, #tpu.memory_space<vmem>>, %arg20: memref<1600x128xbf16, #tpu.memory_space<vmem>>, %arg21: memref<1600x128xf32, #tpu.memory_space<vmem>>, %arg22: memref<1x128xf32, #tpu.memory_space<vmem>>, %arg23: memref<1x128xf32, #tpu.memory_space<vmem>>) attributes {dimension_semantics = [#tpu.dimension_semantics<arbitrary>], iteration_bounds = array<i64: 200>, scalar_prefetch = 0 : i64, scratch_operands = 0 : i64, tpu.core_type = #tpu.core_type<tc>, window_params = [{transform_indices = @transform_0, window_bounds = array<i64: 1600, 16>}, {transform_indices = @transform_1, window_bounds = array<i64: 1600, 128>}, {transform_indices = @transform_2, window_bounds = array<i64: 1600, 128>}, {pipeline_mode = #tpu.pipeline_mode<synchronous>, transform_indices = @transform_3, window_bounds = array<i64: 16, 128>}, {pipeline_mode = #tpu.pipeline_mode<synchronous>, transform_indices = @transform_4, window_bounds = array<i64: 1, 128>}, {pipeline_mode = #tpu.pipeline_mode<synchronous>, transform_indices = @transform_5, window_bounds = array<i64: 128, 128>}, {pipeline_mode = #tpu.pipeline_mode<synchronous>, transform_indices = @transform_6, window_bounds = array<i64: 128, 128>}, {pipeline_mode = #tpu.pipeline_mode<synchronous>, transform_indices = @transform_7, window_bounds = array<i64: 128, 128>}, {pipeline_mode = #tpu.pipeline_mode<synchronous>, transform_indices = @transform_8, window_bounds = array<i64: 1, 128>}, {pipeline_mode = #tpu.pipeline_mode<synchronous>, transform_indices = @transform_9, window_bounds = array<i64: 128, 128>}, {pipeline_mode = #tpu.pipeline_mode<synchronous>, transform_indices = @transform_10, window_bounds = array<i64: 1, 128>}, {pipeline_mode = #tpu.pipeline_mode<synchronous>, transform_indices = @transform_11, window_bounds = array<i64: 128, 128>}, {pipeline_mode = #tpu.pipeline_mode<synchronous>, transform_indices = @transform_12, window_bounds = array<i64: 128, 128>}, {pipeline_mode = #tpu.pipeline_mode<synchronous>, transform_indices = @transform_13, window_bounds = array<i64: 128, 128>}, {pipeline_mode = #tpu.pipeline_mode<synchronous>, transform_indices = @transform_14, window_bounds = array<i64: 1, 128>}, {pipeline_mode = #tpu.pipeline_mode<synchronous>, transform_indices = @transform_15, window_bounds = array<i64: 128, 128>}, {pipeline_mode = #tpu.pipeline_mode<synchronous>, transform_indices = @transform_16, window_bounds = array<i64: 1, 128>}, {pipeline_mode = #tpu.pipeline_mode<synchronous>, transform_indices = @transform_17, window_bounds = array<i64: 128, 128>}, {pipeline_mode = #tpu.pipeline_mode<synchronous>, transform_indices = @transform_18, window_bounds = array<i64: 1, 128>}, {transform_indices = @transform_19, window_bounds = array<i64: 1600, 128>}, {transform_indices = @transform_20, window_bounds = array<i64: 1600, 128>}, {pipeline_mode = #tpu.pipeline_mode<synchronous>, transform_indices = @transform_21, window_bounds = array<i64: 1, 128>}, {pipeline_mode = #tpu.pipeline_mode<synchronous>, transform_indices = @transform_22, window_bounds = array<i64: 1, 128>}]} {
    %get3A = arith.constant 0 : index
    %get3A_0 = arith.constant 0 : index
    %get3A_1 = vector.load %arg1[%get3A, %get3A_0] : memref<1600x16xf32, #tpu.memory_space<vmem>>, vector<1600x16xf32>
    %convert_element_type3A = arith.truncf %get3A_1 : vector<1600x16xf32> to vector<1600x16xbf16>
    %get3A_2 = arith.constant 0 : index
    %get3A_3 = arith.constant 0 : index
    %get3A_4 = vector.load %arg4[%get3A_2, %get3A_3] : memref<16x128xbf16, #tpu.memory_space<vmem>>, vector<16x128xbf16>
    %dot_general3A = arith.constant dense<0.000000e+00> : vector<1600x128xf32>
    %dot_general3A_5 = tpu.matmul %convert_element_type3A, %get3A_4, %dot_general3A {dimension_numbers = #tpu.dot_dimension_numbers<[1], [0], [0], [1], [0, 0, 1, 1], [], []>, transpose_lhs_hint = false} : vector<1600x16xbf16>, vector<16x128xbf16>, vector<1600x128xf32> -> vector<1600x128xf32>
    %get3A_6 = arith.constant 0 : index
    %get3A_7 = arith.constant 0 : index
    %get3A_8 = vector.load %arg5[%get3A_6, %get3A_7] : memref<1x128xf32, #tpu.memory_space<vmem>>, vector<1x128xf32>
    %add3A = vector.broadcast %get3A_8 : vector<1x128xf32> to vector<1600x128xf32>
    %add3A_9 = arith.addf %dot_general3A_5, %add3A : vector<1600x128xf32>
    %max3A = arith.constant 0.000000e+00 : f32
    %max3A_10 = vector.broadcast %max3A : f32 to vector<1600x128xf32>
    %max3A_11 = arith.maximumf %add3A_9, %max3A_10 : vector<1600x128xf32>
    %convert_element_type3A_12 = arith.truncf %max3A_11 : vector<1600x128xf32> to vector<1600x128xbf16>
    %get3A_13 = arith.constant 0 : index
    %get3A_14 = arith.constant 0 : index
    %get3A_15 = vector.load %arg2[%get3A_13, %get3A_14] : memref<1600x128xf32, #tpu.memory_space<vmem>>, vector<1600x128xf32>
    %convert_element_type3A_16 = arith.truncf %get3A_15 : vector<1600x128xf32> to vector<1600x128xbf16>
    %get3A_17 = arith.constant 0 : index
    %get3A_18 = arith.constant 0 : index
    %get3A_19 = vector.load %arg3[%get3A_17, %get3A_18] : memref<1600x128xf32, #tpu.memory_space<vmem>>, vector<1600x128xf32>
    %convert_element_type3A_20 = arith.truncf %get3A_19 : vector<1600x128xf32> to vector<1600x128xbf16>
    %get3A_21 = arith.constant 0 : index
    %get3A_22 = arith.constant 0 : index
    %get3A_23 = vector.load %arg6[%get3A_21, %get3A_22] : memref<128x128xbf16, #tpu.memory_space<vmem>>, vector<128x128xbf16>
    %dot_general3A_24 = arith.constant dense<0.000000e+00> : vector<1600x128xf32>
    %dot_general3A_25 = tpu.matmul %convert_element_type3A_16, %get3A_23, %dot_general3A_24 {dimension_numbers = #tpu.dot_dimension_numbers<[1], [0], [0], [1], [0, 0, 1, 1], [], []>, transpose_lhs_hint = false} : vector<1600x128xbf16>, vector<128x128xbf16>, vector<1600x128xf32> -> vector<1600x128xf32>
    %get3A_26 = arith.constant 0 : index
    %get3A_27 = arith.constant 0 : index
    %get3A_28 = vector.load %arg7[%get3A_26, %get3A_27] : memref<128x128xbf16, #tpu.memory_space<vmem>>, vector<128x128xbf16>
    %dot_general3A_29 = arith.constant dense<0.000000e+00> : vector<1600x128xf32>
    %dot_general3A_30 = tpu.matmul %convert_element_type3A_20, %get3A_28, %dot_general3A_29 {dimension_numbers = #tpu.dot_dimension_numbers<[1], [0], [0], [1], [0, 0, 1, 1], [], []>, transpose_lhs_hint = false} : vector<1600x128xbf16>, vector<128x128xbf16>, vector<1600x128xf32> -> vector<1600x128xf32>
    %add3A_31 = arith.addf %dot_general3A_25, %dot_general3A_30 : vector<1600x128xf32>
    %get3A_32 = arith.constant 0 : index
    %get3A_33 = arith.constant 0 : index
    %get3A_34 = vector.load %arg8[%get3A_32, %get3A_33] : memref<128x128xbf16, #tpu.memory_space<vmem>>, vector<128x128xbf16>
    %dot_general3A_35 = arith.constant dense<0.000000e+00> : vector<1600x128xf32>
    %dot_general3A_36 = tpu.matmul %convert_element_type3A_12, %get3A_34, %dot_general3A_35 {dimension_numbers = #tpu.dot_dimension_numbers<[1], [0], [0], [1], [0, 0, 1, 1], [], []>, transpose_lhs_hint = false} : vector<1600x128xbf16>, vector<128x128xbf16>, vector<1600x128xf32> -> vector<1600x128xf32>
    %add3A_37 = arith.addf %add3A_31, %dot_general3A_36 : vector<1600x128xf32>
    %get3A_38 = arith.constant 0 : index
    %get3A_39 = arith.constant 0 : index
    %get3A_40 = vector.load %arg9[%get3A_38, %get3A_39] : memref<1x128xf32, #tpu.memory_space<vmem>>, vector<1x128xf32>
    %add3A_41 = vector.broadcast %get3A_40 : vector<1x128xf32> to vector<1600x128xf32>
    %add3A_42 = arith.addf %add3A_37, %add3A_41 : vector<1600x128xf32>
    %max3A_43 = arith.constant 0.000000e+00 : f32
    %max3A_44 = vector.broadcast %max3A_43 : f32 to vector<1600x128xf32>
    %max3A_45 = arith.maximumf %add3A_42, %max3A_44 : vector<1600x128xf32>
    %convert_element_type3A_46 = arith.truncf %max3A_45 : vector<1600x128xf32> to vector<1600x128xbf16>
    %get3A_47 = arith.constant 0 : index
    %get3A_48 = arith.constant 0 : index
    %get3A_49 = vector.load %arg10[%get3A_47, %get3A_48] : memref<128x128xbf16, #tpu.memory_space<vmem>>, vector<128x128xbf16>
    %dot_general3A_50 = arith.constant dense<0.000000e+00> : vector<1600x128xf32>
    %dot_general3A_51 = tpu.matmul %convert_element_type3A_46, %get3A_49, %dot_general3A_50 {dimension_numbers = #tpu.dot_dimension_numbers<[1], [0], [0], [1], [0, 0, 1, 1], [], []>, transpose_lhs_hint = false} : vector<1600x128xbf16>, vector<128x128xbf16>, vector<1600x128xf32> -> vector<1600x128xf32>
    %get3A_52 = arith.constant 0 : index
    %get3A_53 = arith.constant 0 : index
    %get3A_54 = vector.load %arg11[%get3A_52, %get3A_53] : memref<1x128xf32, #tpu.memory_space<vmem>>, vector<1x128xf32>
    %add3A_55 = vector.broadcast %get3A_54 : vector<1x128xf32> to vector<1600x128xf32>
    %add3A_56 = arith.addf %dot_general3A_51, %add3A_55 : vector<1600x128xf32>
    %convert_element_type3A_57 = arith.truncf %add3A_56 : vector<1600x128xf32> to vector<1600x128xbf16>
    %swap3A = arith.constant 0 : index
    %swap3A_58 = arith.constant 0 : index
    %swap3A_59 = vector.load %arg20[%swap3A, %swap3A_58] : memref<1600x128xbf16, #tpu.memory_space<vmem>>, vector<1600x128xbf16>
    tpu.vector_store %arg20[%swap3A, %swap3A_58], %convert_element_type3A_57 {strides = array<i32>} : memref<1600x128xbf16, #tpu.memory_space<vmem>>, vector<1600x128xbf16>,
    %convert_element_type3A_60 = arith.extf %convert_element_type3A_57 : vector<1600x128xbf16> to vector<1600x128xf32>
    %get3A_61 = arith.constant 0 : index
    %get3A_62 = arith.constant 0 : index
    %get3A_63 = vector.load %arg12[%get3A_61, %get3A_62] : memref<128x128xbf16, #tpu.memory_space<vmem>>, vector<128x128xbf16>
    %dot_general3A_64 = arith.constant dense<0.000000e+00> : vector<1600x128xf32>
    %dot_general3A_65 = tpu.matmul %convert_element_type3A_20, %get3A_63, %dot_general3A_64 {dimension_numbers = #tpu.dot_dimension_numbers<[1], [0], [0], [1], [0, 0, 1, 1], [], []>, transpose_lhs_hint = false} : vector<1600x128xbf16>, vector<128x128xbf16>, vector<1600x128xf32> -> vector<1600x128xf32>
    %get3A_66 = arith.constant 0 : index
    %get3A_67 = arith.constant 0 : index
    %get3A_68 = vector.load %arg13[%get3A_66, %get3A_67] : memref<128x128xbf16, #tpu.memory_space<vmem>>, vector<128x128xbf16>
    %dot_general3A_69 = arith.constant dense<0.000000e+00> : vector<1600x128xf32>
    %dot_general3A_70 = tpu.matmul %convert_element_type3A_16, %get3A_68, %dot_general3A_69 {dimension_numbers = #tpu.dot_dimension_numbers<[1], [0], [0], [1], [0, 0, 1, 1], [], []>, transpose_lhs_hint = false} : vector<1600x128xbf16>, vector<128x128xbf16>, vector<1600x128xf32> -> vector<1600x128xf32>
    %add3A_71 = arith.addf %dot_general3A_65, %dot_general3A_70 : vector<1600x128xf32>
    %get3A_72 = arith.constant 0 : index
    %get3A_73 = arith.constant 0 : index
    %get3A_74 = vector.load %arg14[%get3A_72, %get3A_73] : memref<128x128xbf16, #tpu.memory_space<vmem>>, vector<128x128xbf16>
    %dot_general3A_75 = arith.constant dense<0.000000e+00> : vector<1600x128xf32>
    %dot_general3A_76 = tpu.matmul %convert_element_type3A_57, %get3A_74, %dot_general3A_75 {dimension_numbers = #tpu.dot_dimension_numbers<[1], [0], [0], [1], [0, 0, 1, 1], [], []>, transpose_lhs_hint = false} : vector<1600x128xbf16>, vector<128x128xbf16>, vector<1600x128xf32> -> vector<1600x128xf32>
    %add3A_77 = arith.addf %add3A_71, %dot_general3A_76 : vector<1600x128xf32>
    %get3A_78 = arith.constant 0 : index
    %get3A_79 = arith.constant 0 : index
    %get3A_80 = vector.load %arg15[%get3A_78, %get3A_79] : memref<1x128xf32, #tpu.memory_space<vmem>>, vector<1x128xf32>
    %add3A_81 = vector.broadcast %get3A_80 : vector<1x128xf32> to vector<1600x128xf32>
    %add3A_82 = arith.addf %add3A_77, %add3A_81 : vector<1600x128xf32>
    %max3A_83 = arith.constant 0.000000e+00 : f32
    %max3A_84 = vector.broadcast %max3A_83 : f32 to vector<1600x128xf32>
    %max3A_85 = arith.maximumf %add3A_82, %max3A_84 : vector<1600x128xf32>
    %convert_element_type3A_86 = arith.truncf %max3A_85 : vector<1600x128xf32> to vector<1600x128xbf16>
    %get3A_87 = arith.constant 0 : index
    %get3A_88 = arith.constant 0 : index
    %get3A_89 = vector.load %arg16[%get3A_87, %get3A_88] : memref<128x128xbf16, #tpu.memory_space<vmem>>, vector<128x128xbf16>
    %dot_general3A_90 = arith.constant dense<0.000000e+00> : vector<1600x128xf32>
    %dot_general3A_91 = tpu.matmul %convert_element_type3A_86, %get3A_89, %dot_general3A_90 {dimension_numbers = #tpu.dot_dimension_numbers<[1], [0], [0], [1], [0, 0, 1, 1], [], []>, transpose_lhs_hint = false} : vector<1600x128xbf16>, vector<128x128xbf16>, vector<1600x128xf32> -> vector<1600x128xf32>
    %get3A_92 = arith.constant 0 : index
    %get3A_93 = arith.constant 0 : index
    %get3A_94 = vector.load %arg17[%get3A_92, %get3A_93] : memref<1x128xf32, #tpu.memory_space<vmem>>, vector<1x128xf32>
    %add3A_95 = vector.broadcast %get3A_94 : vector<1x128xf32> to vector<1600x128xf32>
    %add3A_96 = arith.addf %dot_general3A_91, %add3A_95 : vector<1600x128xf32>
    %max3A_97 = arith.constant 0.000000e+00 : f32
    %max3A_98 = vector.broadcast %max3A_97 : f32 to vector<1600x128xf32>
    %max3A_99 = arith.maximumf %add3A_96, %max3A_98 : vector<1600x128xf32>
    %convert_element_type3A_100 = arith.truncf %max3A_99 : vector<1600x128xf32> to vector<1600x128xbf16>
    %get3A_101 = arith.constant 0 : index
    %get3A_102 = arith.constant 0 : index
    %get3A_103 = vector.load %arg18[%get3A_101, %get3A_102] : memref<128x128xbf16, #tpu.memory_space<vmem>>, vector<128x128xbf16>
    %dot_general3A_104 = arith.constant dense<0.000000e+00> : vector<1600x128xf32>
    %dot_general3A_105 = tpu.matmul %convert_element_type3A_100, %get3A_103, %dot_general3A_104 {dimension_numbers = #tpu.dot_dimension_numbers<[1], [0], [0], [1], [0, 0, 1, 1], [], []>, transpose_lhs_hint = false} : vector<1600x128xbf16>, vector<128x128xbf16>, vector<1600x128xf32> -> vector<1600x128xf32>
    %get3A_106 = arith.constant 0 : index
    %get3A_107 = arith.constant 0 : index
    %get3A_108 = vector.load %arg19[%get3A_106, %get3A_107] : memref<1x128xf32, #tpu.memory_space<vmem>>, vector<1x128xf32>
    %add3A_109 = vector.broadcast %get3A_108 : vector<1x128xf32> to vector<1600x128xf32>
    %add3A_110 = arith.addf %dot_general3A_105, %add3A_109 : vector<1600x128xf32>
    %swap3A_111 = arith.constant 0 : index
    %swap3A_112 = arith.constant 0 : index
    %swap3A_113 = vector.load %arg21[%swap3A_111, %swap3A_112] : memref<1600x128xf32, #tpu.memory_space<vmem>>, vector<1600x128xf32>
    tpu.vector_store %arg21[%swap3A_111, %swap3A_112], %add3A_110 {strides = array<i32>} : memref<1600x128xf32, #tpu.memory_space<vmem>>, vector<1600x128xf32>,
    %eq3A = arith.constant 0 : i32
    %eq3A_114 = arith.cmpi eq, %arg0, %eq3A : i32
    %convert_element_type3A_115 = arith.extui %eq3A_114 : i1 to i32
    %cond3A = arith.constant 0 : i32
    %cond3A_116 = arith.cmpi ne, %convert_element_type3A_115, %cond3A : i32
    scf.if %cond3A_116 {
      %broadcast_in_dim3A_135 = arith.constant 0.000000e+00 : f32
      %broadcast_in_dim3A_136 = vector.broadcast %broadcast_in_dim3A_135 : f32 to vector<1x128xf32>
      %swap3A_137 = arith.constant 0 : index
      %swap3A_138 = arith.constant 0 : index
      %swap3A_139 = vector.load %arg22[%swap3A_137, %swap3A_138] : memref<1x128xf32, #tpu.memory_space<vmem>>, vector<1x128xf32>
      tpu.vector_store %arg22[%swap3A_137, %swap3A_138], %broadcast_in_dim3A_136 {strides = array<i32>} : memref<1x128xf32, #tpu.memory_space<vmem>>, vector<1x128xf32>,
      %broadcast_in_dim3A_140 = arith.constant 0.000000e+00 : f32
      %broadcast_in_dim3A_141 = vector.broadcast %broadcast_in_dim3A_140 : f32 to vector<1x128xf32>
      %swap3A_142 = arith.constant 0 : index
      %swap3A_143 = arith.constant 0 : index
      %swap3A_144 = vector.load %arg23[%swap3A_142, %swap3A_143] : memref<1x128xf32, #tpu.memory_space<vmem>>, vector<1x128xf32>
      tpu.vector_store %arg23[%swap3A_142, %swap3A_143], %broadcast_in_dim3A_141 {strides = array<i32>} : memref<1x128xf32, #tpu.memory_space<vmem>>, vector<1x128xf32>,
    } else {
    }
    %get3A_117 = arith.constant 0 : index
    %get3A_118 = arith.constant 0 : index
    %get3A_119 = vector.load %arg22[%get3A_117, %get3A_118] : memref<1x128xf32, #tpu.memory_space<vmem>>, vector<1x128xf32>
    %reduce_sum3A = arith.constant dense<0.000000e+00> : vector<128xf32>
    %reduce_sum3A_120 = vector.multi_reduction <add>, %convert_element_type3A_60, %reduce_sum3A [0] : vector<1600x128xf32> to vector<128xf32>
    %broadcast_in_dim3A = vector.shape_cast %reduce_sum3A_120 : vector<128xf32> to vector<1x128xf32>
    %add3A_121 = arith.addf %get3A_119, %broadcast_in_dim3A : vector<1x128xf32>
    %swap3A_122 = arith.constant 0 : index
    %swap3A_123 = arith.constant 0 : index
    %swap3A_124 = vector.load %arg22[%swap3A_122, %swap3A_123] : memref<1x128xf32, #tpu.memory_space<vmem>>, vector<1x128xf32>
    tpu.vector_store %arg22[%swap3A_122, %swap3A_123], %add3A_121 {strides = array<i32>} : memref<1x128xf32, #tpu.memory_space<vmem>>, vector<1x128xf32>,
    %get3A_125 = arith.constant 0 : index
    %get3A_126 = arith.constant 0 : index
    %get3A_127 = vector.load %arg23[%get3A_125, %get3A_126] : memref<1x128xf32, #tpu.memory_space<vmem>>, vector<1x128xf32>
    %mul3A = arith.mulf %convert_element_type3A_60, %convert_element_type3A_60 : vector<1600x128xf32>
    %reduce_sum3A_128 = arith.constant dense<0.000000e+00> : vector<128xf32>
    %reduce_sum3A_129 = vector.multi_reduction <add>, %mul3A, %reduce_sum3A_128 [0] : vector<1600x128xf32> to vector<128xf32>
    %broadcast_in_dim3A_130 = vector.shape_cast %reduce_sum3A_129 : vector<128xf32> to vector<1x128xf32>
    %add3A_131 = arith.addf %get3A_127, %broadcast_in_dim3A_130 : vector<1x128xf32>
    %swap3A_132 = arith.constant 0 : index
    %swap3A_133 = arith.constant 0 : index
    %swap3A_134 = vector.load %arg23[%swap3A_132, %swap3A_133] : memref<1x128xf32, #tpu.memory_space<vmem>>, vector<1x128xf32>
    tpu.vector_store %arg23[%swap3A_132, %swap3A_133], %add3A_131 {strides = array<i32>} : memref<1x128xf32, #tpu.memory_space<vmem>>, vector<1x128xf32>,
    return
  }
  func.func @transform_0(%arg0: i32) -> (i32, i32) {
    %c0_i32 = arith.constant 0 : i32
    %c0_i32_0 = arith.constant 0 : i32
    return %arg0, %c0_i32 : i32, i32
  }
  func.func @transform_1(%arg0: i32) -> (i32, i32) {
    %c0_i32 = arith.constant 0 : i32
    %c0_i32_0 = arith.constant 0 : i32
    return %arg0, %c0_i32 : i32, i32
  }
  func.func @transform_2(%arg0: i32) -> (i32, i32) {
    %c0_i32 = arith.constant 0 : i32
    %c0_i32_0 = arith.constant 0 : i32
    return %arg0, %c0_i32 : i32, i32
  }
  func.func @transform_3(%arg0: i32) -> (i32, i32) {
    %c0_i32 = arith.constant 0 : i32
    %c0_i32_0 = arith.constant 0 : i32
    %c0_i32_1 = arith.constant 0 : i32
    return %c0_i32, %c0_i32_0 : i32, i32
  }
  func.func @transform_4(%arg0: i32) -> (i32, i32) {
    %c0_i32 = arith.constant 0 : i32
    %c0_i32_0 = arith.constant 0 : i32
    %c0_i32_1 = arith.constant 0 : i32
    return %c0_i32, %c0_i32_0 : i32, i32
  }
  func.func @transform_5(%arg0: i32) -> (i32, i32) {
    %c0_i32 = arith.constant 0 : i32
    %c0_i32_0 = arith.constant 0 : i32
    %c0_i32_1 = arith.constant 0 : i32
    return %c0_i32, %c0_i32_0 : i32, i32
  }
  func.func @transform_6(%arg0: i32) -> (i32, i32) {
    %c0_i32 = arith.constant 0 : i32
    %c0_i32_0 = arith.constant 0 : i32
    %c0_i32_1 = arith.constant 0 : i32
    return %c0_i32, %c0_i32_0 : i32, i32
  }
  func.func @transform_7(%arg0: i32) -> (i32, i32) {
    %c0_i32 = arith.constant 0 : i32
    %c0_i32_0 = arith.constant 0 : i32
    %c0_i32_1 = arith.constant 0 : i32
    return %c0_i32, %c0_i32_0 : i32, i32
  }
  func.func @transform_8(%arg0: i32) -> (i32, i32) {
    %c0_i32 = arith.constant 0 : i32
    %c0_i32_0 = arith.constant 0 : i32
    %c0_i32_1 = arith.constant 0 : i32
    return %c0_i32, %c0_i32_0 : i32, i32
  }
  func.func @transform_9(%arg0: i32) -> (i32, i32) {
    %c0_i32 = arith.constant 0 : i32
    %c0_i32_0 = arith.constant 0 : i32
    %c0_i32_1 = arith.constant 0 : i32
    return %c0_i32, %c0_i32_0 : i32, i32
  }
  func.func @transform_10(%arg0: i32) -> (i32, i32) {
    %c0_i32 = arith.constant 0 : i32
    %c0_i32_0 = arith.constant 0 : i32
    %c0_i32_1 = arith.constant 0 : i32
    return %c0_i32, %c0_i32_0 : i32, i32
  }
  func.func @transform_11(%arg0: i32) -> (i32, i32) {
    %c0_i32 = arith.constant 0 : i32
    %c0_i32_0 = arith.constant 0 : i32
    %c0_i32_1 = arith.constant 0 : i32
    return %c0_i32, %c0_i32_0 : i32, i32
  }
  func.func @transform_12(%arg0: i32) -> (i32, i32) {
    %c0_i32 = arith.constant 0 : i32
    %c0_i32_0 = arith.constant 0 : i32
    %c0_i32_1 = arith.constant 0 : i32
    return %c0_i32, %c0_i32_0 : i32, i32
  }
  func.func @transform_13(%arg0: i32) -> (i32, i32) {
    %c0_i32 = arith.constant 0 : i32
    %c0_i32_0 = arith.constant 0 : i32
    %c0_i32_1 = arith.constant 0 : i32
    return %c0_i32, %c0_i32_0 : i32, i32
  }
  func.func @transform_14(%arg0: i32) -> (i32, i32) {
    %c0_i32 = arith.constant 0 : i32
    %c0_i32_0 = arith.constant 0 : i32
    %c0_i32_1 = arith.constant 0 : i32
    return %c0_i32, %c0_i32_0 : i32, i32
  }
  func.func @transform_15(%arg0: i32) -> (i32, i32) {
    %c0_i32 = arith.constant 0 : i32
    %c0_i32_0 = arith.constant 0 : i32
    %c0_i32_1 = arith.constant 0 : i32
    return %c0_i32, %c0_i32_0 : i32, i32
  }
  func.func @transform_16(%arg0: i32) -> (i32, i32) {
    %c0_i32 = arith.constant 0 : i32
    %c0_i32_0 = arith.constant 0 : i32
    %c0_i32_1 = arith.constant 0 : i32
    return %c0_i32, %c0_i32_0 : i32, i32
  }
  func.func @transform_17(%arg0: i32) -> (i32, i32) {
    %c0_i32 = arith.constant 0 : i32
    %c0_i32_0 = arith.constant 0 : i32
    %c0_i32_1 = arith.constant 0 : i32
    return %c0_i32, %c0_i32_0 : i32, i32
  }
  func.func @transform_18(%arg0: i32) -> (i32, i32) {
    %c0_i32 = arith.constant 0 : i32
    %c0_i32_0 = arith.constant 0 : i32
    %c0_i32_1 = arith.constant 0 : i32
    return %c0_i32, %c0_i32_0 : i32, i32
  }
  func.func @transform_19(%arg0: i32) -> (i32, i32) {
    %c0_i32 = arith.constant 0 : i32
    %c0_i32_0 = arith.constant 0 : i32
    return %arg0, %c0_i32 : i32, i32
  }
  func.func @transform_20(%arg0: i32) -> (i32, i32) {
    %c0_i32 = arith.constant 0 : i32
    %c0_i32_0 = arith.constant 0 : i32
    return %arg0, %c0_i32 : i32, i32
  }
  func.func @transform_21(%arg0: i32) -> (i32, i32) {
    %c0_i32 = arith.constant 0 : i32
    %c0_i32_0 = arith.constant 0 : i32
    %c0_i32_1 = arith.constant 0 : i32
    return %c0_i32, %c0_i32_0 : i32, i32
  }
  func.func @transform_22(%arg0: i32) -> (i32, i32) {
    %c0_i32 = arith.constant 0 : i32
    %c0_i32_0 = arith.constant 0 : i32
    %c0_i32_1 = arith.constant 0 : i32
    return %c0_i32, %c0_i32_0 : i32, i32
  }
}

module attributes {stable_mosaic.version = 14 : i64} {
  func.func @body(%arg0: i32, %arg1: memref<10000x128xf32, #tpu.memory_space<vmem>>, %arg2: memref<2x10000x128xf32, #tpu.memory_space<vmem>>, %arg3: memref<128x128xbf16, #tpu.memory_space<vmem>>, %arg4: memref<128x128xbf16, #tpu.memory_space<vmem>>, %arg5: memref<1x128xf32, #tpu.memory_space<vmem>>, %arg6: memref<128x128xbf16, #tpu.memory_space<vmem>>, %arg7: memref<1x128xf32, #tpu.memory_space<vmem>>, %arg8: memref<1x128xf32, #tpu.memory_space<vmem>>, %arg9: memref<1x128xf32, #tpu.memory_space<vmem>>, %arg10: memref<10000x128xf32, #tpu.memory_space<vmem>>, %arg11: memref<10000x128xbf16, #tpu.memory_space<vmem>>) attributes {dimension_semantics = [#tpu.dimension_semantics<arbitrary>], iteration_bounds = array<i64: 1>, scalar_prefetch = 0 : i64, scratch_operands = 0 : i64, tpu.core_type = #tpu.core_type<tc>, window_params = [{pipeline_mode = #tpu.pipeline_mode<synchronous>, transform_indices = @transform_0, window_bounds = array<i64: 10000, 128>}, {pipeline_mode = #tpu.pipeline_mode<synchronous>, transform_indices = @transform_1, window_bounds = array<i64: 2, 10000, 128>}, {pipeline_mode = #tpu.pipeline_mode<synchronous>, transform_indices = @transform_2, window_bounds = array<i64: 128, 128>}, {pipeline_mode = #tpu.pipeline_mode<synchronous>, transform_indices = @transform_3, window_bounds = array<i64: 128, 128>}, {pipeline_mode = #tpu.pipeline_mode<synchronous>, transform_indices = @transform_4, window_bounds = array<i64: 1, 128>}, {pipeline_mode = #tpu.pipeline_mode<synchronous>, transform_indices = @transform_5, window_bounds = array<i64: 128, 128>}, {pipeline_mode = #tpu.pipeline_mode<synchronous>, transform_indices = @transform_6, window_bounds = array<i64: 1, 128>}, {pipeline_mode = #tpu.pipeline_mode<synchronous>, transform_indices = @transform_7, window_bounds = array<i64: 1, 128>}, {pipeline_mode = #tpu.pipeline_mode<synchronous>, transform_indices = @transform_8, window_bounds = array<i64: 1, 128>}, {pipeline_mode = #tpu.pipeline_mode<synchronous>, transform_indices = @transform_9, window_bounds = array<i64: 10000, 128>}, {pipeline_mode = #tpu.pipeline_mode<synchronous>, transform_indices = @transform_10, window_bounds = array<i64: 10000, 128>}]} {
    %get3A = arith.constant 0 : index
    %get3A_0 = arith.constant 0 : index
    %get3A_1 = arith.constant 0 : index
    %get3A_2 = vector.load %arg2[%get3A, %get3A_0, %get3A_1] : memref<2x10000x128xf32, #tpu.memory_space<vmem>>, vector<1x10000x128xf32>
    %get3A_3 = vector.shape_cast %get3A_2 : vector<1x10000x128xf32> to vector<10000x128xf32>
    %get3A_4 = arith.constant 1 : index
    %get3A_5 = arith.constant 0 : index
    %get3A_6 = arith.constant 0 : index
    %get3A_7 = vector.load %arg2[%get3A_4, %get3A_5, %get3A_6] : memref<2x10000x128xf32, #tpu.memory_space<vmem>>, vector<1x10000x128xf32>
    %get3A_8 = vector.shape_cast %get3A_7 : vector<1x10000x128xf32> to vector<10000x128xf32>
    %add3A = arith.addf %get3A_3, %get3A_8 : vector<10000x128xf32>
    %get3A_9 = arith.constant 0 : index
    %get3A_10 = arith.constant 0 : index
    %get3A_11 = vector.load %arg1[%get3A_9, %get3A_10] : memref<10000x128xf32, #tpu.memory_space<vmem>>, vector<10000x128xf32>
    %convert_element_type3A = arith.truncf %get3A_11 : vector<10000x128xf32> to vector<10000x128xbf16>
    %get3A_12 = arith.constant 0 : index
    %get3A_13 = arith.constant 0 : index
    %get3A_14 = vector.load %arg3[%get3A_12, %get3A_13] : memref<128x128xbf16, #tpu.memory_space<vmem>>, vector<128x128xbf16>
    %dot_general3A = arith.constant dense<0.000000e+00> : vector<10000x128xf32>
    %dot_general3A_15 = tpu.matmul %convert_element_type3A, %get3A_14, %dot_general3A {dimension_numbers = #tpu.dot_dimension_numbers<[1], [0], [0], [1], [0, 0, 1, 1], [], []>, transpose_lhs_hint = false} : vector<10000x128xbf16>, vector<128x128xbf16>, vector<10000x128xf32> -> vector<10000x128xf32>
    %convert_element_type3A_16 = arith.truncf %add3A : vector<10000x128xf32> to vector<10000x128xbf16>
    %get3A_17 = arith.constant 0 : index
    %get3A_18 = arith.constant 0 : index
    %get3A_19 = vector.load %arg4[%get3A_17, %get3A_18] : memref<128x128xbf16, #tpu.memory_space<vmem>>, vector<128x128xbf16>
    %dot_general3A_20 = arith.constant dense<0.000000e+00> : vector<10000x128xf32>
    %dot_general3A_21 = tpu.matmul %convert_element_type3A_16, %get3A_19, %dot_general3A_20 {dimension_numbers = #tpu.dot_dimension_numbers<[1], [0], [0], [1], [0, 0, 1, 1], [], []>, transpose_lhs_hint = false} : vector<10000x128xbf16>, vector<128x128xbf16>, vector<10000x128xf32> -> vector<10000x128xf32>
    %add3A_22 = arith.addf %dot_general3A_15, %dot_general3A_21 : vector<10000x128xf32>
    %get3A_23 = arith.constant 0 : index
    %get3A_24 = arith.constant 0 : index
    %get3A_25 = vector.load %arg5[%get3A_23, %get3A_24] : memref<1x128xf32, #tpu.memory_space<vmem>>, vector<1x128xf32>
    %add3A_26 = vector.broadcast %get3A_25 : vector<1x128xf32> to vector<10000x128xf32>
    %add3A_27 = arith.addf %add3A_22, %add3A_26 : vector<10000x128xf32>
    %max3A = arith.constant 0.000000e+00 : f32
    %max3A_28 = vector.broadcast %max3A : f32 to vector<10000x128xf32>
    %max3A_29 = arith.maximumf %add3A_27, %max3A_28 : vector<10000x128xf32>
    %convert_element_type3A_30 = arith.truncf %max3A_29 : vector<10000x128xf32> to vector<10000x128xbf16>
    %get3A_31 = arith.constant 0 : index
    %get3A_32 = arith.constant 0 : index
    %get3A_33 = vector.load %arg6[%get3A_31, %get3A_32] : memref<128x128xbf16, #tpu.memory_space<vmem>>, vector<128x128xbf16>
    %dot_general3A_34 = arith.constant dense<0.000000e+00> : vector<10000x128xf32>
    %dot_general3A_35 = tpu.matmul %convert_element_type3A_30, %get3A_33, %dot_general3A_34 {dimension_numbers = #tpu.dot_dimension_numbers<[1], [0], [0], [1], [0, 0, 1, 1], [], []>, transpose_lhs_hint = false} : vector<10000x128xbf16>, vector<128x128xbf16>, vector<10000x128xf32> -> vector<10000x128xf32>
    %get3A_36 = arith.constant 0 : index
    %get3A_37 = arith.constant 0 : index
    %get3A_38 = vector.load %arg7[%get3A_36, %get3A_37] : memref<1x128xf32, #tpu.memory_space<vmem>>, vector<1x128xf32>
    %add3A_39 = vector.broadcast %get3A_38 : vector<1x128xf32> to vector<10000x128xf32>
    %add3A_40 = arith.addf %dot_general3A_35, %add3A_39 : vector<10000x128xf32>
    %reduce_sum3A = arith.constant dense<0.000000e+00> : vector<128xf32>
    %reduce_sum3A_41 = vector.multi_reduction <add>, %add3A_40, %reduce_sum3A [0] : vector<10000x128xf32> to vector<128xf32>
    %broadcast_in_dim3A = vector.shape_cast %reduce_sum3A_41 : vector<128xf32> to vector<1x128xf32>
    %div3A = arith.constant 1.000000e+04 : f32
    %div3A_42 = vector.broadcast %div3A : f32 to vector<1x128xf32>
    %div3A_43 = arith.divf %broadcast_in_dim3A, %div3A_42 : vector<1x128xf32>
    %mul3A = arith.mulf %add3A_40, %add3A_40 : vector<10000x128xf32>
    %reduce_sum3A_44 = arith.constant dense<0.000000e+00> : vector<128xf32>
    %reduce_sum3A_45 = vector.multi_reduction <add>, %mul3A, %reduce_sum3A_44 [0] : vector<10000x128xf32> to vector<128xf32>
    %broadcast_in_dim3A_46 = vector.shape_cast %reduce_sum3A_45 : vector<128xf32> to vector<1x128xf32>
    %div3A_47 = arith.constant 1.000000e+04 : f32
    %div3A_48 = vector.broadcast %div3A_47 : f32 to vector<1x128xf32>
    %div3A_49 = arith.divf %broadcast_in_dim3A_46, %div3A_48 : vector<1x128xf32>
    %mul3A_50 = arith.mulf %div3A_43, %div3A_43 : vector<1x128xf32>
    %sub3A = arith.subf %div3A_49, %mul3A_50 : vector<1x128xf32>
    %get3A_51 = arith.constant 0 : index
    %get3A_52 = arith.constant 0 : index
    %get3A_53 = vector.load %arg8[%get3A_51, %get3A_52] : memref<1x128xf32, #tpu.memory_space<vmem>>, vector<1x128xf32>
    %add3A_54 = arith.constant 9.99999974E-6 : f32
    %add3A_55 = vector.broadcast %add3A_54 : f32 to vector<1x128xf32>
    %add3A_56 = arith.addf %sub3A, %add3A_55 : vector<1x128xf32>
    %sqrt3A = math.sqrt %add3A_56 : vector<1x128xf32>
    %div3A_57 = arith.divf %get3A_53, %sqrt3A : vector<1x128xf32>
    %get3A_58 = arith.constant 0 : index
    %get3A_59 = arith.constant 0 : index
    %get3A_60 = vector.load %arg9[%get3A_58, %get3A_59] : memref<1x128xf32, #tpu.memory_space<vmem>>, vector<1x128xf32>
    %mul3A_61 = arith.mulf %div3A_43, %div3A_57 : vector<1x128xf32>
    %sub3A_62 = arith.subf %get3A_60, %mul3A_61 : vector<1x128xf32>
    %mul3A_63 = vector.broadcast %div3A_57 : vector<1x128xf32> to vector<10000x128xf32>
    %mul3A_64 = arith.mulf %add3A_40, %mul3A_63 : vector<10000x128xf32>
    %add3A_65 = vector.broadcast %sub3A_62 : vector<1x128xf32> to vector<10000x128xf32>
    %add3A_66 = arith.addf %mul3A_64, %add3A_65 : vector<10000x128xf32>
    %max3A_67 = arith.constant 0.000000e+00 : f32
    %max3A_68 = vector.broadcast %max3A_67 : f32 to vector<10000x128xf32>
    %max3A_69 = arith.maximumf %add3A_66, %max3A_68 : vector<10000x128xf32>
    %swap3A = arith.constant 0 : index
    %swap3A_70 = arith.constant 0 : index
    %swap3A_71 = vector.load %arg10[%swap3A, %swap3A_70] : memref<10000x128xf32, #tpu.memory_space<vmem>>, vector<10000x128xf32>
    tpu.vector_store %arg10[%swap3A, %swap3A_70], %max3A_69 {strides = array<i32>} : memref<10000x128xf32, #tpu.memory_space<vmem>>, vector<10000x128xf32>,
    %convert_element_type3A_72 = arith.truncf %max3A_69 : vector<10000x128xf32> to vector<10000x128xbf16>
    %swap3A_73 = arith.constant 0 : index
    %swap3A_74 = arith.constant 0 : index
    %swap3A_75 = vector.load %arg11[%swap3A_73, %swap3A_74] : memref<10000x128xbf16, #tpu.memory_space<vmem>>, vector<10000x128xbf16>
    tpu.vector_store %arg11[%swap3A_73, %swap3A_74], %convert_element_type3A_72 {strides = array<i32>} : memref<10000x128xbf16, #tpu.memory_space<vmem>>, vector<10000x128xbf16>,
    return
  }
  func.func @transform_0(%arg0: i32) -> (i32, i32) {
    %c0_i32 = arith.constant 0 : i32
    %c0_i32_0 = arith.constant 0 : i32
    %c0_i32_1 = arith.constant 0 : i32
    return %c0_i32, %c0_i32_0 : i32, i32
  }
  func.func @transform_1(%arg0: i32) -> (i32, i32, i32) {
    %c0_i32 = arith.constant 0 : i32
    %c0_i32_0 = arith.constant 0 : i32
    %c0_i32_1 = arith.constant 0 : i32
    %c0_i32_2 = arith.constant 0 : i32
    return %c0_i32, %c0_i32_0, %c0_i32_1 : i32, i32, i32
  }
  func.func @transform_2(%arg0: i32) -> (i32, i32) {
    %c0_i32 = arith.constant 0 : i32
    %c0_i32_0 = arith.constant 0 : i32
    %c0_i32_1 = arith.constant 0 : i32
    return %c0_i32, %c0_i32_0 : i32, i32
  }
  func.func @transform_3(%arg0: i32) -> (i32, i32) {
    %c0_i32 = arith.constant 0 : i32
    %c0_i32_0 = arith.constant 0 : i32
    %c0_i32_1 = arith.constant 0 : i32
    return %c0_i32, %c0_i32_0 : i32, i32
  }
  func.func @transform_4(%arg0: i32) -> (i32, i32) {
    %c0_i32 = arith.constant 0 : i32
    %c0_i32_0 = arith.constant 0 : i32
    %c0_i32_1 = arith.constant 0 : i32
    return %c0_i32, %c0_i32_0 : i32, i32
  }
  func.func @transform_5(%arg0: i32) -> (i32, i32) {
    %c0_i32 = arith.constant 0 : i32
    %c0_i32_0 = arith.constant 0 : i32
    %c0_i32_1 = arith.constant 0 : i32
    return %c0_i32, %c0_i32_0 : i32, i32
  }
  func.func @transform_6(%arg0: i32) -> (i32, i32) {
    %c0_i32 = arith.constant 0 : i32
    %c0_i32_0 = arith.constant 0 : i32
    %c0_i32_1 = arith.constant 0 : i32
    return %c0_i32, %c0_i32_0 : i32, i32
  }
  func.func @transform_7(%arg0: i32) -> (i32, i32) {
    %c0_i32 = arith.constant 0 : i32
    %c0_i32_0 = arith.constant 0 : i32
    %c0_i32_1 = arith.constant 0 : i32
    return %c0_i32, %c0_i32_0 : i32, i32
  }
  func.func @transform_8(%arg0: i32) -> (i32, i32) {
    %c0_i32 = arith.constant 0 : i32
    %c0_i32_0 = arith.constant 0 : i32
    %c0_i32_1 = arith.constant 0 : i32
    return %c0_i32, %c0_i32_0 : i32, i32
  }
  func.func @transform_9(%arg0: i32) -> (i32, i32) {
    %c0_i32 = arith.constant 0 : i32
    %c0_i32_0 = arith.constant 0 : i32
    %c0_i32_1 = arith.constant 0 : i32
    return %c0_i32, %c0_i32_0 : i32, i32
  }
  func.func @transform_10(%arg0: i32) -> (i32, i32) {
    %c0_i32 = arith.constant 0 : i32
    %c0_i32_0 = arith.constant 0 : i32
    %c0_i32_1 = arith.constant 0 : i32
    return %c0_i32, %c0_i32_0 : i32, i32
  }
}

module attributes {stable_mosaic.version = 14 : i64} {
  func.func @body(%arg0: i32, %arg1: memref<1600x128xbf16, #tpu.memory_space<vmem>>, %arg2: memref<1600x128xf32, #tpu.memory_space<vmem>>, %arg3: memref<1600x128xf32, #tpu.memory_space<vmem>>, %arg4: memref<1x128xf32, #tpu.memory_space<vmem>>, %arg5: memref<1x128xf32, #tpu.memory_space<vmem>>, %arg6: memref<128x128xbf16, #tpu.memory_space<vmem>>, %arg7: memref<128x128xbf16, #tpu.memory_space<vmem>>, %arg8: memref<128x128xbf16, #tpu.memory_space<vmem>>, %arg9: memref<1x128xf32, #tpu.memory_space<vmem>>, %arg10: memref<128x128xbf16, #tpu.memory_space<vmem>>, %arg11: memref<1x128xf32, #tpu.memory_space<vmem>>, %arg12: memref<128x128xbf16, #tpu.memory_space<vmem>>, %arg13: memref<128x128xbf16, #tpu.memory_space<vmem>>, %arg14: memref<128x128xbf16, #tpu.memory_space<vmem>>, %arg15: memref<1x128xf32, #tpu.memory_space<vmem>>, %arg16: memref<128x128xbf16, #tpu.memory_space<vmem>>, %arg17: memref<1x128xf32, #tpu.memory_space<vmem>>, %arg18: memref<128x128xbf16, #tpu.memory_space<vmem>>, %arg19: memref<1x128xf32, #tpu.memory_space<vmem>>, %arg20: memref<1600x128xbf16, #tpu.memory_space<vmem>>, %arg21: memref<1600x128xf32, #tpu.memory_space<vmem>>, %arg22: memref<1x128xf32, #tpu.memory_space<vmem>>, %arg23: memref<1x128xf32, #tpu.memory_space<vmem>>) attributes {dimension_semantics = [#tpu.dimension_semantics<arbitrary>], iteration_bounds = array<i64: 200>, scalar_prefetch = 0 : i64, scratch_operands = 0 : i64, tpu.core_type = #tpu.core_type<tc>, window_params = [{transform_indices = @transform_0, window_bounds = array<i64: 1600, 128>}, {transform_indices = @transform_1, window_bounds = array<i64: 1600, 128>}, {transform_indices = @transform_2, window_bounds = array<i64: 1600, 128>}, {pipeline_mode = #tpu.pipeline_mode<synchronous>, transform_indices = @transform_3, window_bounds = array<i64: 1, 128>}, {pipeline_mode = #tpu.pipeline_mode<synchronous>, transform_indices = @transform_4, window_bounds = array<i64: 1, 128>}, {pipeline_mode = #tpu.pipeline_mode<synchronous>, transform_indices = @transform_5, window_bounds = array<i64: 128, 128>}, {pipeline_mode = #tpu.pipeline_mode<synchronous>, transform_indices = @transform_6, window_bounds = array<i64: 128, 128>}, {pipeline_mode = #tpu.pipeline_mode<synchronous>, transform_indices = @transform_7, window_bounds = array<i64: 128, 128>}, {pipeline_mode = #tpu.pipeline_mode<synchronous>, transform_indices = @transform_8, window_bounds = array<i64: 1, 128>}, {pipeline_mode = #tpu.pipeline_mode<synchronous>, transform_indices = @transform_9, window_bounds = array<i64: 128, 128>}, {pipeline_mode = #tpu.pipeline_mode<synchronous>, transform_indices = @transform_10, window_bounds = array<i64: 1, 128>}, {pipeline_mode = #tpu.pipeline_mode<synchronous>, transform_indices = @transform_11, window_bounds = array<i64: 128, 128>}, {pipeline_mode = #tpu.pipeline_mode<synchronous>, transform_indices = @transform_12, window_bounds = array<i64: 128, 128>}, {pipeline_mode = #tpu.pipeline_mode<synchronous>, transform_indices = @transform_13, window_bounds = array<i64: 128, 128>}, {pipeline_mode = #tpu.pipeline_mode<synchronous>, transform_indices = @transform_14, window_bounds = array<i64: 1, 128>}, {pipeline_mode = #tpu.pipeline_mode<synchronous>, transform_indices = @transform_15, window_bounds = array<i64: 128, 128>}, {pipeline_mode = #tpu.pipeline_mode<synchronous>, transform_indices = @transform_16, window_bounds = array<i64: 1, 128>}, {pipeline_mode = #tpu.pipeline_mode<synchronous>, transform_indices = @transform_17, window_bounds = array<i64: 128, 128>}, {pipeline_mode = #tpu.pipeline_mode<synchronous>, transform_indices = @transform_18, window_bounds = array<i64: 1, 128>}, {transform_indices = @transform_19, window_bounds = array<i64: 1600, 128>}, {transform_indices = @transform_20, window_bounds = array<i64: 1600, 128>}, {pipeline_mode = #tpu.pipeline_mode<synchronous>, transform_indices = @transform_21, window_bounds = array<i64: 1, 128>}, {pipeline_mode = #tpu.pipeline_mode<synchronous>, transform_indices = @transform_22, window_bounds = array<i64: 1, 128>}]} {
    %get3A = arith.constant 0 : index
    %get3A_0 = arith.constant 0 : index
    %get3A_1 = vector.load %arg1[%get3A, %get3A_0] : memref<1600x128xbf16, #tpu.memory_space<vmem>>, vector<1600x128xbf16>
    %convert_element_type3A = arith.extf %get3A_1 : vector<1600x128xbf16> to vector<1600x128xf32>
    %get3A_2 = arith.constant 0 : index
    %get3A_3 = arith.constant 0 : index
    %get3A_4 = vector.load %arg4[%get3A_2, %get3A_3] : memref<1x128xf32, #tpu.memory_space<vmem>>, vector<1x128xf32>
    %mul3A = vector.broadcast %get3A_4 : vector<1x128xf32> to vector<1600x128xf32>
    %mul3A_5 = arith.mulf %convert_element_type3A, %mul3A : vector<1600x128xf32>
    %get3A_6 = arith.constant 0 : index
    %get3A_7 = arith.constant 0 : index
    %get3A_8 = vector.load %arg5[%get3A_6, %get3A_7] : memref<1x128xf32, #tpu.memory_space<vmem>>, vector<1x128xf32>
    %add3A = vector.broadcast %get3A_8 : vector<1x128xf32> to vector<1600x128xf32>
    %add3A_9 = arith.addf %mul3A_5, %add3A : vector<1600x128xf32>
    %max3A = arith.constant 0.000000e+00 : f32
    %max3A_10 = vector.broadcast %max3A : f32 to vector<1600x128xf32>
    %max3A_11 = arith.maximumf %add3A_9, %max3A_10 : vector<1600x128xf32>
    %convert_element_type3A_12 = arith.truncf %max3A_11 : vector<1600x128xf32> to vector<1600x128xbf16>
    %get3A_13 = arith.constant 0 : index
    %get3A_14 = arith.constant 0 : index
    %get3A_15 = vector.load %arg2[%get3A_13, %get3A_14] : memref<1600x128xf32, #tpu.memory_space<vmem>>, vector<1600x128xf32>
    %convert_element_type3A_16 = arith.truncf %get3A_15 : vector<1600x128xf32> to vector<1600x128xbf16>
    %get3A_17 = arith.constant 0 : index
    %get3A_18 = arith.constant 0 : index
    %get3A_19 = vector.load %arg3[%get3A_17, %get3A_18] : memref<1600x128xf32, #tpu.memory_space<vmem>>, vector<1600x128xf32>
    %convert_element_type3A_20 = arith.truncf %get3A_19 : vector<1600x128xf32> to vector<1600x128xbf16>
    %get3A_21 = arith.constant 0 : index
    %get3A_22 = arith.constant 0 : index
    %get3A_23 = vector.load %arg6[%get3A_21, %get3A_22] : memref<128x128xbf16, #tpu.memory_space<vmem>>, vector<128x128xbf16>
    %dot_general3A = arith.constant dense<0.000000e+00> : vector<1600x128xf32>
    %dot_general3A_24 = tpu.matmul %convert_element_type3A_16, %get3A_23, %dot_general3A {dimension_numbers = #tpu.dot_dimension_numbers<[1], [0], [0], [1], [0, 0, 1, 1], [], []>, transpose_lhs_hint = false} : vector<1600x128xbf16>, vector<128x128xbf16>, vector<1600x128xf32> -> vector<1600x128xf32>
    %get3A_25 = arith.constant 0 : index
    %get3A_26 = arith.constant 0 : index
    %get3A_27 = vector.load %arg7[%get3A_25, %get3A_26] : memref<128x128xbf16, #tpu.memory_space<vmem>>, vector<128x128xbf16>
    %dot_general3A_28 = arith.constant dense<0.000000e+00> : vector<1600x128xf32>
    %dot_general3A_29 = tpu.matmul %convert_element_type3A_20, %get3A_27, %dot_general3A_28 {dimension_numbers = #tpu.dot_dimension_numbers<[1], [0], [0], [1], [0, 0, 1, 1], [], []>, transpose_lhs_hint = false} : vector<1600x128xbf16>, vector<128x128xbf16>, vector<1600x128xf32> -> vector<1600x128xf32>
    %add3A_30 = arith.addf %dot_general3A_24, %dot_general3A_29 : vector<1600x128xf32>
    %get3A_31 = arith.constant 0 : index
    %get3A_32 = arith.constant 0 : index
    %get3A_33 = vector.load %arg8[%get3A_31, %get3A_32] : memref<128x128xbf16, #tpu.memory_space<vmem>>, vector<128x128xbf16>
    %dot_general3A_34 = arith.constant dense<0.000000e+00> : vector<1600x128xf32>
    %dot_general3A_35 = tpu.matmul %convert_element_type3A_12, %get3A_33, %dot_general3A_34 {dimension_numbers = #tpu.dot_dimension_numbers<[1], [0], [0], [1], [0, 0, 1, 1], [], []>, transpose_lhs_hint = false} : vector<1600x128xbf16>, vector<128x128xbf16>, vector<1600x128xf32> -> vector<1600x128xf32>
    %add3A_36 = arith.addf %add3A_30, %dot_general3A_35 : vector<1600x128xf32>
    %get3A_37 = arith.constant 0 : index
    %get3A_38 = arith.constant 0 : index
    %get3A_39 = vector.load %arg9[%get3A_37, %get3A_38] : memref<1x128xf32, #tpu.memory_space<vmem>>, vector<1x128xf32>
    %add3A_40 = vector.broadcast %get3A_39 : vector<1x128xf32> to vector<1600x128xf32>
    %add3A_41 = arith.addf %add3A_36, %add3A_40 : vector<1600x128xf32>
    %max3A_42 = arith.constant 0.000000e+00 : f32
    %max3A_43 = vector.broadcast %max3A_42 : f32 to vector<1600x128xf32>
    %max3A_44 = arith.maximumf %add3A_41, %max3A_43 : vector<1600x128xf32>
    %convert_element_type3A_45 = arith.truncf %max3A_44 : vector<1600x128xf32> to vector<1600x128xbf16>
    %get3A_46 = arith.constant 0 : index
    %get3A_47 = arith.constant 0 : index
    %get3A_48 = vector.load %arg10[%get3A_46, %get3A_47] : memref<128x128xbf16, #tpu.memory_space<vmem>>, vector<128x128xbf16>
    %dot_general3A_49 = arith.constant dense<0.000000e+00> : vector<1600x128xf32>
    %dot_general3A_50 = tpu.matmul %convert_element_type3A_45, %get3A_48, %dot_general3A_49 {dimension_numbers = #tpu.dot_dimension_numbers<[1], [0], [0], [1], [0, 0, 1, 1], [], []>, transpose_lhs_hint = false} : vector<1600x128xbf16>, vector<128x128xbf16>, vector<1600x128xf32> -> vector<1600x128xf32>
    %get3A_51 = arith.constant 0 : index
    %get3A_52 = arith.constant 0 : index
    %get3A_53 = vector.load %arg11[%get3A_51, %get3A_52] : memref<1x128xf32, #tpu.memory_space<vmem>>, vector<1x128xf32>
    %add3A_54 = vector.broadcast %get3A_53 : vector<1x128xf32> to vector<1600x128xf32>
    %add3A_55 = arith.addf %dot_general3A_50, %add3A_54 : vector<1600x128xf32>
    %convert_element_type3A_56 = arith.truncf %add3A_55 : vector<1600x128xf32> to vector<1600x128xbf16>
    %swap3A = arith.constant 0 : index
    %swap3A_57 = arith.constant 0 : index
    %swap3A_58 = vector.load %arg20[%swap3A, %swap3A_57] : memref<1600x128xbf16, #tpu.memory_space<vmem>>, vector<1600x128xbf16>
    tpu.vector_store %arg20[%swap3A, %swap3A_57], %convert_element_type3A_56 {strides = array<i32>} : memref<1600x128xbf16, #tpu.memory_space<vmem>>, vector<1600x128xbf16>,
    %convert_element_type3A_59 = arith.extf %convert_element_type3A_56 : vector<1600x128xbf16> to vector<1600x128xf32>
    %get3A_60 = arith.constant 0 : index
    %get3A_61 = arith.constant 0 : index
    %get3A_62 = vector.load %arg12[%get3A_60, %get3A_61] : memref<128x128xbf16, #tpu.memory_space<vmem>>, vector<128x128xbf16>
    %dot_general3A_63 = arith.constant dense<0.000000e+00> : vector<1600x128xf32>
    %dot_general3A_64 = tpu.matmul %convert_element_type3A_20, %get3A_62, %dot_general3A_63 {dimension_numbers = #tpu.dot_dimension_numbers<[1], [0], [0], [1], [0, 0, 1, 1], [], []>, transpose_lhs_hint = false} : vector<1600x128xbf16>, vector<128x128xbf16>, vector<1600x128xf32> -> vector<1600x128xf32>
    %get3A_65 = arith.constant 0 : index
    %get3A_66 = arith.constant 0 : index
    %get3A_67 = vector.load %arg13[%get3A_65, %get3A_66] : memref<128x128xbf16, #tpu.memory_space<vmem>>, vector<128x128xbf16>
    %dot_general3A_68 = arith.constant dense<0.000000e+00> : vector<1600x128xf32>
    %dot_general3A_69 = tpu.matmul %convert_element_type3A_16, %get3A_67, %dot_general3A_68 {dimension_numbers = #tpu.dot_dimension_numbers<[1], [0], [0], [1], [0, 0, 1, 1], [], []>, transpose_lhs_hint = false} : vector<1600x128xbf16>, vector<128x128xbf16>, vector<1600x128xf32> -> vector<1600x128xf32>
    %add3A_70 = arith.addf %dot_general3A_64, %dot_general3A_69 : vector<1600x128xf32>
    %get3A_71 = arith.constant 0 : index
    %get3A_72 = arith.constant 0 : index
    %get3A_73 = vector.load %arg14[%get3A_71, %get3A_72] : memref<128x128xbf16, #tpu.memory_space<vmem>>, vector<128x128xbf16>
    %dot_general3A_74 = arith.constant dense<0.000000e+00> : vector<1600x128xf32>
    %dot_general3A_75 = tpu.matmul %convert_element_type3A_56, %get3A_73, %dot_general3A_74 {dimension_numbers = #tpu.dot_dimension_numbers<[1], [0], [0], [1], [0, 0, 1, 1], [], []>, transpose_lhs_hint = false} : vector<1600x128xbf16>, vector<128x128xbf16>, vector<1600x128xf32> -> vector<1600x128xf32>
    %add3A_76 = arith.addf %add3A_70, %dot_general3A_75 : vector<1600x128xf32>
    %get3A_77 = arith.constant 0 : index
    %get3A_78 = arith.constant 0 : index
    %get3A_79 = vector.load %arg15[%get3A_77, %get3A_78] : memref<1x128xf32, #tpu.memory_space<vmem>>, vector<1x128xf32>
    %add3A_80 = vector.broadcast %get3A_79 : vector<1x128xf32> to vector<1600x128xf32>
    %add3A_81 = arith.addf %add3A_76, %add3A_80 : vector<1600x128xf32>
    %max3A_82 = arith.constant 0.000000e+00 : f32
    %max3A_83 = vector.broadcast %max3A_82 : f32 to vector<1600x128xf32>
    %max3A_84 = arith.maximumf %add3A_81, %max3A_83 : vector<1600x128xf32>
    %convert_element_type3A_85 = arith.truncf %max3A_84 : vector<1600x128xf32> to vector<1600x128xbf16>
    %get3A_86 = arith.constant 0 : index
    %get3A_87 = arith.constant 0 : index
    %get3A_88 = vector.load %arg16[%get3A_86, %get3A_87] : memref<128x128xbf16, #tpu.memory_space<vmem>>, vector<128x128xbf16>
    %dot_general3A_89 = arith.constant dense<0.000000e+00> : vector<1600x128xf32>
    %dot_general3A_90 = tpu.matmul %convert_element_type3A_85, %get3A_88, %dot_general3A_89 {dimension_numbers = #tpu.dot_dimension_numbers<[1], [0], [0], [1], [0, 0, 1, 1], [], []>, transpose_lhs_hint = false} : vector<1600x128xbf16>, vector<128x128xbf16>, vector<1600x128xf32> -> vector<1600x128xf32>
    %get3A_91 = arith.constant 0 : index
    %get3A_92 = arith.constant 0 : index
    %get3A_93 = vector.load %arg17[%get3A_91, %get3A_92] : memref<1x128xf32, #tpu.memory_space<vmem>>, vector<1x128xf32>
    %add3A_94 = vector.broadcast %get3A_93 : vector<1x128xf32> to vector<1600x128xf32>
    %add3A_95 = arith.addf %dot_general3A_90, %add3A_94 : vector<1600x128xf32>
    %max3A_96 = arith.constant 0.000000e+00 : f32
    %max3A_97 = vector.broadcast %max3A_96 : f32 to vector<1600x128xf32>
    %max3A_98 = arith.maximumf %add3A_95, %max3A_97 : vector<1600x128xf32>
    %convert_element_type3A_99 = arith.truncf %max3A_98 : vector<1600x128xf32> to vector<1600x128xbf16>
    %get3A_100 = arith.constant 0 : index
    %get3A_101 = arith.constant 0 : index
    %get3A_102 = vector.load %arg18[%get3A_100, %get3A_101] : memref<128x128xbf16, #tpu.memory_space<vmem>>, vector<128x128xbf16>
    %dot_general3A_103 = arith.constant dense<0.000000e+00> : vector<1600x128xf32>
    %dot_general3A_104 = tpu.matmul %convert_element_type3A_99, %get3A_102, %dot_general3A_103 {dimension_numbers = #tpu.dot_dimension_numbers<[1], [0], [0], [1], [0, 0, 1, 1], [], []>, transpose_lhs_hint = false} : vector<1600x128xbf16>, vector<128x128xbf16>, vector<1600x128xf32> -> vector<1600x128xf32>
    %get3A_105 = arith.constant 0 : index
    %get3A_106 = arith.constant 0 : index
    %get3A_107 = vector.load %arg19[%get3A_105, %get3A_106] : memref<1x128xf32, #tpu.memory_space<vmem>>, vector<1x128xf32>
    %add3A_108 = vector.broadcast %get3A_107 : vector<1x128xf32> to vector<1600x128xf32>
    %add3A_109 = arith.addf %dot_general3A_104, %add3A_108 : vector<1600x128xf32>
    %swap3A_110 = arith.constant 0 : index
    %swap3A_111 = arith.constant 0 : index
    %swap3A_112 = vector.load %arg21[%swap3A_110, %swap3A_111] : memref<1600x128xf32, #tpu.memory_space<vmem>>, vector<1600x128xf32>
    tpu.vector_store %arg21[%swap3A_110, %swap3A_111], %add3A_109 {strides = array<i32>} : memref<1600x128xf32, #tpu.memory_space<vmem>>, vector<1600x128xf32>,
    %eq3A = arith.constant 0 : i32
    %eq3A_113 = arith.cmpi eq, %arg0, %eq3A : i32
    %convert_element_type3A_114 = arith.extui %eq3A_113 : i1 to i32
    %cond3A = arith.constant 0 : i32
    %cond3A_115 = arith.cmpi ne, %convert_element_type3A_114, %cond3A : i32
    scf.if %cond3A_115 {
      %broadcast_in_dim3A_135 = arith.constant 0.000000e+00 : f32
      %broadcast_in_dim3A_136 = vector.broadcast %broadcast_in_dim3A_135 : f32 to vector<1x128xf32>
      %swap3A_137 = arith.constant 0 : index
      %swap3A_138 = arith.constant 0 : index
      %swap3A_139 = vector.load %arg22[%swap3A_137, %swap3A_138] : memref<1x128xf32, #tpu.memory_space<vmem>>, vector<1x128xf32>
      tpu.vector_store %arg22[%swap3A_137, %swap3A_138], %broadcast_in_dim3A_136 {strides = array<i32>} : memref<1x128xf32, #tpu.memory_space<vmem>>, vector<1x128xf32>,
      %broadcast_in_dim3A_140 = arith.constant 0.000000e+00 : f32
      %broadcast_in_dim3A_141 = vector.broadcast %broadcast_in_dim3A_140 : f32 to vector<1x128xf32>
      %swap3A_142 = arith.constant 0 : index
      %swap3A_143 = arith.constant 0 : index
      %swap3A_144 = vector.load %arg23[%swap3A_142, %swap3A_143] : memref<1x128xf32, #tpu.memory_space<vmem>>, vector<1x128xf32>
      tpu.vector_store %arg23[%swap3A_142, %swap3A_143], %broadcast_in_dim3A_141 {strides = array<i32>} : memref<1x128xf32, #tpu.memory_space<vmem>>, vector<1x128xf32>,
    } else {
    }
    %get3A_116 = arith.constant 0 : index
    %get3A_117 = arith.constant 0 : index
    %get3A_118 = vector.load %arg22[%get3A_116, %get3A_117] : memref<1x128xf32, #tpu.memory_space<vmem>>, vector<1x128xf32>
    %reduce_sum3A = arith.constant dense<0.000000e+00> : vector<128xf32>
    %reduce_sum3A_119 = vector.multi_reduction <add>, %convert_element_type3A_59, %reduce_sum3A [0] : vector<1600x128xf32> to vector<128xf32>
    %broadcast_in_dim3A = vector.shape_cast %reduce_sum3A_119 : vector<128xf32> to vector<1x128xf32>
    %add3A_120 = arith.addf %get3A_118, %broadcast_in_dim3A : vector<1x128xf32>
    %swap3A_121 = arith.constant 0 : index
    %swap3A_122 = arith.constant 0 : index
    %swap3A_123 = vector.load %arg22[%swap3A_121, %swap3A_122] : memref<1x128xf32, #tpu.memory_space<vmem>>, vector<1x128xf32>
    tpu.vector_store %arg22[%swap3A_121, %swap3A_122], %add3A_120 {strides = array<i32>} : memref<1x128xf32, #tpu.memory_space<vmem>>, vector<1x128xf32>,
    %get3A_124 = arith.constant 0 : index
    %get3A_125 = arith.constant 0 : index
    %get3A_126 = vector.load %arg23[%get3A_124, %get3A_125] : memref<1x128xf32, #tpu.memory_space<vmem>>, vector<1x128xf32>
    %mul3A_127 = arith.mulf %convert_element_type3A_59, %convert_element_type3A_59 : vector<1600x128xf32>
    %reduce_sum3A_128 = arith.constant dense<0.000000e+00> : vector<128xf32>
    %reduce_sum3A_129 = vector.multi_reduction <add>, %mul3A_127, %reduce_sum3A_128 [0] : vector<1600x128xf32> to vector<128xf32>
    %broadcast_in_dim3A_130 = vector.shape_cast %reduce_sum3A_129 : vector<128xf32> to vector<1x128xf32>
    %add3A_131 = arith.addf %get3A_126, %broadcast_in_dim3A_130 : vector<1x128xf32>
    %swap3A_132 = arith.constant 0 : index
    %swap3A_133 = arith.constant 0 : index
    %swap3A_134 = vector.load %arg23[%swap3A_132, %swap3A_133] : memref<1x128xf32, #tpu.memory_space<vmem>>, vector<1x128xf32>
    tpu.vector_store %arg23[%swap3A_132, %swap3A_133], %add3A_131 {strides = array<i32>} : memref<1x128xf32, #tpu.memory_space<vmem>>, vector<1x128xf32>,
    return
  }
  func.func @transform_0(%arg0: i32) -> (i32, i32) {
    %c0_i32 = arith.constant 0 : i32
    %c0_i32_0 = arith.constant 0 : i32
    return %arg0, %c0_i32 : i32, i32
  }
  func.func @transform_1(%arg0: i32) -> (i32, i32) {
    %c0_i32 = arith.constant 0 : i32
    %c0_i32_0 = arith.constant 0 : i32
    return %arg0, %c0_i32 : i32, i32
  }
  func.func @transform_2(%arg0: i32) -> (i32, i32) {
    %c0_i32 = arith.constant 0 : i32
    %c0_i32_0 = arith.constant 0 : i32
    return %arg0, %c0_i32 : i32, i32
  }
  func.func @transform_3(%arg0: i32) -> (i32, i32) {
    %c0_i32 = arith.constant 0 : i32
    %c0_i32_0 = arith.constant 0 : i32
    %c0_i32_1 = arith.constant 0 : i32
    return %c0_i32, %c0_i32_0 : i32, i32
  }
  func.func @transform_4(%arg0: i32) -> (i32, i32) {
    %c0_i32 = arith.constant 0 : i32
    %c0_i32_0 = arith.constant 0 : i32
    %c0_i32_1 = arith.constant 0 : i32
    return %c0_i32, %c0_i32_0 : i32, i32
  }
  func.func @transform_5(%arg0: i32) -> (i32, i32) {
    %c0_i32 = arith.constant 0 : i32
    %c0_i32_0 = arith.constant 0 : i32
    %c0_i32_1 = arith.constant 0 : i32
    return %c0_i32, %c0_i32_0 : i32, i32
  }
  func.func @transform_6(%arg0: i32) -> (i32, i32) {
    %c0_i32 = arith.constant 0 : i32
    %c0_i32_0 = arith.constant 0 : i32
    %c0_i32_1 = arith.constant 0 : i32
    return %c0_i32, %c0_i32_0 : i32, i32
  }
  func.func @transform_7(%arg0: i32) -> (i32, i32) {
    %c0_i32 = arith.constant 0 : i32
    %c0_i32_0 = arith.constant 0 : i32
    %c0_i32_1 = arith.constant 0 : i32
    return %c0_i32, %c0_i32_0 : i32, i32
  }
  func.func @transform_8(%arg0: i32) -> (i32, i32) {
    %c0_i32 = arith.constant 0 : i32
    %c0_i32_0 = arith.constant 0 : i32
    %c0_i32_1 = arith.constant 0 : i32
    return %c0_i32, %c0_i32_0 : i32, i32
  }
  func.func @transform_9(%arg0: i32) -> (i32, i32) {
    %c0_i32 = arith.constant 0 : i32
    %c0_i32_0 = arith.constant 0 : i32
    %c0_i32_1 = arith.constant 0 : i32
    return %c0_i32, %c0_i32_0 : i32, i32
  }
  func.func @transform_10(%arg0: i32) -> (i32, i32) {
    %c0_i32 = arith.constant 0 : i32
    %c0_i32_0 = arith.constant 0 : i32
    %c0_i32_1 = arith.constant 0 : i32
    return %c0_i32, %c0_i32_0 : i32, i32
  }
  func.func @transform_11(%arg0: i32) -> (i32, i32) {
    %c0_i32 = arith.constant 0 : i32
    %c0_i32_0 = arith.constant 0 : i32
    %c0_i32_1 = arith.constant 0 : i32
    return %c0_i32, %c0_i32_0 : i32, i32
  }
  func.func @transform_12(%arg0: i32) -> (i32, i32) {
    %c0_i32 = arith.constant 0 : i32
    %c0_i32_0 = arith.constant 0 : i32
    %c0_i32_1 = arith.constant 0 : i32
    return %c0_i32, %c0_i32_0 : i32, i32
  }
  func.func @transform_13(%arg0: i32) -> (i32, i32) {
    %c0_i32 = arith.constant 0 : i32
    %c0_i32_0 = arith.constant 0 : i32
    %c0_i32_1 = arith.constant 0 : i32
    return %c0_i32, %c0_i32_0 : i32, i32
  }
  func.func @transform_14(%arg0: i32) -> (i32, i32) {
    %c0_i32 = arith.constant 0 : i32
    %c0_i32_0 = arith.constant 0 : i32
    %c0_i32_1 = arith.constant 0 : i32
    return %c0_i32, %c0_i32_0 : i32, i32
  }
  func.func @transform_15(%arg0: i32) -> (i32, i32) {
    %c0_i32 = arith.constant 0 : i32
    %c0_i32_0 = arith.constant 0 : i32
    %c0_i32_1 = arith.constant 0 : i32
    return %c0_i32, %c0_i32_0 : i32, i32
  }
  func.func @transform_16(%arg0: i32) -> (i32, i32) {
    %c0_i32 = arith.constant 0 : i32
    %c0_i32_0 = arith.constant 0 : i32
    %c0_i32_1 = arith.constant 0 : i32
    return %c0_i32, %c0_i32_0 : i32, i32
  }
  func.func @transform_17(%arg0: i32) -> (i32, i32) {
    %c0_i32 = arith.constant 0 : i32
    %c0_i32_0 = arith.constant 0 : i32
    %c0_i32_1 = arith.constant 0 : i32
    return %c0_i32, %c0_i32_0 : i32, i32
  }
  func.func @transform_18(%arg0: i32) -> (i32, i32) {
    %c0_i32 = arith.constant 0 : i32
    %c0_i32_0 = arith.constant 0 : i32
    %c0_i32_1 = arith.constant 0 : i32
    return %c0_i32, %c0_i32_0 : i32, i32
  }
  func.func @transform_19(%arg0: i32) -> (i32, i32) {
    %c0_i32 = arith.constant 0 : i32
    %c0_i32_0 = arith.constant 0 : i32
    return %arg0, %c0_i32 : i32, i32
  }
  func.func @transform_20(%arg0: i32) -> (i32, i32) {
    %c0_i32 = arith.constant 0 : i32
    %c0_i32_0 = arith.constant 0 : i32
    return %arg0, %c0_i32 : i32, i32
  }
  func.func @transform_21(%arg0: i32) -> (i32, i32) {
    %c0_i32 = arith.constant 0 : i32
    %c0_i32_0 = arith.constant 0 : i32
    %c0_i32_1 = arith.constant 0 : i32
    return %c0_i32, %c0_i32_0 : i32, i32
  }
  func.func @transform_22(%arg0: i32) -> (i32, i32) {
    %c0_i32 = arith.constant 0 : i32
    %c0_i32_0 = arith.constant 0 : i32
    %c0_i32_1 = arith.constant 0 : i32
    return %c0_i32, %c0_i32_0 : i32, i32
  }
}

module attributes {stable_mosaic.version = 14 : i64} {
  func.func @body(%arg0: i32, %arg1: memref<10000x128xf32, #tpu.memory_space<vmem>>, %arg2: memref<2x10000x128xf32, #tpu.memory_space<vmem>>, %arg3: memref<128x128xbf16, #tpu.memory_space<vmem>>, %arg4: memref<128x128xbf16, #tpu.memory_space<vmem>>, %arg5: memref<1x128xf32, #tpu.memory_space<vmem>>, %arg6: memref<128x128xbf16, #tpu.memory_space<vmem>>, %arg7: memref<1x128xf32, #tpu.memory_space<vmem>>, %arg8: memref<1x128xf32, #tpu.memory_space<vmem>>, %arg9: memref<1x128xf32, #tpu.memory_space<vmem>>, %arg10: memref<10000x128xf32, #tpu.memory_space<vmem>>, %arg11: memref<10000x128xbf16, #tpu.memory_space<vmem>>) attributes {dimension_semantics = [#tpu.dimension_semantics<arbitrary>], iteration_bounds = array<i64: 1>, scalar_prefetch = 0 : i64, scratch_operands = 0 : i64, tpu.core_type = #tpu.core_type<tc>, window_params = [{pipeline_mode = #tpu.pipeline_mode<synchronous>, transform_indices = @transform_0, window_bounds = array<i64: 10000, 128>}, {pipeline_mode = #tpu.pipeline_mode<synchronous>, transform_indices = @transform_1, window_bounds = array<i64: 2, 10000, 128>}, {pipeline_mode = #tpu.pipeline_mode<synchronous>, transform_indices = @transform_2, window_bounds = array<i64: 128, 128>}, {pipeline_mode = #tpu.pipeline_mode<synchronous>, transform_indices = @transform_3, window_bounds = array<i64: 128, 128>}, {pipeline_mode = #tpu.pipeline_mode<synchronous>, transform_indices = @transform_4, window_bounds = array<i64: 1, 128>}, {pipeline_mode = #tpu.pipeline_mode<synchronous>, transform_indices = @transform_5, window_bounds = array<i64: 128, 128>}, {pipeline_mode = #tpu.pipeline_mode<synchronous>, transform_indices = @transform_6, window_bounds = array<i64: 1, 128>}, {pipeline_mode = #tpu.pipeline_mode<synchronous>, transform_indices = @transform_7, window_bounds = array<i64: 1, 128>}, {pipeline_mode = #tpu.pipeline_mode<synchronous>, transform_indices = @transform_8, window_bounds = array<i64: 1, 128>}, {pipeline_mode = #tpu.pipeline_mode<synchronous>, transform_indices = @transform_9, window_bounds = array<i64: 10000, 128>}, {pipeline_mode = #tpu.pipeline_mode<synchronous>, transform_indices = @transform_10, window_bounds = array<i64: 10000, 128>}]} {
    %get3A = arith.constant 0 : index
    %get3A_0 = arith.constant 0 : index
    %get3A_1 = arith.constant 0 : index
    %get3A_2 = vector.load %arg2[%get3A, %get3A_0, %get3A_1] : memref<2x10000x128xf32, #tpu.memory_space<vmem>>, vector<1x10000x128xf32>
    %get3A_3 = vector.shape_cast %get3A_2 : vector<1x10000x128xf32> to vector<10000x128xf32>
    %get3A_4 = arith.constant 1 : index
    %get3A_5 = arith.constant 0 : index
    %get3A_6 = arith.constant 0 : index
    %get3A_7 = vector.load %arg2[%get3A_4, %get3A_5, %get3A_6] : memref<2x10000x128xf32, #tpu.memory_space<vmem>>, vector<1x10000x128xf32>
    %get3A_8 = vector.shape_cast %get3A_7 : vector<1x10000x128xf32> to vector<10000x128xf32>
    %add3A = arith.addf %get3A_3, %get3A_8 : vector<10000x128xf32>
    %get3A_9 = arith.constant 0 : index
    %get3A_10 = arith.constant 0 : index
    %get3A_11 = vector.load %arg1[%get3A_9, %get3A_10] : memref<10000x128xf32, #tpu.memory_space<vmem>>, vector<10000x128xf32>
    %convert_element_type3A = arith.truncf %get3A_11 : vector<10000x128xf32> to vector<10000x128xbf16>
    %get3A_12 = arith.constant 0 : index
    %get3A_13 = arith.constant 0 : index
    %get3A_14 = vector.load %arg3[%get3A_12, %get3A_13] : memref<128x128xbf16, #tpu.memory_space<vmem>>, vector<128x128xbf16>
    %dot_general3A = arith.constant dense<0.000000e+00> : vector<10000x128xf32>
    %dot_general3A_15 = tpu.matmul %convert_element_type3A, %get3A_14, %dot_general3A {dimension_numbers = #tpu.dot_dimension_numbers<[1], [0], [0], [1], [0, 0, 1, 1], [], []>, transpose_lhs_hint = false} : vector<10000x128xbf16>, vector<128x128xbf16>, vector<10000x128xf32> -> vector<10000x128xf32>
    %convert_element_type3A_16 = arith.truncf %add3A : vector<10000x128xf32> to vector<10000x128xbf16>
    %get3A_17 = arith.constant 0 : index
    %get3A_18 = arith.constant 0 : index
    %get3A_19 = vector.load %arg4[%get3A_17, %get3A_18] : memref<128x128xbf16, #tpu.memory_space<vmem>>, vector<128x128xbf16>
    %dot_general3A_20 = arith.constant dense<0.000000e+00> : vector<10000x128xf32>
    %dot_general3A_21 = tpu.matmul %convert_element_type3A_16, %get3A_19, %dot_general3A_20 {dimension_numbers = #tpu.dot_dimension_numbers<[1], [0], [0], [1], [0, 0, 1, 1], [], []>, transpose_lhs_hint = false} : vector<10000x128xbf16>, vector<128x128xbf16>, vector<10000x128xf32> -> vector<10000x128xf32>
    %add3A_22 = arith.addf %dot_general3A_15, %dot_general3A_21 : vector<10000x128xf32>
    %get3A_23 = arith.constant 0 : index
    %get3A_24 = arith.constant 0 : index
    %get3A_25 = vector.load %arg5[%get3A_23, %get3A_24] : memref<1x128xf32, #tpu.memory_space<vmem>>, vector<1x128xf32>
    %add3A_26 = vector.broadcast %get3A_25 : vector<1x128xf32> to vector<10000x128xf32>
    %add3A_27 = arith.addf %add3A_22, %add3A_26 : vector<10000x128xf32>
    %max3A = arith.constant 0.000000e+00 : f32
    %max3A_28 = vector.broadcast %max3A : f32 to vector<10000x128xf32>
    %max3A_29 = arith.maximumf %add3A_27, %max3A_28 : vector<10000x128xf32>
    %convert_element_type3A_30 = arith.truncf %max3A_29 : vector<10000x128xf32> to vector<10000x128xbf16>
    %get3A_31 = arith.constant 0 : index
    %get3A_32 = arith.constant 0 : index
    %get3A_33 = vector.load %arg6[%get3A_31, %get3A_32] : memref<128x128xbf16, #tpu.memory_space<vmem>>, vector<128x128xbf16>
    %dot_general3A_34 = arith.constant dense<0.000000e+00> : vector<10000x128xf32>
    %dot_general3A_35 = tpu.matmul %convert_element_type3A_30, %get3A_33, %dot_general3A_34 {dimension_numbers = #tpu.dot_dimension_numbers<[1], [0], [0], [1], [0, 0, 1, 1], [], []>, transpose_lhs_hint = false} : vector<10000x128xbf16>, vector<128x128xbf16>, vector<10000x128xf32> -> vector<10000x128xf32>
    %get3A_36 = arith.constant 0 : index
    %get3A_37 = arith.constant 0 : index
    %get3A_38 = vector.load %arg7[%get3A_36, %get3A_37] : memref<1x128xf32, #tpu.memory_space<vmem>>, vector<1x128xf32>
    %add3A_39 = vector.broadcast %get3A_38 : vector<1x128xf32> to vector<10000x128xf32>
    %add3A_40 = arith.addf %dot_general3A_35, %add3A_39 : vector<10000x128xf32>
    %reduce_sum3A = arith.constant dense<0.000000e+00> : vector<128xf32>
    %reduce_sum3A_41 = vector.multi_reduction <add>, %add3A_40, %reduce_sum3A [0] : vector<10000x128xf32> to vector<128xf32>
    %broadcast_in_dim3A = vector.shape_cast %reduce_sum3A_41 : vector<128xf32> to vector<1x128xf32>
    %div3A = arith.constant 1.000000e+04 : f32
    %div3A_42 = vector.broadcast %div3A : f32 to vector<1x128xf32>
    %div3A_43 = arith.divf %broadcast_in_dim3A, %div3A_42 : vector<1x128xf32>
    %mul3A = arith.mulf %add3A_40, %add3A_40 : vector<10000x128xf32>
    %reduce_sum3A_44 = arith.constant dense<0.000000e+00> : vector<128xf32>
    %reduce_sum3A_45 = vector.multi_reduction <add>, %mul3A, %reduce_sum3A_44 [0] : vector<10000x128xf32> to vector<128xf32>
    %broadcast_in_dim3A_46 = vector.shape_cast %reduce_sum3A_45 : vector<128xf32> to vector<1x128xf32>
    %div3A_47 = arith.constant 1.000000e+04 : f32
    %div3A_48 = vector.broadcast %div3A_47 : f32 to vector<1x128xf32>
    %div3A_49 = arith.divf %broadcast_in_dim3A_46, %div3A_48 : vector<1x128xf32>
    %mul3A_50 = arith.mulf %div3A_43, %div3A_43 : vector<1x128xf32>
    %sub3A = arith.subf %div3A_49, %mul3A_50 : vector<1x128xf32>
    %get3A_51 = arith.constant 0 : index
    %get3A_52 = arith.constant 0 : index
    %get3A_53 = vector.load %arg8[%get3A_51, %get3A_52] : memref<1x128xf32, #tpu.memory_space<vmem>>, vector<1x128xf32>
    %add3A_54 = arith.constant 9.99999974E-6 : f32
    %add3A_55 = vector.broadcast %add3A_54 : f32 to vector<1x128xf32>
    %add3A_56 = arith.addf %sub3A, %add3A_55 : vector<1x128xf32>
    %sqrt3A = math.sqrt %add3A_56 : vector<1x128xf32>
    %div3A_57 = arith.divf %get3A_53, %sqrt3A : vector<1x128xf32>
    %get3A_58 = arith.constant 0 : index
    %get3A_59 = arith.constant 0 : index
    %get3A_60 = vector.load %arg9[%get3A_58, %get3A_59] : memref<1x128xf32, #tpu.memory_space<vmem>>, vector<1x128xf32>
    %mul3A_61 = arith.mulf %div3A_43, %div3A_57 : vector<1x128xf32>
    %sub3A_62 = arith.subf %get3A_60, %mul3A_61 : vector<1x128xf32>
    %mul3A_63 = vector.broadcast %div3A_57 : vector<1x128xf32> to vector<10000x128xf32>
    %mul3A_64 = arith.mulf %add3A_40, %mul3A_63 : vector<10000x128xf32>
    %add3A_65 = vector.broadcast %sub3A_62 : vector<1x128xf32> to vector<10000x128xf32>
    %add3A_66 = arith.addf %mul3A_64, %add3A_65 : vector<10000x128xf32>
    %max3A_67 = arith.constant 0.000000e+00 : f32
    %max3A_68 = vector.broadcast %max3A_67 : f32 to vector<10000x128xf32>
    %max3A_69 = arith.maximumf %add3A_66, %max3A_68 : vector<10000x128xf32>
    %get3A_70 = arith.constant 0 : index
    %get3A_71 = arith.constant 0 : index
    %get3A_72 = vector.load %arg1[%get3A_70, %get3A_71] : memref<10000x128xf32, #tpu.memory_space<vmem>>, vector<10000x128xf32>
    %add3A_73 = arith.addf %get3A_72, %max3A_69 : vector<10000x128xf32>
    %swap3A = arith.constant 0 : index
    %swap3A_74 = arith.constant 0 : index
    %swap3A_75 = vector.load %arg10[%swap3A, %swap3A_74] : memref<10000x128xf32, #tpu.memory_space<vmem>>, vector<10000x128xf32>
    tpu.vector_store %arg10[%swap3A, %swap3A_74], %add3A_73 {strides = array<i32>} : memref<10000x128xf32, #tpu.memory_space<vmem>>, vector<10000x128xf32>,
    %convert_element_type3A_76 = arith.truncf %add3A_73 : vector<10000x128xf32> to vector<10000x128xbf16>
    %swap3A_77 = arith.constant 0 : index
    %swap3A_78 = arith.constant 0 : index
    %swap3A_79 = vector.load %arg11[%swap3A_77, %swap3A_78] : memref<10000x128xbf16, #tpu.memory_space<vmem>>, vector<10000x128xbf16>
    tpu.vector_store %arg11[%swap3A_77, %swap3A_78], %convert_element_type3A_76 {strides = array<i32>} : memref<10000x128xbf16, #tpu.memory_space<vmem>>, vector<10000x128xbf16>,
    return
  }
  func.func @transform_0(%arg0: i32) -> (i32, i32) {
    %c0_i32 = arith.constant 0 : i32
    %c0_i32_0 = arith.constant 0 : i32
    %c0_i32_1 = arith.constant 0 : i32
    return %c0_i32, %c0_i32_0 : i32, i32
  }
  func.func @transform_1(%arg0: i32) -> (i32, i32, i32) {
    %c0_i32 = arith.constant 0 : i32
    %c0_i32_0 = arith.constant 0 : i32
    %c0_i32_1 = arith.constant 0 : i32
    %c0_i32_2 = arith.constant 0 : i32
    return %c0_i32, %c0_i32_0, %c0_i32_1 : i32, i32, i32
  }
  func.func @transform_2(%arg0: i32) -> (i32, i32) {
    %c0_i32 = arith.constant 0 : i32
    %c0_i32_0 = arith.constant 0 : i32
    %c0_i32_1 = arith.constant 0 : i32
    return %c0_i32, %c0_i32_0 : i32, i32
  }
  func.func @transform_3(%arg0: i32) -> (i32, i32) {
    %c0_i32 = arith.constant 0 : i32
    %c0_i32_0 = arith.constant 0 : i32
    %c0_i32_1 = arith.constant 0 : i32
    return %c0_i32, %c0_i32_0 : i32, i32
  }
  func.func @transform_4(%arg0: i32) -> (i32, i32) {
    %c0_i32 = arith.constant 0 : i32
    %c0_i32_0 = arith.constant 0 : i32
    %c0_i32_1 = arith.constant 0 : i32
    return %c0_i32, %c0_i32_0 : i32, i32
  }
  func.func @transform_5(%arg0: i32) -> (i32, i32) {
    %c0_i32 = arith.constant 0 : i32
    %c0_i32_0 = arith.constant 0 : i32
    %c0_i32_1 = arith.constant 0 : i32
    return %c0_i32, %c0_i32_0 : i32, i32
  }
  func.func @transform_6(%arg0: i32) -> (i32, i32) {
    %c0_i32 = arith.constant 0 : i32
    %c0_i32_0 = arith.constant 0 : i32
    %c0_i32_1 = arith.constant 0 : i32
    return %c0_i32, %c0_i32_0 : i32, i32
  }
  func.func @transform_7(%arg0: i32) -> (i32, i32) {
    %c0_i32 = arith.constant 0 : i32
    %c0_i32_0 = arith.constant 0 : i32
    %c0_i32_1 = arith.constant 0 : i32
    return %c0_i32, %c0_i32_0 : i32, i32
  }
  func.func @transform_8(%arg0: i32) -> (i32, i32) {
    %c0_i32 = arith.constant 0 : i32
    %c0_i32_0 = arith.constant 0 : i32
    %c0_i32_1 = arith.constant 0 : i32
    return %c0_i32, %c0_i32_0 : i32, i32
  }
  func.func @transform_9(%arg0: i32) -> (i32, i32) {
    %c0_i32 = arith.constant 0 : i32
    %c0_i32_0 = arith.constant 0 : i32
    %c0_i32_1 = arith.constant 0 : i32
    return %c0_i32, %c0_i32_0 : i32, i32
  }
  func.func @transform_10(%arg0: i32) -> (i32, i32) {
    %c0_i32 = arith.constant 0 : i32
    %c0_i32_0 = arith.constant 0 : i32
    %c0_i32_1 = arith.constant 0 : i32
    return %c0_i32, %c0_i32_0 : i32, i32
  }
}

module attributes {stable_mosaic.version = 14 : i64} {
  func.func @body(%arg0: i32, %arg1: memref<1600x128xbf16, #tpu.memory_space<vmem>>, %arg2: memref<1600x128xbf16, #tpu.memory_space<vmem>>, %arg3: memref<1600x128xf32, #tpu.memory_space<vmem>>, %arg4: memref<1600x128xf32, #tpu.memory_space<vmem>>, %arg5: memref<1x128xf32, #tpu.memory_space<vmem>>, %arg6: memref<1x128xf32, #tpu.memory_space<vmem>>, %arg7: memref<1x128xf32, #tpu.memory_space<vmem>>, %arg8: memref<1x128xf32, #tpu.memory_space<vmem>>, %arg9: memref<128x128xbf16, #tpu.memory_space<vmem>>, %arg10: memref<128x128xbf16, #tpu.memory_space<vmem>>, %arg11: memref<128x128xbf16, #tpu.memory_space<vmem>>, %arg12: memref<1x128xf32, #tpu.memory_space<vmem>>, %arg13: memref<128x128xbf16, #tpu.memory_space<vmem>>, %arg14: memref<1x128xf32, #tpu.memory_space<vmem>>, %arg15: memref<128x128xbf16, #tpu.memory_space<vmem>>, %arg16: memref<128x128xbf16, #tpu.memory_space<vmem>>, %arg17: memref<128x128xbf16, #tpu.memory_space<vmem>>, %arg18: memref<1x128xf32, #tpu.memory_space<vmem>>, %arg19: memref<128x128xbf16, #tpu.memory_space<vmem>>, %arg20: memref<1x128xf32, #tpu.memory_space<vmem>>, %arg21: memref<128x128xbf16, #tpu.memory_space<vmem>>, %arg22: memref<1x128xf32, #tpu.memory_space<vmem>>, %arg23: memref<1600x128xbf16, #tpu.memory_space<vmem>>, %arg24: memref<1600x128xf32, #tpu.memory_space<vmem>>, %arg25: memref<1x128xf32, #tpu.memory_space<vmem>>, %arg26: memref<1x128xf32, #tpu.memory_space<vmem>>) attributes {dimension_semantics = [#tpu.dimension_semantics<arbitrary>], iteration_bounds = array<i64: 200>, scalar_prefetch = 0 : i64, scratch_operands = 0 : i64, tpu.core_type = #tpu.core_type<tc>, window_params = [{transform_indices = @transform_0, window_bounds = array<i64: 1600, 128>}, {transform_indices = @transform_1, window_bounds = array<i64: 1600, 128>}, {transform_indices = @transform_2, window_bounds = array<i64: 1600, 128>}, {transform_indices = @transform_3, window_bounds = array<i64: 1600, 128>}, {pipeline_mode = #tpu.pipeline_mode<synchronous>, transform_indices = @transform_4, window_bounds = array<i64: 1, 128>}, {pipeline_mode = #tpu.pipeline_mode<synchronous>, transform_indices = @transform_5, window_bounds = array<i64: 1, 128>}, {pipeline_mode = #tpu.pipeline_mode<synchronous>, transform_indices = @transform_6, window_bounds = array<i64: 1, 128>}, {pipeline_mode = #tpu.pipeline_mode<synchronous>, transform_indices = @transform_7, window_bounds = array<i64: 1, 128>}, {pipeline_mode = #tpu.pipeline_mode<synchronous>, transform_indices = @transform_8, window_bounds = array<i64: 128, 128>}, {pipeline_mode = #tpu.pipeline_mode<synchronous>, transform_indices = @transform_9, window_bounds = array<i64: 128, 128>}, {pipeline_mode = #tpu.pipeline_mode<synchronous>, transform_indices = @transform_10, window_bounds = array<i64: 128, 128>}, {pipeline_mode = #tpu.pipeline_mode<synchronous>, transform_indices = @transform_11, window_bounds = array<i64: 1, 128>}, {pipeline_mode = #tpu.pipeline_mode<synchronous>, transform_indices = @transform_12, window_bounds = array<i64: 128, 128>}, {pipeline_mode = #tpu.pipeline_mode<synchronous>, transform_indices = @transform_13, window_bounds = array<i64: 1, 128>}, {pipeline_mode = #tpu.pipeline_mode<synchronous>, transform_indices = @transform_14, window_bounds = array<i64: 128, 128>}, {pipeline_mode = #tpu.pipeline_mode<synchronous>, transform_indices = @transform_15, window_bounds = array<i64: 128, 128>}, {pipeline_mode = #tpu.pipeline_mode<synchronous>, transform_indices = @transform_16, window_bounds = array<i64: 128, 128>}, {pipeline_mode = #tpu.pipeline_mode<synchronous>, transform_indices = @transform_17, window_bounds = array<i64: 1, 128>}, {pipeline_mode = #tpu.pipeline_mode<synchronous>, transform_indices = @transform_18, window_bounds = array<i64: 128, 128>}, {pipeline_mode = #tpu.pipeline_mode<synchronous>, transform_indices = @transform_19, window_bounds = array<i64: 1, 128>}, {pipeline_mode = #tpu.pipeline_mode<synchronous>, transform_indices = @transform_20, window_bounds = array<i64: 128, 128>}, {pipeline_mode = #tpu.pipeline_mode<synchronous>, transform_indices = @transform_21, window_bounds = array<i64: 1, 128>}, {transform_indices = @transform_22, window_bounds = array<i64: 1600, 128>}, {transform_indices = @transform_23, window_bounds = array<i64: 1600, 128>}, {pipeline_mode = #tpu.pipeline_mode<synchronous>, transform_indices = @transform_24, window_bounds = array<i64: 1, 128>}, {pipeline_mode = #tpu.pipeline_mode<synchronous>, transform_indices = @transform_25, window_bounds = array<i64: 1, 128>}]} {
    %get3A = arith.constant 0 : index
    %get3A_0 = arith.constant 0 : index
    %get3A_1 = vector.load %arg1[%get3A, %get3A_0] : memref<1600x128xbf16, #tpu.memory_space<vmem>>, vector<1600x128xbf16>
    %convert_element_type3A = arith.extf %get3A_1 : vector<1600x128xbf16> to vector<1600x128xf32>
    %get3A_2 = arith.constant 0 : index
    %get3A_3 = arith.constant 0 : index
    %get3A_4 = vector.load %arg5[%get3A_2, %get3A_3] : memref<1x128xf32, #tpu.memory_space<vmem>>, vector<1x128xf32>
    %mul3A = vector.broadcast %get3A_4 : vector<1x128xf32> to vector<1600x128xf32>
    %mul3A_5 = arith.mulf %convert_element_type3A, %mul3A : vector<1600x128xf32>
    %get3A_6 = arith.constant 0 : index
    %get3A_7 = arith.constant 0 : index
    %get3A_8 = vector.load %arg6[%get3A_6, %get3A_7] : memref<1x128xf32, #tpu.memory_space<vmem>>, vector<1x128xf32>
    %add3A = vector.broadcast %get3A_8 : vector<1x128xf32> to vector<1600x128xf32>
    %add3A_9 = arith.addf %mul3A_5, %add3A : vector<1600x128xf32>
    %max3A = arith.constant 0.000000e+00 : f32
    %max3A_10 = vector.broadcast %max3A : f32 to vector<1600x128xf32>
    %max3A_11 = arith.maximumf %add3A_9, %max3A_10 : vector<1600x128xf32>
    %get3A_12 = arith.constant 0 : index
    %get3A_13 = arith.constant 0 : index
    %get3A_14 = vector.load %arg2[%get3A_12, %get3A_13] : memref<1600x128xbf16, #tpu.memory_space<vmem>>, vector<1600x128xbf16>
    %convert_element_type3A_15 = arith.extf %get3A_14 : vector<1600x128xbf16> to vector<1600x128xf32>
    %get3A_16 = arith.constant 0 : index
    %get3A_17 = arith.constant 0 : index
    %get3A_18 = vector.load %arg7[%get3A_16, %get3A_17] : memref<1x128xf32, #tpu.memory_space<vmem>>, vector<1x128xf32>
    %mul3A_19 = vector.broadcast %get3A_18 : vector<1x128xf32> to vector<1600x128xf32>
    %mul3A_20 = arith.mulf %convert_element_type3A_15, %mul3A_19 : vector<1600x128xf32>
    %get3A_21 = arith.constant 0 : index
    %get3A_22 = arith.constant 0 : index
    %get3A_23 = vector.load %arg8[%get3A_21, %get3A_22] : memref<1x128xf32, #tpu.memory_space<vmem>>, vector<1x128xf32>
    %add3A_24 = vector.broadcast %get3A_23 : vector<1x128xf32> to vector<1600x128xf32>
    %add3A_25 = arith.addf %mul3A_20, %add3A_24 : vector<1600x128xf32>
    %max3A_26 = arith.constant 0.000000e+00 : f32
    %max3A_27 = vector.broadcast %max3A_26 : f32 to vector<1600x128xf32>
    %max3A_28 = arith.maximumf %add3A_25, %max3A_27 : vector<1600x128xf32>
    %add3A_29 = arith.addf %max3A_11, %max3A_28 : vector<1600x128xf32>
    %convert_element_type3A_30 = arith.truncf %add3A_29 : vector<1600x128xf32> to vector<1600x128xbf16>
    %get3A_31 = arith.constant 0 : index
    %get3A_32 = arith.constant 0 : index
    %get3A_33 = vector.load %arg3[%get3A_31, %get3A_32] : memref<1600x128xf32, #tpu.memory_space<vmem>>, vector<1600x128xf32>
    %convert_element_type3A_34 = arith.truncf %get3A_33 : vector<1600x128xf32> to vector<1600x128xbf16>
    %get3A_35 = arith.constant 0 : index
    %get3A_36 = arith.constant 0 : index
    %get3A_37 = vector.load %arg4[%get3A_35, %get3A_36] : memref<1600x128xf32, #tpu.memory_space<vmem>>, vector<1600x128xf32>
    %convert_element_type3A_38 = arith.truncf %get3A_37 : vector<1600x128xf32> to vector<1600x128xbf16>
    %get3A_39 = arith.constant 0 : index
    %get3A_40 = arith.constant 0 : index
    %get3A_41 = vector.load %arg9[%get3A_39, %get3A_40] : memref<128x128xbf16, #tpu.memory_space<vmem>>, vector<128x128xbf16>
    %dot_general3A = arith.constant dense<0.000000e+00> : vector<1600x128xf32>
    %dot_general3A_42 = tpu.matmul %convert_element_type3A_34, %get3A_41, %dot_general3A {dimension_numbers = #tpu.dot_dimension_numbers<[1], [0], [0], [1], [0, 0, 1, 1], [], []>, transpose_lhs_hint = false} : vector<1600x128xbf16>, vector<128x128xbf16>, vector<1600x128xf32> -> vector<1600x128xf32>
    %get3A_43 = arith.constant 0 : index
    %get3A_44 = arith.constant 0 : index
    %get3A_45 = vector.load %arg10[%get3A_43, %get3A_44] : memref<128x128xbf16, #tpu.memory_space<vmem>>, vector<128x128xbf16>
    %dot_general3A_46 = arith.constant dense<0.000000e+00> : vector<1600x128xf32>
    %dot_general3A_47 = tpu.matmul %convert_element_type3A_38, %get3A_45, %dot_general3A_46 {dimension_numbers = #tpu.dot_dimension_numbers<[1], [0], [0], [1], [0, 0, 1, 1], [], []>, transpose_lhs_hint = false} : vector<1600x128xbf16>, vector<128x128xbf16>, vector<1600x128xf32> -> vector<1600x128xf32>
    %add3A_48 = arith.addf %dot_general3A_42, %dot_general3A_47 : vector<1600x128xf32>
    %get3A_49 = arith.constant 0 : index
    %get3A_50 = arith.constant 0 : index
    %get3A_51 = vector.load %arg11[%get3A_49, %get3A_50] : memref<128x128xbf16, #tpu.memory_space<vmem>>, vector<128x128xbf16>
    %dot_general3A_52 = arith.constant dense<0.000000e+00> : vector<1600x128xf32>
    %dot_general3A_53 = tpu.matmul %convert_element_type3A_30, %get3A_51, %dot_general3A_52 {dimension_numbers = #tpu.dot_dimension_numbers<[1], [0], [0], [1], [0, 0, 1, 1], [], []>, transpose_lhs_hint = false} : vector<1600x128xbf16>, vector<128x128xbf16>, vector<1600x128xf32> -> vector<1600x128xf32>
    %add3A_54 = arith.addf %add3A_48, %dot_general3A_53 : vector<1600x128xf32>
    %get3A_55 = arith.constant 0 : index
    %get3A_56 = arith.constant 0 : index
    %get3A_57 = vector.load %arg12[%get3A_55, %get3A_56] : memref<1x128xf32, #tpu.memory_space<vmem>>, vector<1x128xf32>
    %add3A_58 = vector.broadcast %get3A_57 : vector<1x128xf32> to vector<1600x128xf32>
    %add3A_59 = arith.addf %add3A_54, %add3A_58 : vector<1600x128xf32>
    %max3A_60 = arith.constant 0.000000e+00 : f32
    %max3A_61 = vector.broadcast %max3A_60 : f32 to vector<1600x128xf32>
    %max3A_62 = arith.maximumf %add3A_59, %max3A_61 : vector<1600x128xf32>
    %convert_element_type3A_63 = arith.truncf %max3A_62 : vector<1600x128xf32> to vector<1600x128xbf16>
    %get3A_64 = arith.constant 0 : index
    %get3A_65 = arith.constant 0 : index
    %get3A_66 = vector.load %arg13[%get3A_64, %get3A_65] : memref<128x128xbf16, #tpu.memory_space<vmem>>, vector<128x128xbf16>
    %dot_general3A_67 = arith.constant dense<0.000000e+00> : vector<1600x128xf32>
    %dot_general3A_68 = tpu.matmul %convert_element_type3A_63, %get3A_66, %dot_general3A_67 {dimension_numbers = #tpu.dot_dimension_numbers<[1], [0], [0], [1], [0, 0, 1, 1], [], []>, transpose_lhs_hint = false} : vector<1600x128xbf16>, vector<128x128xbf16>, vector<1600x128xf32> -> vector<1600x128xf32>
    %get3A_69 = arith.constant 0 : index
    %get3A_70 = arith.constant 0 : index
    %get3A_71 = vector.load %arg14[%get3A_69, %get3A_70] : memref<1x128xf32, #tpu.memory_space<vmem>>, vector<1x128xf32>
    %add3A_72 = vector.broadcast %get3A_71 : vector<1x128xf32> to vector<1600x128xf32>
    %add3A_73 = arith.addf %dot_general3A_68, %add3A_72 : vector<1600x128xf32>
    %convert_element_type3A_74 = arith.truncf %add3A_73 : vector<1600x128xf32> to vector<1600x128xbf16>
    %swap3A = arith.constant 0 : index
    %swap3A_75 = arith.constant 0 : index
    %swap3A_76 = vector.load %arg23[%swap3A, %swap3A_75] : memref<1600x128xbf16, #tpu.memory_space<vmem>>, vector<1600x128xbf16>
    tpu.vector_store %arg23[%swap3A, %swap3A_75], %convert_element_type3A_74 {strides = array<i32>} : memref<1600x128xbf16, #tpu.memory_space<vmem>>, vector<1600x128xbf16>,
    %convert_element_type3A_77 = arith.extf %convert_element_type3A_74 : vector<1600x128xbf16> to vector<1600x128xf32>
    %get3A_78 = arith.constant 0 : index
    %get3A_79 = arith.constant 0 : index
    %get3A_80 = vector.load %arg15[%get3A_78, %get3A_79] : memref<128x128xbf16, #tpu.memory_space<vmem>>, vector<128x128xbf16>
    %dot_general3A_81 = arith.constant dense<0.000000e+00> : vector<1600x128xf32>
    %dot_general3A_82 = tpu.matmul %convert_element_type3A_38, %get3A_80, %dot_general3A_81 {dimension_numbers = #tpu.dot_dimension_numbers<[1], [0], [0], [1], [0, 0, 1, 1], [], []>, transpose_lhs_hint = false} : vector<1600x128xbf16>, vector<128x128xbf16>, vector<1600x128xf32> -> vector<1600x128xf32>
    %get3A_83 = arith.constant 0 : index
    %get3A_84 = arith.constant 0 : index
    %get3A_85 = vector.load %arg16[%get3A_83, %get3A_84] : memref<128x128xbf16, #tpu.memory_space<vmem>>, vector<128x128xbf16>
    %dot_general3A_86 = arith.constant dense<0.000000e+00> : vector<1600x128xf32>
    %dot_general3A_87 = tpu.matmul %convert_element_type3A_34, %get3A_85, %dot_general3A_86 {dimension_numbers = #tpu.dot_dimension_numbers<[1], [0], [0], [1], [0, 0, 1, 1], [], []>, transpose_lhs_hint = false} : vector<1600x128xbf16>, vector<128x128xbf16>, vector<1600x128xf32> -> vector<1600x128xf32>
    %add3A_88 = arith.addf %dot_general3A_82, %dot_general3A_87 : vector<1600x128xf32>
    %get3A_89 = arith.constant 0 : index
    %get3A_90 = arith.constant 0 : index
    %get3A_91 = vector.load %arg17[%get3A_89, %get3A_90] : memref<128x128xbf16, #tpu.memory_space<vmem>>, vector<128x128xbf16>
    %dot_general3A_92 = arith.constant dense<0.000000e+00> : vector<1600x128xf32>
    %dot_general3A_93 = tpu.matmul %convert_element_type3A_74, %get3A_91, %dot_general3A_92 {dimension_numbers = #tpu.dot_dimension_numbers<[1], [0], [0], [1], [0, 0, 1, 1], [], []>, transpose_lhs_hint = false} : vector<1600x128xbf16>, vector<128x128xbf16>, vector<1600x128xf32> -> vector<1600x128xf32>
    %add3A_94 = arith.addf %add3A_88, %dot_general3A_93 : vector<1600x128xf32>
    %get3A_95 = arith.constant 0 : index
    %get3A_96 = arith.constant 0 : index
    %get3A_97 = vector.load %arg18[%get3A_95, %get3A_96] : memref<1x128xf32, #tpu.memory_space<vmem>>, vector<1x128xf32>
    %add3A_98 = vector.broadcast %get3A_97 : vector<1x128xf32> to vector<1600x128xf32>
    %add3A_99 = arith.addf %add3A_94, %add3A_98 : vector<1600x128xf32>
    %max3A_100 = arith.constant 0.000000e+00 : f32
    %max3A_101 = vector.broadcast %max3A_100 : f32 to vector<1600x128xf32>
    %max3A_102 = arith.maximumf %add3A_99, %max3A_101 : vector<1600x128xf32>
    %convert_element_type3A_103 = arith.truncf %max3A_102 : vector<1600x128xf32> to vector<1600x128xbf16>
    %get3A_104 = arith.constant 0 : index
    %get3A_105 = arith.constant 0 : index
    %get3A_106 = vector.load %arg19[%get3A_104, %get3A_105] : memref<128x128xbf16, #tpu.memory_space<vmem>>, vector<128x128xbf16>
    %dot_general3A_107 = arith.constant dense<0.000000e+00> : vector<1600x128xf32>
    %dot_general3A_108 = tpu.matmul %convert_element_type3A_103, %get3A_106, %dot_general3A_107 {dimension_numbers = #tpu.dot_dimension_numbers<[1], [0], [0], [1], [0, 0, 1, 1], [], []>, transpose_lhs_hint = false} : vector<1600x128xbf16>, vector<128x128xbf16>, vector<1600x128xf32> -> vector<1600x128xf32>
    %get3A_109 = arith.constant 0 : index
    %get3A_110 = arith.constant 0 : index
    %get3A_111 = vector.load %arg20[%get3A_109, %get3A_110] : memref<1x128xf32, #tpu.memory_space<vmem>>, vector<1x128xf32>
    %add3A_112 = vector.broadcast %get3A_111 : vector<1x128xf32> to vector<1600x128xf32>
    %add3A_113 = arith.addf %dot_general3A_108, %add3A_112 : vector<1600x128xf32>
    %max3A_114 = arith.constant 0.000000e+00 : f32
    %max3A_115 = vector.broadcast %max3A_114 : f32 to vector<1600x128xf32>
    %max3A_116 = arith.maximumf %add3A_113, %max3A_115 : vector<1600x128xf32>
    %convert_element_type3A_117 = arith.truncf %max3A_116 : vector<1600x128xf32> to vector<1600x128xbf16>
    %get3A_118 = arith.constant 0 : index
    %get3A_119 = arith.constant 0 : index
    %get3A_120 = vector.load %arg21[%get3A_118, %get3A_119] : memref<128x128xbf16, #tpu.memory_space<vmem>>, vector<128x128xbf16>
    %dot_general3A_121 = arith.constant dense<0.000000e+00> : vector<1600x128xf32>
    %dot_general3A_122 = tpu.matmul %convert_element_type3A_117, %get3A_120, %dot_general3A_121 {dimension_numbers = #tpu.dot_dimension_numbers<[1], [0], [0], [1], [0, 0, 1, 1], [], []>, transpose_lhs_hint = false} : vector<1600x128xbf16>, vector<128x128xbf16>, vector<1600x128xf32> -> vector<1600x128xf32>
    %get3A_123 = arith.constant 0 : index
    %get3A_124 = arith.constant 0 : index
    %get3A_125 = vector.load %arg22[%get3A_123, %get3A_124] : memref<1x128xf32, #tpu.memory_space<vmem>>, vector<1x128xf32>
    %add3A_126 = vector.broadcast %get3A_125 : vector<1x128xf32> to vector<1600x128xf32>
    %add3A_127 = arith.addf %dot_general3A_122, %add3A_126 : vector<1600x128xf32>
    %swap3A_128 = arith.constant 0 : index
    %swap3A_129 = arith.constant 0 : index
    %swap3A_130 = vector.load %arg24[%swap3A_128, %swap3A_129] : memref<1600x128xf32, #tpu.memory_space<vmem>>, vector<1600x128xf32>
    tpu.vector_store %arg24[%swap3A_128, %swap3A_129], %add3A_127 {strides = array<i32>} : memref<1600x128xf32, #tpu.memory_space<vmem>>, vector<1600x128xf32>,
    %eq3A = arith.constant 0 : i32
    %eq3A_131 = arith.cmpi eq, %arg0, %eq3A : i32
    %convert_element_type3A_132 = arith.extui %eq3A_131 : i1 to i32
    %cond3A = arith.constant 0 : i32
    %cond3A_133 = arith.cmpi ne, %convert_element_type3A_132, %cond3A : i32
    scf.if %cond3A_133 {
      %broadcast_in_dim3A_153 = arith.constant 0.000000e+00 : f32
      %broadcast_in_dim3A_154 = vector.broadcast %broadcast_in_dim3A_153 : f32 to vector<1x128xf32>
      %swap3A_155 = arith.constant 0 : index
      %swap3A_156 = arith.constant 0 : index
      %swap3A_157 = vector.load %arg25[%swap3A_155, %swap3A_156] : memref<1x128xf32, #tpu.memory_space<vmem>>, vector<1x128xf32>
      tpu.vector_store %arg25[%swap3A_155, %swap3A_156], %broadcast_in_dim3A_154 {strides = array<i32>} : memref<1x128xf32, #tpu.memory_space<vmem>>, vector<1x128xf32>,
      %broadcast_in_dim3A_158 = arith.constant 0.000000e+00 : f32
      %broadcast_in_dim3A_159 = vector.broadcast %broadcast_in_dim3A_158 : f32 to vector<1x128xf32>
      %swap3A_160 = arith.constant 0 : index
      %swap3A_161 = arith.constant 0 : index
      %swap3A_162 = vector.load %arg26[%swap3A_160, %swap3A_161] : memref<1x128xf32, #tpu.memory_space<vmem>>, vector<1x128xf32>
      tpu.vector_store %arg26[%swap3A_160, %swap3A_161], %broadcast_in_dim3A_159 {strides = array<i32>} : memref<1x128xf32, #tpu.memory_space<vmem>>, vector<1x128xf32>,
    } else {
    }
    %get3A_134 = arith.constant 0 : index
    %get3A_135 = arith.constant 0 : index
    %get3A_136 = vector.load %arg25[%get3A_134, %get3A_135] : memref<1x128xf32, #tpu.memory_space<vmem>>, vector<1x128xf32>
    %reduce_sum3A = arith.constant dense<0.000000e+00> : vector<128xf32>
    %reduce_sum3A_137 = vector.multi_reduction <add>, %convert_element_type3A_77, %reduce_sum3A [0] : vector<1600x128xf32> to vector<128xf32>
    %broadcast_in_dim3A = vector.shape_cast %reduce_sum3A_137 : vector<128xf32> to vector<1x128xf32>
    %add3A_138 = arith.addf %get3A_136, %broadcast_in_dim3A : vector<1x128xf32>
    %swap3A_139 = arith.constant 0 : index
    %swap3A_140 = arith.constant 0 : index
    %swap3A_141 = vector.load %arg25[%swap3A_139, %swap3A_140] : memref<1x128xf32, #tpu.memory_space<vmem>>, vector<1x128xf32>
    tpu.vector_store %arg25[%swap3A_139, %swap3A_140], %add3A_138 {strides = array<i32>} : memref<1x128xf32, #tpu.memory_space<vmem>>, vector<1x128xf32>,
    %get3A_142 = arith.constant 0 : index
    %get3A_143 = arith.constant 0 : index
    %get3A_144 = vector.load %arg26[%get3A_142, %get3A_143] : memref<1x128xf32, #tpu.memory_space<vmem>>, vector<1x128xf32>
    %mul3A_145 = arith.mulf %convert_element_type3A_77, %convert_element_type3A_77 : vector<1600x128xf32>
    %reduce_sum3A_146 = arith.constant dense<0.000000e+00> : vector<128xf32>
    %reduce_sum3A_147 = vector.multi_reduction <add>, %mul3A_145, %reduce_sum3A_146 [0] : vector<1600x128xf32> to vector<128xf32>
    %broadcast_in_dim3A_148 = vector.shape_cast %reduce_sum3A_147 : vector<128xf32> to vector<1x128xf32>
    %add3A_149 = arith.addf %get3A_144, %broadcast_in_dim3A_148 : vector<1x128xf32>
    %swap3A_150 = arith.constant 0 : index
    %swap3A_151 = arith.constant 0 : index
    %swap3A_152 = vector.load %arg26[%swap3A_150, %swap3A_151] : memref<1x128xf32, #tpu.memory_space<vmem>>, vector<1x128xf32>
    tpu.vector_store %arg26[%swap3A_150, %swap3A_151], %add3A_149 {strides = array<i32>} : memref<1x128xf32, #tpu.memory_space<vmem>>, vector<1x128xf32>,
    return
  }
  func.func @transform_0(%arg0: i32) -> (i32, i32) {
    %c0_i32 = arith.constant 0 : i32
    %c0_i32_0 = arith.constant 0 : i32
    return %arg0, %c0_i32 : i32, i32
  }
  func.func @transform_1(%arg0: i32) -> (i32, i32) {
    %c0_i32 = arith.constant 0 : i32
    %c0_i32_0 = arith.constant 0 : i32
    return %arg0, %c0_i32 : i32, i32
  }
  func.func @transform_2(%arg0: i32) -> (i32, i32) {
    %c0_i32 = arith.constant 0 : i32
    %c0_i32_0 = arith.constant 0 : i32
    return %arg0, %c0_i32 : i32, i32
  }
  func.func @transform_3(%arg0: i32) -> (i32, i32) {
    %c0_i32 = arith.constant 0 : i32
    %c0_i32_0 = arith.constant 0 : i32
    return %arg0, %c0_i32 : i32, i32
  }
  func.func @transform_4(%arg0: i32) -> (i32, i32) {
    %c0_i32 = arith.constant 0 : i32
    %c0_i32_0 = arith.constant 0 : i32
    %c0_i32_1 = arith.constant 0 : i32
    return %c0_i32, %c0_i32_0 : i32, i32
  }
  func.func @transform_5(%arg0: i32) -> (i32, i32) {
    %c0_i32 = arith.constant 0 : i32
    %c0_i32_0 = arith.constant 0 : i32
    %c0_i32_1 = arith.constant 0 : i32
    return %c0_i32, %c0_i32_0 : i32, i32
  }
  func.func @transform_6(%arg0: i32) -> (i32, i32) {
    %c0_i32 = arith.constant 0 : i32
    %c0_i32_0 = arith.constant 0 : i32
    %c0_i32_1 = arith.constant 0 : i32
    return %c0_i32, %c0_i32_0 : i32, i32
  }
  func.func @transform_7(%arg0: i32) -> (i32, i32) {
    %c0_i32 = arith.constant 0 : i32
    %c0_i32_0 = arith.constant 0 : i32
    %c0_i32_1 = arith.constant 0 : i32
    return %c0_i32, %c0_i32_0 : i32, i32
  }
  func.func @transform_8(%arg0: i32) -> (i32, i32) {
    %c0_i32 = arith.constant 0 : i32
    %c0_i32_0 = arith.constant 0 : i32
    %c0_i32_1 = arith.constant 0 : i32
    return %c0_i32, %c0_i32_0 : i32, i32
  }
  func.func @transform_9(%arg0: i32) -> (i32, i32) {
    %c0_i32 = arith.constant 0 : i32
    %c0_i32_0 = arith.constant 0 : i32
    %c0_i32_1 = arith.constant 0 : i32
    return %c0_i32, %c0_i32_0 : i32, i32
  }
  func.func @transform_10(%arg0: i32) -> (i32, i32) {
    %c0_i32 = arith.constant 0 : i32
    %c0_i32_0 = arith.constant 0 : i32
    %c0_i32_1 = arith.constant 0 : i32
    return %c0_i32, %c0_i32_0 : i32, i32
  }
  func.func @transform_11(%arg0: i32) -> (i32, i32) {
    %c0_i32 = arith.constant 0 : i32
    %c0_i32_0 = arith.constant 0 : i32
    %c0_i32_1 = arith.constant 0 : i32
    return %c0_i32, %c0_i32_0 : i32, i32
  }
  func.func @transform_12(%arg0: i32) -> (i32, i32) {
    %c0_i32 = arith.constant 0 : i32
    %c0_i32_0 = arith.constant 0 : i32
    %c0_i32_1 = arith.constant 0 : i32
    return %c0_i32, %c0_i32_0 : i32, i32
  }
  func.func @transform_13(%arg0: i32) -> (i32, i32) {
    %c0_i32 = arith.constant 0 : i32
    %c0_i32_0 = arith.constant 0 : i32
    %c0_i32_1 = arith.constant 0 : i32
    return %c0_i32, %c0_i32_0 : i32, i32
  }
  func.func @transform_14(%arg0: i32) -> (i32, i32) {
    %c0_i32 = arith.constant 0 : i32
    %c0_i32_0 = arith.constant 0 : i32
    %c0_i32_1 = arith.constant 0 : i32
    return %c0_i32, %c0_i32_0 : i32, i32
  }
  func.func @transform_15(%arg0: i32) -> (i32, i32) {
    %c0_i32 = arith.constant 0 : i32
    %c0_i32_0 = arith.constant 0 : i32
    %c0_i32_1 = arith.constant 0 : i32
    return %c0_i32, %c0_i32_0 : i32, i32
  }
  func.func @transform_16(%arg0: i32) -> (i32, i32) {
    %c0_i32 = arith.constant 0 : i32
    %c0_i32_0 = arith.constant 0 : i32
    %c0_i32_1 = arith.constant 0 : i32
    return %c0_i32, %c0_i32_0 : i32, i32
  }
  func.func @transform_17(%arg0: i32) -> (i32, i32) {
    %c0_i32 = arith.constant 0 : i32
    %c0_i32_0 = arith.constant 0 : i32
    %c0_i32_1 = arith.constant 0 : i32
    return %c0_i32, %c0_i32_0 : i32, i32
  }
  func.func @transform_18(%arg0: i32) -> (i32, i32) {
    %c0_i32 = arith.constant 0 : i32
    %c0_i32_0 = arith.constant 0 : i32
    %c0_i32_1 = arith.constant 0 : i32
    return %c0_i32, %c0_i32_0 : i32, i32
  }
  func.func @transform_19(%arg0: i32) -> (i32, i32) {
    %c0_i32 = arith.constant 0 : i32
    %c0_i32_0 = arith.constant 0 : i32
    %c0_i32_1 = arith.constant 0 : i32
    return %c0_i32, %c0_i32_0 : i32, i32
  }
  func.func @transform_20(%arg0: i32) -> (i32, i32) {
    %c0_i32 = arith.constant 0 : i32
    %c0_i32_0 = arith.constant 0 : i32
    %c0_i32_1 = arith.constant 0 : i32
    return %c0_i32, %c0_i32_0 : i32, i32
  }
  func.func @transform_21(%arg0: i32) -> (i32, i32) {
    %c0_i32 = arith.constant 0 : i32
    %c0_i32_0 = arith.constant 0 : i32
    %c0_i32_1 = arith.constant 0 : i32
    return %c0_i32, %c0_i32_0 : i32, i32
  }
  func.func @transform_22(%arg0: i32) -> (i32, i32) {
    %c0_i32 = arith.constant 0 : i32
    %c0_i32_0 = arith.constant 0 : i32
    return %arg0, %c0_i32 : i32, i32
  }
  func.func @transform_23(%arg0: i32) -> (i32, i32) {
    %c0_i32 = arith.constant 0 : i32
    %c0_i32_0 = arith.constant 0 : i32
    return %arg0, %c0_i32 : i32, i32
  }
  func.func @transform_24(%arg0: i32) -> (i32, i32) {
    %c0_i32 = arith.constant 0 : i32
    %c0_i32_0 = arith.constant 0 : i32
    %c0_i32_1 = arith.constant 0 : i32
    return %c0_i32, %c0_i32_0 : i32, i32
  }
  func.func @transform_25(%arg0: i32) -> (i32, i32) {
    %c0_i32 = arith.constant 0 : i32
    %c0_i32_0 = arith.constant 0 : i32
    %c0_i32_1 = arith.constant 0 : i32
    return %c0_i32, %c0_i32_0 : i32, i32
  }
}

module attributes {stable_mosaic.version = 14 : i64} {
  func.func @body(%arg0: i32, %arg1: memref<1600x128xbf16, #tpu.memory_space<vmem>>, %arg2: memref<1600x128xbf16, #tpu.memory_space<vmem>>, %arg3: memref<1600x128xbf16, #tpu.memory_space<vmem>>, %arg4: memref<1x128xf32, #tpu.memory_space<vmem>>, %arg5: memref<1x128xf32, #tpu.memory_space<vmem>>, %arg6: memref<1x128xf32, #tpu.memory_space<vmem>>, %arg7: memref<1x128xf32, #tpu.memory_space<vmem>>, %arg8: memref<1x128xf32, #tpu.memory_space<vmem>>, %arg9: memref<1x128xf32, #tpu.memory_space<vmem>>, %arg10: memref<128x64xbf16, #tpu.memory_space<vmem>>, %arg11: memref<1x64xf32, #tpu.memory_space<vmem>>, %arg12: memref<64x1xbf16, #tpu.memory_space<vmem>>, %arg13: memref<1x1xf32, #tpu.memory_space<vmem>>, %arg14: memref<1600x128xf32, #tpu.memory_space<vmem>>, %arg15: memref<1600x1xf32, #tpu.memory_space<vmem>>) attributes {dimension_semantics = [#tpu.dimension_semantics<arbitrary>], iteration_bounds = array<i64: 200>, scalar_prefetch = 0 : i64, scratch_operands = 0 : i64, tpu.core_type = #tpu.core_type<tc>, window_params = [{transform_indices = @transform_0, window_bounds = array<i64: 1600, 128>}, {transform_indices = @transform_1, window_bounds = array<i64: 1600, 128>}, {transform_indices = @transform_2, window_bounds = array<i64: 1600, 128>}, {pipeline_mode = #tpu.pipeline_mode<synchronous>, transform_indices = @transform_3, window_bounds = array<i64: 1, 128>}, {pipeline_mode = #tpu.pipeline_mode<synchronous>, transform_indices = @transform_4, window_bounds = array<i64: 1, 128>}, {pipeline_mode = #tpu.pipeline_mode<synchronous>, transform_indices = @transform_5, window_bounds = array<i64: 1, 128>}, {pipeline_mode = #tpu.pipeline_mode<synchronous>, transform_indices = @transform_6, window_bounds = array<i64: 1, 128>}, {pipeline_mode = #tpu.pipeline_mode<synchronous>, transform_indices = @transform_7, window_bounds = array<i64: 1, 128>}, {pipeline_mode = #tpu.pipeline_mode<synchronous>, transform_indices = @transform_8, window_bounds = array<i64: 1, 128>}, {pipeline_mode = #tpu.pipeline_mode<synchronous>, transform_indices = @transform_9, window_bounds = array<i64: 128, 64>}, {pipeline_mode = #tpu.pipeline_mode<synchronous>, transform_indices = @transform_10, window_bounds = array<i64: 1, 64>}, {pipeline_mode = #tpu.pipeline_mode<synchronous>, transform_indices = @transform_11, window_bounds = array<i64: 64, 1>}, {pipeline_mode = #tpu.pipeline_mode<synchronous>, transform_indices = @transform_12, window_bounds = array<i64: 1, 1>}, {transform_indices = @transform_13, window_bounds = array<i64: 1600, 128>}, {transform_indices = @transform_14, window_bounds = array<i64: 1600, 1>}]} {
    %get3A = arith.constant 0 : index
    %get3A_0 = arith.constant 0 : index
    %get3A_1 = vector.load %arg1[%get3A, %get3A_0] : memref<1600x128xbf16, #tpu.memory_space<vmem>>, vector<1600x128xbf16>
    %convert_element_type3A = arith.extf %get3A_1 : vector<1600x128xbf16> to vector<1600x128xf32>
    %get3A_2 = arith.constant 0 : index
    %get3A_3 = arith.constant 0 : index
    %get3A_4 = vector.load %arg4[%get3A_2, %get3A_3] : memref<1x128xf32, #tpu.memory_space<vmem>>, vector<1x128xf32>
    %mul3A = vector.broadcast %get3A_4 : vector<1x128xf32> to vector<1600x128xf32>
    %mul3A_5 = arith.mulf %convert_element_type3A, %mul3A : vector<1600x128xf32>
    %get3A_6 = arith.constant 0 : index
    %get3A_7 = arith.constant 0 : index
    %get3A_8 = vector.load %arg5[%get3A_6, %get3A_7] : memref<1x128xf32, #tpu.memory_space<vmem>>, vector<1x128xf32>
    %add3A = vector.broadcast %get3A_8 : vector<1x128xf32> to vector<1600x128xf32>
    %add3A_9 = arith.addf %mul3A_5, %add3A : vector<1600x128xf32>
    %max3A = arith.constant 0.000000e+00 : f32
    %max3A_10 = vector.broadcast %max3A : f32 to vector<1600x128xf32>
    %max3A_11 = arith.maximumf %add3A_9, %max3A_10 : vector<1600x128xf32>
    %get3A_12 = arith.constant 0 : index
    %get3A_13 = arith.constant 0 : index
    %get3A_14 = vector.load %arg2[%get3A_12, %get3A_13] : memref<1600x128xbf16, #tpu.memory_space<vmem>>, vector<1600x128xbf16>
    %convert_element_type3A_15 = arith.extf %get3A_14 : vector<1600x128xbf16> to vector<1600x128xf32>
    %get3A_16 = arith.constant 0 : index
    %get3A_17 = arith.constant 0 : index
    %get3A_18 = vector.load %arg6[%get3A_16, %get3A_17] : memref<1x128xf32, #tpu.memory_space<vmem>>, vector<1x128xf32>
    %mul3A_19 = vector.broadcast %get3A_18 : vector<1x128xf32> to vector<1600x128xf32>
    %mul3A_20 = arith.mulf %convert_element_type3A_15, %mul3A_19 : vector<1600x128xf32>
    %get3A_21 = arith.constant 0 : index
    %get3A_22 = arith.constant 0 : index
    %get3A_23 = vector.load %arg7[%get3A_21, %get3A_22] : memref<1x128xf32, #tpu.memory_space<vmem>>, vector<1x128xf32>
    %add3A_24 = vector.broadcast %get3A_23 : vector<1x128xf32> to vector<1600x128xf32>
    %add3A_25 = arith.addf %mul3A_20, %add3A_24 : vector<1600x128xf32>
    %max3A_26 = arith.constant 0.000000e+00 : f32
    %max3A_27 = vector.broadcast %max3A_26 : f32 to vector<1600x128xf32>
    %max3A_28 = arith.maximumf %add3A_25, %max3A_27 : vector<1600x128xf32>
    %add3A_29 = arith.addf %max3A_11, %max3A_28 : vector<1600x128xf32>
    %get3A_30 = arith.constant 0 : index
    %get3A_31 = arith.constant 0 : index
    %get3A_32 = vector.load %arg3[%get3A_30, %get3A_31] : memref<1600x128xbf16, #tpu.memory_space<vmem>>, vector<1600x128xbf16>
    %convert_element_type3A_33 = arith.extf %get3A_32 : vector<1600x128xbf16> to vector<1600x128xf32>
    %get3A_34 = arith.constant 0 : index
    %get3A_35 = arith.constant 0 : index
    %get3A_36 = vector.load %arg8[%get3A_34, %get3A_35] : memref<1x128xf32, #tpu.memory_space<vmem>>, vector<1x128xf32>
    %mul3A_37 = vector.broadcast %get3A_36 : vector<1x128xf32> to vector<1600x128xf32>
    %mul3A_38 = arith.mulf %convert_element_type3A_33, %mul3A_37 : vector<1600x128xf32>
    %get3A_39 = arith.constant 0 : index
    %get3A_40 = arith.constant 0 : index
    %get3A_41 = vector.load %arg9[%get3A_39, %get3A_40] : memref<1x128xf32, #tpu.memory_space<vmem>>, vector<1x128xf32>
    %add3A_42 = vector.broadcast %get3A_41 : vector<1x128xf32> to vector<1600x128xf32>
    %add3A_43 = arith.addf %mul3A_38, %add3A_42 : vector<1600x128xf32>
    %max3A_44 = arith.constant 0.000000e+00 : f32
    %max3A_45 = vector.broadcast %max3A_44 : f32 to vector<1600x128xf32>
    %max3A_46 = arith.maximumf %add3A_43, %max3A_45 : vector<1600x128xf32>
    %add3A_47 = arith.addf %add3A_29, %max3A_46 : vector<1600x128xf32>
    %swap3A = arith.constant 0 : index
    %swap3A_48 = arith.constant 0 : index
    %swap3A_49 = vector.load %arg14[%swap3A, %swap3A_48] : memref<1600x128xf32, #tpu.memory_space<vmem>>, vector<1600x128xf32>
    tpu.vector_store %arg14[%swap3A, %swap3A_48], %add3A_47 {strides = array<i32>} : memref<1600x128xf32, #tpu.memory_space<vmem>>, vector<1600x128xf32>,
    %convert_element_type3A_50 = arith.truncf %add3A_47 : vector<1600x128xf32> to vector<1600x128xbf16>
    %get3A_51 = arith.constant 0 : index
    %get3A_52 = arith.constant 0 : index
    %get3A_53 = vector.load %arg10[%get3A_51, %get3A_52] : memref<128x64xbf16, #tpu.memory_space<vmem>>, vector<128x64xbf16>
    %dot_general3A = arith.constant dense<0.000000e+00> : vector<1600x64xf32>
    %dot_general3A_54 = tpu.matmul %convert_element_type3A_50, %get3A_53, %dot_general3A {dimension_numbers = #tpu.dot_dimension_numbers<[1], [0], [0], [1], [0, 0, 1, 1], [], []>, transpose_lhs_hint = false} : vector<1600x128xbf16>, vector<128x64xbf16>, vector<1600x64xf32> -> vector<1600x64xf32>
    %get3A_55 = arith.constant 0 : index
    %get3A_56 = arith.constant 0 : index
    %get3A_57 = vector.load %arg11[%get3A_55, %get3A_56] : memref<1x64xf32, #tpu.memory_space<vmem>>, vector<1x64xf32>
    %add3A_58 = vector.broadcast %get3A_57 : vector<1x64xf32> to vector<1600x64xf32>
    %add3A_59 = arith.addf %dot_general3A_54, %add3A_58 : vector<1600x64xf32>
    %max3A_60 = arith.constant 0.000000e+00 : f32
    %max3A_61 = vector.broadcast %max3A_60 : f32 to vector<1600x64xf32>
    %max3A_62 = arith.maximumf %add3A_59, %max3A_61 : vector<1600x64xf32>
    %convert_element_type3A_63 = arith.truncf %max3A_62 : vector<1600x64xf32> to vector<1600x64xbf16>
    %get3A_64 = arith.constant 0 : index
    %get3A_65 = arith.constant 0 : index
    %get3A_66 = vector.load %arg12[%get3A_64, %get3A_65] : memref<64x1xbf16, #tpu.memory_space<vmem>>, vector<64x1xbf16>
    %dot_general3A_67 = arith.constant dense<0.000000e+00> : vector<1600x1xf32>
    %dot_general3A_68 = tpu.matmul %convert_element_type3A_63, %get3A_66, %dot_general3A_67 {dimension_numbers = #tpu.dot_dimension_numbers<[1], [0], [0], [1], [0, 0, 1, 1], [], []>, transpose_lhs_hint = false} : vector<1600x64xbf16>, vector<64x1xbf16>, vector<1600x1xf32> -> vector<1600x1xf32>
    %get3A_69 = arith.constant 0 : index
    %get3A_70 = arith.constant 0 : index
    %get3A_71 = vector.load %arg13[%get3A_69, %get3A_70] : memref<1x1xf32, #tpu.memory_space<vmem>>, vector<1x1xf32>
    %add3A_72 = vector.broadcast %get3A_71 : vector<1x1xf32> to vector<1600x1xf32>
    %add3A_73 = arith.addf %dot_general3A_68, %add3A_72 : vector<1600x1xf32>
    %logistic3A = arith.negf %add3A_73 : vector<1600x1xf32>
    %logistic3A_74 = math.exp %logistic3A : vector<1600x1xf32>
    %logistic3A_75 = arith.constant 1.000000e+00 : f32
    %logistic3A_76 = vector.broadcast %logistic3A_75 : f32 to vector<1600x1xf32>
    %logistic3A_77 = arith.addf %logistic3A_76, %logistic3A_74 : vector<1600x1xf32>
    %logistic3A_78 = arith.divf %logistic3A_76, %logistic3A_77 : vector<1600x1xf32>
    %swap3A_79 = arith.constant 0 : index
    %swap3A_80 = arith.constant 0 : index
    %swap3A_81 = vector.load %arg15[%swap3A_79, %swap3A_80] : memref<1600x1xf32, #tpu.memory_space<vmem>>, vector<1600x1xf32>
    tpu.vector_store %arg15[%swap3A_79, %swap3A_80], %logistic3A_78 {strides = array<i32>} : memref<1600x1xf32, #tpu.memory_space<vmem>>, vector<1600x1xf32>,
    return
  }
  func.func @transform_0(%arg0: i32) -> (i32, i32) {
    %c0_i32 = arith.constant 0 : i32
    %c0_i32_0 = arith.constant 0 : i32
    return %arg0, %c0_i32 : i32, i32
  }
  func.func @transform_1(%arg0: i32) -> (i32, i32) {
    %c0_i32 = arith.constant 0 : i32
    %c0_i32_0 = arith.constant 0 : i32
    return %arg0, %c0_i32 : i32, i32
  }
  func.func @transform_2(%arg0: i32) -> (i32, i32) {
    %c0_i32 = arith.constant 0 : i32
    %c0_i32_0 = arith.constant 0 : i32
    return %arg0, %c0_i32 : i32, i32
  }
  func.func @transform_3(%arg0: i32) -> (i32, i32) {
    %c0_i32 = arith.constant 0 : i32
    %c0_i32_0 = arith.constant 0 : i32
    %c0_i32_1 = arith.constant 0 : i32
    return %c0_i32, %c0_i32_0 : i32, i32
  }
  func.func @transform_4(%arg0: i32) -> (i32, i32) {
    %c0_i32 = arith.constant 0 : i32
    %c0_i32_0 = arith.constant 0 : i32
    %c0_i32_1 = arith.constant 0 : i32
    return %c0_i32, %c0_i32_0 : i32, i32
  }
  func.func @transform_5(%arg0: i32) -> (i32, i32) {
    %c0_i32 = arith.constant 0 : i32
    %c0_i32_0 = arith.constant 0 : i32
    %c0_i32_1 = arith.constant 0 : i32
    return %c0_i32, %c0_i32_0 : i32, i32
  }
  func.func @transform_6(%arg0: i32) -> (i32, i32) {
    %c0_i32 = arith.constant 0 : i32
    %c0_i32_0 = arith.constant 0 : i32
    %c0_i32_1 = arith.constant 0 : i32
    return %c0_i32, %c0_i32_0 : i32, i32
  }
  func.func @transform_7(%arg0: i32) -> (i32, i32) {
    %c0_i32 = arith.constant 0 : i32
    %c0_i32_0 = arith.constant 0 : i32
    %c0_i32_1 = arith.constant 0 : i32
    return %c0_i32, %c0_i32_0 : i32, i32
  }
  func.func @transform_8(%arg0: i32) -> (i32, i32) {
    %c0_i32 = arith.constant 0 : i32
    %c0_i32_0 = arith.constant 0 : i32
    %c0_i32_1 = arith.constant 0 : i32
    return %c0_i32, %c0_i32_0 : i32, i32
  }
  func.func @transform_9(%arg0: i32) -> (i32, i32) {
    %c0_i32 = arith.constant 0 : i32
    %c0_i32_0 = arith.constant 0 : i32
    %c0_i32_1 = arith.constant 0 : i32
    return %c0_i32, %c0_i32_0 : i32, i32
  }
  func.func @transform_10(%arg0: i32) -> (i32, i32) {
    %c0_i32 = arith.constant 0 : i32
    %c0_i32_0 = arith.constant 0 : i32
    %c0_i32_1 = arith.constant 0 : i32
    return %c0_i32, %c0_i32_0 : i32, i32
  }
  func.func @transform_11(%arg0: i32) -> (i32, i32) {
    %c0_i32 = arith.constant 0 : i32
    %c0_i32_0 = arith.constant 0 : i32
    %c0_i32_1 = arith.constant 0 : i32
    return %c0_i32, %c0_i32_0 : i32, i32
  }
  func.func @transform_12(%arg0: i32) -> (i32, i32) {
    %c0_i32 = arith.constant 0 : i32
    %c0_i32_0 = arith.constant 0 : i32
    %c0_i32_1 = arith.constant 0 : i32
    return %c0_i32, %c0_i32_0 : i32, i32
  }
  func.func @transform_13(%arg0: i32) -> (i32, i32) {
    %c0_i32 = arith.constant 0 : i32
    %c0_i32_0 = arith.constant 0 : i32
    return %arg0, %c0_i32 : i32, i32
  }
  func.func @transform_14(%arg0: i32) -> (i32, i32) {
    %c0_i32 = arith.constant 0 : i32
    %c0_i32_0 = arith.constant 0 : i32
    return %arg0, %c0_i32 : i32, i32
  }
}

module attributes {stable_mosaic.version = 14 : i64} {
  func.func @body(%arg0: i32, %arg1: memref<10000x128xf32, #tpu.memory_space<vmem>>, %arg2: memref<2x10000x128xf32, #tpu.memory_space<vmem>>, %arg3: memref<128x128xbf16, #tpu.memory_space<vmem>>, %arg4: memref<128x128xbf16, #tpu.memory_space<vmem>>, %arg5: memref<1x128xf32, #tpu.memory_space<vmem>>, %arg6: memref<128x128xbf16, #tpu.memory_space<vmem>>, %arg7: memref<1x128xf32, #tpu.memory_space<vmem>>, %arg8: memref<1x128xf32, #tpu.memory_space<vmem>>, %arg9: memref<1x128xf32, #tpu.memory_space<vmem>>, %arg10: memref<10000x128xf32, #tpu.memory_space<vmem>>, %arg11: memref<10000x128xbf16, #tpu.memory_space<vmem>>) attributes {dimension_semantics = [#tpu.dimension_semantics<arbitrary>], iteration_bounds = array<i64: 1>, scalar_prefetch = 0 : i64, scratch_operands = 0 : i64, tpu.core_type = #tpu.core_type<tc>, window_params = [{pipeline_mode = #tpu.pipeline_mode<synchronous>, transform_indices = @transform_0, window_bounds = array<i64: 10000, 128>}, {pipeline_mode = #tpu.pipeline_mode<synchronous>, transform_indices = @transform_1, window_bounds = array<i64: 2, 10000, 128>}, {pipeline_mode = #tpu.pipeline_mode<synchronous>, transform_indices = @transform_2, window_bounds = array<i64: 128, 128>}, {pipeline_mode = #tpu.pipeline_mode<synchronous>, transform_indices = @transform_3, window_bounds = array<i64: 128, 128>}, {pipeline_mode = #tpu.pipeline_mode<synchronous>, transform_indices = @transform_4, window_bounds = array<i64: 1, 128>}, {pipeline_mode = #tpu.pipeline_mode<synchronous>, transform_indices = @transform_5, window_bounds = array<i64: 128, 128>}, {pipeline_mode = #tpu.pipeline_mode<synchronous>, transform_indices = @transform_6, window_bounds = array<i64: 1, 128>}, {pipeline_mode = #tpu.pipeline_mode<synchronous>, transform_indices = @transform_7, window_bounds = array<i64: 1, 128>}, {pipeline_mode = #tpu.pipeline_mode<synchronous>, transform_indices = @transform_8, window_bounds = array<i64: 1, 128>}, {pipeline_mode = #tpu.pipeline_mode<synchronous>, transform_indices = @transform_9, window_bounds = array<i64: 10000, 128>}, {pipeline_mode = #tpu.pipeline_mode<synchronous>, transform_indices = @transform_10, window_bounds = array<i64: 10000, 128>}]} {
    %get3A = arith.constant 0 : index
    %get3A_0 = arith.constant 0 : index
    %get3A_1 = arith.constant 0 : index
    %get3A_2 = vector.load %arg2[%get3A, %get3A_0, %get3A_1] : memref<2x10000x128xf32, #tpu.memory_space<vmem>>, vector<1x10000x128xf32>
    %get3A_3 = vector.shape_cast %get3A_2 : vector<1x10000x128xf32> to vector<10000x128xf32>
    %get3A_4 = arith.constant 1 : index
    %get3A_5 = arith.constant 0 : index
    %get3A_6 = arith.constant 0 : index
    %get3A_7 = vector.load %arg2[%get3A_4, %get3A_5, %get3A_6] : memref<2x10000x128xf32, #tpu.memory_space<vmem>>, vector<1x10000x128xf32>
    %get3A_8 = vector.shape_cast %get3A_7 : vector<1x10000x128xf32> to vector<10000x128xf32>
    %add3A = arith.addf %get3A_3, %get3A_8 : vector<10000x128xf32>
    %get3A_9 = arith.constant 0 : index
    %get3A_10 = arith.constant 0 : index
    %get3A_11 = vector.load %arg1[%get3A_9, %get3A_10] : memref<10000x128xf32, #tpu.memory_space<vmem>>, vector<10000x128xf32>
    %convert_element_type3A = arith.truncf %get3A_11 : vector<10000x128xf32> to vector<10000x128xbf16>
    %get3A_12 = arith.constant 0 : index
    %get3A_13 = arith.constant 0 : index
    %get3A_14 = vector.load %arg3[%get3A_12, %get3A_13] : memref<128x128xbf16, #tpu.memory_space<vmem>>, vector<128x128xbf16>
    %dot_general3A = arith.constant dense<0.000000e+00> : vector<10000x128xf32>
    %dot_general3A_15 = tpu.matmul %convert_element_type3A, %get3A_14, %dot_general3A {dimension_numbers = #tpu.dot_dimension_numbers<[1], [0], [0], [1], [0, 0, 1, 1], [], []>, transpose_lhs_hint = false} : vector<10000x128xbf16>, vector<128x128xbf16>, vector<10000x128xf32> -> vector<10000x128xf32>
    %convert_element_type3A_16 = arith.truncf %add3A : vector<10000x128xf32> to vector<10000x128xbf16>
    %get3A_17 = arith.constant 0 : index
    %get3A_18 = arith.constant 0 : index
    %get3A_19 = vector.load %arg4[%get3A_17, %get3A_18] : memref<128x128xbf16, #tpu.memory_space<vmem>>, vector<128x128xbf16>
    %dot_general3A_20 = arith.constant dense<0.000000e+00> : vector<10000x128xf32>
    %dot_general3A_21 = tpu.matmul %convert_element_type3A_16, %get3A_19, %dot_general3A_20 {dimension_numbers = #tpu.dot_dimension_numbers<[1], [0], [0], [1], [0, 0, 1, 1], [], []>, transpose_lhs_hint = false} : vector<10000x128xbf16>, vector<128x128xbf16>, vector<10000x128xf32> -> vector<10000x128xf32>
    %add3A_22 = arith.addf %dot_general3A_15, %dot_general3A_21 : vector<10000x128xf32>
    %get3A_23 = arith.constant 0 : index
    %get3A_24 = arith.constant 0 : index
    %get3A_25 = vector.load %arg5[%get3A_23, %get3A_24] : memref<1x128xf32, #tpu.memory_space<vmem>>, vector<1x128xf32>
    %add3A_26 = vector.broadcast %get3A_25 : vector<1x128xf32> to vector<10000x128xf32>
    %add3A_27 = arith.addf %add3A_22, %add3A_26 : vector<10000x128xf32>
    %max3A = arith.constant 0.000000e+00 : f32
    %max3A_28 = vector.broadcast %max3A : f32 to vector<10000x128xf32>
    %max3A_29 = arith.maximumf %add3A_27, %max3A_28 : vector<10000x128xf32>
    %convert_element_type3A_30 = arith.truncf %max3A_29 : vector<10000x128xf32> to vector<10000x128xbf16>
    %get3A_31 = arith.constant 0 : index
    %get3A_32 = arith.constant 0 : index
    %get3A_33 = vector.load %arg6[%get3A_31, %get3A_32] : memref<128x128xbf16, #tpu.memory_space<vmem>>, vector<128x128xbf16>
    %dot_general3A_34 = arith.constant dense<0.000000e+00> : vector<10000x128xf32>
    %dot_general3A_35 = tpu.matmul %convert_element_type3A_30, %get3A_33, %dot_general3A_34 {dimension_numbers = #tpu.dot_dimension_numbers<[1], [0], [0], [1], [0, 0, 1, 1], [], []>, transpose_lhs_hint = false} : vector<10000x128xbf16>, vector<128x128xbf16>, vector<10000x128xf32> -> vector<10000x128xf32>
    %get3A_36 = arith.constant 0 : index
    %get3A_37 = arith.constant 0 : index
    %get3A_38 = vector.load %arg7[%get3A_36, %get3A_37] : memref<1x128xf32, #tpu.memory_space<vmem>>, vector<1x128xf32>
    %add3A_39 = vector.broadcast %get3A_38 : vector<1x128xf32> to vector<10000x128xf32>
    %add3A_40 = arith.addf %dot_general3A_35, %add3A_39 : vector<10000x128xf32>
    %reduce_sum3A = arith.constant dense<0.000000e+00> : vector<128xf32>
    %reduce_sum3A_41 = vector.multi_reduction <add>, %add3A_40, %reduce_sum3A [0] : vector<10000x128xf32> to vector<128xf32>
    %broadcast_in_dim3A = vector.shape_cast %reduce_sum3A_41 : vector<128xf32> to vector<1x128xf32>
    %div3A = arith.constant 1.000000e+04 : f32
    %div3A_42 = vector.broadcast %div3A : f32 to vector<1x128xf32>
    %div3A_43 = arith.divf %broadcast_in_dim3A, %div3A_42 : vector<1x128xf32>
    %mul3A = arith.mulf %add3A_40, %add3A_40 : vector<10000x128xf32>
    %reduce_sum3A_44 = arith.constant dense<0.000000e+00> : vector<128xf32>
    %reduce_sum3A_45 = vector.multi_reduction <add>, %mul3A, %reduce_sum3A_44 [0] : vector<10000x128xf32> to vector<128xf32>
    %broadcast_in_dim3A_46 = vector.shape_cast %reduce_sum3A_45 : vector<128xf32> to vector<1x128xf32>
    %div3A_47 = arith.constant 1.000000e+04 : f32
    %div3A_48 = vector.broadcast %div3A_47 : f32 to vector<1x128xf32>
    %div3A_49 = arith.divf %broadcast_in_dim3A_46, %div3A_48 : vector<1x128xf32>
    %mul3A_50 = arith.mulf %div3A_43, %div3A_43 : vector<1x128xf32>
    %sub3A = arith.subf %div3A_49, %mul3A_50 : vector<1x128xf32>
    %get3A_51 = arith.constant 0 : index
    %get3A_52 = arith.constant 0 : index
    %get3A_53 = vector.load %arg8[%get3A_51, %get3A_52] : memref<1x128xf32, #tpu.memory_space<vmem>>, vector<1x128xf32>
    %add3A_54 = arith.constant 9.99999974E-6 : f32
    %add3A_55 = vector.broadcast %add3A_54 : f32 to vector<1x128xf32>
    %add3A_56 = arith.addf %sub3A, %add3A_55 : vector<1x128xf32>
    %sqrt3A = math.sqrt %add3A_56 : vector<1x128xf32>
    %div3A_57 = arith.divf %get3A_53, %sqrt3A : vector<1x128xf32>
    %get3A_58 = arith.constant 0 : index
    %get3A_59 = arith.constant 0 : index
    %get3A_60 = vector.load %arg9[%get3A_58, %get3A_59] : memref<1x128xf32, #tpu.memory_space<vmem>>, vector<1x128xf32>
    %mul3A_61 = arith.mulf %div3A_43, %div3A_57 : vector<1x128xf32>
    %sub3A_62 = arith.subf %get3A_60, %mul3A_61 : vector<1x128xf32>
    %mul3A_63 = vector.broadcast %div3A_57 : vector<1x128xf32> to vector<10000x128xf32>
    %mul3A_64 = arith.mulf %add3A_40, %mul3A_63 : vector<10000x128xf32>
    %add3A_65 = vector.broadcast %sub3A_62 : vector<1x128xf32> to vector<10000x128xf32>
    %add3A_66 = arith.addf %mul3A_64, %add3A_65 : vector<10000x128xf32>
    %max3A_67 = arith.constant 0.000000e+00 : f32
    %max3A_68 = vector.broadcast %max3A_67 : f32 to vector<10000x128xf32>
    %max3A_69 = arith.maximumf %add3A_66, %max3A_68 : vector<10000x128xf32>
    %get3A_70 = arith.constant 0 : index
    %get3A_71 = arith.constant 0 : index
    %get3A_72 = vector.load %arg1[%get3A_70, %get3A_71] : memref<10000x128xf32, #tpu.memory_space<vmem>>, vector<10000x128xf32>
    %add3A_73 = arith.addf %get3A_72, %max3A_69 : vector<10000x128xf32>
    %swap3A = arith.constant 0 : index
    %swap3A_74 = arith.constant 0 : index
    %swap3A_75 = vector.load %arg10[%swap3A, %swap3A_74] : memref<10000x128xf32, #tpu.memory_space<vmem>>, vector<10000x128xf32>
    tpu.vector_store %arg10[%swap3A, %swap3A_74], %add3A_73 {strides = array<i32>} : memref<10000x128xf32, #tpu.memory_space<vmem>>, vector<10000x128xf32>,
    %convert_element_type3A_76 = arith.truncf %add3A_73 : vector<10000x128xf32> to vector<10000x128xbf16>
    %swap3A_77 = arith.constant 0 : index
    %swap3A_78 = arith.constant 0 : index
    %swap3A_79 = vector.load %arg11[%swap3A_77, %swap3A_78] : memref<10000x128xbf16, #tpu.memory_space<vmem>>, vector<10000x128xbf16>
    tpu.vector_store %arg11[%swap3A_77, %swap3A_78], %convert_element_type3A_76 {strides = array<i32>} : memref<10000x128xbf16, #tpu.memory_space<vmem>>, vector<10000x128xbf16>,
    return
  }
  func.func @transform_0(%arg0: i32) -> (i32, i32) {
    %c0_i32 = arith.constant 0 : i32
    %c0_i32_0 = arith.constant 0 : i32
    %c0_i32_1 = arith.constant 0 : i32
    return %c0_i32, %c0_i32_0 : i32, i32
  }
  func.func @transform_1(%arg0: i32) -> (i32, i32, i32) {
    %c0_i32 = arith.constant 0 : i32
    %c0_i32_0 = arith.constant 0 : i32
    %c0_i32_1 = arith.constant 0 : i32
    %c0_i32_2 = arith.constant 0 : i32
    return %c0_i32, %c0_i32_0, %c0_i32_1 : i32, i32, i32
  }
  func.func @transform_2(%arg0: i32) -> (i32, i32) {
    %c0_i32 = arith.constant 0 : i32
    %c0_i32_0 = arith.constant 0 : i32
    %c0_i32_1 = arith.constant 0 : i32
    return %c0_i32, %c0_i32_0 : i32, i32
  }
  func.func @transform_3(%arg0: i32) -> (i32, i32) {
    %c0_i32 = arith.constant 0 : i32
    %c0_i32_0 = arith.constant 0 : i32
    %c0_i32_1 = arith.constant 0 : i32
    return %c0_i32, %c0_i32_0 : i32, i32
  }
  func.func @transform_4(%arg0: i32) -> (i32, i32) {
    %c0_i32 = arith.constant 0 : i32
    %c0_i32_0 = arith.constant 0 : i32
    %c0_i32_1 = arith.constant 0 : i32
    return %c0_i32, %c0_i32_0 : i32, i32
  }
  func.func @transform_5(%arg0: i32) -> (i32, i32) {
    %c0_i32 = arith.constant 0 : i32
    %c0_i32_0 = arith.constant 0 : i32
    %c0_i32_1 = arith.constant 0 : i32
    return %c0_i32, %c0_i32_0 : i32, i32
  }
  func.func @transform_6(%arg0: i32) -> (i32, i32) {
    %c0_i32 = arith.constant 0 : i32
    %c0_i32_0 = arith.constant 0 : i32
    %c0_i32_1 = arith.constant 0 : i32
    return %c0_i32, %c0_i32_0 : i32, i32
  }
  func.func @transform_7(%arg0: i32) -> (i32, i32) {
    %c0_i32 = arith.constant 0 : i32
    %c0_i32_0 = arith.constant 0 : i32
    %c0_i32_1 = arith.constant 0 : i32
    return %c0_i32, %c0_i32_0 : i32, i32
  }
  func.func @transform_8(%arg0: i32) -> (i32, i32) {
    %c0_i32 = arith.constant 0 : i32
    %c0_i32_0 = arith.constant 0 : i32
    %c0_i32_1 = arith.constant 0 : i32
    return %c0_i32, %c0_i32_0 : i32, i32
  }
  func.func @transform_9(%arg0: i32) -> (i32, i32) {
    %c0_i32 = arith.constant 0 : i32
    %c0_i32_0 = arith.constant 0 : i32
    %c0_i32_1 = arith.constant 0 : i32
    return %c0_i32, %c0_i32_0 : i32, i32
  }
  func.func @transform_10(%arg0: i32) -> (i32, i32) {
    %c0_i32 = arith.constant 0 : i32
    %c0_i32_0 = arith.constant 0 : i32
    %c0_i32_1 = arith.constant 0 : i32
    return %c0_i32, %c0_i32_0 : i32, i32
  }
}

module attributes {stable_mosaic.version = 14 : i64} {
  func.func @body(%arg0: i32, %arg1: memref<10000x128xf32, #tpu.memory_space<vmem>>, %arg2: memref<128x64xf32, #tpu.memory_space<vmem>>, %arg3: memref<1x64xf32, #tpu.memory_space<vmem>>, %arg4: memref<64x1xf32, #tpu.memory_space<vmem>>, %arg5: memref<1x1xf32, #tpu.memory_space<vmem>>, %arg6: memref<128x64xf32, #tpu.memory_space<vmem>>, %arg7: memref<1x64xf32, #tpu.memory_space<vmem>>, %arg8: memref<64x1xf32, #tpu.memory_space<vmem>>, %arg9: memref<1x1xf32, #tpu.memory_space<vmem>>, %arg10: memref<128x128xf32, #tpu.memory_space<vmem>>, %arg11: memref<1x128xf32, #tpu.memory_space<vmem>>, %arg12: memref<1x128xf32, #tpu.memory_space<vmem>>, %arg13: memref<10000x1xf32, #tpu.memory_space<vmem>>, %arg14: memref<10000x1xf32, #tpu.memory_space<vmem>>) attributes {dimension_semantics = [#tpu.dimension_semantics<arbitrary>], iteration_bounds = array<i64: 1>, scalar_prefetch = 0 : i64, scratch_operands = 0 : i64, tpu.core_type = #tpu.core_type<tc>, window_params = [{pipeline_mode = #tpu.pipeline_mode<synchronous>, transform_indices = @transform_0, window_bounds = array<i64: 10000, 128>}, {pipeline_mode = #tpu.pipeline_mode<synchronous>, transform_indices = @transform_1, window_bounds = array<i64: 128, 64>}, {pipeline_mode = #tpu.pipeline_mode<synchronous>, transform_indices = @transform_2, window_bounds = array<i64: 1, 64>}, {pipeline_mode = #tpu.pipeline_mode<synchronous>, transform_indices = @transform_3, window_bounds = array<i64: 64, 1>}, {pipeline_mode = #tpu.pipeline_mode<synchronous>, transform_indices = @transform_4, window_bounds = array<i64: 1, 1>}, {pipeline_mode = #tpu.pipeline_mode<synchronous>, transform_indices = @transform_5, window_bounds = array<i64: 128, 64>}, {pipeline_mode = #tpu.pipeline_mode<synchronous>, transform_indices = @transform_6, window_bounds = array<i64: 1, 64>}, {pipeline_mode = #tpu.pipeline_mode<synchronous>, transform_indices = @transform_7, window_bounds = array<i64: 64, 1>}, {pipeline_mode = #tpu.pipeline_mode<synchronous>, transform_indices = @transform_8, window_bounds = array<i64: 1, 1>}, {pipeline_mode = #tpu.pipeline_mode<synchronous>, transform_indices = @transform_9, window_bounds = array<i64: 128, 128>}, {pipeline_mode = #tpu.pipeline_mode<synchronous>, transform_indices = @transform_10, window_bounds = array<i64: 1, 128>}, {pipeline_mode = #tpu.pipeline_mode<synchronous>, transform_indices = @transform_11, window_bounds = array<i64: 1, 128>}, {pipeline_mode = #tpu.pipeline_mode<synchronous>, transform_indices = @transform_12, window_bounds = array<i64: 10000, 1>}, {pipeline_mode = #tpu.pipeline_mode<synchronous>, transform_indices = @transform_13, window_bounds = array<i64: 10000, 1>}]} {
    %get3A = arith.constant 0 : index
    %get3A_0 = arith.constant 0 : index
    %get3A_1 = vector.load %arg1[%get3A, %get3A_0] : memref<10000x128xf32, #tpu.memory_space<vmem>>, vector<10000x128xf32>
    %get3A_2 = arith.constant 0 : index
    %get3A_3 = arith.constant 0 : index
    %get3A_4 = vector.load %arg2[%get3A_2, %get3A_3] : memref<128x64xf32, #tpu.memory_space<vmem>>, vector<128x64xf32>
    %dot_general3A = arith.constant dense<0.000000e+00> : vector<10000x64xf32>
    %dot_general3A_5 = tpu.matmul %get3A_1, %get3A_4, %dot_general3A {dimension_numbers = #tpu.dot_dimension_numbers<[1], [0], [0], [1], [0, 0, 1, 1], [], []>, transpose_lhs_hint = false} : vector<10000x128xf32>, vector<128x64xf32>, vector<10000x64xf32> -> vector<10000x64xf32>
    %get3A_6 = arith.constant 0 : index
    %get3A_7 = arith.constant 0 : index
    %get3A_8 = vector.load %arg3[%get3A_6, %get3A_7] : memref<1x64xf32, #tpu.memory_space<vmem>>, vector<1x64xf32>
    %add3A = vector.broadcast %get3A_8 : vector<1x64xf32> to vector<10000x64xf32>
    %add3A_9 = arith.addf %dot_general3A_5, %add3A : vector<10000x64xf32>
    %max3A = arith.constant 0.000000e+00 : f32
    %max3A_10 = vector.broadcast %max3A : f32 to vector<10000x64xf32>
    %max3A_11 = arith.maximumf %add3A_9, %max3A_10 : vector<10000x64xf32>
    %get3A_12 = arith.constant 0 : index
    %get3A_13 = arith.constant 0 : index
    %get3A_14 = vector.load %arg4[%get3A_12, %get3A_13] : memref<64x1xf32, #tpu.memory_space<vmem>>, vector<64x1xf32>
    %dot_general3A_15 = arith.constant dense<0.000000e+00> : vector<10000x1xf32>
    %dot_general3A_16 = tpu.matmul %max3A_11, %get3A_14, %dot_general3A_15 {dimension_numbers = #tpu.dot_dimension_numbers<[1], [0], [0], [1], [0, 0, 1, 1], [], []>, transpose_lhs_hint = false} : vector<10000x64xf32>, vector<64x1xf32>, vector<10000x1xf32> -> vector<10000x1xf32>
    %get3A_17 = arith.constant 0 : index
    %get3A_18 = arith.constant 0 : index
    %get3A_19 = vector.load %arg5[%get3A_17, %get3A_18] : memref<1x1xf32, #tpu.memory_space<vmem>>, vector<1x1xf32>
    %add3A_20 = vector.broadcast %get3A_19 : vector<1x1xf32> to vector<10000x1xf32>
    %add3A_21 = arith.addf %dot_general3A_16, %add3A_20 : vector<10000x1xf32>
    %reduce_max3A = arith.constant dense<0xFF800000> : vector<1xf32>
    %reduce_max3A_22 = vector.multi_reduction <maximumf>, %add3A_21, %reduce_max3A [0] : vector<10000x1xf32> to vector<1xf32>
    %broadcast_in_dim3A = vector.shape_cast %reduce_max3A_22 : vector<1xf32> to vector<1x1xf32>
    %sub3A = vector.broadcast %broadcast_in_dim3A : vector<1x1xf32> to vector<10000x1xf32>
    %sub3A_23 = arith.subf %add3A_21, %sub3A : vector<10000x1xf32>
    %exp3A = math.exp %sub3A_23 : vector<10000x1xf32>
    %reduce_sum3A = arith.constant dense<0.000000e+00> : vector<1xf32>
    %reduce_sum3A_24 = vector.multi_reduction <add>, %exp3A, %reduce_sum3A [0] : vector<10000x1xf32> to vector<1xf32>
    %broadcast_in_dim3A_25 = vector.shape_cast %reduce_sum3A_24 : vector<1xf32> to vector<1x1xf32>
    %div3A = vector.broadcast %broadcast_in_dim3A_25 : vector<1x1xf32> to vector<10000x1xf32>
    %div3A_26 = arith.divf %exp3A, %div3A : vector<10000x1xf32>
    %swap3A = arith.constant 0 : index
    %swap3A_27 = arith.constant 0 : index
    %swap3A_28 = vector.load %arg13[%swap3A, %swap3A_27] : memref<10000x1xf32, #tpu.memory_space<vmem>>, vector<10000x1xf32>
    tpu.vector_store %arg13[%swap3A, %swap3A_27], %div3A_26 {strides = array<i32>} : memref<10000x1xf32, #tpu.memory_space<vmem>>, vector<10000x1xf32>,
    %get3A_29 = arith.constant 0 : index
    %get3A_30 = arith.constant 0 : index
    %get3A_31 = vector.load %arg6[%get3A_29, %get3A_30] : memref<128x64xf32, #tpu.memory_space<vmem>>, vector<128x64xf32>
    %dot_general3A_32 = arith.constant dense<0.000000e+00> : vector<10000x64xf32>
    %dot_general3A_33 = tpu.matmul %get3A_1, %get3A_31, %dot_general3A_32 {dimension_numbers = #tpu.dot_dimension_numbers<[1], [0], [0], [1], [0, 0, 1, 1], [], []>, transpose_lhs_hint = false} : vector<10000x128xf32>, vector<128x64xf32>, vector<10000x64xf32> -> vector<10000x64xf32>
    %get3A_34 = arith.constant 0 : index
    %get3A_35 = arith.constant 0 : index
    %get3A_36 = vector.load %arg7[%get3A_34, %get3A_35] : memref<1x64xf32, #tpu.memory_space<vmem>>, vector<1x64xf32>
    %add3A_37 = vector.broadcast %get3A_36 : vector<1x64xf32> to vector<10000x64xf32>
    %add3A_38 = arith.addf %dot_general3A_33, %add3A_37 : vector<10000x64xf32>
    %max3A_39 = arith.constant 0.000000e+00 : f32
    %max3A_40 = vector.broadcast %max3A_39 : f32 to vector<10000x64xf32>
    %max3A_41 = arith.maximumf %add3A_38, %max3A_40 : vector<10000x64xf32>
    %get3A_42 = arith.constant 0 : index
    %get3A_43 = arith.constant 0 : index
    %get3A_44 = vector.load %arg8[%get3A_42, %get3A_43] : memref<64x1xf32, #tpu.memory_space<vmem>>, vector<64x1xf32>
    %dot_general3A_45 = arith.constant dense<0.000000e+00> : vector<10000x1xf32>
    %dot_general3A_46 = tpu.matmul %max3A_41, %get3A_44, %dot_general3A_45 {dimension_numbers = #tpu.dot_dimension_numbers<[1], [0], [0], [1], [0, 0, 1, 1], [], []>, transpose_lhs_hint = false} : vector<10000x64xf32>, vector<64x1xf32>, vector<10000x1xf32> -> vector<10000x1xf32>
    %get3A_47 = arith.constant 0 : index
    %get3A_48 = arith.constant 0 : index
    %get3A_49 = vector.load %arg9[%get3A_47, %get3A_48] : memref<1x1xf32, #tpu.memory_space<vmem>>, vector<1x1xf32>
    %add3A_50 = vector.broadcast %get3A_49 : vector<1x1xf32> to vector<10000x1xf32>
    %add3A_51 = arith.addf %dot_general3A_46, %add3A_50 : vector<10000x1xf32>
    %logistic3A = arith.negf %add3A_51 : vector<10000x1xf32>
    %logistic3A_52 = math.exp %logistic3A : vector<10000x1xf32>
    %logistic3A_53 = arith.constant 1.000000e+00 : f32
    %logistic3A_54 = vector.broadcast %logistic3A_53 : f32 to vector<10000x1xf32>
    %logistic3A_55 = arith.addf %logistic3A_54, %logistic3A_52 : vector<10000x1xf32>
    %logistic3A_56 = arith.divf %logistic3A_54, %logistic3A_55 : vector<10000x1xf32>
    %swap3A_57 = arith.constant 0 : index
    %swap3A_58 = arith.constant 0 : index
    %swap3A_59 = vector.load %arg14[%swap3A_57, %swap3A_58] : memref<10000x1xf32, #tpu.memory_space<vmem>>, vector<10000x1xf32>
    tpu.vector_store %arg14[%swap3A_57, %swap3A_58], %logistic3A_56 {strides = array<i32>} : memref<10000x1xf32, #tpu.memory_space<vmem>>, vector<10000x1xf32>,
    %mul3A = vector.broadcast %div3A_26 : vector<10000x1xf32> to vector<10000x128xf32>
    %mul3A_60 = arith.mulf %get3A_1, %mul3A : vector<10000x128xf32>
    %reduce_sum3A_61 = arith.constant dense<0.000000e+00> : vector<128xf32>
    %reduce_sum3A_62 = vector.multi_reduction <add>, %mul3A_60, %reduce_sum3A_61 [0] : vector<10000x128xf32> to vector<128xf32>
    %broadcast_in_dim3A_63 = vector.shape_cast %reduce_sum3A_62 : vector<128xf32> to vector<1x128xf32>
    %get3A_64 = arith.constant 0 : index
    %get3A_65 = arith.constant 0 : index
    %get3A_66 = vector.load %arg10[%get3A_64, %get3A_65] : memref<128x128xf32, #tpu.memory_space<vmem>>, vector<128x128xf32>
    %dot_general3A_67 = arith.constant dense<0.000000e+00> : vector<1x128xf32>
    %dot_general3A_68 = tpu.matmul %broadcast_in_dim3A_63, %get3A_66, %dot_general3A_67 {dimension_numbers = #tpu.dot_dimension_numbers<[1], [0], [0], [1], [0, 0, 1, 1], [], []>, transpose_lhs_hint = false} : vector<1x128xf32>, vector<128x128xf32>, vector<1x128xf32> -> vector<1x128xf32>
    %get3A_69 = arith.constant 0 : index
    %get3A_70 = arith.constant 0 : index
    %get3A_71 = vector.load %arg11[%get3A_69, %get3A_70] : memref<1x128xf32, #tpu.memory_space<vmem>>, vector<1x128xf32>
    %add3A_72 = arith.addf %dot_general3A_68, %get3A_71 : vector<1x128xf32>
    %swap3A_73 = arith.constant 0 : index
    %swap3A_74 = arith.constant 0 : index
    %swap3A_75 = vector.load %arg12[%swap3A_73, %swap3A_74] : memref<1x128xf32, #tpu.memory_space<vmem>>, vector<1x128xf32>
    tpu.vector_store %arg12[%swap3A_73, %swap3A_74], %add3A_72 {strides = array<i32>} : memref<1x128xf32, #tpu.memory_space<vmem>>, vector<1x128xf32>,
    return
  }
  func.func @transform_0(%arg0: i32) -> (i32, i32) {
    %c0_i32 = arith.constant 0 : i32
    %c0_i32_0 = arith.constant 0 : i32
    %c0_i32_1 = arith.constant 0 : i32
    return %c0_i32, %c0_i32_0 : i32, i32
  }
  func.func @transform_1(%arg0: i32) -> (i32, i32) {
    %c0_i32 = arith.constant 0 : i32
    %c0_i32_0 = arith.constant 0 : i32
    %c0_i32_1 = arith.constant 0 : i32
    return %c0_i32, %c0_i32_0 : i32, i32
  }
  func.func @transform_2(%arg0: i32) -> (i32, i32) {
    %c0_i32 = arith.constant 0 : i32
    %c0_i32_0 = arith.constant 0 : i32
    %c0_i32_1 = arith.constant 0 : i32
    return %c0_i32, %c0_i32_0 : i32, i32
  }
  func.func @transform_3(%arg0: i32) -> (i32, i32) {
    %c0_i32 = arith.constant 0 : i32
    %c0_i32_0 = arith.constant 0 : i32
    %c0_i32_1 = arith.constant 0 : i32
    return %c0_i32, %c0_i32_0 : i32, i32
  }
  func.func @transform_4(%arg0: i32) -> (i32, i32) {
    %c0_i32 = arith.constant 0 : i32
    %c0_i32_0 = arith.constant 0 : i32
    %c0_i32_1 = arith.constant 0 : i32
    return %c0_i32, %c0_i32_0 : i32, i32
  }
  func.func @transform_5(%arg0: i32) -> (i32, i32) {
    %c0_i32 = arith.constant 0 : i32
    %c0_i32_0 = arith.constant 0 : i32
    %c0_i32_1 = arith.constant 0 : i32
    return %c0_i32, %c0_i32_0 : i32, i32
  }
  func.func @transform_6(%arg0: i32) -> (i32, i32) {
    %c0_i32 = arith.constant 0 : i32
    %c0_i32_0 = arith.constant 0 : i32
    %c0_i32_1 = arith.constant 0 : i32
    return %c0_i32, %c0_i32_0 : i32, i32
  }
  func.func @transform_7(%arg0: i32) -> (i32, i32) {
    %c0_i32 = arith.constant 0 : i32
    %c0_i32_0 = arith.constant 0 : i32
    %c0_i32_1 = arith.constant 0 : i32
    return %c0_i32, %c0_i32_0 : i32, i32
  }
  func.func @transform_8(%arg0: i32) -> (i32, i32) {
    %c0_i32 = arith.constant 0 : i32
    %c0_i32_0 = arith.constant 0 : i32
    %c0_i32_1 = arith.constant 0 : i32
    return %c0_i32, %c0_i32_0 : i32, i32
  }
  func.func @transform_9(%arg0: i32) -> (i32, i32) {
    %c0_i32 = arith.constant 0 : i32
    %c0_i32_0 = arith.constant 0 : i32
    %c0_i32_1 = arith.constant 0 : i32
    return %c0_i32, %c0_i32_0 : i32, i32
  }
  func.func @transform_10(%arg0: i32) -> (i32, i32) {
    %c0_i32 = arith.constant 0 : i32
    %c0_i32_0 = arith.constant 0 : i32
    %c0_i32_1 = arith.constant 0 : i32
    return %c0_i32, %c0_i32_0 : i32, i32
  }
  func.func @transform_11(%arg0: i32) -> (i32, i32) {
    %c0_i32 = arith.constant 0 : i32
    %c0_i32_0 = arith.constant 0 : i32
    %c0_i32_1 = arith.constant 0 : i32
    return %c0_i32, %c0_i32_0 : i32, i32
  }
  func.func @transform_12(%arg0: i32) -> (i32, i32) {
    %c0_i32 = arith.constant 0 : i32
    %c0_i32_0 = arith.constant 0 : i32
    %c0_i32_1 = arith.constant 0 : i32
    return %c0_i32, %c0_i32_0 : i32, i32
  }
  func.func @transform_13(%arg0: i32) -> (i32, i32) {
    %c0_i32 = arith.constant 0 : i32
    %c0_i32_0 = arith.constant 0 : i32
    %c0_i32_1 = arith.constant 0 : i32
    return %c0_i32, %c0_i32_0 : i32, i32
  }
}

</mosaic_0001>

<sc_bundles>
// kernel: kernel.17.cloned.1.call-start
scs
__scs_entry_jumppad:
0x0: {  	(pc) =	sbr.rel $0x88, $3  }
0x1: {  	(tag) =	ssettag $0x0;
	lr =	simm.s32 $0x1  }
0x2: {  	[smem:$0x3F56] =	sst lr;
	_ =	strace $0xD0000000  }
0x3: {  	_ = 	snop  }
0x4: {  	_ = 	snop  }
0x5: {  	_ = 	snop  }
0x6: {  	_ = 	snop  }
0x7: {  	_ = 	snop  }
__scs_overlays_trampoline_lowered:
0x8: {  	[smem:$0x3F65] =	sst s0  }
0x9: {  	[smem:$0x3F66] =	sst s1  }
0xa: {  	[smem:$0x3F67] =	sst s2  }
0xb: {  	[smem:$0x3F68] =	sst s3  }
0xc: {  	[smem:$0x3F69] =	sst s4  }
0xd: {  	[smem:$0x3F6A] =	sst s5  }
0xe: {  	[smem:$0x3F6B] =	sst s6  }
0xf: {  	[smem:$0x3F6C] =	sst s7  }
0x10: {  	[smem:$0x3F6D] =	sst s8  }
0x11: {  	[smem:$0x3F6E] =	sst s9;
	s0 =	simm.s32 @!p0 $0x0  }
0x12: {  	s1 =	sld [smem:$0x3F54];
	s0 =	simm.s32 @p0 $0x1  }
0x13: {  	[smem:$0x3F6F] =	sst s0;
	s0 =	simm.s32 @!p1 $0x0  }
0x14: {  	s2 =	sld [smem:$0x3F53];
	s0 =	simm.s32 @p1 $0x1  }
0x15: {  	[smem:$0x3F70] =	sst s0;
	s0 =	simm.s32 @!p2 $0x0  }
0x16: {  	s3 =	sld [smem:$0x3FDB];
	s0 =	simm.s32 @p2 $0x1  }
0x17: {  	s4 =	simm.s32 $0x1BF5;
	[smem:$0x3F72] =	sst s0  }
0x18: {  	s0 =	sld [smem:$0x3F55];
	_ =	swait.ge [sflag:s4], $0x0  }
0x19: {  	s7 =	sld [smem:$0x3F56]  }
0x1a: {  	s8 =	sadd.s32 $0xFFFFE003, lr  }
0x1b: {  	s9 =	sadd.s32 $0xFFFFFEF7, lr;
	s5 =	simm.s32 $0xFFFFFFFF;
	p2 =	slt.u32 s8, $0xFFFFF086  }
0x1c: {  	p1 =	slt.u32 s9, $0xF7A;
	s5 =	simm.s32 @!p2 $0x0  }
0x1d: {  	s5 =	simm.s32 @p1 $0x1;
	p0 =	seq.s32 s7, s2  }
0x1e: {  	s7 =	smul.u32 @!p0 $0xF7A, s2;
	p2 =	seq.s32 @!p0 s5, $0x0  }
0x1f: {  	s9 =	smul.u32 $0xF7A, s1;
	s8 =	simm.s32 @!p0 $0x1BF5;
	p2 =	por !p2, p0  }
0x20: {  	[sflag:s8] =	ssyncset.s32 @!p0 $0xFFFFF086;
	s6 =	sadd.s32 @!p0 s3, s7;
	s7 =	simm.s32 @!p0 $0x108  }
0x21: {  	s3 =	sadd.s32 s3, s9;
	s6 =	sadd.s32 @!p0 $0x88, s6;
	s7 =	simm.s32 @p2 $0x1082  }
0x22: {  	[simem:s7], [sflag:s8] =	dma.local @!p0 [hbm:s6], $0xF7A  }
0x23: {  	s9 =	sor.u32 $0xD0000000, s2;
	s6 =	simm.s32 $0x108;
	_ =	swait.ge @!p0 [sflag:s8], $0x0  }
0x24: {  	s3 =	sadd.s32 $0x88, s3;
	s6 =	simm.s32 @!p1 $0x1082;
	[sflag:s4] =	ssyncset.s32 $0xFFFFF086  }
0x25: {  	[simem:s6], [sflag:s4] =	dma.local [hbm:s3], $0xF7A  }
0x26: {  	[smem:$0x3F56] =	sst s1;
	(tag) =	ssettag s2;
	_ =	strace s9  }
0x27: {  	s1 =	sld [smem:$0x3F66]  }
0x28: {  	s2 =	sld [smem:$0x3F67]  }
0x29: {  	s4 =	sld [smem:$0x3F69]  }
0x2a: {  	p0 =	seq.s32 s5, $0x0;
	s5 =	sld [smem:$0x3F6A]  }
0x2b: {  	s6 =	sld [smem:$0x3F6B]  }
0x2c: {  	s7 =	sld [smem:$0x3F6C]  }
0x2d: {  	s3 =	simm.s32 $0x108;
	s8 =	sld [smem:$0x3F6D]  }
0x2e: {  	s3 =	simm.s32 @!p0 $0x1082;
	s9 =	sld [smem:$0x3F6E]  }
0x2f: {  	lr =	sadd.s32 s0, s3;
	s0 =	sld [smem:$0x3F65]  }
0x30: {  	s3 =	sld [smem:$0x3F68]  }
0x31: {  	[smem:$0x3F71] =	sst s10  }
0x32: {  	s10 =	sld [smem:$0x3F6F];
	_ =	sdelay $0x3  }
0x33: {  	p0 =	seq.s32 s10, $0x1;
	s10 =	sld [smem:$0x3F71];
	_ =	sdelay $0x3  }
0x34: {  	[smem:$0x3F71] =	sst s10  }
0x35: {  	s10 =	sld [smem:$0x3F70];
	_ =	sdelay $0x3  }
0x36: {  	p1 =	seq.s32 s10, $0x1;
	s10 =	sld [smem:$0x3F71];
	_ =	sdelay $0x3  }
0x37: {  	[smem:$0x3F71] =	sst s10  }
0x38: {  	s10 =	sld [smem:$0x3F72]  }
0x39: {  	_ = 	snop;
	(pc) =	sbr.ind lr, $3  }
0x3a: {  	_ = 	snop  }
0x3b: {  	_ = 	snop  }
0x3c: {  	p2 =	seq.s32 s10, $0x1;
	s10 =	sld [smem:$0x3F71]  }
0x3d: {  	_ =	shalt  }
0x3e: {  	_ =	shalt  }
0x3f: {  	_ =	shalt  }
0x40: {  	_ =	shalt  }
0x41: {  	_ =	shalt  }
0x42: {  	_ =	shalt  }
0x43: {  	_ =	shalt  }
0x44: {  	_ =	shalt  }
0x45: {  	_ =	shalt  }
0x46: {  	_ =	shalt  }
0x47: {  	_ =	shalt  }
0x48: {  	_ =	shalt  }
0x49: {  	_ =	shalt  }
0x4a: {  	_ =	shalt  }
0x4b: {  	_ =	shalt  }
0x4c: {  	_ =	shalt  }
0x4d: {  	_ =	shalt  }
0x4e: {  	_ =	shalt  }
0x4f: {  	_ =	shalt  }
0x50: {  	_ =	shalt  }
0x51: {  	_ =	shalt  }
0x52: {  	_ =	shalt  }
0x53: {  	_ =	shalt  }
0x54: {  	_ =	shalt  }
0x55: {  	_ =	shalt  }
0x56: {  	_ =	shalt  }
0x57: {  	_ =	shalt  }
0x58: {  	_ =	shalt  }
0x59: {  	_ =	shalt  }
0x5a: {  	_ =	shalt  }
0x5b: {  	_ =	shalt  }
0x5c: {  	_ =	shalt  }
0x5d: {  	_ =	shalt  }
0x5e: {  	_ =	shalt  }
0x5f: {  	_ =	shalt  }
0x60: {  	_ =	shalt  }
0x61: {  	_ =	shalt  }
0x62: {  	_ =	shalt  }
0x63: {  	_ =	shalt  }
0x64: {  	_ =	shalt  }
0x65: {  	_ =	shalt  }
0x66: {  	_ =	shalt  }
0x67: {  	_ =	shalt  }
0x68: {  	_ =	shalt  }
0x69: {  	_ =	shalt  }
0x6a: {  	_ =	shalt  }
0x6b: {  	_ =	shalt  }
0x6c: {  	_ =	shalt  }
0x6d: {  	_ =	shalt  }
0x6e: {  	_ =	shalt  }
0x6f: {  	_ =	shalt  }
0x70: {  	_ =	shalt  }
0x71: {  	_ =	shalt  }
0x72: {  	_ =	shalt  }
0x73: {  	_ =	shalt  }
0x74: {  	_ =	shalt  }
0x75: {  	_ =	shalt  }
0x76: {  	_ =	shalt  }
0x77: {  	_ =	shalt  }
0x78: {  	_ =	shalt  }
0x79: {  	_ =	shalt  }
0x7a: {  	_ =	shalt  }
0x7b: {  	_ =	shalt  }
0x7c: {  	_ =	shalt  }
0x7d: {  	_ =	shalt  }
0x7e: {  	_ =	shalt  }
0x7f: {  	_ =	shalt  }
0x80: {  	_ =	shalt  }
0x81: {  	_ =	shalt  }
0x82: {  	_ =	shalt  }
0x83: {  	_ =	shalt  }
0x84: {  	_ =	shalt  }
0x85: {  	_ =	shalt  }
0x86: {  	_ =	shalt  }
0x87: {  	_ =	shalt  }
.Lfunc_end0:
.L_simem_size_0:
called_computation_lowered:
.L_overlay_start_0:
0x88: {  	s2 =	sld [smem:$0x3FD9]  }
0x89: {  	s3 =	sld [smem:$0x3FFE];
	_ =	sdelay $0x1  }
0x8a: {  	s1 =	srdreg.scid  }
0x8b: {  	s0 =	sand.u32 $0x1, s1  }
0x8c: {  	s14 =	sshll.u32 s0, $0xA;
	s2 =	sadd.s32 s3, s2  }
0x8d: {  	s2 =	sadd.s32 s2, s14  }
0x8e: {  	[smem:$0x3F7D] =	sst s2  }
0x8f: {  	_ = 	snop  }
0x90: {  	s2 =	sld [smem:$0x3FD0];
	_ =	sdelay $0x2  }
0x91: {  	s15 =	simm.s32 $0xA;
	s4 =	simm.s32 $0x10  }
0x92: {  	[smem:s4], [sflag:s15] =	dma.local [hbm:s2], $0x1  }
0x93: {  	_ =	swait.eq [sflag:s15], $0x1  }
0x94: {  	[sflag:s15] =	ssyncset.done $0x0  }
0x95: {  	[sflag:s15] =	ssyncadd.s32 $0xFFFFFFFF  }
0x96: {  	s16 =	sld [smem:$0x11];
	(tm) =	ssettm $0x1  }
0x97: {  	s17 =	sld [smem:$0x3FFB];
	_ =	sdelay $0x3  }
0x98: {  	_ =	strace s17  }
0x99: {  	s3 =	sld [smem:$0x3FFC];
	_ =	sdelay $0x3  }
0x9a: {  	_ =	strace s3  }
0x9b: {  	s3 =	sld [smem:$0x3FFD];
	_ =	sdelay $0x3  }
0x9c: {  	_ =	strace s3  }
0x9d: {  	_ =	strace $0x8FFFFFFF  }
0x9e: {  	s18 =	sld [smem:$0x3FDB];
	_ =	sdelay $0x1  }
0x9f: {  	s19 =	simm.s32 $_scs_section_size  }
0xa0: {  	s5 =	simm.s32 $_size__tile_overlayer_lowered;
	s6 =	simm.s32 $_tile_overlayer_lowered  }
0xa1: {  	s22 =	simm.s32 $0x1BFF;
	s21 =	sshll.u32 s6, $0x1;
	s3 =	sadd.s32 s19, s18  }
0xa2: {  	s7 =	simm.s32 $0x0;
	s20 =	sshll.u32 s5, $0x1;
	s5 =	sadd.s32 s21, s3  }
0xa3: {  	[timem:s7], [sflag:s22] =	dma.local [hbm:s5], s20  }
0xa4: {  	_ =	swait.ge [sflag:s22], s20  }
0xa5: {  	s4 =	ssub.s32 $0x0, s20;
	[sflag:s22] =	ssyncset.done $0x0  }
0xa6: {  	[sflag:s22] =	ssyncadd.s32 s4;
	_ =	sdelay $0x1  }
0xa7: {  	s23 =	simm.s32 $0x1B8B  }
0xa8: {  	_ =	swait.ge [sflag:s23], $0x1  }
0xa9: {  	[sflag:s23] =	ssyncset.done $0x0  }
0xaa: {  	s25 =	simm.s32 $0x1B8E;
	s24 =	sld [smem:$0x3FFE];
	[sflag:s23] =	ssyncadd.s32 $0xFFFFFFFF  }
0xab: {  	s26 =	simm.s32 $execute0_lowered;
	[smem:$0x3FD2] =	sst s25  }
0xac: {  	s5 =	sshll.u32 s26, $0x1;
	_ =	strace $0x80000046;
	[dreg:$0x1] =	wrdreg $0xFFFFFFFF  }
0xad: {  	s28 =	simm.s32 $_size_execute0_lowered;
	s3 =	sadd.s32 s3, s5;
	[dreg:$0x0] =	wrdreg $0x0  }
0xae: {  	s5 =	sshll.u32 s28, $0x1;
	[dreg:$0x2] =	wrdreg s3  }
0xaf: {  	[dreg:$0x3] =	wrdreg s5  }
0xb0: {  	[dreg:$0x4] =	wrdreg $0xC0  }
0xb1: {  	_ =	task [dreg:s7], $0x5FFFF  }
0xb2: {  	[dreg:$0x1] =	wrdreg $0xFFFFFFFF  }
0xb3: {  	[dreg:$0x0] =	wrdreg $0x60  }
0xb4: {  	[dreg:$0x2] =	wrdreg s16  }
0xb5: {  	[dreg:$0x3] =	wrdreg s24  }
0xb6: {  	[dreg:$0x4] =	wrdreg $0x0  }
0xb7: {  	[dreg:$0x5] =	wrdreg $0x9  }
0xb8: {  	_ =	task.clear_ibuf [dreg:s7], $0x6FFFF;
	_ =	strace $0x90000046  }
0xb9: {  	s29 =	simm.s32 $0x9;
	_ =	strace $0x80000048  }
0xba: {  	_ =	swait.ge [sflag:s29], $0x1  }
0xbb: {  	[sflag:s29] =	ssyncadd.s32 $0xFFFFFFFF  }
0xbc: {  	_ =	strace $0x90000048  }
0xbd: {  	_ =	sfence  }
0xbe: {  	s30 =	sld [smem:$0x0];
	_ =	sdelay $0x2  }
0xbf: {  	s31 =	sshll.u32 s1, $0xD;
	s1 =	sshrl.u32 s1, $0x2  }
0xc0: {  	s3 =	sand.u32 $0x4000, s31;
	s1 =	sadd.s32 s1, s30  }
0xc1: {  	s0 =	sor.u32 s3, s0;
	s1 =	sshll.u32 s1, $0x11  }
0xc2: {  	s0 =	sor.u32 s1, s0  }
0xc3: {  	s0 =	sadd.s32 $0x8F2B, s0  }
0xc4: {  	[sflag:s0] =	ssyncadd.remote.s32 $0x1  }
0xc5: {  	_ =	sfence.sel $0xFFFF  }
0xc6: {  	[dreg:$0x0] =	wrdreg $0xFFFFFFFF;
	(pc) =	sbr.abs _section_cstart, $3  }
0xc7: {  	[dreg:$0x1] =	wrdreg $0xFFFFFFFF  }
0xc8: {  	_ =	task.clear_ibuf [dreg:s7], $0x2FFFF;
	_ =	strace $0x9FFFFFFF  }
0xc9: {  	(tm) =	ssettm $0x7FFFFFFF  }
tec
execute0_lowered:
.L_overlay_start_1:
0x0: {  	(tag) =	ssettag $0x1  }
0x1: {  	s1 =	srdreg.scid;
	s6 =	rddreg [dreg:$0x0]  }
0x2: {  	s0 =	stileid.u32;
	s4 =	rddreg [dreg:$0x1];
	s17 =	simm.s32 $0x80  }
0x3: {  	s18 =	simm.s32 $0x400;
	s19 =	simm.s32 $0x18880;
	s20 =	simm.s32 $0x1B000  }
0x4: {  	s21 =	simm.s32 $0x50;
	s22 =	simm.s32 $0x13880;
	s28 =	simm.s32 $0x0  }
0x5: {  	s1 =	sand.u32 $0x1, s1;
	s2 =	sshll.u32 s0, $0x1;
	s25 =	smul.u32 $0x4E000, s0  }
0x6: {  	s23 =	sshrl.u32 s0, $0x2;
	s10 =	sadd.s32 $0x25400, s4;
	s12 =	smul.u32 $0x2700, s0  }
0x7: {  	s11 =	sadd.s32 $0x507400, s4;
	s29 =	sshll.u32 s0, $0x6;
	s14 =	smul.u32 $0x4E200, s0  }
0x8: {  	p0 =	sne.s32 s0, $0xF;
	s7 =	sor.u32 s1, s2;
	s5 =	smul.u32 $0x13C00, s23  }
0x9: {  	s2 =	rddreg [dreg:$0x2];
	s26 =	ssub.s32 $0x2, s1;
	s1 =	smul.u32 $0x27100, s1  }
0xa: {  	s23 =	simm.s32 $0x1;
	s3 =	sshll.u32 s7, $0x7;
	s9 =	sshrl.u32 s26, $0x1  }
0xb: {  	s30 =	sadd.s32 s6, s12;
	s31 =	smul.u32 $0x27100, s7;
	s16 =	sadd.s32 $0x138000, s2  }
0xc: {  	s6 =	sadd.s32 $0x27000, s6;
	s15 =	sadd.s32 s14, s10;
	s14 =	sadd.s32 s14, s11  }
0xd: {  	s8 =	sand.u32 $0x380, s3;
	s3 =	simm.s32 $0x0;
	s9 =	ssub.s32 s26, s9  }
0xe: {  	s15 =	sadd.s32 s1, s15;
	s1 =	sadd.s32 s1, s14;
	s16 =	sshrl.u32 @!p0 s16, $0x3  }
0xf: {  	s26 =	simm.s32 $0x3;
	s5 =	sor.u32 s5, s8;
	[smem:$0x7FF] =	sst s3  }
0x10: {  	s9 =	smax.u32 s9, $0x1;
	s10 =	sadd.s32 s10, s31;
	s11 =	sadd.s32 s11, s31  }
0x11: {  	s12 =	sadd.s32 $0x500, s15;
	s1 =	sadd.s32 $0x500, s1;
	s15 =	simm.s32 $0x4  }
0x12: {  	s5 =	sshrl.u32 s5, $0x3;
	_ =	strace $0x80000047;
	[dreg:$0x4] =	wrdreg s30  }
0x13: {  	s24 =	sadd.s32 s5, s4;
	s5 =	sshrl.u32 s25, $0x2;
	s25 =	simm.s32 $0x2  }
0x14: {  	s13 =	sadd.s32 s5, s2;
	s5 =	sor.u32 $0x1C04, s29;
	s7 =	sadd.s32 $0x1B600, s24  }
0x15: {  	s8 =	sadd.s32 $0x11800, s24;
	s24 =	simm.s32 $0x16080;
	s14 =	sshrl.u32 s13, $0x3  }
.LBB2_1:
0x16: {  	s0 =	rddreg [dreg:$0x4]  }
0x17: {  	[spmem:s14], [sflag:s5] =	dma.local [hbm:s0], $0x2700  }
0x18: {  	_ =	swait.ge [sflag:s15], $0x2700  }
0x19: {  	[sflag:s15] =	ssyncset.done $0x0  }
0x1a: {  	s13 =	simm.s32 @!p0 $0x4;
	[sflag:s15] =	ssyncadd.s32 $0xFFFFD900  }
0x1b: {  	[spmem:s16], [sflag:s5] =	dma.local @!p0 [hbm:s6], $0x100  }
0x1c: {  	_ =	swait.ge @!p0 [sflag:s13], $0x100  }
0x1d: {  	[sflag:s13] =	ssyncset.done @!p0 $0x0  }
0x1e: {  	[sflag:s13] =	ssyncadd.s32 @!p0 $0xFFFFFF00  }
0x1f: {  	[tilespmem:s19], [sflag:$0x4] =	stream.strided.gather [hbm4b:s7+s17], $0x2780, s18, s17, $0x38;
	[tilespmem:$0x1D780] =	vst v63  }
0x20: {  	_ =	swait.ge [sflag:s15], $0x2780  }
0x21: {  	[sflag:s15] =	ssyncset.done $0x0  }
0x22: {  	[sflag:s15] =	ssyncadd.s32 $0xFFFFD880  }
0x23: {  	[tilespmem:s20], [sflag:$0x4] =	stream.strided.gather [hbm4b:s8+s17], $0x2780, s18, s17, $0x38;
	[tilespmem:$0x1D780] =	vst v63  }
0x24: {  	_ =	swait.ge [sflag:s15], $0x2780  }
0x25: {  	[sflag:s15] =	ssyncset.done $0x0  }
0x26: {  	[sflag:s15] =	ssyncadd.s32 $0xFFFFD880  }
0x27: {  	[bflag:$0x0] =	sbarrier.arrive $0xFFFF  }
0x28: {  	[tilespmem:s22], [sflag:$0x1] =	stream.indirect.gather [spmem:s2], $0x80, s19, s21, $0xb8;
	[tilespmem:$0x1D780] =	vst v63  }
0x29: {  	_ =	swait.ge [sflag:s23], $0x2800  }
0x2a: {  	[sflag:s23] =	ssyncset.done $0x0  }
0x2b: {  	[sflag:s23] =	ssyncadd.s32 $0xFFFFD800  }
0x2c: {  	[hbm4b:s10+s3] =	stream.linear.scatter [tilespmem:s22], [sflag:$0x2], $0x2800, $0x38;
	[tilespmem:$0x1D780] =	vst v63  }
0x2d: {  	_ = 	snop  }
0x2e: {  	[tilespmem:s24], [sflag:$0x1] =	stream.indirect.gather [spmem:s2], $0x80, s20, s21, $0xb8;
	[tilespmem:$0x1D780] =	vst v63  }
0x2f: {  	_ =	swait.ge [sflag:s23], $0x2800  }
0x30: {  	[sflag:s23] =	ssyncset.done $0x0  }
0x31: {  	[sflag:s23] =	ssyncadd.s32 $0xFFFFD800  }
0x32: {  	[hbm4b:s11+s3] =	stream.linear.scatter [tilespmem:s24], [sflag:$0x3], $0x2800, $0x38;
	[tilespmem:$0x1D780] =	vst v63  }
0x33: {  	_ =	swait.ge [sflag:s25], $0x2800  }
0x34: {  	[sflag:s25] =	ssyncset.done $0x0  }
0x35: {  	s0 =	simm.s32 $0x188D0;
	[sflag:s25] =	ssyncadd.s32 $0xFFFFD800  }
0x36: {  	[tilespmem:s22], [sflag:$0x1] =	stream.indirect.gather [spmem:s2], $0x80, s0, s21, $0xb8;
	[tilespmem:$0x1D780] =	vst v63  }
0x37: {  	_ =	swait.ge [sflag:s23], $0x2800  }
0x38: {  	[sflag:s23] =	ssyncset.done $0x0  }
0x39: {  	[sflag:s23] =	ssyncadd.s32 $0xFFFFD800  }
0x3a: {  	[hbm4b:s12+s3] =	stream.linear.scatter [tilespmem:s22], [sflag:$0x2], $0x2800, $0x38;
	[tilespmem:$0x1D780] =	vst v63  }
0x3b: {  	_ =	swait.ge [sflag:s26], $0x2800  }
0x3c: {  	[sflag:s26] =	ssyncset.done $0x0  }
0x3d: {  	s4 =	simm.s32 $0x1B050;
	[sflag:s26] =	ssyncadd.s32 $0xFFFFD800  }
0x3e: {  	[tilespmem:s24], [sflag:$0x1] =	stream.indirect.gather [spmem:s2], $0x80, s4, s21, $0xb8;
	[tilespmem:$0x1D780] =	vst v63  }
0x3f: {  	_ =	swait.ge [sflag:s23], $0x2800  }
0x40: {  	s29 =	simm.s32 $0x280;
	s30 =	sadd.s32 $0x500, s12;
	[sflag:s23] =	ssyncset.done $0x0  }
0x41: {  	s31 =	sadd.s32 $0x500, s1;
	s13 =	smov.u32 s1;
	[sflag:s23] =	ssyncadd.s32 $0xFFFFD800  }
.LBB2_2:
0x42: {  	[hbm4b:s13+s3] =	stream.linear.scatter [tilespmem:s24], [sflag:$0x3], $0x2800, $0x38;
	[tilespmem:$0x1D780] =	vst v63  }
0x43: {  	s0 =	smov.u32 s29;
	s13 =	smov.u32 s31  }
0x44: {  	p1 =	sne.s32 s29, $0x9B00;
	s29 =	sadd.s32 $0x140, s29;
	_ =	swait.ge [sflag:s25], $0x2800  }
0x45: {  	s0 =	sshra.s32 s0, $0x2;
	[sflag:s25] =	ssyncset.done $0x0  }
0x46: {  	s4 =	sadd.s32 $0x18880, s0;
	[sflag:s25] =	ssyncadd.s32 $0xFFFFD800  }
0x47: {  	[tilespmem:s22], [sflag:$0x1] =	stream.indirect.gather [spmem:s2], $0x80, s4, s21, $0xb8;
	[tilespmem:$0x1D780] =	vst v63  }
0x48: {  	_ =	swait.ge [sflag:s23], $0x2800  }
0x49: {  	[sflag:s23] =	ssyncset.done $0x0  }
0x4a: {  	[sflag:s23] =	ssyncadd.s32 $0xFFFFD800  }
0x4b: {  	[hbm4b:s30+s3] =	stream.linear.scatter [tilespmem:s22], [sflag:$0x2], $0x2800, $0x38;
	[tilespmem:$0x1D780] =	vst v63  }
0x4c: {  	_ =	swait.ge [sflag:s26], $0x2800  }
0x4d: {  	[sflag:s26] =	ssyncset.done $0x0  }
.Ltmp0:
0x4e: {  	s0 =	sadd.s32 $0x1B000, s0;
	[sflag:s26] =	ssyncadd.s32 $0xFFFFD800;
	(pc) =	sbr.rel @p1 .LBB2_2-.Ltmp0, $4  }
0x4f: {  	[tilespmem:s24], [sflag:$0x1] =	stream.indirect.gather [spmem:s2], $0x80, s0, s21, $0xb8;
	[tilespmem:$0x1D780] =	vst v63  }
0x50: {  	_ =	swait.ge [sflag:s23], $0x2800  }
0x51: {  	[sflag:s23] =	ssyncset.done $0x0  }
0x52: {  	s31 =	sadd.s32 $0x500, s31;
	s30 =	sadd.s32 $0x500, s30;
	[sflag:s23] =	ssyncadd.s32 $0xFFFFD800  }
0x53: {  	[hbm4b:s13+s3] =	stream.linear.scatter [tilespmem:s24], [sflag:$0x3], $0x2800, $0x38;
	[tilespmem:$0x1D780] =	vst v63  }
0x54: {  	s28 =	sadd.s32 $0x1, s28  }
0x55: {  	_ =	swait.ge [sflag:s25], $0x2800;
	p1 =	sne.s32 s28, s9  }
.Ltmp1:
0x56: {  	[sflag:s25] =	ssyncset.done $0x0;
	(pc) =	sbr.rel @p1 .LBB2_1-.Ltmp1, $4  }
0x57: {  	[sflag:s25] =	ssyncadd.s32 $0xFFFFD800  }
0x58: {  	_ =	swait.ge [sflag:s26], $0x2800  }
0x59: {  	[sflag:s26] =	ssyncset.done $0x0  }
0x5a: {  	[sflag:s26] =	ssyncadd.s32 $0xFFFFD800  }
0x5b: {  	_ =	sfence.sel $0x180000  }
0x5c: {  	[bflag:$0x0] =	sbarrier.arrive $0xFFFF  }
0x5d: {  	_ =	strace $0x90000047  }
0x5e: {  	s0 =	stileid.u32;
	[bflag:$0x2] =	sbarrier.arrive $0xFFFF  }
0x5f: {  	p0 =	sne.s32 s0, $0x0;
	s0 =	rddreg [dreg:$0x3]  }
0x60: {  	s0 =	sadd.s32 @!p0 $0x100000, s0  }
0x61: {  	[sflag:s0] =	ssyncadd.tile.s32 @!p0 $0x1;
	_ =	shalt  }
.Lfunc_end2:
_tile_overlayer_lowered:
.L_overlay_start_2:
0x62: {  	(tag) =	ssettag $0x2  }
0x63: {  	s0 =	rddreg [dreg:$0x0];
	s2 =	stileid.u32  }
0x64: {  	s1 =	rddreg [dreg:$0x1];
	p0 =	sne.s32 s2, $0x0  }
0x65: {  	s3 =	rddreg [dreg:$0x2];
	[bflag:$0x3] =	sbarrier.arrive $0xFFFF;
	s2 =	simm.s32 @!p0 $0x1C04  }
0x66: {  	[timem:s3], [sflag:s2] =	dma.local @!p0 [hbm:s0], s1  }
0x67: {  	s0 =	simm.s32 @!p0 $0x4  }
0x68: {  	_ =	swait.ge @!p0 [sflag:s0], s1  }
0x69: {  	s1 =	ssub.s32 @!p0 $0x0, s1;
	[sflag:s0] =	ssyncset.done @!p0 $0x0  }
0x6a: {  	[sflag:s0] =	ssyncadd.s32 @!p0 s1  }
0x6b: {  	[bflag:$0x3] =	sbarrier.arrive $0xFFFF  }
0x6c: {  	_ =	shalt  }

// kernel: kernel.20.cloned.1.call-start
scs
__scs_entry_jumppad:
0x0: {  	(pc) =	sbr.rel $0x88, $3  }
0x1: {  	(tag) =	ssettag $0x0;
	lr =	simm.s32 $0x1  }
0x2: {  	[smem:$0x3F56] =	sst lr;
	_ =	strace $0xD0000000  }
0x3: {  	_ = 	snop  }
0x4: {  	_ = 	snop  }
0x5: {  	_ = 	snop  }
0x6: {  	_ = 	snop  }
0x7: {  	_ = 	snop  }
__scs_overlays_trampoline_lowered:
0x8: {  	[smem:$0x3F65] =	sst s0  }
0x9: {  	[smem:$0x3F66] =	sst s1  }
0xa: {  	[smem:$0x3F67] =	sst s2  }
0xb: {  	[smem:$0x3F68] =	sst s3  }
0xc: {  	[smem:$0x3F69] =	sst s4  }
0xd: {  	[smem:$0x3F6A] =	sst s5  }
0xe: {  	[smem:$0x3F6B] =	sst s6  }
0xf: {  	[smem:$0x3F6C] =	sst s7  }
0x10: {  	[smem:$0x3F6D] =	sst s8  }
0x11: {  	[smem:$0x3F6E] =	sst s9;
	s0 =	simm.s32 @!p0 $0x0  }
0x12: {  	s1 =	sld [smem:$0x3F54];
	s0 =	simm.s32 @p0 $0x1  }
0x13: {  	[smem:$0x3F6F] =	sst s0;
	s0 =	simm.s32 @!p1 $0x0  }
0x14: {  	s2 =	sld [smem:$0x3F53];
	s0 =	simm.s32 @p1 $0x1  }
0x15: {  	[smem:$0x3F70] =	sst s0;
	s0 =	simm.s32 @!p2 $0x0  }
0x16: {  	s3 =	sld [smem:$0x3FDB];
	s0 =	simm.s32 @p2 $0x1  }
0x17: {  	s4 =	simm.s32 $0x1BF5;
	[smem:$0x3F72] =	sst s0  }
0x18: {  	s0 =	sld [smem:$0x3F55];
	_ =	swait.ge [sflag:s4], $0x0  }
0x19: {  	s7 =	sld [smem:$0x3F56]  }
0x1a: {  	s8 =	sadd.s32 $0xFFFFE003, lr  }
0x1b: {  	s9 =	sadd.s32 $0xFFFFFEF7, lr;
	s5 =	simm.s32 $0xFFFFFFFF;
	p2 =	slt.u32 s8, $0xFFFFF086  }
0x1c: {  	p1 =	slt.u32 s9, $0xF7A;
	s5 =	simm.s32 @!p2 $0x0  }
0x1d: {  	s5 =	simm.s32 @p1 $0x1;
	p0 =	seq.s32 s7, s2  }
0x1e: {  	s7 =	smul.u32 @!p0 $0xF7A, s2;
	p2 =	seq.s32 @!p0 s5, $0x0  }
0x1f: {  	s9 =	smul.u32 $0xF7A, s1;
	s8 =	simm.s32 @!p0 $0x1BF5;
	p2 =	por !p2, p0  }
0x20: {  	[sflag:s8] =	ssyncset.s32 @!p0 $0xFFFFF086;
	s6 =	sadd.s32 @!p0 s3, s7;
	s7 =	simm.s32 @!p0 $0x108  }
0x21: {  	s3 =	sadd.s32 s3, s9;
	s6 =	sadd.s32 @!p0 $0x88, s6;
	s7 =	simm.s32 @p2 $0x1082  }
0x22: {  	[simem:s7], [sflag:s8] =	dma.local @!p0 [hbm:s6], $0xF7A  }
0x23: {  	s9 =	sor.u32 $0xD0000000, s2;
	s6 =	simm.s32 $0x108;
	_ =	swait.ge @!p0 [sflag:s8], $0x0  }
0x24: {  	s3 =	sadd.s32 $0x88, s3;
	s6 =	simm.s32 @!p1 $0x1082;
	[sflag:s4] =	ssyncset.s32 $0xFFFFF086  }
0x25: {  	[simem:s6], [sflag:s4] =	dma.local [hbm:s3], $0xF7A  }
0x26: {  	[smem:$0x3F56] =	sst s1;
	(tag) =	ssettag s2;
	_ =	strace s9  }
0x27: {  	s1 =	sld [smem:$0x3F66]  }
0x28: {  	s2 =	sld [smem:$0x3F67]  }
0x29: {  	s4 =	sld [smem:$0x3F69]  }
0x2a: {  	p0 =	seq.s32 s5, $0x0;
	s5 =	sld [smem:$0x3F6A]  }
0x2b: {  	s6 =	sld [smem:$0x3F6B]  }
0x2c: {  	s7 =	sld [smem:$0x3F6C]  }
0x2d: {  	s3 =	simm.s32 $0x108;
	s8 =	sld [smem:$0x3F6D]  }
0x2e: {  	s3 =	simm.s32 @!p0 $0x1082;
	s9 =	sld [smem:$0x3F6E]  }
0x2f: {  	lr =	sadd.s32 s0, s3;
	s0 =	sld [smem:$0x3F65]  }
0x30: {  	s3 =	sld [smem:$0x3F68]  }
0x31: {  	[smem:$0x3F71] =	sst s10  }
0x32: {  	s10 =	sld [smem:$0x3F6F];
	_ =	sdelay $0x3  }
0x33: {  	p0 =	seq.s32 s10, $0x1;
	s10 =	sld [smem:$0x3F71];
	_ =	sdelay $0x3  }
0x34: {  	[smem:$0x3F71] =	sst s10  }
0x35: {  	s10 =	sld [smem:$0x3F70];
	_ =	sdelay $0x3  }
0x36: {  	p1 =	seq.s32 s10, $0x1;
	s10 =	sld [smem:$0x3F71];
	_ =	sdelay $0x3  }
0x37: {  	[smem:$0x3F71] =	sst s10  }
0x38: {  	s10 =	sld [smem:$0x3F72]  }
0x39: {  	_ = 	snop;
	(pc) =	sbr.ind lr, $3  }
0x3a: {  	_ = 	snop  }
0x3b: {  	_ = 	snop  }
0x3c: {  	p2 =	seq.s32 s10, $0x1;
	s10 =	sld [smem:$0x3F71]  }
0x3d: {  	_ =	shalt  }
0x3e: {  	_ =	shalt  }
0x3f: {  	_ =	shalt  }
0x40: {  	_ =	shalt  }
0x41: {  	_ =	shalt  }
0x42: {  	_ =	shalt  }
0x43: {  	_ =	shalt  }
0x44: {  	_ =	shalt  }
0x45: {  	_ =	shalt  }
0x46: {  	_ =	shalt  }
0x47: {  	_ =	shalt  }
0x48: {  	_ =	shalt  }
0x49: {  	_ =	shalt  }
0x4a: {  	_ =	shalt  }
0x4b: {  	_ =	shalt  }
0x4c: {  	_ =	shalt  }
0x4d: {  	_ =	shalt  }
0x4e: {  	_ =	shalt  }
0x4f: {  	_ =	shalt  }
0x50: {  	_ =	shalt  }
0x51: {  	_ =	shalt  }
0x52: {  	_ =	shalt  }
0x53: {  	_ =	shalt  }
0x54: {  	_ =	shalt  }
0x55: {  	_ =	shalt  }
0x56: {  	_ =	shalt  }
0x57: {  	_ =	shalt  }
0x58: {  	_ =	shalt  }
0x59: {  	_ =	shalt  }
0x5a: {  	_ =	shalt  }
0x5b: {  	_ =	shalt  }
0x5c: {  	_ =	shalt  }
0x5d: {  	_ =	shalt  }
0x5e: {  	_ =	shalt  }
0x5f: {  	_ =	shalt  }
0x60: {  	_ =	shalt  }
0x61: {  	_ =	shalt  }
0x62: {  	_ =	shalt  }
0x63: {  	_ =	shalt  }
0x64: {  	_ =	shalt  }
0x65: {  	_ =	shalt  }
0x66: {  	_ =	shalt  }
0x67: {  	_ =	shalt  }
0x68: {  	_ =	shalt  }
0x69: {  	_ =	shalt  }
0x6a: {  	_ =	shalt  }
0x6b: {  	_ =	shalt  }
0x6c: {  	_ =	shalt  }
0x6d: {  	_ =	shalt  }
0x6e: {  	_ =	shalt  }
0x6f: {  	_ =	shalt  }
0x70: {  	_ =	shalt  }
0x71: {  	_ =	shalt  }
0x72: {  	_ =	shalt  }
0x73: {  	_ =	shalt  }
0x74: {  	_ =	shalt  }
0x75: {  	_ =	shalt  }
0x76: {  	_ =	shalt  }
0x77: {  	_ =	shalt  }
0x78: {  	_ =	shalt  }
0x79: {  	_ =	shalt  }
0x7a: {  	_ =	shalt  }
0x7b: {  	_ =	shalt  }
0x7c: {  	_ =	shalt  }
0x7d: {  	_ =	shalt  }
0x7e: {  	_ =	shalt  }
0x7f: {  	_ =	shalt  }
0x80: {  	_ =	shalt  }
0x81: {  	_ =	shalt  }
0x82: {  	_ =	shalt  }
0x83: {  	_ =	shalt  }
0x84: {  	_ =	shalt  }
0x85: {  	_ =	shalt  }
0x86: {  	_ =	shalt  }
0x87: {  	_ =	shalt  }
.Lfunc_end0:
.L_simem_size_0:
called_computation.1_lowered:
.L_overlay_start_0:
0x88: {  	s2 =	sld [smem:$0x3FD9]  }
0x89: {  	s3 =	sld [smem:$0x3FFE];
	_ =	sdelay $0x1  }
0x8a: {  	s1 =	srdreg.scid  }
0x8b: {  	s0 =	sand.u32 $0x1, s1  }
0x8c: {  	s14 =	sshll.u32 s0, $0xA;
	s2 =	sadd.s32 s3, s2  }
0x8d: {  	s2 =	sadd.s32 s2, s14  }
0x8e: {  	[smem:$0x3F7D] =	sst s2  }
0x8f: {  	_ = 	snop  }
0x90: {  	s2 =	sld [smem:$0x3FD0];
	_ =	sdelay $0x2  }
0x91: {  	s15 =	simm.s32 $0xA;
	s4 =	simm.s32 $0x10  }
0x92: {  	[smem:s4], [sflag:s15] =	dma.local [hbm:s2], $0x1  }
0x93: {  	_ =	swait.eq [sflag:s15], $0x1  }
0x94: {  	[sflag:s15] =	ssyncset.done $0x0  }
0x95: {  	[sflag:s15] =	ssyncadd.s32 $0xFFFFFFFF  }
0x96: {  	s16 =	sld [smem:$0x12];
	(tm) =	ssettm $0x1  }
0x97: {  	s17 =	sld [smem:$0x3FFB];
	_ =	sdelay $0x3  }
0x98: {  	_ =	strace s17  }
0x99: {  	s3 =	sld [smem:$0x3FFC];
	_ =	sdelay $0x3  }
0x9a: {  	_ =	strace s3  }
0x9b: {  	s3 =	sld [smem:$0x3FFD];
	_ =	sdelay $0x3  }
0x9c: {  	_ =	strace s3  }
0x9d: {  	_ =	strace $0x8FFFFFFF  }
0x9e: {  	s18 =	sld [smem:$0x3FDB];
	_ =	sdelay $0x1  }
0x9f: {  	s19 =	simm.s32 $_scs_section_size  }
0xa0: {  	s5 =	simm.s32 $_size__tile_overlayer_lowered;
	s6 =	simm.s32 $_tile_overlayer_lowered  }
0xa1: {  	s22 =	simm.s32 $0x1BFF;
	s21 =	sshll.u32 s6, $0x1;
	s3 =	sadd.s32 s19, s18  }
0xa2: {  	s7 =	simm.s32 $0x0;
	s20 =	sshll.u32 s5, $0x1;
	s5 =	sadd.s32 s21, s3  }
0xa3: {  	[timem:s7], [sflag:s22] =	dma.local [hbm:s5], s20  }
0xa4: {  	_ =	swait.ge [sflag:s22], s20  }
0xa5: {  	s4 =	ssub.s32 $0x0, s20;
	[sflag:s22] =	ssyncset.done $0x0  }
0xa6: {  	[sflag:s22] =	ssyncadd.s32 s4;
	_ =	sdelay $0x1  }
0xa7: {  	s23 =	simm.s32 $0x1B8B  }
0xa8: {  	_ =	swait.ge [sflag:s23], $0x1  }
0xa9: {  	[sflag:s23] =	ssyncset.done $0x0  }
0xaa: {  	s25 =	simm.s32 $0x1B8E;
	s24 =	sld [smem:$0x3FFE];
	[sflag:s23] =	ssyncadd.s32 $0xFFFFFFFF  }
0xab: {  	s26 =	simm.s32 $execute0_lowered;
	[smem:$0x3FD2] =	sst s25  }
0xac: {  	s5 =	sshll.u32 s26, $0x1;
	_ =	strace $0x80000049;
	[dreg:$0x1] =	wrdreg $0xFFFFFFFF  }
0xad: {  	s28 =	simm.s32 $_size_execute0_lowered;
	s3 =	sadd.s32 s3, s5;
	[dreg:$0x0] =	wrdreg $0x0  }
0xae: {  	s5 =	sshll.u32 s28, $0x1;
	[dreg:$0x2] =	wrdreg s3  }
0xaf: {  	[dreg:$0x3] =	wrdreg s5  }
0xb0: {  	[dreg:$0x4] =	wrdreg $0xC0  }
0xb1: {  	_ =	task [dreg:s7], $0x5FFFF  }
0xb2: {  	[dreg:$0x1] =	wrdreg $0xFFFFFFFF  }
0xb3: {  	[dreg:$0x0] =	wrdreg $0x60  }
0xb4: {  	[dreg:$0x2] =	wrdreg s24  }
0xb5: {  	[dreg:$0x3] =	wrdreg s16  }
0xb6: {  	[dreg:$0x4] =	wrdreg $0x0  }
0xb7: {  	[dreg:$0x5] =	wrdreg $0x9  }
0xb8: {  	_ =	task.clear_ibuf [dreg:s7], $0x6FFFF;
	_ =	strace $0x90000049  }
0xb9: {  	s29 =	simm.s32 $0x9;
	_ =	strace $0x8000004B  }
0xba: {  	_ =	swait.ge [sflag:s29], $0x1  }
0xbb: {  	[sflag:s29] =	ssyncadd.s32 $0xFFFFFFFF  }
0xbc: {  	_ =	strace $0x9000004B  }
0xbd: {  	_ =	sfence  }
0xbe: {  	s30 =	sld [smem:$0x0];
	_ =	sdelay $0x2  }
0xbf: {  	s31 =	sshll.u32 s1, $0xD;
	s1 =	sshrl.u32 s1, $0x2  }
0xc0: {  	s3 =	sand.u32 $0x4000, s31;
	s1 =	sadd.s32 s1, s30  }
0xc1: {  	s0 =	sor.u32 s3, s0;
	s1 =	sshll.u32 s1, $0x11  }
0xc2: {  	s0 =	sor.u32 s1, s0  }
0xc3: {  	s0 =	sadd.s32 $0x8F2B, s0  }
0xc4: {  	[sflag:s0] =	ssyncadd.remote.s32 $0x1  }
0xc5: {  	_ =	sfence.sel $0xFFFF  }
0xc6: {  	[dreg:$0x0] =	wrdreg $0xFFFFFFFF;
	(pc) =	sbr.abs _section_cstart, $3  }
0xc7: {  	[dreg:$0x1] =	wrdreg $0xFFFFFFFF  }
0xc8: {  	_ =	task.clear_ibuf [dreg:s7], $0x2FFFF;
	_ =	strace $0x9FFFFFFF  }
0xc9: {  	(tm) =	ssettm $0x7FFFFFFF  }
tec
execute0_lowered:
.L_overlay_start_1:
0x0: {  	(tag) =	ssettag $0x1  }
0x1: {  	s0 =	rddreg [dreg:$0x0]  }
0x2: {  	s1 =	rddreg [dreg:$0x1]  }
0x3: {  	s2 =	rddreg [dreg:$0x2];
	s4 =	srdreg.scid  }
0x4: {  	s18 =	stileid.u32;
	s3 =	simm.s32 $0x0;
	s29 =	simm.s32 $0x1  }
0x5: {  	s30 =	simm.s32 $0x6;
	s28 =	simm.s32 $0x0;
	s4 =	sand.u32 $0x1, s4  }
0x6: {  	s5 =	sshll.u32 s18, $0x1;
	[smem:$0x7FF] =	sst s3;
	s10 =	smul.u32 $0x13800, s18  }
0x7: {  	s7 =	smul.u32 $0x4E000, s18;
	s14 =	sadd.s32 $0x9F9400, s0;
	s19 =	sshll.u32 s18, $0x6  }
0x8: {  	p0 =	sne.s32 s18, $0xF;
	s6 =	sor.u32 s4, s5;
	s22 =	smul.u32 $0x138800, s4  }
0x9: {  	_ =	strace $0x8000004A;
	s15 =	ssub.s32 $0x2, s4;
	s26 =	smul.u32 $0x27100, s4  }
0xa: {  	s5 =	sshll.u32 s6, $0xB;
	s9 =	sshrl.u32 s10, $0x3;
	s20 =	smul.u32 $0x138800, s6  }
0xb: {  	s11 =	sshrl.u32 s15, $0x1;
	s7 =	sshrl.u32 s7, $0x2;
	s6 =	smul.u32 $0x27100, s6  }
0xc: {  	s8 =	sadd.s32 s5, s0;
	s9 =	sadd.s32 s9, s0;
	s12 =	ssub.s32 s15, s11  }
0xd: {  	s17 =	sadd.s32 s7, s2;
	s5 =	sor.u32 $0x1C07, s19;
	s19 =	sadd.s32 $0x138000, s2  }
0xe: {  	s0 =	sadd.s32 $0x4C400, s0;
	s24 =	sadd.s32 s10, s22;
	s25 =	sshrl.u32 s22, $0x3  }
0xf: {  	s15 =	smul.u32 $0x4E200, s18;
	s18 =	simm.s32 $0x7;
	s22 =	simm.s32 $0x16080  }
0x10: {  	s16 =	sadd.s32 $0x25400, s9;
	[dreg:$0x5] =	wrdreg s0;
	s21 =	sshrl.u32 s20, $0x3  }
0x11: {  	s23 =	sadd.s32 $0x9E9400, s8;
	s8 =	sadd.s32 s14, s6;
	s6 =	sadd.s32 s1, s25  }
0x12: {  	s12 =	smax.u32 s12, $0x1;
	s17 =	sshrl.u32 s17, $0x3;
	s19 =	sshrl.u32 @!p0 s19, $0x3  }
0x13: {  	s20 =	simm.s32 $0x1B080;
	s25 =	simm.s32 $0x18880;
	[dreg:$0x4] =	wrdreg s16  }
0x14: {  	[dreg:$0x6] =	wrdreg s23;
	s0 =	sadd.s32 s14, s21;
	s11 =	sadd.s32 $0x27000, s6  }
0x15: {  	s13 =	sadd.s32 $0xA00, s8;
	s31 =	sadd.s32 s15, s14;
	s14 =	sadd.s32 $0xF00, s8  }
0x16: {  	s15 =	sadd.s32 $0x1400, s8;
	s21 =	simm.s32 $0x13880;
	s23 =	simm.s32 $0x4  }
0x17: {  	s9 =	sadd.s32 $0x500, s0;
	s0 =	sshrl.u32 s24, $0x3;
	s24 =	simm.s32 $0x50  }
0x18: {  	s10 =	sadd.s32 s1, s0;
	s0 =	sadd.s32 s26, s31;
	s26 =	simm.s32 $0x5  }
0x19: {  	s1 =	simm.s32 $0x3;
	s16 =	sadd.s32 $0x1900, s0;
	s0 =	simm.s32 $0x2  }
.LBB2_1:
0x1a: {  	s4 =	rddreg [dreg:$0x4]  }
0x1b: {  	[spmem:s17], [sflag:s5] =	dma.local [hbm:s4], $0x2700  }
0x1c: {  	_ =	swait.ge [sflag:s18], $0x2700  }
0x1d: {  	[sflag:s18] =	ssyncset.done $0x0  }
0x1e: {  	s4 =	rddreg [dreg:$0x5];
	[sflag:s18] =	ssyncadd.s32 $0xFFFFD900  }
0x1f: {  	[spmem:s19], [sflag:s5] =	dma.local @!p0 [hbm:s4], $0x100  }
0x20: {  	s4 =	simm.s32 @!p0 $0x7  }
0x21: {  	_ =	swait.ge @!p0 [sflag:s4], $0x100  }
0x22: {  	[sflag:s4] =	ssyncset.done @!p0 $0x0  }
0x23: {  	s7 =	rddreg [dreg:$0x6];
	[sflag:s4] =	ssyncadd.s32 @!p0 $0xFFFFFF00  }
0x24: {  	[tilespmem:s20], [sflag:$0x7] =	stream.linear.gather [hbm4b:s7+s3], $0x3E80, $0x38;
	[tilespmem:$0x1F080] =	vst v63  }
0x25: {  	_ =	swait.ge [sflag:s18], $0x3E80  }
0x26: {  	[sflag:s18] =	ssyncset.done $0x0  }
0x27: {  	[sflag:s18] =	ssyncadd.s32 $0xFFFFC180  }
0x28: {  	[bflag:$0x0] =	sbarrier.arrive $0xFFFF  }
0x29: {  	[tilespmem:s21], [sflag:$0x4] =	stream.linear.gather [hbm4b:s8+s3], $0x2800, $0x38;
	[tilespmem:$0x1F080] =	vst v63  }
0x2a: {  	_ = 	snop  }
0x2b: {  	[tilespmem:s22], [sflag:$0x5] =	stream.linear.gather [hbm4b:s9+s3], $0x2800, $0x38;
	[tilespmem:$0x1F080] =	vst v63  }
0x2c: {  	_ =	swait.ge [sflag:s23], $0x2800  }
0x2d: {  	[sflag:s23] =	ssyncset.done $0x0  }
0x2e: {  	[sflag:s23] =	ssyncadd.s32 $0xFFFFD800  }
0x2f: {  	[spmem:s2] =	stream.indirect.scatter.add.f32 [tilespmem:s21], [sflag:$0x1], $0x80, s20, s24, $0xb8;
	[tilespmem:$0x1F080] =	vst v63  }
0x30: {  	_ = 	snop  }
0x31: {  	[tilespmem:s25], [sflag:$0x6] =	stream.linear.gather [hbm4b:s13+s3], $0x2800, $0x38;
	[tilespmem:$0x1F080] =	vst v63  }
0x32: {  	_ =	swait.ge [sflag:s26], $0x2800  }
0x33: {  	[sflag:s26] =	ssyncset.done $0x0  }
0x34: {  	s6 =	simm.s32 $0x1B100;
	[sflag:s26] =	ssyncadd.s32 $0xFFFFD800  }
0x35: {  	[spmem:s2] =	stream.indirect.scatter.add.f32 [tilespmem:s22], [sflag:$0x2], $0x80, s6, s24, $0xb8;
	[tilespmem:$0x1F080] =	vst v63  }
0x36: {  	_ =	swait.ge [sflag:s29], $0x2800  }
0x37: {  	[sflag:s29] =	ssyncset.done $0x0  }
0x38: {  	[sflag:s29] =	ssyncadd.s32 $0xFFFFD800  }
0x39: {  	[tilespmem:s21], [sflag:$0x4] =	stream.linear.gather [hbm4b:s14+s3], $0x2800, $0x38;
	[tilespmem:$0x1F080] =	vst v63  }
0x3a: {  	_ =	swait.ge [sflag:s30], $0x2800  }
0x3b: {  	[sflag:s30] =	ssyncset.done $0x0  }
0x3c: {  	s7 =	simm.s32 $0x1B180;
	[sflag:s30] =	ssyncadd.s32 $0xFFFFD800  }
0x3d: {  	[spmem:s2] =	stream.indirect.scatter.add.f32 [tilespmem:s25], [sflag:$0x3], $0x80, s7, s24, $0xb8;
	[tilespmem:$0x1F080] =	vst v63  }
0x3e: {  	_ =	swait.ge [sflag:s0], $0x2800  }
0x3f: {  	[sflag:s0] =	ssyncset.done $0x0  }
0x40: {  	[sflag:s0] =	ssyncadd.s32 $0xFFFFD800  }
0x41: {  	[tilespmem:s22], [sflag:$0x5] =	stream.linear.gather [hbm4b:s15+s3], $0x2800, $0x38;
	[tilespmem:$0x1F080] =	vst v63  }
0x42: {  	_ =	swait.ge [sflag:s23], $0x2800  }
0x43: {  	[sflag:s23] =	ssyncset.done $0x0  }
0x44: {  	s6 =	simm.s32 $0x1B200;
	[sflag:s23] =	ssyncadd.s32 $0xFFFFD800  }
0x45: {  	[spmem:s2] =	stream.indirect.scatter.add.f32 [tilespmem:s21], [sflag:$0x1], $0x80, s6, s24, $0xb8;
	[tilespmem:$0x1F080] =	vst v63  }
0x46: {  	_ =	swait.ge [sflag:s1], $0x2800  }
0x47: {  	[sflag:s1] =	ssyncset.done $0x0  }
0x48: {  	[sflag:s1] =	ssyncadd.s32 $0xFFFFD800  }
0x49: {  	[tilespmem:s25], [sflag:$0x6] =	stream.linear.gather [hbm4b:s16+s3], $0x2800, $0x38;
	[tilespmem:$0x1F080] =	vst v63  }
0x4a: {  	_ =	swait.ge [sflag:s26], $0x2800  }
0x4b: {  	[sflag:s26] =	ssyncset.done $0x0  }
0x4c: {  	s7 =	simm.s32 $0x1B280;
	[sflag:s26] =	ssyncadd.s32 $0xFFFFD800  }
0x4d: {  	[spmem:s2] =	stream.indirect.scatter.add.f32 [tilespmem:s22], [sflag:$0x2], $0x80, s7, s24, $0xb8;
	[tilespmem:$0x1F080] =	vst v63  }
0x4e: {  	_ =	swait.ge [sflag:s29], $0x2800  }
0x4f: {  	[sflag:s29] =	ssyncset.done $0x0  }
0x50: {  	s6 =	sadd.s32 $0x500, s16;
	[sflag:s29] =	ssyncadd.s32 $0xFFFFD800  }
0x51: {  	[tilespmem:s21], [sflag:$0x4] =	stream.linear.gather [hbm4b:s6+s3], $0x2800, $0x38;
	[tilespmem:$0x1F080] =	vst v63  }
0x52: {  	_ =	swait.ge [sflag:s30], $0x2800  }
0x53: {  	[sflag:s30] =	ssyncset.done $0x0  }
0x54: {  	s7 =	simm.s32 $0x1B300;
	[sflag:s30] =	ssyncadd.s32 $0xFFFFD800  }
0x55: {  	[spmem:s2] =	stream.indirect.scatter.add.f32 [tilespmem:s25], [sflag:$0x3], $0x80, s7, s24, $0xb8;
	[tilespmem:$0x1F080] =	vst v63  }
0x56: {  	_ =	swait.ge [sflag:s0], $0x2800  }
0x57: {  	s31 =	simm.s32 $0x600;
	[sflag:s0] =	ssyncset.done $0x0  }
0x58: {  	s4 =	sadd.s32 $0xF00, s16;
	s6 =	sadd.s32 $0xA00, s16;
	[sflag:s0] =	ssyncadd.s32 $0xFFFFD800  }
.LBB2_2:
0x59: {  	[tilespmem:s22], [sflag:$0x5] =	stream.linear.gather [hbm4b:s6+s3], $0x2800, $0x38;
	[tilespmem:$0x1F080] =	vst v63  }
0x5a: {  	s6 =	smov.u32 s31  }
0x5b: {  	p1 =	sne.s32 s31, $0xEA00;
	s31 =	sadd.s32 $0x600, s31;
	_ =	swait.ge [sflag:s23], $0x2800  }
0x5c: {  	s6 =	sshra.s32 s6, $0x2;
	[sflag:s23] =	ssyncset.done $0x0  }
0x5d: {  	s7 =	sadd.s32 $0x1B200, s6;
	[sflag:s23] =	ssyncadd.s32 $0xFFFFD800  }
0x5e: {  	[spmem:s2] =	stream.indirect.scatter.add.f32 [tilespmem:s21], [sflag:$0x1], $0x80, s7, s24, $0xb8;
	[tilespmem:$0x1F080] =	vst v63  }
0x5f: {  	_ =	swait.ge [sflag:s1], $0x2800  }
0x60: {  	[sflag:s1] =	ssyncset.done $0x0  }
0x61: {  	[sflag:s1] =	ssyncadd.s32 $0xFFFFD800  }
0x62: {  	[tilespmem:s25], [sflag:$0x6] =	stream.linear.gather [hbm4b:s4+s3], $0x2800, $0x38;
	[tilespmem:$0x1F080] =	vst v63  }
0x63: {  	_ =	swait.ge [sflag:s26], $0x2800  }
0x64: {  	[sflag:s26] =	ssyncset.done $0x0  }
0x65: {  	s7 =	sadd.s32 $0x1B280, s6;
	[sflag:s26] =	ssyncadd.s32 $0xFFFFD800  }
0x66: {  	[spmem:s2] =	stream.indirect.scatter.add.f32 [tilespmem:s22], [sflag:$0x2], $0x80, s7, s24, $0xb8;
	[tilespmem:$0x1F080] =	vst v63  }
0x67: {  	_ =	swait.ge [sflag:s29], $0x2800  }
0x68: {  	[sflag:s29] =	ssyncset.done $0x0  }
0x69: {  	s7 =	sadd.s32 $0x500, s4;
	[sflag:s29] =	ssyncadd.s32 $0xFFFFD800  }
0x6a: {  	[tilespmem:s21], [sflag:$0x4] =	stream.linear.gather [hbm4b:s7+s3], $0x2800, $0x38;
	[tilespmem:$0x1F080] =	vst v63  }
0x6b: {  	_ =	swait.ge [sflag:s30], $0x2800  }
0x6c: {  	[sflag:s30] =	ssyncset.done $0x0  }
.Ltmp0:
0x6d: {  	s6 =	sadd.s32 $0x1B300, s6;
	[sflag:s30] =	ssyncadd.s32 $0xFFFFD800;
	(pc) =	sbr.rel @p1 .LBB2_2-.Ltmp0, $4  }
0x6e: {  	[spmem:s2] =	stream.indirect.scatter.add.f32 [tilespmem:s25], [sflag:$0x3], $0x80, s6, s24, $0xb8;
	[tilespmem:$0x1F080] =	vst v63  }
0x6f: {  	_ =	swait.ge [sflag:s0], $0x2800  }
0x70: {  	[sflag:s0] =	ssyncset.done $0x0  }
0x71: {  	s6 =	sadd.s32 $0xA00, s4;
	s4 =	sadd.s32 $0xF00, s4;
	[sflag:s0] =	ssyncadd.s32 $0xFFFFD800  }
0x72: {  	[tilespmem:s22], [sflag:$0x5] =	stream.linear.gather [hbm4b:s6+s3], $0x2800, $0x38;
	[tilespmem:$0x1F080] =	vst v63  }
0x73: {  	_ =	swait.ge [sflag:s23], $0x2800  }
0x74: {  	[sflag:s23] =	ssyncset.done $0x0  }
0x75: {  	s4 =	simm.s32 $0x1EE00;
	[sflag:s23] =	ssyncadd.s32 $0xFFFFD800  }
0x76: {  	[spmem:s2] =	stream.indirect.scatter.add.f32 [tilespmem:s21], [sflag:$0x1], $0x80, s4, s24, $0xb8;
	[tilespmem:$0x1F080] =	vst v63  }
0x77: {  	_ =	swait.ge [sflag:s1], $0x2800  }
0x78: {  	[sflag:s1] =	ssyncset.done $0x0  }
0x79: {  	[sflag:s1] =	ssyncadd.s32 $0xFFFFD800  }
0x7a: {  	_ =	swait.ge [sflag:s26], $0x2800  }
0x7b: {  	[sflag:s26] =	ssyncset.done $0x0  }
0x7c: {  	s31 =	simm.s32 $0x1EE80;
	[sflag:s26] =	ssyncadd.s32 $0xFFFFD800  }
0x7d: {  	[spmem:s2] =	stream.indirect.scatter.add.f32 [tilespmem:s22], [sflag:$0x2], $0x80, s31, s24, $0xb8;
	[tilespmem:$0x1F080] =	vst v63  }
0x7e: {  	_ =	swait.ge [sflag:s29], $0x2800  }
0x7f: {  	[sflag:s29] =	ssyncset.done $0x0  }
0x80: {  	[sflag:s29] =	ssyncadd.s32 $0xFFFFD800  }
0x81: {  	_ =	swait.ge [sflag:s0], $0x2800  }
0x82: {  	[sflag:s0] =	ssyncset.done $0x0  }
0x83: {  	[sflag:s0] =	ssyncadd.s32 $0xFFFFD800  }
0x84: {  	[bflag:$0x0] =	sbarrier.arrive $0xFFFF  }
0x85: {  	[hbm:s10], [sflag:s5] =	dma.local [spmem:s17], $0x2700  }
0x86: {  	s28 =	sadd.s32 $0x1, s28;
	_ =	swait.ge [sflag:s18], $0x2700  }
0x87: {  	p1 =	sne.s32 s28, s12;
	[sflag:s18] =	ssyncset.done $0x0  }
.Ltmp1:
0x88: {  	s4 =	simm.s32 @!p0 $0x7;
	[sflag:s18] =	ssyncadd.s32 $0xFFFFD900;
	(pc) =	sbr.rel @p1 .LBB2_1-.Ltmp1, $4  }
0x89: {  	[hbm:s11], [sflag:s5] =	dma.local @!p0 [spmem:s19], $0x100  }
0x8a: {  	_ =	swait.ge @!p0 [sflag:s4], $0x100  }
0x8b: {  	[sflag:s4] =	ssyncset.done @!p0 $0x0  }
0x8c: {  	[sflag:s4] =	ssyncadd.s32 @!p0 $0xFFFFFF00  }
0x8d: {  	_ =	sfence.sel $0x180000  }
0x8e: {  	[bflag:$0x0] =	sbarrier.arrive $0xFFFF  }
0x8f: {  	_ =	strace $0x9000004A  }
0x90: {  	s0 =	stileid.u32;
	[bflag:$0x2] =	sbarrier.arrive $0xFFFF  }
0x91: {  	p0 =	sne.s32 s0, $0x0;
	s0 =	rddreg [dreg:$0x3]  }
0x92: {  	s0 =	sadd.s32 @!p0 $0x100000, s0  }
0x93: {  	[sflag:s0] =	ssyncadd.tile.s32 @!p0 $0x1;
	_ =	shalt  }
.Lfunc_end2:
_tile_overlayer_lowered:
.L_overlay_start_2:
0x94: {  	(tag) =	ssettag $0x2  }
0x95: {  	s0 =	rddreg [dreg:$0x0];
	s2 =	stileid.u32  }
0x96: {  	s1 =	rddreg [dreg:$0x1];
	p0 =	sne.s32 s2, $0x0  }
0x97: {  	s3 =	rddreg [dreg:$0x2];
	[bflag:$0x3] =	sbarrier.arrive $0xFFFF;
	s2 =	simm.s32 @!p0 $0x1C07  }
0x98: {  	[timem:s3], [sflag:s2] =	dma.local @!p0 [hbm:s0], s1  }
0x99: {  	s0 =	simm.s32 @!p0 $0x7  }
0x9a: {  	_ =	swait.ge @!p0 [sflag:s0], s1  }
0x9b: {  	s1 =	ssub.s32 @!p0 $0x0, s1;
	[sflag:s0] =	ssyncset.done @!p0 $0x0  }
0x9c: {  	[sflag:s0] =	ssyncadd.s32 @!p0 s1  }
0x9d: {  	[bflag:$0x3] =	sbarrier.arrive $0xFFFF  }
0x9e: {  	_ =	shalt  }

// kernel: kernel.23.cloned.1.call-start
scs
__scs_entry_jumppad:
0x0: {  	(pc) =	sbr.rel $0x88, $3  }
0x1: {  	(tag) =	ssettag $0x0;
	lr =	simm.s32 $0x1  }
0x2: {  	[smem:$0x3F56] =	sst lr;
	_ =	strace $0xD0000000  }
0x3: {  	_ = 	snop  }
0x4: {  	_ = 	snop  }
0x5: {  	_ = 	snop  }
0x6: {  	_ = 	snop  }
0x7: {  	_ = 	snop  }
__scs_overlays_trampoline_lowered:
0x8: {  	[smem:$0x3F65] =	sst s0  }
0x9: {  	[smem:$0x3F66] =	sst s1  }
0xa: {  	[smem:$0x3F67] =	sst s2  }
0xb: {  	[smem:$0x3F68] =	sst s3  }
0xc: {  	[smem:$0x3F69] =	sst s4  }
0xd: {  	[smem:$0x3F6A] =	sst s5  }
0xe: {  	[smem:$0x3F6B] =	sst s6  }
0xf: {  	[smem:$0x3F6C] =	sst s7  }
0x10: {  	[smem:$0x3F6D] =	sst s8  }
0x11: {  	[smem:$0x3F6E] =	sst s9;
	s0 =	simm.s32 @!p0 $0x0  }
0x12: {  	s1 =	sld [smem:$0x3F54];
	s0 =	simm.s32 @p0 $0x1  }
0x13: {  	[smem:$0x3F6F] =	sst s0;
	s0 =	simm.s32 @!p1 $0x0  }
0x14: {  	s2 =	sld [smem:$0x3F53];
	s0 =	simm.s32 @p1 $0x1  }
0x15: {  	[smem:$0x3F70] =	sst s0;
	s0 =	simm.s32 @!p2 $0x0  }
0x16: {  	s3 =	sld [smem:$0x3FDB];
	s0 =	simm.s32 @p2 $0x1  }
0x17: {  	s4 =	simm.s32 $0x1BF5;
	[smem:$0x3F72] =	sst s0  }
0x18: {  	s0 =	sld [smem:$0x3F55];
	_ =	swait.ge [sflag:s4], $0x0  }
0x19: {  	s7 =	sld [smem:$0x3F56]  }
0x1a: {  	s8 =	sadd.s32 $0xFFFFE003, lr  }
0x1b: {  	s9 =	sadd.s32 $0xFFFFFEF7, lr;
	s5 =	simm.s32 $0xFFFFFFFF;
	p2 =	slt.u32 s8, $0xFFFFF086  }
0x1c: {  	p1 =	slt.u32 s9, $0xF7A;
	s5 =	simm.s32 @!p2 $0x0  }
0x1d: {  	s5 =	simm.s32 @p1 $0x1;
	p0 =	seq.s32 s7, s2  }
0x1e: {  	s7 =	smul.u32 @!p0 $0xF7A, s2;
	p2 =	seq.s32 @!p0 s5, $0x0  }
0x1f: {  	s9 =	smul.u32 $0xF7A, s1;
	s8 =	simm.s32 @!p0 $0x1BF5;
	p2 =	por !p2, p0  }
0x20: {  	[sflag:s8] =	ssyncset.s32 @!p0 $0xFFFFF086;
	s6 =	sadd.s32 @!p0 s3, s7;
	s7 =	simm.s32 @!p0 $0x108  }
0x21: {  	s3 =	sadd.s32 s3, s9;
	s6 =	sadd.s32 @!p0 $0x88, s6;
	s7 =	simm.s32 @p2 $0x1082  }
0x22: {  	[simem:s7], [sflag:s8] =	dma.local @!p0 [hbm:s6], $0xF7A  }
0x23: {  	s9 =	sor.u32 $0xD0000000, s2;
	s6 =	simm.s32 $0x108;
	_ =	swait.ge @!p0 [sflag:s8], $0x0  }
0x24: {  	s3 =	sadd.s32 $0x88, s3;
	s6 =	simm.s32 @!p1 $0x1082;
	[sflag:s4] =	ssyncset.s32 $0xFFFFF086  }
0x25: {  	[simem:s6], [sflag:s4] =	dma.local [hbm:s3], $0xF7A  }
0x26: {  	[smem:$0x3F56] =	sst s1;
	(tag) =	ssettag s2;
	_ =	strace s9  }
0x27: {  	s1 =	sld [smem:$0x3F66]  }
0x28: {  	s2 =	sld [smem:$0x3F67]  }
0x29: {  	s4 =	sld [smem:$0x3F69]  }
0x2a: {  	p0 =	seq.s32 s5, $0x0;
	s5 =	sld [smem:$0x3F6A]  }
0x2b: {  	s6 =	sld [smem:$0x3F6B]  }
0x2c: {  	s7 =	sld [smem:$0x3F6C]  }
0x2d: {  	s3 =	simm.s32 $0x108;
	s8 =	sld [smem:$0x3F6D]  }
0x2e: {  	s3 =	simm.s32 @!p0 $0x1082;
	s9 =	sld [smem:$0x3F6E]  }
0x2f: {  	lr =	sadd.s32 s0, s3;
	s0 =	sld [smem:$0x3F65]  }
0x30: {  	s3 =	sld [smem:$0x3F68]  }
0x31: {  	[smem:$0x3F71] =	sst s10  }
0x32: {  	s10 =	sld [smem:$0x3F6F];
	_ =	sdelay $0x3  }
0x33: {  	p0 =	seq.s32 s10, $0x1;
	s10 =	sld [smem:$0x3F71];
	_ =	sdelay $0x3  }
0x34: {  	[smem:$0x3F71] =	sst s10  }
0x35: {  	s10 =	sld [smem:$0x3F70];
	_ =	sdelay $0x3  }
0x36: {  	p1 =	seq.s32 s10, $0x1;
	s10 =	sld [smem:$0x3F71];
	_ =	sdelay $0x3  }
0x37: {  	[smem:$0x3F71] =	sst s10  }
0x38: {  	s10 =	sld [smem:$0x3F72]  }
0x39: {  	_ = 	snop;
	(pc) =	sbr.ind lr, $3  }
0x3a: {  	_ = 	snop  }
0x3b: {  	_ = 	snop  }
0x3c: {  	p2 =	seq.s32 s10, $0x1;
	s10 =	sld [smem:$0x3F71]  }
0x3d: {  	_ =	shalt  }
0x3e: {  	_ =	shalt  }
0x3f: {  	_ =	shalt  }
0x40: {  	_ =	shalt  }
0x41: {  	_ =	shalt  }
0x42: {  	_ =	shalt  }
0x43: {  	_ =	shalt  }
0x44: {  	_ =	shalt  }
0x45: {  	_ =	shalt  }
0x46: {  	_ =	shalt  }
0x47: {  	_ =	shalt  }
0x48: {  	_ =	shalt  }
0x49: {  	_ =	shalt  }
0x4a: {  	_ =	shalt  }
0x4b: {  	_ =	shalt  }
0x4c: {  	_ =	shalt  }
0x4d: {  	_ =	shalt  }
0x4e: {  	_ =	shalt  }
0x4f: {  	_ =	shalt  }
0x50: {  	_ =	shalt  }
0x51: {  	_ =	shalt  }
0x52: {  	_ =	shalt  }
0x53: {  	_ =	shalt  }
0x54: {  	_ =	shalt  }
0x55: {  	_ =	shalt  }
0x56: {  	_ =	shalt  }
0x57: {  	_ =	shalt  }
0x58: {  	_ =	shalt  }
0x59: {  	_ =	shalt  }
0x5a: {  	_ =	shalt  }
0x5b: {  	_ =	shalt  }
0x5c: {  	_ =	shalt  }
0x5d: {  	_ =	shalt  }
0x5e: {  	_ =	shalt  }
0x5f: {  	_ =	shalt  }
0x60: {  	_ =	shalt  }
0x61: {  	_ =	shalt  }
0x62: {  	_ =	shalt  }
0x63: {  	_ =	shalt  }
0x64: {  	_ =	shalt  }
0x65: {  	_ =	shalt  }
0x66: {  	_ =	shalt  }
0x67: {  	_ =	shalt  }
0x68: {  	_ =	shalt  }
0x69: {  	_ =	shalt  }
0x6a: {  	_ =	shalt  }
0x6b: {  	_ =	shalt  }
0x6c: {  	_ =	shalt  }
0x6d: {  	_ =	shalt  }
0x6e: {  	_ =	shalt  }
0x6f: {  	_ =	shalt  }
0x70: {  	_ =	shalt  }
0x71: {  	_ =	shalt  }
0x72: {  	_ =	shalt  }
0x73: {  	_ =	shalt  }
0x74: {  	_ =	shalt  }
0x75: {  	_ =	shalt  }
0x76: {  	_ =	shalt  }
0x77: {  	_ =	shalt  }
0x78: {  	_ =	shalt  }
0x79: {  	_ =	shalt  }
0x7a: {  	_ =	shalt  }
0x7b: {  	_ =	shalt  }
0x7c: {  	_ =	shalt  }
0x7d: {  	_ =	shalt  }
0x7e: {  	_ =	shalt  }
0x7f: {  	_ =	shalt  }
0x80: {  	_ =	shalt  }
0x81: {  	_ =	shalt  }
0x82: {  	_ =	shalt  }
0x83: {  	_ =	shalt  }
0x84: {  	_ =	shalt  }
0x85: {  	_ =	shalt  }
0x86: {  	_ =	shalt  }
0x87: {  	_ =	shalt  }
.Lfunc_end0:
.L_simem_size_0:
called_computation.2_lowered:
.L_overlay_start_0:
0x88: {  	s2 =	sld [smem:$0x3FD9]  }
0x89: {  	s3 =	sld [smem:$0x3FFE];
	_ =	sdelay $0x1  }
0x8a: {  	s1 =	srdreg.scid  }
0x8b: {  	s0 =	sand.u32 $0x1, s1  }
0x8c: {  	s14 =	sshll.u32 s0, $0xA;
	s2 =	sadd.s32 s3, s2  }
0x8d: {  	s2 =	sadd.s32 s2, s14  }
0x8e: {  	[smem:$0x3F7D] =	sst s2  }
0x8f: {  	_ = 	snop  }
0x90: {  	s2 =	sld [smem:$0x3FD0];
	_ =	sdelay $0x2  }
0x91: {  	s15 =	simm.s32 $0xA;
	s4 =	simm.s32 $0x10  }
0x92: {  	[smem:s4], [sflag:s15] =	dma.local [hbm:s2], $0x1  }
0x93: {  	_ =	swait.eq [sflag:s15], $0x1  }
0x94: {  	[sflag:s15] =	ssyncset.done $0x0  }
0x95: {  	[sflag:s15] =	ssyncadd.s32 $0xFFFFFFFF  }
0x96: {  	s16 =	sld [smem:$0x11];
	(tm) =	ssettm $0x1  }
0x97: {  	s17 =	sld [smem:$0x3FFB];
	_ =	sdelay $0x3  }
0x98: {  	_ =	strace s17  }
0x99: {  	s3 =	sld [smem:$0x3FFC];
	_ =	sdelay $0x3  }
0x9a: {  	_ =	strace s3  }
0x9b: {  	s3 =	sld [smem:$0x3FFD];
	_ =	sdelay $0x3  }
0x9c: {  	_ =	strace s3  }
0x9d: {  	_ =	strace $0x8FFFFFFF  }
0x9e: {  	s18 =	sld [smem:$0x3FDB];
	_ =	sdelay $0x1  }
0x9f: {  	s19 =	simm.s32 $_scs_section_size  }
0xa0: {  	s5 =	simm.s32 $_size__tile_overlayer_lowered;
	s6 =	simm.s32 $_tile_overlayer_lowered  }
0xa1: {  	s22 =	simm.s32 $0x1BFF;
	s21 =	sshll.u32 s6, $0x1;
	s3 =	sadd.s32 s19, s18  }
0xa2: {  	s7 =	simm.s32 $0x0;
	s20 =	sshll.u32 s5, $0x1;
	s5 =	sadd.s32 s21, s3  }
0xa3: {  	[timem:s7], [sflag:s22] =	dma.local [hbm:s5], s20  }
0xa4: {  	_ =	swait.ge [sflag:s22], s20  }
0xa5: {  	s4 =	ssub.s32 $0x0, s20;
	[sflag:s22] =	ssyncset.done $0x0  }
0xa6: {  	[sflag:s22] =	ssyncadd.s32 s4;
	_ =	sdelay $0x1  }
0xa7: {  	s23 =	simm.s32 $0x1B8B  }
0xa8: {  	_ =	swait.ge [sflag:s23], $0x1  }
0xa9: {  	[sflag:s23] =	ssyncset.done $0x0  }
0xaa: {  	s25 =	simm.s32 $0x1B8E;
	s24 =	sld [smem:$0x3FFE];
	[sflag:s23] =	ssyncadd.s32 $0xFFFFFFFF  }
0xab: {  	s26 =	simm.s32 $execute0_lowered;
	[smem:$0x3FD2] =	sst s25  }
0xac: {  	s5 =	sshll.u32 s26, $0x1;
	_ =	strace $0x8000004C;
	[dreg:$0x1] =	wrdreg $0xFFFFFFFF  }
0xad: {  	s28 =	simm.s32 $_size_execute0_lowered;
	s3 =	sadd.s32 s3, s5;
	[dreg:$0x0] =	wrdreg $0x0  }
0xae: {  	s5 =	sshll.u32 s28, $0x1;
	[dreg:$0x2] =	wrdreg s3  }
0xaf: {  	[dreg:$0x3] =	wrdreg s5  }
0xb0: {  	[dreg:$0x4] =	wrdreg $0xC0  }
0xb1: {  	_ =	task [dreg:s7], $0x5FFFF  }
0xb2: {  	[dreg:$0x1] =	wrdreg $0xFFFFFFFF  }
0xb3: {  	[dreg:$0x0] =	wrdreg $0x60  }
0xb4: {  	[dreg:$0x2] =	wrdreg s16  }
0xb5: {  	[dreg:$0x3] =	wrdreg s24  }
0xb6: {  	[dreg:$0x4] =	wrdreg $0x0  }
0xb7: {  	[dreg:$0x5] =	wrdreg $0x9  }
0xb8: {  	_ =	task.clear_ibuf [dreg:s7], $0x6FFFF;
	_ =	strace $0x9000004C  }
0xb9: {  	s29 =	simm.s32 $0x9;
	_ =	strace $0x8000004E  }
0xba: {  	_ =	swait.ge [sflag:s29], $0x1  }
0xbb: {  	[sflag:s29] =	ssyncadd.s32 $0xFFFFFFFF  }
0xbc: {  	_ =	strace $0x9000004E  }
0xbd: {  	_ =	sfence  }
0xbe: {  	s30 =	sld [smem:$0x0];
	_ =	sdelay $0x2  }
0xbf: {  	s31 =	sshll.u32 s1, $0xD;
	s1 =	sshrl.u32 s1, $0x2  }
0xc0: {  	s3 =	sand.u32 $0x4000, s31;
	s1 =	sadd.s32 s1, s30  }
0xc1: {  	s0 =	sor.u32 s3, s0;
	s1 =	sshll.u32 s1, $0x11  }
0xc2: {  	s0 =	sor.u32 s1, s0  }
0xc3: {  	s0 =	sadd.s32 $0x8F2B, s0  }
0xc4: {  	[sflag:s0] =	ssyncadd.remote.s32 $0x1  }
0xc5: {  	_ =	sfence.sel $0xFFFF  }
0xc6: {  	[dreg:$0x0] =	wrdreg $0xFFFFFFFF;
	(pc) =	sbr.abs _section_cstart, $3  }
0xc7: {  	[dreg:$0x1] =	wrdreg $0xFFFFFFFF  }
0xc8: {  	_ =	task.clear_ibuf [dreg:s7], $0x2FFFF;
	_ =	strace $0x9FFFFFFF  }
0xc9: {  	(tm) =	ssettm $0x7FFFFFFF  }
tec
execute0_lowered:
.L_overlay_start_1:
0x0: {  	(tag) =	ssettag $0x1  }
0x1: {  	s1 =	srdreg.scid;
	s6 =	rddreg [dreg:$0x0]  }
0x2: {  	s0 =	stileid.u32;
	s4 =	rddreg [dreg:$0x1];
	s17 =	simm.s32 $0x80  }
0x3: {  	s18 =	simm.s32 $0x400;
	s19 =	simm.s32 $0x18880;
	s20 =	simm.s32 $0x1B000  }
0x4: {  	s21 =	simm.s32 $0x50;
	s22 =	simm.s32 $0x13880;
	s28 =	simm.s32 $0x0  }
0x5: {  	s1 =	sand.u32 $0x1, s1;
	s2 =	sshll.u32 s0, $0x1;
	s25 =	smul.u32 $0x4E000, s0  }
0x6: {  	s23 =	sshrl.u32 s0, $0x2;
	s10 =	sadd.s32 $0x9F9400, s4;
	s12 =	smul.u32 $0x2700, s0  }
0x7: {  	s11 =	sadd.s32 $0x4C600, s4;
	s29 =	sshll.u32 s0, $0x6;
	s14 =	smul.u32 $0x4E200, s0  }
0x8: {  	p0 =	sne.s32 s0, $0xF;
	s7 =	sor.u32 s1, s2;
	s5 =	smul.u32 $0x13C00, s23  }
0x9: {  	s2 =	rddreg [dreg:$0x2];
	s26 =	ssub.s32 $0x2, s1;
	s1 =	smul.u32 $0x27100, s1  }
0xa: {  	s23 =	simm.s32 $0x1;
	s3 =	sshll.u32 s7, $0x7;
	s9 =	sshrl.u32 s26, $0x1  }
0xb: {  	s30 =	sadd.s32 s6, s12;
	s31 =	smul.u32 $0x27100, s7;
	s16 =	sadd.s32 $0x138000, s2  }
0xc: {  	s6 =	sadd.s32 $0x27000, s6;
	s15 =	sadd.s32 s14, s10;
	s14 =	sadd.s32 s14, s11  }
0xd: {  	s8 =	sand.u32 $0x380, s3;
	s3 =	simm.s32 $0x0;
	s9 =	ssub.s32 s26, s9  }
0xe: {  	s15 =	sadd.s32 s1, s15;
	s1 =	sadd.s32 s1, s14;
	s16 =	sshrl.u32 @!p0 s16, $0x3  }
0xf: {  	s26 =	simm.s32 $0x3;
	s5 =	sor.u32 s5, s8;
	[smem:$0x7FF] =	sst s3  }
0x10: {  	s9 =	smax.u32 s9, $0x1;
	s10 =	sadd.s32 s10, s31;
	s11 =	sadd.s32 s11, s31  }
0x11: {  	s12 =	sadd.s32 $0x500, s15;
	s1 =	sadd.s32 $0x500, s1;
	s15 =	simm.s32 $0x4  }
0x12: {  	s5 =	sshrl.u32 s5, $0x3;
	_ =	strace $0x8000004D;
	[dreg:$0x4] =	wrdreg s30  }
0x13: {  	s24 =	sadd.s32 s5, s4;
	s5 =	sshrl.u32 s25, $0x2;
	s25 =	simm.s32 $0x2  }
0x14: {  	s13 =	sadd.s32 s5, s2;
	s5 =	sor.u32 $0x1C04, s29;
	s7 =	sadd.s32 $0x1B600, s24  }
0x15: {  	s8 =	sadd.s32 $0x11800, s24;
	s24 =	simm.s32 $0x16080;
	s14 =	sshrl.u32 s13, $0x3  }
.LBB2_1:
0x16: {  	s0 =	rddreg [dreg:$0x4]  }
0x17: {  	[spmem:s14], [sflag:s5] =	dma.local [hbm:s0], $0x2700  }
0x18: {  	_ =	swait.ge [sflag:s15], $0x2700  }
0x19: {  	[sflag:s15] =	ssyncset.done $0x0  }
0x1a: {  	s13 =	simm.s32 @!p0 $0x4;
	[sflag:s15] =	ssyncadd.s32 $0xFFFFD900  }
0x1b: {  	[spmem:s16], [sflag:s5] =	dma.local @!p0 [hbm:s6], $0x100  }
0x1c: {  	_ =	swait.ge @!p0 [sflag:s13], $0x100  }
0x1d: {  	[sflag:s13] =	ssyncset.done @!p0 $0x0  }
0x1e: {  	[sflag:s13] =	ssyncadd.s32 @!p0 $0xFFFFFF00  }
0x1f: {  	[tilespmem:s19], [sflag:$0x4] =	stream.strided.gather [hbm4b:s7+s17], $0x2780, s18, s17, $0x38;
	[tilespmem:$0x1D780] =	vst v63  }
0x20: {  	_ =	swait.ge [sflag:s15], $0x2780  }
0x21: {  	[sflag:s15] =	ssyncset.done $0x0  }
0x22: {  	[sflag:s15] =	ssyncadd.s32 $0xFFFFD880  }
0x23: {  	[tilespmem:s20], [sflag:$0x4] =	stream.strided.gather [hbm4b:s8+s17], $0x2780, s18, s17, $0x38;
	[tilespmem:$0x1D780] =	vst v63  }
0x24: {  	_ =	swait.ge [sflag:s15], $0x2780  }
0x25: {  	[sflag:s15] =	ssyncset.done $0x0  }
0x26: {  	[sflag:s15] =	ssyncadd.s32 $0xFFFFD880  }
0x27: {  	[bflag:$0x0] =	sbarrier.arrive $0xFFFF  }
0x28: {  	[tilespmem:s22], [sflag:$0x1] =	stream.indirect.gather [spmem:s2], $0x80, s19, s21, $0xb8;
	[tilespmem:$0x1D780] =	vst v63  }
0x29: {  	_ =	swait.ge [sflag:s23], $0x2800  }
0x2a: {  	[sflag:s23] =	ssyncset.done $0x0  }
0x2b: {  	[sflag:s23] =	ssyncadd.s32 $0xFFFFD800  }
0x2c: {  	[hbm4b:s10+s3] =	stream.linear.scatter [tilespmem:s22], [sflag:$0x2], $0x2800, $0x38;
	[tilespmem:$0x1D780] =	vst v63  }
0x2d: {  	_ = 	snop  }
0x2e: {  	[tilespmem:s24], [sflag:$0x1] =	stream.indirect.gather [spmem:s2], $0x80, s20, s21, $0xb8;
	[tilespmem:$0x1D780] =	vst v63  }
0x2f: {  	_ =	swait.ge [sflag:s23], $0x2800  }
0x30: {  	[sflag:s23] =	ssyncset.done $0x0  }
0x31: {  	[sflag:s23] =	ssyncadd.s32 $0xFFFFD800  }
0x32: {  	[hbm4b:s11+s3] =	stream.linear.scatter [tilespmem:s24], [sflag:$0x3], $0x2800, $0x38;
	[tilespmem:$0x1D780] =	vst v63  }
0x33: {  	_ =	swait.ge [sflag:s25], $0x2800  }
0x34: {  	[sflag:s25] =	ssyncset.done $0x0  }
0x35: {  	s0 =	simm.s32 $0x188D0;
	[sflag:s25] =	ssyncadd.s32 $0xFFFFD800  }
0x36: {  	[tilespmem:s22], [sflag:$0x1] =	stream.indirect.gather [spmem:s2], $0x80, s0, s21, $0xb8;
	[tilespmem:$0x1D780] =	vst v63  }
0x37: {  	_ =	swait.ge [sflag:s23], $0x2800  }
0x38: {  	[sflag:s23] =	ssyncset.done $0x0  }
0x39: {  	[sflag:s23] =	ssyncadd.s32 $0xFFFFD800  }
0x3a: {  	[hbm4b:s12+s3] =	stream.linear.scatter [tilespmem:s22], [sflag:$0x2], $0x2800, $0x38;
	[tilespmem:$0x1D780] =	vst v63  }
0x3b: {  	_ =	swait.ge [sflag:s26], $0x2800  }
0x3c: {  	[sflag:s26] =	ssyncset.done $0x0  }
0x3d: {  	s4 =	simm.s32 $0x1B050;
	[sflag:s26] =	ssyncadd.s32 $0xFFFFD800  }
0x3e: {  	[tilespmem:s24], [sflag:$0x1] =	stream.indirect.gather [spmem:s2], $0x80, s4, s21, $0xb8;
	[tilespmem:$0x1D780] =	vst v63  }
0x3f: {  	_ =	swait.ge [sflag:s23], $0x2800  }
0x40: {  	s29 =	simm.s32 $0x280;
	s30 =	sadd.s32 $0x500, s12;
	[sflag:s23] =	ssyncset.done $0x0  }
0x41: {  	s31 =	sadd.s32 $0x500, s1;
	s13 =	smov.u32 s1;
	[sflag:s23] =	ssyncadd.s32 $0xFFFFD800  }
.LBB2_2:
0x42: {  	[hbm4b:s13+s3] =	stream.linear.scatter [tilespmem:s24], [sflag:$0x3], $0x2800, $0x38;
	[tilespmem:$0x1D780] =	vst v63  }
0x43: {  	s0 =	smov.u32 s29;
	s13 =	smov.u32 s31  }
0x44: {  	p1 =	sne.s32 s29, $0x9B00;
	s29 =	sadd.s32 $0x140, s29;
	_ =	swait.ge [sflag:s25], $0x2800  }
0x45: {  	s0 =	sshra.s32 s0, $0x2;
	[sflag:s25] =	ssyncset.done $0x0  }
0x46: {  	s4 =	sadd.s32 $0x18880, s0;
	[sflag:s25] =	ssyncadd.s32 $0xFFFFD800  }
0x47: {  	[tilespmem:s22], [sflag:$0x1] =	stream.indirect.gather [spmem:s2], $0x80, s4, s21, $0xb8;
	[tilespmem:$0x1D780] =	vst v63  }
0x48: {  	_ =	swait.ge [sflag:s23], $0x2800  }
0x49: {  	[sflag:s23] =	ssyncset.done $0x0  }
0x4a: {  	[sflag:s23] =	ssyncadd.s32 $0xFFFFD800  }
0x4b: {  	[hbm4b:s30+s3] =	stream.linear.scatter [tilespmem:s22], [sflag:$0x2], $0x2800, $0x38;
	[tilespmem:$0x1D780] =	vst v63  }
0x4c: {  	_ =	swait.ge [sflag:s26], $0x2800  }
0x4d: {  	[sflag:s26] =	ssyncset.done $0x0  }
.Ltmp0:
0x4e: {  	s0 =	sadd.s32 $0x1B000, s0;
	[sflag:s26] =	ssyncadd.s32 $0xFFFFD800;
	(pc) =	sbr.rel @p1 .LBB2_2-.Ltmp0, $4  }
0x4f: {  	[tilespmem:s24], [sflag:$0x1] =	stream.indirect.gather [spmem:s2], $0x80, s0, s21, $0xb8;
	[tilespmem:$0x1D780] =	vst v63  }
0x50: {  	_ =	swait.ge [sflag:s23], $0x2800  }
0x51: {  	[sflag:s23] =	ssyncset.done $0x0  }
0x52: {  	s31 =	sadd.s32 $0x500, s31;
	s30 =	sadd.s32 $0x500, s30;
	[sflag:s23] =	ssyncadd.s32 $0xFFFFD800  }
0x53: {  	[hbm4b:s13+s3] =	stream.linear.scatter [tilespmem:s24], [sflag:$0x3], $0x2800, $0x38;
	[tilespmem:$0x1D780] =	vst v63  }
0x54: {  	s28 =	sadd.s32 $0x1, s28  }
0x55: {  	_ =	swait.ge [sflag:s25], $0x2800;
	p1 =	sne.s32 s28, s9  }
.Ltmp1:
0x56: {  	[sflag:s25] =	ssyncset.done $0x0;
	(pc) =	sbr.rel @p1 .LBB2_1-.Ltmp1, $4  }
0x57: {  	[sflag:s25] =	ssyncadd.s32 $0xFFFFD800  }
0x58: {  	_ =	swait.ge [sflag:s26], $0x2800  }
0x59: {  	[sflag:s26] =	ssyncset.done $0x0  }
0x5a: {  	[sflag:s26] =	ssyncadd.s32 $0xFFFFD800  }
0x5b: {  	_ =	sfence.sel $0x180000  }
0x5c: {  	[bflag:$0x0] =	sbarrier.arrive $0xFFFF  }
0x5d: {  	_ =	strace $0x9000004D  }
0x5e: {  	s0 =	stileid.u32;
	[bflag:$0x2] =	sbarrier.arrive $0xFFFF  }
0x5f: {  	p0 =	sne.s32 s0, $0x0;
	s0 =	rddreg [dreg:$0x3]  }
0x60: {  	s0 =	sadd.s32 @!p0 $0x100000, s0  }
0x61: {  	[sflag:s0] =	ssyncadd.tile.s32 @!p0 $0x1;
	_ =	shalt  }
.Lfunc_end2:
_tile_overlayer_lowered:
.L_overlay_start_2:
0x62: {  	(tag) =	ssettag $0x2  }
0x63: {  	s0 =	rddreg [dreg:$0x0];
	s2 =	stileid.u32  }
0x64: {  	s1 =	rddreg [dreg:$0x1];
	p0 =	sne.s32 s2, $0x0  }
0x65: {  	s3 =	rddreg [dreg:$0x2];
	[bflag:$0x3] =	sbarrier.arrive $0xFFFF;
	s2 =	simm.s32 @!p0 $0x1C04  }
0x66: {  	[timem:s3], [sflag:s2] =	dma.local @!p0 [hbm:s0], s1  }
0x67: {  	s0 =	simm.s32 @!p0 $0x4  }
0x68: {  	_ =	swait.ge @!p0 [sflag:s0], s1  }
0x69: {  	s1 =	ssub.s32 @!p0 $0x0, s1;
	[sflag:s0] =	ssyncset.done @!p0 $0x0  }
0x6a: {  	[sflag:s0] =	ssyncadd.s32 @!p0 s1  }
0x6b: {  	[bflag:$0x3] =	sbarrier.arrive $0xFFFF  }
0x6c: {  	_ =	shalt  }

// kernel: kernel.26.cloned.1.call-start
scs
__scs_entry_jumppad:
0x0: {  	(pc) =	sbr.rel $0x88, $3  }
0x1: {  	(tag) =	ssettag $0x0;
	lr =	simm.s32 $0x1  }
0x2: {  	[smem:$0x3F56] =	sst lr;
	_ =	strace $0xD0000000  }
0x3: {  	_ = 	snop  }
0x4: {  	_ = 	snop  }
0x5: {  	_ = 	snop  }
0x6: {  	_ = 	snop  }
0x7: {  	_ = 	snop  }
__scs_overlays_trampoline_lowered:
0x8: {  	[smem:$0x3F65] =	sst s0  }
0x9: {  	[smem:$0x3F66] =	sst s1  }
0xa: {  	[smem:$0x3F67] =	sst s2  }
0xb: {  	[smem:$0x3F68] =	sst s3  }
0xc: {  	[smem:$0x3F69] =	sst s4  }
0xd: {  	[smem:$0x3F6A] =	sst s5  }
0xe: {  	[smem:$0x3F6B] =	sst s6  }
0xf: {  	[smem:$0x3F6C] =	sst s7  }
0x10: {  	[smem:$0x3F6D] =	sst s8  }
0x11: {  	[smem:$0x3F6E] =	sst s9;
	s0 =	simm.s32 @!p0 $0x0  }
0x12: {  	s1 =	sld [smem:$0x3F54];
	s0 =	simm.s32 @p0 $0x1  }
0x13: {  	[smem:$0x3F6F] =	sst s0;
	s0 =	simm.s32 @!p1 $0x0  }
0x14: {  	s2 =	sld [smem:$0x3F53];
	s0 =	simm.s32 @p1 $0x1  }
0x15: {  	[smem:$0x3F70] =	sst s0;
	s0 =	simm.s32 @!p2 $0x0  }
0x16: {  	s3 =	sld [smem:$0x3FDB];
	s0 =	simm.s32 @p2 $0x1  }
0x17: {  	s4 =	simm.s32 $0x1BF5;
	[smem:$0x3F72] =	sst s0  }
0x18: {  	s0 =	sld [smem:$0x3F55];
	_ =	swait.ge [sflag:s4], $0x0  }
0x19: {  	s7 =	sld [smem:$0x3F56]  }
0x1a: {  	s8 =	sadd.s32 $0xFFFFE003, lr  }
0x1b: {  	s9 =	sadd.s32 $0xFFFFFEF7, lr;
	s5 =	simm.s32 $0xFFFFFFFF;
	p2 =	slt.u32 s8, $0xFFFFF086  }
0x1c: {  	p1 =	slt.u32 s9, $0xF7A;
	s5 =	simm.s32 @!p2 $0x0  }
0x1d: {  	s5 =	simm.s32 @p1 $0x1;
	p0 =	seq.s32 s7, s2  }
0x1e: {  	s7 =	smul.u32 @!p0 $0xF7A, s2;
	p2 =	seq.s32 @!p0 s5, $0x0  }
0x1f: {  	s9 =	smul.u32 $0xF7A, s1;
	s8 =	simm.s32 @!p0 $0x1BF5;
	p2 =	por !p2, p0  }
0x20: {  	[sflag:s8] =	ssyncset.s32 @!p0 $0xFFFFF086;
	s6 =	sadd.s32 @!p0 s3, s7;
	s7 =	simm.s32 @!p0 $0x108  }
0x21: {  	s3 =	sadd.s32 s3, s9;
	s6 =	sadd.s32 @!p0 $0x88, s6;
	s7 =	simm.s32 @p2 $0x1082  }
0x22: {  	[simem:s7], [sflag:s8] =	dma.local @!p0 [hbm:s6], $0xF7A  }
0x23: {  	s9 =	sor.u32 $0xD0000000, s2;
	s6 =	simm.s32 $0x108;
	_ =	swait.ge @!p0 [sflag:s8], $0x0  }
0x24: {  	s3 =	sadd.s32 $0x88, s3;
	s6 =	simm.s32 @!p1 $0x1082;
	[sflag:s4] =	ssyncset.s32 $0xFFFFF086  }
0x25: {  	[simem:s6], [sflag:s4] =	dma.local [hbm:s3], $0xF7A  }
0x26: {  	[smem:$0x3F56] =	sst s1;
	(tag) =	ssettag s2;
	_ =	strace s9  }
0x27: {  	s1 =	sld [smem:$0x3F66]  }
0x28: {  	s2 =	sld [smem:$0x3F67]  }
0x29: {  	s4 =	sld [smem:$0x3F69]  }
0x2a: {  	p0 =	seq.s32 s5, $0x0;
	s5 =	sld [smem:$0x3F6A]  }
0x2b: {  	s6 =	sld [smem:$0x3F6B]  }
0x2c: {  	s7 =	sld [smem:$0x3F6C]  }
0x2d: {  	s3 =	simm.s32 $0x108;
	s8 =	sld [smem:$0x3F6D]  }
0x2e: {  	s3 =	simm.s32 @!p0 $0x1082;
	s9 =	sld [smem:$0x3F6E]  }
0x2f: {  	lr =	sadd.s32 s0, s3;
	s0 =	sld [smem:$0x3F65]  }
0x30: {  	s3 =	sld [smem:$0x3F68]  }
0x31: {  	[smem:$0x3F71] =	sst s10  }
0x32: {  	s10 =	sld [smem:$0x3F6F];
	_ =	sdelay $0x3  }
0x33: {  	p0 =	seq.s32 s10, $0x1;
	s10 =	sld [smem:$0x3F71];
	_ =	sdelay $0x3  }
0x34: {  	[smem:$0x3F71] =	sst s10  }
0x35: {  	s10 =	sld [smem:$0x3F70];
	_ =	sdelay $0x3  }
0x36: {  	p1 =	seq.s32 s10, $0x1;
	s10 =	sld [smem:$0x3F71];
	_ =	sdelay $0x3  }
0x37: {  	[smem:$0x3F71] =	sst s10  }
0x38: {  	s10 =	sld [smem:$0x3F72]  }
0x39: {  	_ = 	snop;
	(pc) =	sbr.ind lr, $3  }
0x3a: {  	_ = 	snop  }
0x3b: {  	_ = 	snop  }
0x3c: {  	p2 =	seq.s32 s10, $0x1;
	s10 =	sld [smem:$0x3F71]  }
0x3d: {  	_ =	shalt  }
0x3e: {  	_ =	shalt  }
0x3f: {  	_ =	shalt  }
0x40: {  	_ =	shalt  }
0x41: {  	_ =	shalt  }
0x42: {  	_ =	shalt  }
0x43: {  	_ =	shalt  }
0x44: {  	_ =	shalt  }
0x45: {  	_ =	shalt  }
0x46: {  	_ =	shalt  }
0x47: {  	_ =	shalt  }
0x48: {  	_ =	shalt  }
0x49: {  	_ =	shalt  }
0x4a: {  	_ =	shalt  }
0x4b: {  	_ =	shalt  }
0x4c: {  	_ =	shalt  }
0x4d: {  	_ =	shalt  }
0x4e: {  	_ =	shalt  }
0x4f: {  	_ =	shalt  }
0x50: {  	_ =	shalt  }
0x51: {  	_ =	shalt  }
0x52: {  	_ =	shalt  }
0x53: {  	_ =	shalt  }
0x54: {  	_ =	shalt  }
0x55: {  	_ =	shalt  }
0x56: {  	_ =	shalt  }
0x57: {  	_ =	shalt  }
0x58: {  	_ =	shalt  }
0x59: {  	_ =	shalt  }
0x5a: {  	_ =	shalt  }
0x5b: {  	_ =	shalt  }
0x5c: {  	_ =	shalt  }
0x5d: {  	_ =	shalt  }
0x5e: {  	_ =	shalt  }
0x5f: {  	_ =	shalt  }
0x60: {  	_ =	shalt  }
0x61: {  	_ =	shalt  }
0x62: {  	_ =	shalt  }
0x63: {  	_ =	shalt  }
0x64: {  	_ =	shalt  }
0x65: {  	_ =	shalt  }
0x66: {  	_ =	shalt  }
0x67: {  	_ =	shalt  }
0x68: {  	_ =	shalt  }
0x69: {  	_ =	shalt  }
0x6a: {  	_ =	shalt  }
0x6b: {  	_ =	shalt  }
0x6c: {  	_ =	shalt  }
0x6d: {  	_ =	shalt  }
0x6e: {  	_ =	shalt  }
0x6f: {  	_ =	shalt  }
0x70: {  	_ =	shalt  }
0x71: {  	_ =	shalt  }
0x72: {  	_ =	shalt  }
0x73: {  	_ =	shalt  }
0x74: {  	_ =	shalt  }
0x75: {  	_ =	shalt  }
0x76: {  	_ =	shalt  }
0x77: {  	_ =	shalt  }
0x78: {  	_ =	shalt  }
0x79: {  	_ =	shalt  }
0x7a: {  	_ =	shalt  }
0x7b: {  	_ =	shalt  }
0x7c: {  	_ =	shalt  }
0x7d: {  	_ =	shalt  }
0x7e: {  	_ =	shalt  }
0x7f: {  	_ =	shalt  }
0x80: {  	_ =	shalt  }
0x81: {  	_ =	shalt  }
0x82: {  	_ =	shalt  }
0x83: {  	_ =	shalt  }
0x84: {  	_ =	shalt  }
0x85: {  	_ =	shalt  }
0x86: {  	_ =	shalt  }
0x87: {  	_ =	shalt  }
.Lfunc_end0:
.L_simem_size_0:
called_computation.3_lowered:
.L_overlay_start_0:
0x88: {  	s2 =	sld [smem:$0x3FD9]  }
0x89: {  	s3 =	sld [smem:$0x3FFE];
	_ =	sdelay $0x1  }
0x8a: {  	s1 =	srdreg.scid  }
0x8b: {  	s0 =	sand.u32 $0x1, s1  }
0x8c: {  	s14 =	sshll.u32 s0, $0xA;
	s2 =	sadd.s32 s3, s2  }
0x8d: {  	s2 =	sadd.s32 s2, s14  }
0x8e: {  	[smem:$0x3F7D] =	sst s2  }
0x8f: {  	_ = 	snop  }
0x90: {  	s2 =	sld [smem:$0x3FD0];
	_ =	sdelay $0x2  }
0x91: {  	s15 =	simm.s32 $0xA;
	s4 =	simm.s32 $0x10  }
0x92: {  	[smem:s4], [sflag:s15] =	dma.local [hbm:s2], $0x1  }
0x93: {  	_ =	swait.eq [sflag:s15], $0x1  }
0x94: {  	[sflag:s15] =	ssyncset.done $0x0  }
0x95: {  	[sflag:s15] =	ssyncadd.s32 $0xFFFFFFFF  }
0x96: {  	s16 =	sld [smem:$0x12];
	(tm) =	ssettm $0x1  }
0x97: {  	s17 =	sld [smem:$0x3FFB];
	_ =	sdelay $0x3  }
0x98: {  	_ =	strace s17  }
0x99: {  	s3 =	sld [smem:$0x3FFC];
	_ =	sdelay $0x3  }
0x9a: {  	_ =	strace s3  }
0x9b: {  	s3 =	sld [smem:$0x3FFD];
	_ =	sdelay $0x3  }
0x9c: {  	_ =	strace s3  }
0x9d: {  	_ =	strace $0x8FFFFFFF  }
0x9e: {  	s18 =	sld [smem:$0x3FDB];
	_ =	sdelay $0x1  }
0x9f: {  	s19 =	simm.s32 $_scs_section_size  }
0xa0: {  	s5 =	simm.s32 $_size__tile_overlayer_lowered;
	s6 =	simm.s32 $_tile_overlayer_lowered  }
0xa1: {  	s22 =	simm.s32 $0x1BFF;
	s21 =	sshll.u32 s6, $0x1;
	s3 =	sadd.s32 s19, s18  }
0xa2: {  	s7 =	simm.s32 $0x0;
	s20 =	sshll.u32 s5, $0x1;
	s5 =	sadd.s32 s21, s3  }
0xa3: {  	[timem:s7], [sflag:s22] =	dma.local [hbm:s5], s20  }
0xa4: {  	_ =	swait.ge [sflag:s22], s20  }
0xa5: {  	s4 =	ssub.s32 $0x0, s20;
	[sflag:s22] =	ssyncset.done $0x0  }
0xa6: {  	[sflag:s22] =	ssyncadd.s32 s4;
	_ =	sdelay $0x1  }
0xa7: {  	s23 =	simm.s32 $0x1B8B  }
0xa8: {  	_ =	swait.ge [sflag:s23], $0x1  }
0xa9: {  	[sflag:s23] =	ssyncset.done $0x0  }
0xaa: {  	s25 =	simm.s32 $0x1B8E;
	s24 =	sld [smem:$0x3FFE];
	[sflag:s23] =	ssyncadd.s32 $0xFFFFFFFF  }
0xab: {  	s26 =	simm.s32 $execute0_lowered;
	[smem:$0x3FD2] =	sst s25  }
0xac: {  	s5 =	sshll.u32 s26, $0x1;
	_ =	strace $0x8000004F;
	[dreg:$0x1] =	wrdreg $0xFFFFFFFF  }
0xad: {  	s28 =	simm.s32 $_size_execute0_lowered;
	s3 =	sadd.s32 s3, s5;
	[dreg:$0x0] =	wrdreg $0x0  }
0xae: {  	s5 =	sshll.u32 s28, $0x1;
	[dreg:$0x2] =	wrdreg s3  }
0xaf: {  	[dreg:$0x3] =	wrdreg s5  }
0xb0: {  	[dreg:$0x4] =	wrdreg $0xC0  }
0xb1: {  	_ =	task [dreg:s7], $0x5FFFF  }
0xb2: {  	[dreg:$0x1] =	wrdreg $0xFFFFFFFF  }
0xb3: {  	[dreg:$0x0] =	wrdreg $0x60  }
0xb4: {  	[dreg:$0x2] =	wrdreg s16  }
0xb5: {  	[dreg:$0x3] =	wrdreg s24  }
0xb6: {  	[dreg:$0x4] =	wrdreg $0x0  }
0xb7: {  	[dreg:$0x5] =	wrdreg $0x9  }
0xb8: {  	_ =	task.clear_ibuf [dreg:s7], $0x6FFFF;
	_ =	strace $0x9000004F  }
0xb9: {  	s29 =	simm.s32 $0x9;
	_ =	strace $0x80000051  }
0xba: {  	_ =	swait.ge [sflag:s29], $0x1  }
0xbb: {  	[sflag:s29] =	ssyncadd.s32 $0xFFFFFFFF  }
0xbc: {  	_ =	strace $0x90000051  }
0xbd: {  	_ =	sfence  }
0xbe: {  	s30 =	sld [smem:$0x0];
	_ =	sdelay $0x2  }
0xbf: {  	s31 =	sshll.u32 s1, $0xD;
	s1 =	sshrl.u32 s1, $0x2  }
0xc0: {  	s3 =	sand.u32 $0x4000, s31;
	s1 =	sadd.s32 s1, s30  }
0xc1: {  	s0 =	sor.u32 s3, s0;
	s1 =	sshll.u32 s1, $0x11  }
0xc2: {  	s0 =	sor.u32 s1, s0  }
0xc3: {  	s0 =	sadd.s32 $0x8F2B, s0  }
0xc4: {  	[sflag:s0] =	ssyncadd.remote.s32 $0x1  }
0xc5: {  	_ =	sfence.sel $0xFFFF  }
0xc6: {  	[dreg:$0x0] =	wrdreg $0xFFFFFFFF;
	(pc) =	sbr.abs _section_cstart, $3  }
0xc7: {  	[dreg:$0x1] =	wrdreg $0xFFFFFFFF  }
0xc8: {  	_ =	task.clear_ibuf [dreg:s7], $0x2FFFF;
	_ =	strace $0x9FFFFFFF  }
0xc9: {  	(tm) =	ssettm $0x7FFFFFFF  }
tec
execute0_lowered:
.L_overlay_start_1:
0x0: {  	(tag) =	ssettag $0x1  }
0x1: {  	s0 =	rddreg [dreg:$0x0]  }
0x2: {  	s1 =	rddreg [dreg:$0x1]  }
0x3: {  	s2 =	rddreg [dreg:$0x2];
	s4 =	srdreg.scid  }
0x4: {  	s18 =	stileid.u32;
	s3 =	simm.s32 $0x0;
	s29 =	simm.s32 $0x1  }
0x5: {  	s30 =	simm.s32 $0x6;
	s28 =	simm.s32 $0x0;
	s4 =	sand.u32 $0x1, s4  }
0x6: {  	s5 =	sshll.u32 s18, $0x1;
	[smem:$0x7FF] =	sst s3;
	s10 =	smul.u32 $0x13800, s18  }
0x7: {  	s7 =	smul.u32 $0x4E000, s18;
	s12 =	sadd.s32 $0x79F600, s1;
	s20 =	sshll.u32 s18, $0x6  }
0x8: {  	s14 =	smul.u32 $0x4E200, s18;
	p0 =	sne.s32 s18, $0xF;
	s18 =	simm.s32 $0x7  }
0x9: {  	s6 =	sor.u32 s4, s5;
	_ =	strace $0x80000050;
	s23 =	smul.u32 $0x138800, s4  }
0xa: {  	s9 =	ssub.s32 $0x2, s4;
	s31 =	smul.u32 $0x27100, s4;
	s5 =	sshll.u32 s6, $0xB  }
0xb: {  	s19 =	sshrl.u32 s10, $0x3;
	s11 =	sshrl.u32 s9, $0x1;
	s21 =	smul.u32 $0x138800, s6  }
0xc: {  	s7 =	sshrl.u32 s7, $0x2;
	s6 =	smul.u32 $0x27100, s6;
	s8 =	sadd.s32 s5, s1  }
0xd: {  	s5 =	sadd.s32 s19, s1;
	s13 =	ssub.s32 s9, s11;
	s17 =	sadd.s32 s7, s2  }
0xe: {  	s19 =	sadd.s32 $0x138000, s2;
	s1 =	sadd.s32 $0x4C400, s1;
	s25 =	sadd.s32 s10, s23  }
0xf: {  	s26 =	sshrl.u32 s23, $0x3;
	s23 =	simm.s32 $0x4;
	s5 =	sadd.s32 $0x25400, s5  }
0x10: {  	[dreg:$0x5] =	wrdreg s1;
	s22 =	sshrl.u32 s21, $0x3;
	s24 =	sadd.s32 $0x9E9400, s8  }
0x11: {  	s8 =	sadd.s32 s0, s6;
	s6 =	sadd.s32 s12, s26;
	s17 =	sshrl.u32 s17, $0x3  }
0x12: {  	s19 =	sshrl.u32 @!p0 s19, $0x3;
	s21 =	simm.s32 $0x13880;
	[dreg:$0x4] =	wrdreg s5  }
0x13: {  	s26 =	simm.s32 $0x5;
	s5 =	sor.u32 $0x1C07, s20;
	[dreg:$0x6] =	wrdreg s24  }
0x14: {  	s1 =	sadd.s32 s0, s22;
	s11 =	sadd.s32 $0x27000, s6;
	s0 =	sadd.s32 s14, s0  }
0x15: {  	s14 =	sadd.s32 $0xF00, s8;
	s15 =	sadd.s32 $0x1400, s8;
	s20 =	simm.s32 $0x1B080  }
0x16: {  	s22 =	simm.s32 $0x16080;
	s24 =	simm.s32 $0x50;
	s9 =	sadd.s32 $0x500, s1  }
0x17: {  	s1 =	sshrl.u32 s25, $0x3;
	s0 =	sadd.s32 s31, s0;
	s25 =	simm.s32 $0x18880  }
0x18: {  	s10 =	sadd.s32 s12, s1;
	s12 =	smax.u32 s13, $0x1;
	s13 =	sadd.s32 $0xA00, s8  }
0x19: {  	s16 =	sadd.s32 $0x1900, s0;
	s0 =	simm.s32 $0x2;
	s1 =	simm.s32 $0x3  }
.LBB2_1:
0x1a: {  	s4 =	rddreg [dreg:$0x4]  }
0x1b: {  	[spmem:s17], [sflag:s5] =	dma.local [hbm:s4], $0x2700  }
0x1c: {  	_ =	swait.ge [sflag:s18], $0x2700  }
0x1d: {  	[sflag:s18] =	ssyncset.done $0x0  }
0x1e: {  	s4 =	rddreg [dreg:$0x5];
	[sflag:s18] =	ssyncadd.s32 $0xFFFFD900  }
0x1f: {  	[spmem:s19], [sflag:s5] =	dma.local @!p0 [hbm:s4], $0x100  }
0x20: {  	s4 =	simm.s32 @!p0 $0x7  }
0x21: {  	_ =	swait.ge @!p0 [sflag:s4], $0x100  }
0x22: {  	[sflag:s4] =	ssyncset.done @!p0 $0x0  }
0x23: {  	s7 =	rddreg [dreg:$0x6];
	[sflag:s4] =	ssyncadd.s32 @!p0 $0xFFFFFF00  }
0x24: {  	[tilespmem:s20], [sflag:$0x7] =	stream.linear.gather [hbm4b:s7+s3], $0x3E80, $0x38;
	[tilespmem:$0x1F080] =	vst v63  }
0x25: {  	_ =	swait.ge [sflag:s18], $0x3E80  }
0x26: {  	[sflag:s18] =	ssyncset.done $0x0  }
0x27: {  	[sflag:s18] =	ssyncadd.s32 $0xFFFFC180  }
0x28: {  	[bflag:$0x0] =	sbarrier.arrive $0xFFFF  }
0x29: {  	[tilespmem:s21], [sflag:$0x4] =	stream.linear.gather [hbm4b:s8+s3], $0x2800, $0x38;
	[tilespmem:$0x1F080] =	vst v63  }
0x2a: {  	_ = 	snop  }
0x2b: {  	[tilespmem:s22], [sflag:$0x5] =	stream.linear.gather [hbm4b:s9+s3], $0x2800, $0x38;
	[tilespmem:$0x1F080] =	vst v63  }
0x2c: {  	_ =	swait.ge [sflag:s23], $0x2800  }
0x2d: {  	[sflag:s23] =	ssyncset.done $0x0  }
0x2e: {  	[sflag:s23] =	ssyncadd.s32 $0xFFFFD800  }
0x2f: {  	[spmem:s2] =	stream.indirect.scatter.add.f32 [tilespmem:s21], [sflag:$0x1], $0x80, s20, s24, $0xb8;
	[tilespmem:$0x1F080] =	vst v63  }
0x30: {  	_ = 	snop  }
0x31: {  	[tilespmem:s25], [sflag:$0x6] =	stream.linear.gather [hbm4b:s13+s3], $0x2800, $0x38;
	[tilespmem:$0x1F080] =	vst v63  }
0x32: {  	_ =	swait.ge [sflag:s26], $0x2800  }
0x33: {  	[sflag:s26] =	ssyncset.done $0x0  }
0x34: {  	s6 =	simm.s32 $0x1B100;
	[sflag:s26] =	ssyncadd.s32 $0xFFFFD800  }
0x35: {  	[spmem:s2] =	stream.indirect.scatter.add.f32 [tilespmem:s22], [sflag:$0x2], $0x80, s6, s24, $0xb8;
	[tilespmem:$0x1F080] =	vst v63  }
0x36: {  	_ =	swait.ge [sflag:s29], $0x2800  }
0x37: {  	[sflag:s29] =	ssyncset.done $0x0  }
0x38: {  	[sflag:s29] =	ssyncadd.s32 $0xFFFFD800  }
0x39: {  	[tilespmem:s21], [sflag:$0x4] =	stream.linear.gather [hbm4b:s14+s3], $0x2800, $0x38;
	[tilespmem:$0x1F080] =	vst v63  }
0x3a: {  	_ =	swait.ge [sflag:s30], $0x2800  }
0x3b: {  	[sflag:s30] =	ssyncset.done $0x0  }
0x3c: {  	s7 =	simm.s32 $0x1B180;
	[sflag:s30] =	ssyncadd.s32 $0xFFFFD800  }
0x3d: {  	[spmem:s2] =	stream.indirect.scatter.add.f32 [tilespmem:s25], [sflag:$0x3], $0x80, s7, s24, $0xb8;
	[tilespmem:$0x1F080] =	vst v63  }
0x3e: {  	_ =	swait.ge [sflag:s0], $0x2800  }
0x3f: {  	[sflag:s0] =	ssyncset.done $0x0  }
0x40: {  	[sflag:s0] =	ssyncadd.s32 $0xFFFFD800  }
0x41: {  	[tilespmem:s22], [sflag:$0x5] =	stream.linear.gather [hbm4b:s15+s3], $0x2800, $0x38;
	[tilespmem:$0x1F080] =	vst v63  }
0x42: {  	_ =	swait.ge [sflag:s23], $0x2800  }
0x43: {  	[sflag:s23] =	ssyncset.done $0x0  }
0x44: {  	s6 =	simm.s32 $0x1B200;
	[sflag:s23] =	ssyncadd.s32 $0xFFFFD800  }
0x45: {  	[spmem:s2] =	stream.indirect.scatter.add.f32 [tilespmem:s21], [sflag:$0x1], $0x80, s6, s24, $0xb8;
	[tilespmem:$0x1F080] =	vst v63  }
0x46: {  	_ =	swait.ge [sflag:s1], $0x2800  }
0x47: {  	[sflag:s1] =	ssyncset.done $0x0  }
0x48: {  	[sflag:s1] =	ssyncadd.s32 $0xFFFFD800  }
0x49: {  	[tilespmem:s25], [sflag:$0x6] =	stream.linear.gather [hbm4b:s16+s3], $0x2800, $0x38;
	[tilespmem:$0x1F080] =	vst v63  }
0x4a: {  	_ =	swait.ge [sflag:s26], $0x2800  }
0x4b: {  	[sflag:s26] =	ssyncset.done $0x0  }
0x4c: {  	s7 =	simm.s32 $0x1B280;
	[sflag:s26] =	ssyncadd.s32 $0xFFFFD800  }
0x4d: {  	[spmem:s2] =	stream.indirect.scatter.add.f32 [tilespmem:s22], [sflag:$0x2], $0x80, s7, s24, $0xb8;
	[tilespmem:$0x1F080] =	vst v63  }
0x4e: {  	_ =	swait.ge [sflag:s29], $0x2800  }
0x4f: {  	[sflag:s29] =	ssyncset.done $0x0  }
0x50: {  	s6 =	sadd.s32 $0x500, s16;
	[sflag:s29] =	ssyncadd.s32 $0xFFFFD800  }
0x51: {  	[tilespmem:s21], [sflag:$0x4] =	stream.linear.gather [hbm4b:s6+s3], $0x2800, $0x38;
	[tilespmem:$0x1F080] =	vst v63  }
0x52: {  	_ =	swait.ge [sflag:s30], $0x2800  }
0x53: {  	[sflag:s30] =	ssyncset.done $0x0  }
0x54: {  	s7 =	simm.s32 $0x1B300;
	[sflag:s30] =	ssyncadd.s32 $0xFFFFD800  }
0x55: {  	[spmem:s2] =	stream.indirect.scatter.add.f32 [tilespmem:s25], [sflag:$0x3], $0x80, s7, s24, $0xb8;
	[tilespmem:$0x1F080] =	vst v63  }
0x56: {  	_ =	swait.ge [sflag:s0], $0x2800  }
0x57: {  	s31 =	simm.s32 $0x600;
	[sflag:s0] =	ssyncset.done $0x0  }
0x58: {  	s4 =	sadd.s32 $0xF00, s16;
	s6 =	sadd.s32 $0xA00, s16;
	[sflag:s0] =	ssyncadd.s32 $0xFFFFD800  }
.LBB2_2:
0x59: {  	[tilespmem:s22], [sflag:$0x5] =	stream.linear.gather [hbm4b:s6+s3], $0x2800, $0x38;
	[tilespmem:$0x1F080] =	vst v63  }
0x5a: {  	s6 =	smov.u32 s31  }
0x5b: {  	p1 =	sne.s32 s31, $0xEA00;
	s31 =	sadd.s32 $0x600, s31;
	_ =	swait.ge [sflag:s23], $0x2800  }
0x5c: {  	s6 =	sshra.s32 s6, $0x2;
	[sflag:s23] =	ssyncset.done $0x0  }
0x5d: {  	s7 =	sadd.s32 $0x1B200, s6;
	[sflag:s23] =	ssyncadd.s32 $0xFFFFD800  }
0x5e: {  	[spmem:s2] =	stream.indirect.scatter.add.f32 [tilespmem:s21], [sflag:$0x1], $0x80, s7, s24, $0xb8;
	[tilespmem:$0x1F080] =	vst v63  }
0x5f: {  	_ =	swait.ge [sflag:s1], $0x2800  }
0x60: {  	[sflag:s1] =	ssyncset.done $0x0  }
0x61: {  	[sflag:s1] =	ssyncadd.s32 $0xFFFFD800  }
0x62: {  	[tilespmem:s25], [sflag:$0x6] =	stream.linear.gather [hbm4b:s4+s3], $0x2800, $0x38;
	[tilespmem:$0x1F080] =	vst v63  }
0x63: {  	_ =	swait.ge [sflag:s26], $0x2800  }
0x64: {  	[sflag:s26] =	ssyncset.done $0x0  }
0x65: {  	s7 =	sadd.s32 $0x1B280, s6;
	[sflag:s26] =	ssyncadd.s32 $0xFFFFD800  }
0x66: {  	[spmem:s2] =	stream.indirect.scatter.add.f32 [tilespmem:s22], [sflag:$0x2], $0x80, s7, s24, $0xb8;
	[tilespmem:$0x1F080] =	vst v63  }
0x67: {  	_ =	swait.ge [sflag:s29], $0x2800  }
0x68: {  	[sflag:s29] =	ssyncset.done $0x0  }
0x69: {  	s7 =	sadd.s32 $0x500, s4;
	[sflag:s29] =	ssyncadd.s32 $0xFFFFD800  }
0x6a: {  	[tilespmem:s21], [sflag:$0x4] =	stream.linear.gather [hbm4b:s7+s3], $0x2800, $0x38;
	[tilespmem:$0x1F080] =	vst v63  }
0x6b: {  	_ =	swait.ge [sflag:s30], $0x2800  }
0x6c: {  	[sflag:s30] =	ssyncset.done $0x0  }
.Ltmp0:
0x6d: {  	s6 =	sadd.s32 $0x1B300, s6;
	[sflag:s30] =	ssyncadd.s32 $0xFFFFD800;
	(pc) =	sbr.rel @p1 .LBB2_2-.Ltmp0, $4  }
0x6e: {  	[spmem:s2] =	stream.indirect.scatter.add.f32 [tilespmem:s25], [sflag:$0x3], $0x80, s6, s24, $0xb8;
	[tilespmem:$0x1F080] =	vst v63  }
0x6f: {  	_ =	swait.ge [sflag:s0], $0x2800  }
0x70: {  	[sflag:s0] =	ssyncset.done $0x0  }
0x71: {  	s6 =	sadd.s32 $0xA00, s4;
	s4 =	sadd.s32 $0xF00, s4;
	[sflag:s0] =	ssyncadd.s32 $0xFFFFD800  }
0x72: {  	[tilespmem:s22], [sflag:$0x5] =	stream.linear.gather [hbm4b:s6+s3], $0x2800, $0x38;
	[tilespmem:$0x1F080] =	vst v63  }
0x73: {  	_ =	swait.ge [sflag:s23], $0x2800  }
0x74: {  	[sflag:s23] =	ssyncset.done $0x0  }
0x75: {  	s4 =	simm.s32 $0x1EE00;
	[sflag:s23] =	ssyncadd.s32 $0xFFFFD800  }
0x76: {  	[spmem:s2] =	stream.indirect.scatter.add.f32 [tilespmem:s21], [sflag:$0x1], $0x80, s4, s24, $0xb8;
	[tilespmem:$0x1F080] =	vst v63  }
0x77: {  	_ =	swait.ge [sflag:s1], $0x2800  }
0x78: {  	[sflag:s1] =	ssyncset.done $0x0  }
0x79: {  	[sflag:s1] =	ssyncadd.s32 $0xFFFFD800  }
0x7a: {  	_ =	swait.ge [sflag:s26], $0x2800  }
0x7b: {  	[sflag:s26] =	ssyncset.done $0x0  }
0x7c: {  	s31 =	simm.s32 $0x1EE80;
	[sflag:s26] =	ssyncadd.s32 $0xFFFFD800  }
0x7d: {  	[spmem:s2] =	stream.indirect.scatter.add.f32 [tilespmem:s22], [sflag:$0x2], $0x80, s31, s24, $0xb8;
	[tilespmem:$0x1F080] =	vst v63  }
0x7e: {  	_ =	swait.ge [sflag:s29], $0x2800  }
0x7f: {  	[sflag:s29] =	ssyncset.done $0x0  }
0x80: {  	[sflag:s29] =	ssyncadd.s32 $0xFFFFD800  }
0x81: {  	_ =	swait.ge [sflag:s0], $0x2800  }
0x82: {  	[sflag:s0] =	ssyncset.done $0x0  }
0x83: {  	[sflag:s0] =	ssyncadd.s32 $0xFFFFD800  }
0x84: {  	[bflag:$0x0] =	sbarrier.arrive $0xFFFF  }
0x85: {  	[hbm:s10], [sflag:s5] =	dma.local [spmem:s17], $0x2700  }
0x86: {  	s28 =	sadd.s32 $0x1, s28;
	_ =	swait.ge [sflag:s18], $0x2700  }
0x87: {  	p1 =	sne.s32 s28, s12;
	[sflag:s18] =	ssyncset.done $0x0  }
.Ltmp1:
0x88: {  	s4 =	simm.s32 @!p0 $0x7;
	[sflag:s18] =	ssyncadd.s32 $0xFFFFD900;
	(pc) =	sbr.rel @p1 .LBB2_1-.Ltmp1, $4  }
0x89: {  	[hbm:s11], [sflag:s5] =	dma.local @!p0 [spmem:s19], $0x100  }
0x8a: {  	_ =	swait.ge @!p0 [sflag:s4], $0x100  }
0x8b: {  	[sflag:s4] =	ssyncset.done @!p0 $0x0  }
0x8c: {  	[sflag:s4] =	ssyncadd.s32 @!p0 $0xFFFFFF00  }
0x8d: {  	_ =	sfence.sel $0x180000  }
0x8e: {  	[bflag:$0x0] =	sbarrier.arrive $0xFFFF  }
0x8f: {  	_ =	strace $0x90000050  }
0x90: {  	s0 =	stileid.u32;
	[bflag:$0x2] =	sbarrier.arrive $0xFFFF  }
0x91: {  	p0 =	sne.s32 s0, $0x0;
	s0 =	rddreg [dreg:$0x3]  }
0x92: {  	s0 =	sadd.s32 @!p0 $0x100000, s0  }
0x93: {  	[sflag:s0] =	ssyncadd.tile.s32 @!p0 $0x1;
	_ =	shalt  }
.Lfunc_end2:
_tile_overlayer_lowered:
.L_overlay_start_2:
0x94: {  	(tag) =	ssettag $0x2  }
0x95: {  	s0 =	rddreg [dreg:$0x0];
	s2 =	stileid.u32  }
0x96: {  	s1 =	rddreg [dreg:$0x1];
	p0 =	sne.s32 s2, $0x0  }
0x97: {  	s3 =	rddreg [dreg:$0x2];
	[bflag:$0x3] =	sbarrier.arrive $0xFFFF;
	s2 =	simm.s32 @!p0 $0x1C07  }
0x98: {  	[timem:s3], [sflag:s2] =	dma.local @!p0 [hbm:s0], s1  }
0x99: {  	s0 =	simm.s32 @!p0 $0x7  }
0x9a: {  	_ =	swait.ge @!p0 [sflag:s0], s1  }
0x9b: {  	s1 =	ssub.s32 @!p0 $0x0, s1;
	[sflag:s0] =	ssyncset.done @!p0 $0x0  }
0x9c: {  	[sflag:s0] =	ssyncadd.s32 @!p0 s1  }
0x9d: {  	[bflag:$0x3] =	sbarrier.arrive $0xFFFF  }
0x9e: {  	_ =	shalt  }

// kernel: kernel.29.cloned.1.call-start
scs
__scs_entry_jumppad:
0x0: {  	(pc) =	sbr.rel $0x88, $3  }
0x1: {  	(tag) =	ssettag $0x0;
	lr =	simm.s32 $0x1  }
0x2: {  	[smem:$0x3F56] =	sst lr;
	_ =	strace $0xD0000000  }
0x3: {  	_ = 	snop  }
0x4: {  	_ = 	snop  }
0x5: {  	_ = 	snop  }
0x6: {  	_ = 	snop  }
0x7: {  	_ = 	snop  }
__scs_overlays_trampoline_lowered:
0x8: {  	[smem:$0x3F65] =	sst s0  }
0x9: {  	[smem:$0x3F66] =	sst s1  }
0xa: {  	[smem:$0x3F67] =	sst s2  }
0xb: {  	[smem:$0x3F68] =	sst s3  }
0xc: {  	[smem:$0x3F69] =	sst s4  }
0xd: {  	[smem:$0x3F6A] =	sst s5  }
0xe: {  	[smem:$0x3F6B] =	sst s6  }
0xf: {  	[smem:$0x3F6C] =	sst s7  }
0x10: {  	[smem:$0x3F6D] =	sst s8  }
0x11: {  	[smem:$0x3F6E] =	sst s9;
	s0 =	simm.s32 @!p0 $0x0  }
0x12: {  	s1 =	sld [smem:$0x3F54];
	s0 =	simm.s32 @p0 $0x1  }
0x13: {  	[smem:$0x3F6F] =	sst s0;
	s0 =	simm.s32 @!p1 $0x0  }
0x14: {  	s2 =	sld [smem:$0x3F53];
	s0 =	simm.s32 @p1 $0x1  }
0x15: {  	[smem:$0x3F70] =	sst s0;
	s0 =	simm.s32 @!p2 $0x0  }
0x16: {  	s3 =	sld [smem:$0x3FDB];
	s0 =	simm.s32 @p2 $0x1  }
0x17: {  	s4 =	simm.s32 $0x1BF5;
	[smem:$0x3F72] =	sst s0  }
0x18: {  	s0 =	sld [smem:$0x3F55];
	_ =	swait.ge [sflag:s4], $0x0  }
0x19: {  	s7 =	sld [smem:$0x3F56]  }
0x1a: {  	s8 =	sadd.s32 $0xFFFFE003, lr  }
0x1b: {  	s9 =	sadd.s32 $0xFFFFFEF7, lr;
	s5 =	simm.s32 $0xFFFFFFFF;
	p2 =	slt.u32 s8, $0xFFFFF086  }
0x1c: {  	p1 =	slt.u32 s9, $0xF7A;
	s5 =	simm.s32 @!p2 $0x0  }
0x1d: {  	s5 =	simm.s32 @p1 $0x1;
	p0 =	seq.s32 s7, s2  }
0x1e: {  	s7 =	smul.u32 @!p0 $0xF7A, s2;
	p2 =	seq.s32 @!p0 s5, $0x0  }
0x1f: {  	s9 =	smul.u32 $0xF7A, s1;
	s8 =	simm.s32 @!p0 $0x1BF5;
	p2 =	por !p2, p0  }
0x20: {  	[sflag:s8] =	ssyncset.s32 @!p0 $0xFFFFF086;
	s6 =	sadd.s32 @!p0 s3, s7;
	s7 =	simm.s32 @!p0 $0x108  }
0x21: {  	s3 =	sadd.s32 s3, s9;
	s6 =	sadd.s32 @!p0 $0x88, s6;
	s7 =	simm.s32 @p2 $0x1082  }
0x22: {  	[simem:s7], [sflag:s8] =	dma.local @!p0 [hbm:s6], $0xF7A  }
0x23: {  	s9 =	sor.u32 $0xD0000000, s2;
	s6 =	simm.s32 $0x108;
	_ =	swait.ge @!p0 [sflag:s8], $0x0  }
0x24: {  	s3 =	sadd.s32 $0x88, s3;
	s6 =	simm.s32 @!p1 $0x1082;
	[sflag:s4] =	ssyncset.s32 $0xFFFFF086  }
0x25: {  	[simem:s6], [sflag:s4] =	dma.local [hbm:s3], $0xF7A  }
0x26: {  	[smem:$0x3F56] =	sst s1;
	(tag) =	ssettag s2;
	_ =	strace s9  }
0x27: {  	s1 =	sld [smem:$0x3F66]  }
0x28: {  	s2 =	sld [smem:$0x3F67]  }
0x29: {  	s4 =	sld [smem:$0x3F69]  }
0x2a: {  	p0 =	seq.s32 s5, $0x0;
	s5 =	sld [smem:$0x3F6A]  }
0x2b: {  	s6 =	sld [smem:$0x3F6B]  }
0x2c: {  	s7 =	sld [smem:$0x3F6C]  }
0x2d: {  	s3 =	simm.s32 $0x108;
	s8 =	sld [smem:$0x3F6D]  }
0x2e: {  	s3 =	simm.s32 @!p0 $0x1082;
	s9 =	sld [smem:$0x3F6E]  }
0x2f: {  	lr =	sadd.s32 s0, s3;
	s0 =	sld [smem:$0x3F65]  }
0x30: {  	s3 =	sld [smem:$0x3F68]  }
0x31: {  	[smem:$0x3F71] =	sst s10  }
0x32: {  	s10 =	sld [smem:$0x3F6F];
	_ =	sdelay $0x3  }
0x33: {  	p0 =	seq.s32 s10, $0x1;
	s10 =	sld [smem:$0x3F71];
	_ =	sdelay $0x3  }
0x34: {  	[smem:$0x3F71] =	sst s10  }
0x35: {  	s10 =	sld [smem:$0x3F70];
	_ =	sdelay $0x3  }
0x36: {  	p1 =	seq.s32 s10, $0x1;
	s10 =	sld [smem:$0x3F71];
	_ =	sdelay $0x3  }
0x37: {  	[smem:$0x3F71] =	sst s10  }
0x38: {  	s10 =	sld [smem:$0x3F72]  }
0x39: {  	_ = 	snop;
	(pc) =	sbr.ind lr, $3  }
0x3a: {  	_ = 	snop  }
0x3b: {  	_ = 	snop  }
0x3c: {  	p2 =	seq.s32 s10, $0x1;
	s10 =	sld [smem:$0x3F71]  }
0x3d: {  	_ =	shalt  }
0x3e: {  	_ =	shalt  }
0x3f: {  	_ =	shalt  }
0x40: {  	_ =	shalt  }
0x41: {  	_ =	shalt  }
0x42: {  	_ =	shalt  }
0x43: {  	_ =	shalt  }
0x44: {  	_ =	shalt  }
0x45: {  	_ =	shalt  }
0x46: {  	_ =	shalt  }
0x47: {  	_ =	shalt  }
0x48: {  	_ =	shalt  }
0x49: {  	_ =	shalt  }
0x4a: {  	_ =	shalt  }
0x4b: {  	_ =	shalt  }
0x4c: {  	_ =	shalt  }
0x4d: {  	_ =	shalt  }
0x4e: {  	_ =	shalt  }
0x4f: {  	_ =	shalt  }
0x50: {  	_ =	shalt  }
0x51: {  	_ =	shalt  }
0x52: {  	_ =	shalt  }
0x53: {  	_ =	shalt  }
0x54: {  	_ =	shalt  }
0x55: {  	_ =	shalt  }
0x56: {  	_ =	shalt  }
0x57: {  	_ =	shalt  }
0x58: {  	_ =	shalt  }
0x59: {  	_ =	shalt  }
0x5a: {  	_ =	shalt  }
0x5b: {  	_ =	shalt  }
0x5c: {  	_ =	shalt  }
0x5d: {  	_ =	shalt  }
0x5e: {  	_ =	shalt  }
0x5f: {  	_ =	shalt  }
0x60: {  	_ =	shalt  }
0x61: {  	_ =	shalt  }
0x62: {  	_ =	shalt  }
0x63: {  	_ =	shalt  }
0x64: {  	_ =	shalt  }
0x65: {  	_ =	shalt  }
0x66: {  	_ =	shalt  }
0x67: {  	_ =	shalt  }
0x68: {  	_ =	shalt  }
0x69: {  	_ =	shalt  }
0x6a: {  	_ =	shalt  }
0x6b: {  	_ =	shalt  }
0x6c: {  	_ =	shalt  }
0x6d: {  	_ =	shalt  }
0x6e: {  	_ =	shalt  }
0x6f: {  	_ =	shalt  }
0x70: {  	_ =	shalt  }
0x71: {  	_ =	shalt  }
0x72: {  	_ =	shalt  }
0x73: {  	_ =	shalt  }
0x74: {  	_ =	shalt  }
0x75: {  	_ =	shalt  }
0x76: {  	_ =	shalt  }
0x77: {  	_ =	shalt  }
0x78: {  	_ =	shalt  }
0x79: {  	_ =	shalt  }
0x7a: {  	_ =	shalt  }
0x7b: {  	_ =	shalt  }
0x7c: {  	_ =	shalt  }
0x7d: {  	_ =	shalt  }
0x7e: {  	_ =	shalt  }
0x7f: {  	_ =	shalt  }
0x80: {  	_ =	shalt  }
0x81: {  	_ =	shalt  }
0x82: {  	_ =	shalt  }
0x83: {  	_ =	shalt  }
0x84: {  	_ =	shalt  }
0x85: {  	_ =	shalt  }
0x86: {  	_ =	shalt  }
0x87: {  	_ =	shalt  }
.Lfunc_end0:
.L_simem_size_0:
called_computation.4_lowered:
.L_overlay_start_0:
0x88: {  	s2 =	sld [smem:$0x3FD9]  }
0x89: {  	s3 =	sld [smem:$0x3FFE];
	_ =	sdelay $0x1  }
0x8a: {  	s1 =	srdreg.scid  }
0x8b: {  	s0 =	sand.u32 $0x1, s1  }
0x8c: {  	s14 =	sshll.u32 s0, $0xA;
	s2 =	sadd.s32 s3, s2  }
0x8d: {  	s2 =	sadd.s32 s2, s14  }
0x8e: {  	[smem:$0x3F7D] =	sst s2  }
0x8f: {  	_ = 	snop  }
0x90: {  	s2 =	sld [smem:$0x3FD0];
	_ =	sdelay $0x2  }
0x91: {  	s15 =	simm.s32 $0xA;
	s4 =	simm.s32 $0x10  }
0x92: {  	[smem:s4], [sflag:s15] =	dma.local [hbm:s2], $0x1  }
0x93: {  	_ =	swait.eq [sflag:s15], $0x1  }
0x94: {  	[sflag:s15] =	ssyncset.done $0x0  }
0x95: {  	s16 =	sld [smem:$0x11];
	[sflag:s15] =	ssyncadd.s32 $0xFFFFFFFF  }
0x96: {  	s17 =	sld [smem:$0x12];
	(tm) =	ssettm $0x1  }
0x97: {  	s18 =	sld [smem:$0x3FFB];
	_ =	sdelay $0x3  }
0x98: {  	_ =	strace s18  }
0x99: {  	s4 =	sld [smem:$0x3FFC];
	_ =	sdelay $0x3  }
0x9a: {  	_ =	strace s4  }
0x9b: {  	s4 =	sld [smem:$0x3FFD];
	_ =	sdelay $0x3  }
0x9c: {  	_ =	strace s4  }
0x9d: {  	_ =	strace $0x8FFFFFFF  }
0x9e: {  	s19 =	sld [smem:$0x3FDB];
	_ =	sdelay $0x1  }
0x9f: {  	s5 =	simm.s32 $_scs_section_size  }
0xa0: {  	s6 =	simm.s32 $_size__tile_overlayer_lowered;
	s7 =	simm.s32 $_tile_overlayer_lowered  }
0xa1: {  	s22 =	simm.s32 $0x1BFF;
	s21 =	sshll.u32 s7, $0x1;
	s4 =	sadd.s32 s5, s19  }
0xa2: {  	s8 =	simm.s32 $0x0;
	s20 =	sshll.u32 s6, $0x1;
	s6 =	sadd.s32 s21, s4  }
0xa3: {  	[timem:s8], [sflag:s22] =	dma.local [hbm:s6], s20  }
0xa4: {  	_ =	swait.ge [sflag:s22], s20  }
0xa5: {  	s5 =	ssub.s32 $0x0, s20;
	[sflag:s22] =	ssyncset.done $0x0  }
0xa6: {  	[sflag:s22] =	ssyncadd.s32 s5;
	_ =	sdelay $0x1  }
0xa7: {  	s23 =	simm.s32 $0x1B8B  }
0xa8: {  	_ =	swait.ge [sflag:s23], $0x1  }
0xa9: {  	[sflag:s23] =	ssyncset.done $0x0  }
0xaa: {  	s25 =	simm.s32 $0x1B8E;
	s24 =	sld [smem:$0x3FFE];
	[sflag:s23] =	ssyncadd.s32 $0xFFFFFFFF  }
0xab: {  	s26 =	simm.s32 $execute0_lowered;
	[smem:$0x3FD2] =	sst s25  }
0xac: {  	s6 =	sshll.u32 s26, $0x1;
	_ =	strace $0x80000052;
	[dreg:$0x1] =	wrdreg $0xFFFFFFFF  }
0xad: {  	s28 =	simm.s32 $_size_execute0_lowered;
	s4 =	sadd.s32 s4, s6;
	[dreg:$0x0] =	wrdreg $0x0  }
0xae: {  	s6 =	sshll.u32 s28, $0x1;
	[dreg:$0x2] =	wrdreg s4  }
0xaf: {  	[dreg:$0x3] =	wrdreg s6  }
0xb0: {  	[dreg:$0x4] =	wrdreg $0xC0  }
0xb1: {  	_ =	task [dreg:s8], $0x5FFFF  }
0xb2: {  	[dreg:$0x1] =	wrdreg $0xFFFFFFFF  }
0xb3: {  	[dreg:$0x0] =	wrdreg $0x60  }
0xb4: {  	[dreg:$0x2] =	wrdreg s16  }
0xb5: {  	[dreg:$0x3] =	wrdreg s24  }
0xb6: {  	[dreg:$0x4] =	wrdreg s17  }
0xb7: {  	[dreg:$0x5] =	wrdreg $0x0  }
0xb8: {  	[dreg:$0x6] =	wrdreg $0x9  }
0xb9: {  	_ =	task.clear_ibuf [dreg:s8], $0x7FFFF;
	_ =	strace $0x90000052  }
0xba: {  	s29 =	simm.s32 $0x9;
	_ =	strace $0x80000054  }
0xbb: {  	_ =	swait.ge [sflag:s29], $0x1  }
0xbc: {  	[sflag:s29] =	ssyncadd.s32 $0xFFFFFFFF  }
0xbd: {  	_ =	strace $0x90000054  }
0xbe: {  	_ =	sfence  }
0xbf: {  	s30 =	sld [smem:$0x0];
	_ =	sdelay $0x2  }
0xc0: {  	s31 =	sshll.u32 s1, $0xD;
	s1 =	sshrl.u32 s1, $0x2  }
0xc1: {  	s3 =	sand.u32 $0x4000, s31;
	s1 =	sadd.s32 s1, s30  }
0xc2: {  	s0 =	sor.u32 s3, s0;
	s1 =	sshll.u32 s1, $0x11  }
0xc3: {  	s0 =	sor.u32 s1, s0  }
0xc4: {  	s0 =	sadd.s32 $0x8F2B, s0  }
0xc5: {  	[sflag:s0] =	ssyncadd.remote.s32 $0x1  }
0xc6: {  	_ =	sfence.sel $0xFFFF  }
0xc7: {  	[dreg:$0x0] =	wrdreg $0xFFFFFFFF;
	(pc) =	sbr.abs _section_cstart, $3  }
0xc8: {  	[dreg:$0x1] =	wrdreg $0xFFFFFFFF  }
0xc9: {  	_ =	task.clear_ibuf [dreg:s8], $0x2FFFF;
	_ =	strace $0x9FFFFFFF  }
0xca: {  	(tm) =	ssettm $0x7FFFFFFF  }
0xcb: {  	_ =	shalt  }
tec
execute0_lowered:
.L_overlay_start_1:
0x0: {  	(tag) =	ssettag $0x1  }
0x1: {  	s1 =	rddreg [dreg:$0x0]  }
0x2: {  	s2 =	srdreg.scid;
	s4 =	rddreg [dreg:$0x1]  }
0x3: {  	s0 =	stileid.u32;
	s10 =	rddreg [dreg:$0x2]  }
0x4: {  	s17 =	simm.s32 $0x80;
	s18 =	simm.s32 $0x400;
	s19 =	simm.s32 $0x18880  }
0x5: {  	s20 =	simm.s32 $0x1B000;
	s28 =	simm.s32 $0x0;
	s9 =	sand.u32 $0x1, s2  }
0x6: {  	s21 =	sshll.u32 s0, $0x1;
	s3 =	sshrl.u32 s0, $0x2;
	s22 =	smul.u32 $0x4E000, s0  }
0x7: {  	s2 =	rddreg [dreg:$0x3];
	s11 =	sadd.s32 $0x4C600, s4;
	s12 =	smul.u32 $0x2700, s0  }
0x8: {  	s25 =	sshll.u32 s0, $0x6;
	s30 =	smul.u32 $0x4E200, s0;
	p0 =	sne.s32 s0, $0xF  }
0x9: {  	s6 =	sor.u32 s9, s21;
	s5 =	smul.u32 $0x13C00, s3;
	s3 =	simm.s32 $0x0  }
0xa: {  	s23 =	ssub.s32 $0x2, s9;
	s16 =	sadd.s32 $0x138000, s2;
	s15 =	smul.u32 $0x27100, s9  }
0xb: {  	s21 =	simm.s32 $0x50;
	s7 =	sshll.u32 s6, $0x7;
	[smem:$0x7FF] =	sst s3  }
0xc: {  	s24 =	sshrl.u32 s23, $0x1;
	s26 =	sadd.s32 s1, s12;
	s29 =	smul.u32 $0x27100, s6  }
0xd: {  	s6 =	sadd.s32 $0x27000, s1;
	s31 =	sadd.s32 s30, s10;
	s1 =	sadd.s32 s30, s11  }
0xe: {  	s16 =	sshrl.u32 @!p0 s16, $0x3;
	s7 =	sand.u32 $0x380, s7;
	_ =	strace $0x80000053  }
0xf: {  	s13 =	ssub.s32 s23, s24;
	[dreg:$0x5] =	wrdreg s26;
	s1 =	sadd.s32 s15, s1  }
0x10: {  	s23 =	simm.s32 $0x1;
	s24 =	simm.s32 $0x16080;
	s26 =	simm.s32 $0x3  }
0x11: {  	s5 =	sor.u32 s5, s7;
	s7 =	sshrl.u32 s22, $0x2;
	s9 =	smax.u32 s13, $0x1  }
0x12: {  	s10 =	sadd.s32 s10, s29;
	s13 =	sadd.s32 s15, s31;
	s11 =	sadd.s32 s11, s29  }
0x13: {  	s1 =	sadd.s32 $0x500, s1;
	s15 =	simm.s32 $0x4;
	s22 =	simm.s32 $0x13880  }
0x14: {  	s5 =	sshrl.u32 s5, $0x3;
	s14 =	sadd.s32 s7, s2;
	s12 =	sadd.s32 $0x500, s13  }
0x15: {  	s8 =	sadd.s32 s5, s4;
	s5 =	sor.u32 $0x1C04, s25;
	s14 =	sshrl.u32 s14, $0x3  }
0x16: {  	s25 =	simm.s32 $0x2;
	s7 =	sadd.s32 $0x1B600, s8;
	s8 =	sadd.s32 $0x11800, s8  }
.LBB2_1:
0x17: {  	s0 =	rddreg [dreg:$0x5]  }
0x18: {  	[spmem:s14], [sflag:s5] =	dma.local [hbm:s0], $0x2700  }
0x19: {  	_ =	swait.ge [sflag:s15], $0x2700  }
0x1a: {  	[sflag:s15] =	ssyncset.done $0x0  }
0x1b: {  	s13 =	simm.s32 @!p0 $0x4;
	[sflag:s15] =	ssyncadd.s32 $0xFFFFD900  }
0x1c: {  	[spmem:s16], [sflag:s5] =	dma.local @!p0 [hbm:s6], $0x100  }
0x1d: {  	_ =	swait.ge @!p0 [sflag:s13], $0x100  }
0x1e: {  	[sflag:s13] =	ssyncset.done @!p0 $0x0  }
0x1f: {  	[sflag:s13] =	ssyncadd.s32 @!p0 $0xFFFFFF00  }
0x20: {  	[tilespmem:s19], [sflag:$0x4] =	stream.strided.gather [hbm4b:s7+s17], $0x2780, s18, s17, $0x38;
	[tilespmem:$0x1D780] =	vst v63  }
0x21: {  	_ =	swait.ge [sflag:s15], $0x2780  }
0x22: {  	[sflag:s15] =	ssyncset.done $0x0  }
0x23: {  	[sflag:s15] =	ssyncadd.s32 $0xFFFFD880  }
0x24: {  	[tilespmem:s20], [sflag:$0x4] =	stream.strided.gather [hbm4b:s8+s17], $0x2780, s18, s17, $0x38;
	[tilespmem:$0x1D780] =	vst v63  }
0x25: {  	_ =	swait.ge [sflag:s15], $0x2780  }
0x26: {  	[sflag:s15] =	ssyncset.done $0x0  }
0x27: {  	[sflag:s15] =	ssyncadd.s32 $0xFFFFD880  }
0x28: {  	[bflag:$0x0] =	sbarrier.arrive $0xFFFF  }
0x29: {  	[tilespmem:s22], [sflag:$0x1] =	stream.indirect.gather [spmem:s2], $0x80, s19, s21, $0xb8;
	[tilespmem:$0x1D780] =	vst v63  }
0x2a: {  	_ =	swait.ge [sflag:s23], $0x2800  }
0x2b: {  	[sflag:s23] =	ssyncset.done $0x0  }
0x2c: {  	[sflag:s23] =	ssyncadd.s32 $0xFFFFD800  }
0x2d: {  	[hbm4b:s10+s3] =	stream.linear.scatter [tilespmem:s22], [sflag:$0x2], $0x2800, $0x38;
	[tilespmem:$0x1D780] =	vst v63  }
0x2e: {  	_ = 	snop  }
0x2f: {  	[tilespmem:s24], [sflag:$0x1] =	stream.indirect.gather [spmem:s2], $0x80, s20, s21, $0xb8;
	[tilespmem:$0x1D780] =	vst v63  }
0x30: {  	_ =	swait.ge [sflag:s23], $0x2800  }
0x31: {  	[sflag:s23] =	ssyncset.done $0x0  }
0x32: {  	[sflag:s23] =	ssyncadd.s32 $0xFFFFD800  }
0x33: {  	[hbm4b:s11+s3] =	stream.linear.scatter [tilespmem:s24], [sflag:$0x3], $0x2800, $0x38;
	[tilespmem:$0x1D780] =	vst v63  }
0x34: {  	_ =	swait.ge [sflag:s25], $0x2800  }
0x35: {  	[sflag:s25] =	ssyncset.done $0x0  }
0x36: {  	s0 =	simm.s32 $0x188D0;
	[sflag:s25] =	ssyncadd.s32 $0xFFFFD800  }
0x37: {  	[tilespmem:s22], [sflag:$0x1] =	stream.indirect.gather [spmem:s2], $0x80, s0, s21, $0xb8;
	[tilespmem:$0x1D780] =	vst v63  }
0x38: {  	_ =	swait.ge [sflag:s23], $0x2800  }
0x39: {  	[sflag:s23] =	ssyncset.done $0x0  }
0x3a: {  	[sflag:s23] =	ssyncadd.s32 $0xFFFFD800  }
0x3b: {  	[hbm4b:s12+s3] =	stream.linear.scatter [tilespmem:s22], [sflag:$0x2], $0x2800, $0x38;
	[tilespmem:$0x1D780] =	vst v63  }
0x3c: {  	_ =	swait.ge [sflag:s26], $0x2800  }
0x3d: {  	[sflag:s26] =	ssyncset.done $0x0  }
0x3e: {  	s4 =	simm.s32 $0x1B050;
	[sflag:s26] =	ssyncadd.s32 $0xFFFFD800  }
0x3f: {  	[tilespmem:s24], [sflag:$0x1] =	stream.indirect.gather [spmem:s2], $0x80, s4, s21, $0xb8;
	[tilespmem:$0x1D780] =	vst v63  }
0x40: {  	_ =	swait.ge [sflag:s23], $0x2800  }
0x41: {  	s29 =	simm.s32 $0x280;
	s30 =	sadd.s32 $0x500, s12;
	[sflag:s23] =	ssyncset.done $0x0  }
0x42: {  	s31 =	sadd.s32 $0x500, s1;
	s13 =	smov.u32 s1;
	[sflag:s23] =	ssyncadd.s32 $0xFFFFD800  }
.LBB2_2:
0x43: {  	[hbm4b:s13+s3] =	stream.linear.scatter [tilespmem:s24], [sflag:$0x3], $0x2800, $0x38;
	[tilespmem:$0x1D780] =	vst v63  }
0x44: {  	s0 =	smov.u32 s29;
	s13 =	smov.u32 s31  }
0x45: {  	p1 =	sne.s32 s29, $0x9B00;
	s29 =	sadd.s32 $0x140, s29;
	_ =	swait.ge [sflag:s25], $0x2800  }
0x46: {  	s0 =	sshra.s32 s0, $0x2;
	[sflag:s25] =	ssyncset.done $0x0  }
0x47: {  	s4 =	sadd.s32 $0x18880, s0;
	[sflag:s25] =	ssyncadd.s32 $0xFFFFD800  }
0x48: {  	[tilespmem:s22], [sflag:$0x1] =	stream.indirect.gather [spmem:s2], $0x80, s4, s21, $0xb8;
	[tilespmem:$0x1D780] =	vst v63  }
0x49: {  	_ =	swait.ge [sflag:s23], $0x2800  }
0x4a: {  	[sflag:s23] =	ssyncset.done $0x0  }
0x4b: {  	[sflag:s23] =	ssyncadd.s32 $0xFFFFD800  }
0x4c: {  	[hbm4b:s30+s3] =	stream.linear.scatter [tilespmem:s22], [sflag:$0x2], $0x2800, $0x38;
	[tilespmem:$0x1D780] =	vst v63  }
0x4d: {  	_ =	swait.ge [sflag:s26], $0x2800  }
0x4e: {  	[sflag:s26] =	ssyncset.done $0x0  }
.Ltmp0:
0x4f: {  	s0 =	sadd.s32 $0x1B000, s0;
	[sflag:s26] =	ssyncadd.s32 $0xFFFFD800;
	(pc) =	sbr.rel @p1 .LBB2_2-.Ltmp0, $4  }
0x50: {  	[tilespmem:s24], [sflag:$0x1] =	stream.indirect.gather [spmem:s2], $0x80, s0, s21, $0xb8;
	[tilespmem:$0x1D780] =	vst v63  }
0x51: {  	_ =	swait.ge [sflag:s23], $0x2800  }
0x52: {  	[sflag:s23] =	ssyncset.done $0x0  }
0x53: {  	s31 =	sadd.s32 $0x500, s31;
	s30 =	sadd.s32 $0x500, s30;
	[sflag:s23] =	ssyncadd.s32 $0xFFFFD800  }
0x54: {  	[hbm4b:s13+s3] =	stream.linear.scatter [tilespmem:s24], [sflag:$0x3], $0x2800, $0x38;
	[tilespmem:$0x1D780] =	vst v63  }
0x55: {  	s28 =	sadd.s32 $0x1, s28  }
0x56: {  	_ =	swait.ge [sflag:s25], $0x2800;
	p1 =	sne.s32 s28, s9  }
.Ltmp1:
0x57: {  	[sflag:s25] =	ssyncset.done $0x0;
	(pc) =	sbr.rel @p1 .LBB2_1-.Ltmp1, $4  }
0x58: {  	[sflag:s25] =	ssyncadd.s32 $0xFFFFD800  }
0x59: {  	_ =	swait.ge [sflag:s26], $0x2800  }
0x5a: {  	[sflag:s26] =	ssyncset.done $0x0  }
0x5b: {  	[sflag:s26] =	ssyncadd.s32 $0xFFFFD800  }
0x5c: {  	_ =	sfence.sel $0x180000  }
0x5d: {  	[bflag:$0x0] =	sbarrier.arrive $0xFFFF  }
0x5e: {  	_ =	strace $0x90000053  }
0x5f: {  	s0 =	stileid.u32;
	[bflag:$0x2] =	sbarrier.arrive $0xFFFF  }
0x60: {  	p0 =	sne.s32 s0, $0x0;
	s0 =	rddreg [dreg:$0x4]  }
0x61: {  	s0 =	sadd.s32 @!p0 $0x100000, s0  }
0x62: {  	[sflag:s0] =	ssyncadd.tile.s32 @!p0 $0x1;
	_ =	shalt  }
.Lfunc_end2:
_tile_overlayer_lowered:
.L_overlay_start_2:
0x63: {  	(tag) =	ssettag $0x2  }
0x64: {  	s0 =	rddreg [dreg:$0x0];
	s2 =	stileid.u32  }
0x65: {  	s1 =	rddreg [dreg:$0x1];
	p0 =	sne.s32 s2, $0x0  }
0x66: {  	s3 =	rddreg [dreg:$0x2];
	[bflag:$0x3] =	sbarrier.arrive $0xFFFF;
	s2 =	simm.s32 @!p0 $0x1C04  }
0x67: {  	[timem:s3], [sflag:s2] =	dma.local @!p0 [hbm:s0], s1  }
0x68: {  	s0 =	simm.s32 @!p0 $0x4  }
0x69: {  	_ =	swait.ge @!p0 [sflag:s0], s1  }
0x6a: {  	s1 =	ssub.s32 @!p0 $0x0, s1;
	[sflag:s0] =	ssyncset.done @!p0 $0x0  }
0x6b: {  	[sflag:s0] =	ssyncadd.s32 @!p0 s1  }
0x6c: {  	[bflag:$0x3] =	sbarrier.arrive $0xFFFF  }
0x6d: {  	_ =	shalt  }

// kernel: kernel.32.cloned.1.call-start
scs
__scs_entry_jumppad:
0x0: {  	(pc) =	sbr.rel $0x88, $3  }
0x1: {  	(tag) =	ssettag $0x0;
	lr =	simm.s32 $0x1  }
0x2: {  	[smem:$0x3F56] =	sst lr;
	_ =	strace $0xD0000000  }
0x3: {  	_ = 	snop  }
0x4: {  	_ = 	snop  }
0x5: {  	_ = 	snop  }
0x6: {  	_ = 	snop  }
0x7: {  	_ = 	snop  }
__scs_overlays_trampoline_lowered:
0x8: {  	[smem:$0x3F65] =	sst s0  }
0x9: {  	[smem:$0x3F66] =	sst s1  }
0xa: {  	[smem:$0x3F67] =	sst s2  }
0xb: {  	[smem:$0x3F68] =	sst s3  }
0xc: {  	[smem:$0x3F69] =	sst s4  }
0xd: {  	[smem:$0x3F6A] =	sst s5  }
0xe: {  	[smem:$0x3F6B] =	sst s6  }
0xf: {  	[smem:$0x3F6C] =	sst s7  }
0x10: {  	[smem:$0x3F6D] =	sst s8  }
0x11: {  	[smem:$0x3F6E] =	sst s9;
	s0 =	simm.s32 @!p0 $0x0  }
0x12: {  	s1 =	sld [smem:$0x3F54];
	s0 =	simm.s32 @p0 $0x1  }
0x13: {  	[smem:$0x3F6F] =	sst s0;
	s0 =	simm.s32 @!p1 $0x0  }
0x14: {  	s2 =	sld [smem:$0x3F53];
	s0 =	simm.s32 @p1 $0x1  }
0x15: {  	[smem:$0x3F70] =	sst s0;
	s0 =	simm.s32 @!p2 $0x0  }
0x16: {  	s3 =	sld [smem:$0x3FDB];
	s0 =	simm.s32 @p2 $0x1  }
0x17: {  	s4 =	simm.s32 $0x1BF5;
	[smem:$0x3F72] =	sst s0  }
0x18: {  	s0 =	sld [smem:$0x3F55];
	_ =	swait.ge [sflag:s4], $0x0  }
0x19: {  	s7 =	sld [smem:$0x3F56]  }
0x1a: {  	s8 =	sadd.s32 $0xFFFFE003, lr  }
0x1b: {  	s9 =	sadd.s32 $0xFFFFFEF7, lr;
	s5 =	simm.s32 $0xFFFFFFFF;
	p2 =	slt.u32 s8, $0xFFFFF086  }
0x1c: {  	p1 =	slt.u32 s9, $0xF7A;
	s5 =	simm.s32 @!p2 $0x0  }
0x1d: {  	s5 =	simm.s32 @p1 $0x1;
	p0 =	seq.s32 s7, s2  }
0x1e: {  	s7 =	smul.u32 @!p0 $0xF7A, s2;
	p2 =	seq.s32 @!p0 s5, $0x0  }
0x1f: {  	s9 =	smul.u32 $0xF7A, s1;
	s8 =	simm.s32 @!p0 $0x1BF5;
	p2 =	por !p2, p0  }
0x20: {  	[sflag:s8] =	ssyncset.s32 @!p0 $0xFFFFF086;
	s6 =	sadd.s32 @!p0 s3, s7;
	s7 =	simm.s32 @!p0 $0x108  }
0x21: {  	s3 =	sadd.s32 s3, s9;
	s6 =	sadd.s32 @!p0 $0x88, s6;
	s7 =	simm.s32 @p2 $0x1082  }
0x22: {  	[simem:s7], [sflag:s8] =	dma.local @!p0 [hbm:s6], $0xF7A  }
0x23: {  	s9 =	sor.u32 $0xD0000000, s2;
	s6 =	simm.s32 $0x108;
	_ =	swait.ge @!p0 [sflag:s8], $0x0  }
0x24: {  	s3 =	sadd.s32 $0x88, s3;
	s6 =	simm.s32 @!p1 $0x1082;
	[sflag:s4] =	ssyncset.s32 $0xFFFFF086  }
0x25: {  	[simem:s6], [sflag:s4] =	dma.local [hbm:s3], $0xF7A  }
0x26: {  	[smem:$0x3F56] =	sst s1;
	(tag) =	ssettag s2;
	_ =	strace s9  }
0x27: {  	s1 =	sld [smem:$0x3F66]  }
0x28: {  	s2 =	sld [smem:$0x3F67]  }
0x29: {  	s4 =	sld [smem:$0x3F69]  }
0x2a: {  	p0 =	seq.s32 s5, $0x0;
	s5 =	sld [smem:$0x3F6A]  }
0x2b: {  	s6 =	sld [smem:$0x3F6B]  }
0x2c: {  	s7 =	sld [smem:$0x3F6C]  }
0x2d: {  	s3 =	simm.s32 $0x108;
	s8 =	sld [smem:$0x3F6D]  }
0x2e: {  	s3 =	simm.s32 @!p0 $0x1082;
	s9 =	sld [smem:$0x3F6E]  }
0x2f: {  	lr =	sadd.s32 s0, s3;
	s0 =	sld [smem:$0x3F65]  }
0x30: {  	s3 =	sld [smem:$0x3F68]  }
0x31: {  	[smem:$0x3F71] =	sst s10  }
0x32: {  	s10 =	sld [smem:$0x3F6F];
	_ =	sdelay $0x3  }
0x33: {  	p0 =	seq.s32 s10, $0x1;
	s10 =	sld [smem:$0x3F71];
	_ =	sdelay $0x3  }
0x34: {  	[smem:$0x3F71] =	sst s10  }
0x35: {  	s10 =	sld [smem:$0x3F70];
	_ =	sdelay $0x3  }
0x36: {  	p1 =	seq.s32 s10, $0x1;
	s10 =	sld [smem:$0x3F71];
	_ =	sdelay $0x3  }
0x37: {  	[smem:$0x3F71] =	sst s10  }
0x38: {  	s10 =	sld [smem:$0x3F72]  }
0x39: {  	_ = 	snop;
	(pc) =	sbr.ind lr, $3  }
0x3a: {  	_ = 	snop  }
0x3b: {  	_ = 	snop  }
0x3c: {  	p2 =	seq.s32 s10, $0x1;
	s10 =	sld [smem:$0x3F71]  }
0x3d: {  	_ =	shalt  }
0x3e: {  	_ =	shalt  }
0x3f: {  	_ =	shalt  }
0x40: {  	_ =	shalt  }
0x41: {  	_ =	shalt  }
0x42: {  	_ =	shalt  }
0x43: {  	_ =	shalt  }
0x44: {  	_ =	shalt  }
0x45: {  	_ =	shalt  }
0x46: {  	_ =	shalt  }
0x47: {  	_ =	shalt  }
0x48: {  	_ =	shalt  }
0x49: {  	_ =	shalt  }
0x4a: {  	_ =	shalt  }
0x4b: {  	_ =	shalt  }
0x4c: {  	_ =	shalt  }
0x4d: {  	_ =	shalt  }
0x4e: {  	_ =	shalt  }
0x4f: {  	_ =	shalt  }
0x50: {  	_ =	shalt  }
0x51: {  	_ =	shalt  }
0x52: {  	_ =	shalt  }
0x53: {  	_ =	shalt  }
0x54: {  	_ =	shalt  }
0x55: {  	_ =	shalt  }
0x56: {  	_ =	shalt  }
0x57: {  	_ =	shalt  }
0x58: {  	_ =	shalt  }
0x59: {  	_ =	shalt  }
0x5a: {  	_ =	shalt  }
0x5b: {  	_ =	shalt  }
0x5c: {  	_ =	shalt  }
0x5d: {  	_ =	shalt  }
0x5e: {  	_ =	shalt  }
0x5f: {  	_ =	shalt  }
0x60: {  	_ =	shalt  }
0x61: {  	_ =	shalt  }
0x62: {  	_ =	shalt  }
0x63: {  	_ =	shalt  }
0x64: {  	_ =	shalt  }
0x65: {  	_ =	shalt  }
0x66: {  	_ =	shalt  }
0x67: {  	_ =	shalt  }
0x68: {  	_ =	shalt  }
0x69: {  	_ =	shalt  }
0x6a: {  	_ =	shalt  }
0x6b: {  	_ =	shalt  }
0x6c: {  	_ =	shalt  }
0x6d: {  	_ =	shalt  }
0x6e: {  	_ =	shalt  }
0x6f: {  	_ =	shalt  }
0x70: {  	_ =	shalt  }
0x71: {  	_ =	shalt  }
0x72: {  	_ =	shalt  }
0x73: {  	_ =	shalt  }
0x74: {  	_ =	shalt  }
0x75: {  	_ =	shalt  }
0x76: {  	_ =	shalt  }
0x77: {  	_ =	shalt  }
0x78: {  	_ =	shalt  }
0x79: {  	_ =	shalt  }
0x7a: {  	_ =	shalt  }
0x7b: {  	_ =	shalt  }
0x7c: {  	_ =	shalt  }
0x7d: {  	_ =	shalt  }
0x7e: {  	_ =	shalt  }
0x7f: {  	_ =	shalt  }
0x80: {  	_ =	shalt  }
0x81: {  	_ =	shalt  }
0x82: {  	_ =	shalt  }
0x83: {  	_ =	shalt  }
0x84: {  	_ =	shalt  }
0x85: {  	_ =	shalt  }
0x86: {  	_ =	shalt  }
0x87: {  	_ =	shalt  }
.Lfunc_end0:
.L_simem_size_0:
called_computation.5_lowered:
.L_overlay_start_0:
0x88: {  	s2 =	sld [smem:$0x3FD9]  }
0x89: {  	s3 =	sld [smem:$0x3FFE];
	_ =	sdelay $0x1  }
0x8a: {  	s1 =	srdreg.scid  }
0x8b: {  	s0 =	sand.u32 $0x1, s1  }
0x8c: {  	s16 =	sshll.u32 s0, $0xA;
	s2 =	sadd.s32 s3, s2  }
0x8d: {  	s2 =	sadd.s32 s2, s16  }
0x8e: {  	[smem:$0x3F7D] =	sst s2  }
0x8f: {  	_ = 	snop  }
0x90: {  	(tm) =	ssettm $0x1  }
0x91: {  	s17 =	sld [smem:$0x3FFB];
	_ =	sdelay $0x3  }
0x92: {  	_ =	strace s17  }
0x93: {  	s2 =	sld [smem:$0x3FFC];
	_ =	sdelay $0x3  }
0x94: {  	_ =	strace s2  }
0x95: {  	s2 =	sld [smem:$0x3FFD];
	_ =	sdelay $0x3  }
0x96: {  	_ =	strace s2  }
0x97: {  	_ =	strace $0x8FFFFFFF  }
0x98: {  	s18 =	sld [smem:$0x3FDB];
	_ =	sdelay $0x1  }
0x99: {  	s19 =	simm.s32 $_scs_section_size  }
0x9a: {  	s4 =	simm.s32 $_size__tile_overlayer_lowered;
	s5 =	simm.s32 $_tile_overlayer_lowered  }
0x9b: {  	s22 =	simm.s32 $0x1BFF;
	s21 =	sshll.u32 s5, $0x1;
	s2 =	sadd.s32 s19, s18  }
0x9c: {  	s6 =	simm.s32 $0x0;
	s20 =	sshll.u32 s4, $0x1;
	s4 =	sadd.s32 s21, s2  }
0x9d: {  	[timem:s6], [sflag:s22] =	dma.local [hbm:s4], s20  }
0x9e: {  	_ =	swait.ge [sflag:s22], s20  }
0x9f: {  	s3 =	ssub.s32 $0x0, s20;
	[sflag:s22] =	ssyncset.done $0x0  }
0xa0: {  	[sflag:s22] =	ssyncadd.s32 s3;
	_ =	sdelay $0x1  }
0xa1: {  	s23 =	simm.s32 $0x1B8B  }
0xa2: {  	_ =	swait.ge [sflag:s23], $0x1  }
0xa3: {  	[sflag:s23] =	ssyncset.done $0x0  }
0xa4: {  	s25 =	simm.s32 $0x1B8E;
	s24 =	sld [smem:$0x3FFE];
	[sflag:s23] =	ssyncadd.s32 $0xFFFFFFFF  }
0xa5: {  	s26 =	simm.s32 $execute0_lowered;
	[smem:$0x3FD2] =	sst s25  }
0xa6: {  	s4 =	sshll.u32 s26, $0x1;
	_ =	strace $0x80000055;
	[dreg:$0x1] =	wrdreg $0xFFFFFFFF  }
0xa7: {  	s28 =	simm.s32 $_size_execute0_lowered;
	s2 =	sadd.s32 s2, s4;
	[dreg:$0x0] =	wrdreg $0x0  }
0xa8: {  	s4 =	sshll.u32 s28, $0x1;
	[dreg:$0x2] =	wrdreg s2  }
0xa9: {  	[dreg:$0x3] =	wrdreg s4  }
0xaa: {  	[dreg:$0x4] =	wrdreg $0xC0  }
0xab: {  	_ =	task [dreg:s6], $0x5FFFF  }
0xac: {  	[dreg:$0x1] =	wrdreg $0xFFFFFFFF  }
0xad: {  	[dreg:$0x0] =	wrdreg $0x60  }
0xae: {  	[dreg:$0x2] =	wrdreg s24  }
0xaf: {  	[dreg:$0x3] =	wrdreg $0x0  }
0xb0: {  	[dreg:$0x4] =	wrdreg $0x9  }
0xb1: {  	_ =	task.clear_ibuf [dreg:s6], $0x5FFFF;
	_ =	strace $0x90000055  }
0xb2: {  	s29 =	simm.s32 $0x9;
	_ =	strace $0x80000057  }
0xb3: {  	_ =	swait.ge [sflag:s29], $0x1  }
0xb4: {  	[sflag:s29] =	ssyncadd.s32 $0xFFFFFFFF  }
0xb5: {  	_ =	strace $0x90000057  }
0xb6: {  	_ =	sfence  }
0xb7: {  	s30 =	sld [smem:$0x0];
	_ =	sdelay $0x2  }
0xb8: {  	s31 =	sshll.u32 s1, $0xD;
	s1 =	sshrl.u32 s1, $0x2  }
0xb9: {  	s3 =	sand.u32 $0x4000, s31;
	s1 =	sadd.s32 s1, s30  }
0xba: {  	s0 =	sor.u32 s3, s0;
	s1 =	sshll.u32 s1, $0x11  }
0xbb: {  	s0 =	sor.u32 s1, s0  }
0xbc: {  	s0 =	sadd.s32 $0x8F2B, s0  }
0xbd: {  	[sflag:s0] =	ssyncadd.remote.s32 $0x1  }
0xbe: {  	_ =	sfence.sel $0xFFFF  }
0xbf: {  	[dreg:$0x0] =	wrdreg $0xFFFFFFFF;
	(pc) =	sbr.abs _section_cstart, $3  }
0xc0: {  	[dreg:$0x1] =	wrdreg $0xFFFFFFFF  }
0xc1: {  	_ =	task.clear_ibuf [dreg:s6], $0x2FFFF;
	_ =	strace $0x9FFFFFFF  }
0xc2: {  	(tm) =	ssettm $0x7FFFFFFF  }
0xc3: {  	_ =	shalt  }
tec
execute0_lowered:
.L_overlay_start_1:
0x0: {  	(tag) =	ssettag $0x1  }
0x1: {  	s0 =	rddreg [dreg:$0x0]  }
0x2: {  	s2 =	rddreg [dreg:$0x1];
	s3 =	simm.s32 $0x0;
	s1 =	srdreg.scid  }
0x3: {  	s18 =	stileid.u32;
	s29 =	simm.s32 $0x1;
	s30 =	simm.s32 $0x6  }
0x4: {  	s28 =	simm.s32 $0x0;
	[smem:$0x7FF] =	sst s3;
	s1 =	sand.u32 $0x1, s1  }
0x5: {  	s4 =	sshll.u32 s18, $0x1;
	s6 =	smul.u32 $0x13800, s18;
	s14 =	sadd.s32 $0x114C400, s0  }
0x6: {  	s7 =	smul.u32 $0x4E000, s18;
	s11 =	sadd.s32 $0x79F800, s0;
	s15 =	sshll.u32 s18, $0x6  }
0x7: {  	s19 =	sadd.s32 $0x138000, s2;
	s25 =	smul.u32 $0x4E200, s18;
	p0 =	sne.s32 s18, $0xF  }
0x8: {  	s18 =	simm.s32 $0x7;
	_ =	strace $0x80000056;
	s21 =	smul.u32 $0x138800, s1  }
0x9: {  	s4 =	sor.u32 s1, s4;
	s9 =	ssub.s32 $0x2, s1;
	s26 =	smul.u32 $0x27100, s1  }
0xa: {  	s19 =	sshrl.u32 @!p0 s19, $0x3;
	s1 =	simm.s32 $0x3;
	s5 =	sshll.u32 s4, $0xB  }
0xb: {  	s13 =	sshrl.u32 s6, $0x3;
	s10 =	sshrl.u32 s9, $0x1;
	s16 =	smul.u32 $0x138800, s4  }
0xc: {  	s7 =	sshrl.u32 s7, $0x2;
	s4 =	smul.u32 $0x27100, s4;
	s31 =	sadd.s32 s25, s14  }
0xd: {  	s25 =	simm.s32 $0x18880;
	s8 =	sadd.s32 s5, s0;
	s5 =	sadd.s32 s13, s0  }
0xe: {  	s12 =	ssub.s32 s9, s10;
	s17 =	sadd.s32 s7, s2;
	s0 =	sadd.s32 $0x4C400, s0  }
0xf: {  	s23 =	sadd.s32 s6, s21;
	s24 =	sshrl.u32 s21, $0x3;
	s21 =	simm.s32 $0x13880  }
0x10: {  	s5 =	sadd.s32 $0x25400, s5;
	[dreg:$0x4] =	wrdreg s0;
	s20 =	sshrl.u32 s16, $0x3  }
0x11: {  	s22 =	sadd.s32 $0x9E9400, s8;
	s8 =	sadd.s32 s14, s4;
	s4 =	sadd.s32 s11, s24  }
0x12: {  	s12 =	smax.u32 s12, $0x1;
	s17 =	sshrl.u32 s17, $0x3;
	[dreg:$0x3] =	wrdreg s5  }
0x13: {  	s24 =	simm.s32 $0x50;
	s5 =	sor.u32 $0x1C07, s15;
	[dreg:$0x5] =	wrdreg s22  }
0x14: {  	s0 =	sadd.s32 s14, s20;
	s13 =	sadd.s32 $0xA00, s8;
	s14 =	sadd.s32 $0xF00, s8  }
0x15: {  	s15 =	sadd.s32 $0x1400, s8;
	s20 =	simm.s32 $0x1B080;
	s22 =	simm.s32 $0x16080  }
0x16: {  	s9 =	sadd.s32 $0x500, s0;
	s0 =	sshrl.u32 s23, $0x3;
	s23 =	simm.s32 $0x4  }
0x17: {  	s10 =	sadd.s32 s11, s0;
	s11 =	sadd.s32 $0x27000, s4;
	s0 =	sadd.s32 s26, s31  }
0x18: {  	s26 =	simm.s32 $0x5;
	s16 =	sadd.s32 $0x1900, s0;
	s0 =	simm.s32 $0x2  }
.LBB2_1:
0x19: {  	s4 =	rddreg [dreg:$0x3]  }
0x1a: {  	[spmem:s17], [sflag:s5] =	dma.local [hbm:s4], $0x2700  }
0x1b: {  	_ =	swait.ge [sflag:s18], $0x2700  }
0x1c: {  	[sflag:s18] =	ssyncset.done $0x0  }
0x1d: {  	s4 =	rddreg [dreg:$0x4];
	[sflag:s18] =	ssyncadd.s32 $0xFFFFD900  }
0x1e: {  	[spmem:s19], [sflag:s5] =	dma.local @!p0 [hbm:s4], $0x100  }
0x1f: {  	s4 =	simm.s32 @!p0 $0x7  }
0x20: {  	_ =	swait.ge @!p0 [sflag:s4], $0x100  }
0x21: {  	[sflag:s4] =	ssyncset.done @!p0 $0x0  }
0x22: {  	s7 =	rddreg [dreg:$0x5];
	[sflag:s4] =	ssyncadd.s32 @!p0 $0xFFFFFF00  }
0x23: {  	[tilespmem:s20], [sflag:$0x7] =	stream.linear.gather [hbm4b:s7+s3], $0x3E80, $0x38;
	[tilespmem:$0x1F080] =	vst v63  }
0x24: {  	_ =	swait.ge [sflag:s18], $0x3E80  }
0x25: {  	[sflag:s18] =	ssyncset.done $0x0  }
0x26: {  	[sflag:s18] =	ssyncadd.s32 $0xFFFFC180  }
0x27: {  	[bflag:$0x0] =	sbarrier.arrive $0xFFFF  }
0x28: {  	[tilespmem:s21], [sflag:$0x4] =	stream.linear.gather [hbm4b:s8+s3], $0x2800, $0x38;
	[tilespmem:$0x1F080] =	vst v63  }
0x29: {  	_ = 	snop  }
0x2a: {  	[tilespmem:s22], [sflag:$0x5] =	stream.linear.gather [hbm4b:s9+s3], $0x2800, $0x38;
	[tilespmem:$0x1F080] =	vst v63  }
0x2b: {  	_ =	swait.ge [sflag:s23], $0x2800  }
0x2c: {  	[sflag:s23] =	ssyncset.done $0x0  }
0x2d: {  	[sflag:s23] =	ssyncadd.s32 $0xFFFFD800  }
0x2e: {  	[spmem:s2] =	stream.indirect.scatter.add.f32 [tilespmem:s21], [sflag:$0x1], $0x80, s20, s24, $0xb8;
	[tilespmem:$0x1F080] =	vst v63  }
0x2f: {  	_ = 	snop  }
0x30: {  	[tilespmem:s25], [sflag:$0x6] =	stream.linear.gather [hbm4b:s13+s3], $0x2800, $0x38;
	[tilespmem:$0x1F080] =	vst v63  }
0x31: {  	_ =	swait.ge [sflag:s26], $0x2800  }
0x32: {  	[sflag:s26] =	ssyncset.done $0x0  }
0x33: {  	s6 =	simm.s32 $0x1B100;
	[sflag:s26] =	ssyncadd.s32 $0xFFFFD800  }
0x34: {  	[spmem:s2] =	stream.indirect.scatter.add.f32 [tilespmem:s22], [sflag:$0x2], $0x80, s6, s24, $0xb8;
	[tilespmem:$0x1F080] =	vst v63  }
0x35: {  	_ =	swait.ge [sflag:s29], $0x2800  }
0x36: {  	[sflag:s29] =	ssyncset.done $0x0  }
0x37: {  	[sflag:s29] =	ssyncadd.s32 $0xFFFFD800  }
0x38: {  	[tilespmem:s21], [sflag:$0x4] =	stream.linear.gather [hbm4b:s14+s3], $0x2800, $0x38;
	[tilespmem:$0x1F080] =	vst v63  }
0x39: {  	_ =	swait.ge [sflag:s30], $0x2800  }
0x3a: {  	[sflag:s30] =	ssyncset.done $0x0  }
0x3b: {  	s7 =	simm.s32 $0x1B180;
	[sflag:s30] =	ssyncadd.s32 $0xFFFFD800  }
0x3c: {  	[spmem:s2] =	stream.indirect.scatter.add.f32 [tilespmem:s25], [sflag:$0x3], $0x80, s7, s24, $0xb8;
	[tilespmem:$0x1F080] =	vst v63  }
0x3d: {  	_ =	swait.ge [sflag:s0], $0x2800  }
0x3e: {  	[sflag:s0] =	ssyncset.done $0x0  }
0x3f: {  	[sflag:s0] =	ssyncadd.s32 $0xFFFFD800  }
0x40: {  	[tilespmem:s22], [sflag:$0x5] =	stream.linear.gather [hbm4b:s15+s3], $0x2800, $0x38;
	[tilespmem:$0x1F080] =	vst v63  }
0x41: {  	_ =	swait.ge [sflag:s23], $0x2800  }
0x42: {  	[sflag:s23] =	ssyncset.done $0x0  }
0x43: {  	s6 =	simm.s32 $0x1B200;
	[sflag:s23] =	ssyncadd.s32 $0xFFFFD800  }
0x44: {  	[spmem:s2] =	stream.indirect.scatter.add.f32 [tilespmem:s21], [sflag:$0x1], $0x80, s6, s24, $0xb8;
	[tilespmem:$0x1F080] =	vst v63  }
0x45: {  	_ =	swait.ge [sflag:s1], $0x2800  }
0x46: {  	[sflag:s1] =	ssyncset.done $0x0  }
0x47: {  	[sflag:s1] =	ssyncadd.s32 $0xFFFFD800  }
0x48: {  	[tilespmem:s25], [sflag:$0x6] =	stream.linear.gather [hbm4b:s16+s3], $0x2800, $0x38;
	[tilespmem:$0x1F080] =	vst v63  }
0x49: {  	_ =	swait.ge [sflag:s26], $0x2800  }
0x4a: {  	[sflag:s26] =	ssyncset.done $0x0  }
0x4b: {  	s7 =	simm.s32 $0x1B280;
	[sflag:s26] =	ssyncadd.s32 $0xFFFFD800  }
0x4c: {  	[spmem:s2] =	stream.indirect.scatter.add.f32 [tilespmem:s22], [sflag:$0x2], $0x80, s7, s24, $0xb8;
	[tilespmem:$0x1F080] =	vst v63  }
0x4d: {  	_ =	swait.ge [sflag:s29], $0x2800  }
0x4e: {  	[sflag:s29] =	ssyncset.done $0x0  }
0x4f: {  	s6 =	sadd.s32 $0x500, s16;
	[sflag:s29] =	ssyncadd.s32 $0xFFFFD800  }
0x50: {  	[tilespmem:s21], [sflag:$0x4] =	stream.linear.gather [hbm4b:s6+s3], $0x2800, $0x38;
	[tilespmem:$0x1F080] =	vst v63  }
0x51: {  	_ =	swait.ge [sflag:s30], $0x2800  }
0x52: {  	[sflag:s30] =	ssyncset.done $0x0  }
0x53: {  	s7 =	simm.s32 $0x1B300;
	[sflag:s30] =	ssyncadd.s32 $0xFFFFD800  }
0x54: {  	[spmem:s2] =	stream.indirect.scatter.add.f32 [tilespmem:s25], [sflag:$0x3], $0x80, s7, s24, $0xb8;
	[tilespmem:$0x1F080] =	vst v63  }
0x55: {  	_ =	swait.ge [sflag:s0], $0x2800  }
0x56: {  	s31 =	simm.s32 $0x600;
	[sflag:s0] =	ssyncset.done $0x0  }
0x57: {  	s4 =	sadd.s32 $0xF00, s16;
	s6 =	sadd.s32 $0xA00, s16;
	[sflag:s0] =	ssyncadd.s32 $0xFFFFD800  }
.LBB2_2:
0x58: {  	[tilespmem:s22], [sflag:$0x5] =	stream.linear.gather [hbm4b:s6+s3], $0x2800, $0x38;
	[tilespmem:$0x1F080] =	vst v63  }
0x59: {  	s6 =	smov.u32 s31  }
0x5a: {  	p1 =	sne.s32 s31, $0xEA00;
	s31 =	sadd.s32 $0x600, s31;
	_ =	swait.ge [sflag:s23], $0x2800  }
0x5b: {  	s6 =	sshra.s32 s6, $0x2;
	[sflag:s23] =	ssyncset.done $0x0  }
0x5c: {  	s7 =	sadd.s32 $0x1B200, s6;
	[sflag:s23] =	ssyncadd.s32 $0xFFFFD800  }
0x5d: {  	[spmem:s2] =	stream.indirect.scatter.add.f32 [tilespmem:s21], [sflag:$0x1], $0x80, s7, s24, $0xb8;
	[tilespmem:$0x1F080] =	vst v63  }
0x5e: {  	_ =	swait.ge [sflag:s1], $0x2800  }
0x5f: {  	[sflag:s1] =	ssyncset.done $0x0  }
0x60: {  	[sflag:s1] =	ssyncadd.s32 $0xFFFFD800  }
0x61: {  	[tilespmem:s25], [sflag:$0x6] =	stream.linear.gather [hbm4b:s4+s3], $0x2800, $0x38;
	[tilespmem:$0x1F080] =	vst v63  }
0x62: {  	_ =	swait.ge [sflag:s26], $0x2800  }
0x63: {  	[sflag:s26] =	ssyncset.done $0x0  }
0x64: {  	s7 =	sadd.s32 $0x1B280, s6;
	[sflag:s26] =	ssyncadd.s32 $0xFFFFD800  }
0x65: {  	[spmem:s2] =	stream.indirect.scatter.add.f32 [tilespmem:s22], [sflag:$0x2], $0x80, s7, s24, $0xb8;
	[tilespmem:$0x1F080] =	vst v63  }
0x66: {  	_ =	swait.ge [sflag:s29], $0x2800  }
0x67: {  	[sflag:s29] =	ssyncset.done $0x0  }
0x68: {  	s7 =	sadd.s32 $0x500, s4;
	[sflag:s29] =	ssyncadd.s32 $0xFFFFD800  }
0x69: {  	[tilespmem:s21], [sflag:$0x4] =	stream.linear.gather [hbm4b:s7+s3], $0x2800, $0x38;
	[tilespmem:$0x1F080] =	vst v63  }
0x6a: {  	_ =	swait.ge [sflag:s30], $0x2800  }
0x6b: {  	[sflag:s30] =	ssyncset.done $0x0  }
.Ltmp0:
0x6c: {  	s6 =	sadd.s32 $0x1B300, s6;
	[sflag:s30] =	ssyncadd.s32 $0xFFFFD800;
	(pc) =	sbr.rel @p1 .LBB2_2-.Ltmp0, $4  }
0x6d: {  	[spmem:s2] =	stream.indirect.scatter.add.f32 [tilespmem:s25], [sflag:$0x3], $0x80, s6, s24, $0xb8;
	[tilespmem:$0x1F080] =	vst v63  }
0x6e: {  	_ =	swait.ge [sflag:s0], $0x2800  }
0x6f: {  	[sflag:s0] =	ssyncset.done $0x0  }
0x70: {  	s6 =	sadd.s32 $0xA00, s4;
	s4 =	sadd.s32 $0xF00, s4;
	[sflag:s0] =	ssyncadd.s32 $0xFFFFD800  }
0x71: {  	[tilespmem:s22], [sflag:$0x5] =	stream.linear.gather [hbm4b:s6+s3], $0x2800, $0x38;
	[tilespmem:$0x1F080] =	vst v63  }
0x72: {  	_ =	swait.ge [sflag:s23], $0x2800  }
0x73: {  	[sflag:s23] =	ssyncset.done $0x0  }
0x74: {  	s4 =	simm.s32 $0x1EE00;
	[sflag:s23] =	ssyncadd.s32 $0xFFFFD800  }
0x75: {  	[spmem:s2] =	stream.indirect.scatter.add.f32 [tilespmem:s21], [sflag:$0x1], $0x80, s4, s24, $0xb8;
	[tilespmem:$0x1F080] =	vst v63  }
0x76: {  	_ =	swait.ge [sflag:s1], $0x2800  }
0x77: {  	[sflag:s1] =	ssyncset.done $0x0  }
0x78: {  	[sflag:s1] =	ssyncadd.s32 $0xFFFFD800  }
0x79: {  	_ =	swait.ge [sflag:s26], $0x2800  }
0x7a: {  	[sflag:s26] =	ssyncset.done $0x0  }
0x7b: {  	s31 =	simm.s32 $0x1EE80;
	[sflag:s26] =	ssyncadd.s32 $0xFFFFD800  }
0x7c: {  	[spmem:s2] =	stream.indirect.scatter.add.f32 [tilespmem:s22], [sflag:$0x2], $0x80, s31, s24, $0xb8;
	[tilespmem:$0x1F080] =	vst v63  }
0x7d: {  	_ =	swait.ge [sflag:s29], $0x2800  }
0x7e: {  	[sflag:s29] =	ssyncset.done $0x0  }
0x7f: {  	[sflag:s29] =	ssyncadd.s32 $0xFFFFD800  }
0x80: {  	_ =	swait.ge [sflag:s0], $0x2800  }
0x81: {  	[sflag:s0] =	ssyncset.done $0x0  }
0x82: {  	[sflag:s0] =	ssyncadd.s32 $0xFFFFD800  }
0x83: {  	[bflag:$0x0] =	sbarrier.arrive $0xFFFF  }
0x84: {  	[hbm:s10], [sflag:s5] =	dma.local [spmem:s17], $0x2700  }
0x85: {  	s28 =	sadd.s32 $0x1, s28;
	_ =	swait.ge [sflag:s18], $0x2700  }
0x86: {  	p1 =	sne.s32 s28, s12;
	[sflag:s18] =	ssyncset.done $0x0  }
.Ltmp1:
0x87: {  	s4 =	simm.s32 @!p0 $0x7;
	[sflag:s18] =	ssyncadd.s32 $0xFFFFD900;
	(pc) =	sbr.rel @p1 .LBB2_1-.Ltmp1, $4  }
0x88: {  	[hbm:s11], [sflag:s5] =	dma.local @!p0 [spmem:s19], $0x100  }
0x89: {  	_ =	swait.ge @!p0 [sflag:s4], $0x100  }
0x8a: {  	[sflag:s4] =	ssyncset.done @!p0 $0x0  }
0x8b: {  	[sflag:s4] =	ssyncadd.s32 @!p0 $0xFFFFFF00  }
0x8c: {  	_ =	sfence.sel $0x180000  }
0x8d: {  	[bflag:$0x0] =	sbarrier.arrive $0xFFFF  }
0x8e: {  	_ =	strace $0x90000056  }
0x8f: {  	s0 =	stileid.u32;
	[bflag:$0x2] =	sbarrier.arrive $0xFFFF  }
0x90: {  	p0 =	sne.s32 s0, $0x0;
	s0 =	rddreg [dreg:$0x2]  }
0x91: {  	s0 =	sadd.s32 @!p0 $0x100000, s0  }
0x92: {  	[sflag:s0] =	ssyncadd.tile.s32 @!p0 $0x1;
	_ =	shalt  }
.Lfunc_end2:
_tile_overlayer_lowered:
.L_overlay_start_2:
0x93: {  	(tag) =	ssettag $0x2  }
0x94: {  	s0 =	rddreg [dreg:$0x0];
	s2 =	stileid.u32  }
0x95: {  	s1 =	rddreg [dreg:$0x1];
	p0 =	sne.s32 s2, $0x0  }
0x96: {  	s3 =	rddreg [dreg:$0x2];
	[bflag:$0x3] =	sbarrier.arrive $0xFFFF;
	s2 =	simm.s32 @!p0 $0x1C07  }
0x97: {  	[timem:s3], [sflag:s2] =	dma.local @!p0 [hbm:s0], s1  }
0x98: {  	s0 =	simm.s32 @!p0 $0x7  }
0x99: {  	_ =	swait.ge @!p0 [sflag:s0], s1  }
0x9a: {  	s1 =	ssub.s32 @!p0 $0x0, s1;
	[sflag:s0] =	ssyncset.done @!p0 $0x0  }
0x9b: {  	[sflag:s0] =	ssyncadd.s32 @!p0 s1  }
0x9c: {  	[bflag:$0x3] =	sbarrier.arrive $0xFFFF  }
0x9d: {  	_ =	shalt  }

</sc_bundles>
